<compile_context>
chip_gen: v7x
topology: tpu7x:2x2x1
jax: 0.10.2.dev20260603
libtpu: 0.0.44.dev20260713+nightly
codegen_flags: <defaults>
</compile_context>

<pallas_src>
import jax
import jax.numpy as jnp
from jax import lax
from jax.experimental import pallas as pl
from jax.experimental.pallas import tpu as pltpu
from jax.experimental.pallas import tpu_sc as plsc

NB = 65536
TBL = 65664
RZ = TBL // 16
NPAD = 122880
CH = NPAD // 32
NSTREAM = CH // 128
L = 16
NC, NS = 2, 16
RB = NB // (NC * NS)

_mesh = plsc.VectorSubcoreMesh(core_axis_name="c", subcore_axis_name="s")


def _scatter_kernel(chans, zeros):
  @pl.kernel(
      out_type=jax.ShapeDtypeStruct((NC, TBL, 8), jnp.float32),
      mesh=_mesh,
      compiler_params=pltpu.CompilerParams(needs_layout_passes=False, use_tc_tiling_on_sc=False),
      scratch_types=[
          pltpu.VMEM_SHARED((TBL, 8), jnp.float32),
          pltpu.VMEM((CH, 8), jnp.float32),
          pltpu.VMEM((CH,), jnp.float32),
          pltpu.VMEM((CH,), jnp.float32),
          pltpu.VMEM((CH,), jnp.float32),
          pltpu.VMEM((CH,), jnp.float32),
          pltpu.VMEM((NSTREAM, 128), jnp.int32),
      ],
  )
  def body(chans_hbm, zeros_hbm, partials, table, feat, cx, cy, cz, cw, idx):
    c = lax.axis_index("c")
    s = lax.axis_index("s")
    wid = s * NC + c
    z0 = pl.multiple_of(s * RZ, 8)
    pltpu.sync_copy(zeros_hbm, table.at[pl.ds(z0, RZ)])
    plsc.subcore_barrier()

    iota = lax.iota(jnp.int32, L)
    cols = [jnp.full((L,), k, jnp.int32) for k in range(5)]
    off = pl.multiple_of(wid * CH, CH)
    for b in range(4):
      for k, cb in enumerate((cx, cy, cz, cw)):
        pltpu.sync_copy(chans_hbm.at[4 * b + k, pl.ds(off, CH)], cb)

      def step(i, carry):
        x = cx[pl.ds(i * L, L)]
        y = cy[pl.ds(i * L, L)]
        z = cz[pl.ds(i * L, L)]
        w = cw[pl.ds(i * L, L)]
        fx = (x + jnp.float32(51.2)) / jnp.float32(0.4)
        fy = (y + jnp.float32(51.2)) / jnp.float32(0.4)
        fz = (z + jnp.float32(5.0)) / jnp.float32(8.0)
        valid = ((fx >= 0.0) & (fx < 256.0)
                 & (fy >= 0.0) & (fy < 256.0)
                 & (fz >= 0.0) & (fz < 1.0))
        bx = fx.astype(jnp.int32)
        by = fy.astype(jnp.int32)
        bin_ = jnp.where(valid, by * 256 + bx, NB)
        row = jnp.full((L,), i * L, jnp.int32) + iota
        plsc.store_scatter(feat, [row, cols[0]], jnp.where(valid, x, 0.0))
        plsc.store_scatter(feat, [row, cols[1]], jnp.where(valid, y, 0.0))
        plsc.store_scatter(feat, [row, cols[2]], jnp.where(valid, z, 0.0))
        plsc.store_scatter(feat, [row, cols[3]], jnp.where(valid, w, 0.0))
        plsc.store_scatter(feat, [row, cols[4]],
                           jnp.where(valid, jnp.float32(1.0), jnp.float32(0.0)))
        jrow = jnp.full((L,), i // 8, jnp.int32)
        jcol = jnp.full((L,), (i % 8) * L, jnp.int32) + iota
        plsc.store_scatter(idx, [jrow, jcol], bin_)
        return carry

      lax.fori_loop(0, CH // L, step, 0)
      for j in range(NSTREAM):
        pltpu.sync_copy(feat.at[pl.ds(j * 128, 128)], table.at[idx.at[j]],
                        add=True)
    plsc.subcore_barrier()
    pltpu.sync_copy(table.at[pl.ds(z0, RZ)],
                    partials.at[c, pl.ds(z0, RZ)])

  return body(chans, zeros)


def _combine_kernel(partials):
  @pl.kernel(
      out_type=jax.ShapeDtypeStruct((NB * 4,), jnp.float32),
      mesh=_mesh,
      compiler_params=pltpu.CompilerParams(needs_layout_passes=False, use_tc_tiling_on_sc=False),
      scratch_types=[
          pltpu.VMEM((RB, 8), jnp.float32),
          pltpu.VMEM((RB, 8), jnp.float32),
          pltpu.VMEM((RB * 4,), jnp.float32),
      ],
  )
  def body(partials_hbm, out, bufa, bufb, obuf):
    c = lax.axis_index("c")
    s = lax.axis_index("s")
    wid = s * NC + c
    r0 = pl.multiple_of(wid * RB, RB)
    pltpu.sync_copy(partials_hbm.at[0, pl.ds(r0, RB)], bufa)
    pltpu.sync_copy(partials_hbm.at[1, pl.ds(r0, RB)], bufb)
    iota = lax.iota(jnp.int32, L)
    rbase = iota // 4
    fcol = iota % 4
    c4 = jnp.full((L,), 4, jnp.int32)

    def step(i, carry):
      rv = jnp.full((L,), i * 4, jnp.int32) + rbase
      fa = plsc.load_gather(bufa, [rv, fcol])
      fb = plsc.load_gather(bufb, [rv, fcol])
      ca = plsc.load_gather(bufa, [rv, c4])
      cb = plsc.load_gather(bufb, [rv, c4])
      cnt = jnp.maximum(ca + cb, jnp.float32(1.0))
      obuf[pl.ds(i * L, L)] = (fa + fb) / cnt
      return carry

    lax.fori_loop(0, RB * 4 // L, step, 0)
    o0 = pl.multiple_of(wid * (RB * 4), RB * 4)
    pltpu.sync_copy(obuf, out.at[pl.ds(o0, RB * 4)])

  return body(partials)


def kernel(clouds):
  B, C, N = clouds.shape
  chans = jnp.pad(clouds, ((0, 0), (0, 0), (0, NPAD - N)),
                  constant_values=-1e9).reshape(B * C, NPAD)
  zeros = jnp.zeros((RZ, 8), jnp.float32)
  partials = _scatter_kernel(chans, zeros)
  return _combine_kernel(partials).reshape(NB, 4)

# --- scband reference (transcript-rebuilt; emitter-appended) ---
"""Pipeline reference for scband-mean-vfe-59407987638869 (READ-ONLY COPY).

The authoritative reference and input builder live on the scoring server;
editing this copy changes nothing except your own understanding.
"""

import jax, jax.numpy as jnp
import numpy as np

VOXEL_SIZE = (0.4, 0.4, 8.0)
PC_RANGE = (-51.2, -51.2, -5.0, 51.2, 51.2, 3.0)
GRID = (256, 256, 1)  # (x, y, z) bins derived from range / voxel_size
NUM_BINS = GRID[0] * GRID[1] * GRID[2]  # 65536 = max_num_voxels


def setup_inputs(seed: int = 0) -> dict:
    key = jax.random.key(seed)
    B, C, N = 4, 4, 120000
    u = jax.random.uniform(key, (B, C, N), dtype=jnp.float32)
    low = jnp.array([PC_RANGE[0], PC_RANGE[1], PC_RANGE[2], 0.0], jnp.float32).reshape(1, C, 1)
    high = jnp.array([PC_RANGE[3], PC_RANGE[4], PC_RANGE[5], 1.0], jnp.float32).reshape(1, C, 1)
    clouds = low + u * (high - low)
    return {"clouds": clouds}


def reference(clouds):
    # MeanVFE forward: flatten clouds -> points, voxelize (dynamic), mean-pool per voxel.
    B, C, N = clouds.shape
    pts = jnp.transpose(clouds, (0, 2, 1)).reshape(-1, C)  # (B*N, C)
    vsize = jnp.array(VOXEL_SIZE, jnp.float32)
    pc_min = jnp.array(PC_RANGE[:3], jnp.float32)
    coords = jnp.floor((pts[:, :3] - pc_min) / vsize).astype(jnp.int32)  # (P, 3) xyz
    grid = jnp.array(GRID, jnp.int32)
    valid = jnp.all((coords >= 0) & (coords < grid), axis=1)
    # linear voxel id (z * GY * GX + y * GX + x); invalid points routed to dump bin
    flat = coords[:, 2] * (GRID[0] * GRID[1]) + coords[:, 1] * GRID[0] + coords[:, 0]
    flat = jnp.where(valid, flat, NUM_BINS)
    feats = jnp.where(valid[:, None], pts, 0.0)
    sums = jax.ops.segment_sum(feats, flat, num_segments=NUM_BINS + 1)[:NUM_BINS]  # (V, C)
    counts = jax.ops.segment_sum(valid.astype(jnp.float32), flat, num_segments=NUM_BINS + 1)[:NUM_BINS]
    normalizer = jnp.clip(counts[:, None], 1.0, None)
    voxel_features = sums / normalizer  # points_mean: (num_voxels, C)
    return voxel_features

if __name__ == "__main__":
    import jax
    _d = setup_inputs()
    print(jax.jit(kernel)(*tuple(_d.values())))

</pallas_src>

<mosaic_0001>
#map = affine_map<(d0, d1) -> (0, 0, 0)>
#map1 = affine_map<(d0, d1) -> (0)>
module attributes {stable_mosaic.version = 14 : i64} {
  func.func @body(%arg0: i32, %arg1: i32, %arg2: memref<2x65664x8xf32, #tpu.memory_space<hbm>>, %arg3: memref<262144xf32, #tpu.memory_space<hbm>>, %arg4: memref<2048x8xf32, #tpu.memory_space<vmem>>, %arg5: memref<2048x8xf32, #tpu.memory_space<vmem>>, %arg6: memref<8192xf32, #tpu.memory_space<vmem>>) attributes {dimension_semantics = [#tpu.dimension_semantics<core_parallel>, #tpu.dimension_semantics<subcore_parallel>], iteration_bounds = array<i64: 2, 16>, scalar_prefetch = 0 : i64, scratch_operands = 3 : i64, tpu.core_type = #tpu.core_type<sc_vector_subcore>, window_params = [{transform_indices = #map}, {transform_indices = #map1}]} {
    %mul3A = arith.constant 2 : i32
    %mul3A_0 = arith.muli %arg1, %mul3A : i32
    %add3A = arith.addi %mul3A_0, %arg0 : i32
    %mul3A_1 = arith.constant 2048 : i32
    %mul3A_2 = arith.muli %add3A, %mul3A_1 : i32
    %multiple_of3A = tpu.assume_multiple %mul3A_2, 2048 : i32
    %run_scoped3A = arith.constant 0 : i32
    "tpu.region"() ({
      %run_scoped3A_56 = tpu.sem_alloc : memref<!tpu.dma_semaphore, #tpu.memory_space<semaphore_mem>>
      %dma_start3A = arith.constant 0 : i32
      %dma_start3A_57 = tpu.memref_slice %arg2[%run_scoped3A, %multiple_of3A, %dma_start3A] : memref<2x65664x8xf32, #tpu.memory_space<hbm>> -> memref<1x2048x8xf32, #tpu.memory_space<hbm>>
      %dma_start3A_58 = tpu.memref_squeeze %dma_start3A_57 : memref<1x2048x8xf32, #tpu.memory_space<hbm>> -> memref<2048x8xf32, #tpu.memory_space<hbm>>
      %dma_start3A_59 = arith.constant 0 : i32
      %dma_start3A_60 = tpu.memref_slice %arg2[%run_scoped3A, %multiple_of3A, %dma_start3A_59] : memref<2x65664x8xf32, #tpu.memory_space<hbm>> -> memref<1x2048x8xf32, #tpu.memory_space<hbm>>
      %dma_start3A_61 = tpu.memref_squeeze %dma_start3A_60 : memref<1x2048x8xf32, #tpu.memory_space<hbm>> -> memref<2048x8xf32, #tpu.memory_space<hbm>>
      tpu.enqueue_dma source(%dma_start3A_61 : memref<2048x8xf32, #tpu.memory_space<hbm>>) target(%arg4 : memref<2048x8xf32, #tpu.memory_space<vmem>>) target_semaphore(%run_scoped3A_56 : memref<!tpu.dma_semaphore, #tpu.memory_space<semaphore_mem>>)
      %dma_wait3A = arith.constant 0 : i32
      %dma_wait3A_62 = tpu.memref_slice %arg2[%run_scoped3A, %multiple_of3A, %dma_wait3A] : memref<2x65664x8xf32, #tpu.memory_space<hbm>> -> memref<1x2048x8xf32, #tpu.memory_space<hbm>>
      %dma_wait3A_63 = tpu.memref_squeeze %dma_wait3A_62 : memref<1x2048x8xf32, #tpu.memory_space<hbm>> -> memref<2048x8xf32, #tpu.memory_space<hbm>>
      %dma_wait3A_64 = arith.constant 0 : i32
      %dma_wait3A_65 = tpu.memref_slice %arg2[%run_scoped3A, %multiple_of3A, %dma_wait3A_64] : memref<2x65664x8xf32, #tpu.memory_space<hbm>> -> memref<1x2048x8xf32, #tpu.memory_space<hbm>>
      %dma_wait3A_66 = tpu.memref_squeeze %dma_wait3A_65 : memref<1x2048x8xf32, #tpu.memory_space<hbm>> -> memref<2048x8xf32, #tpu.memory_space<hbm>>
      tpu.wait_dma2 semaphore(%run_scoped3A_56 : memref<!tpu.dma_semaphore, #tpu.memory_space<semaphore_mem>>) src(%dma_wait3A_66 : memref<2048x8xf32, #tpu.memory_space<hbm>>) dst(%arg4 : memref<2048x8xf32, #tpu.memory_space<vmem>>)
      tpu.yield
    }) : () -> ()
    %run_scoped3A_3 = arith.constant 1 : i32
    "tpu.region"() ({
      %run_scoped3A_56 = tpu.sem_alloc : memref<!tpu.dma_semaphore, #tpu.memory_space<semaphore_mem>>
      %dma_start3A = arith.constant 0 : i32
      %dma_start3A_57 = tpu.memref_slice %arg2[%run_scoped3A_3, %multiple_of3A, %dma_start3A] : memref<2x65664x8xf32, #tpu.memory_space<hbm>> -> memref<1x2048x8xf32, #tpu.memory_space<hbm>>
      %dma_start3A_58 = tpu.memref_squeeze %dma_start3A_57 : memref<1x2048x8xf32, #tpu.memory_space<hbm>> -> memref<2048x8xf32, #tpu.memory_space<hbm>>
      %dma_start3A_59 = arith.constant 0 : i32
      %dma_start3A_60 = tpu.memref_slice %arg2[%run_scoped3A_3, %multiple_of3A, %dma_start3A_59] : memref<2x65664x8xf32, #tpu.memory_space<hbm>> -> memref<1x2048x8xf32, #tpu.memory_space<hbm>>
      %dma_start3A_61 = tpu.memref_squeeze %dma_start3A_60 : memref<1x2048x8xf32, #tpu.memory_space<hbm>> -> memref<2048x8xf32, #tpu.memory_space<hbm>>
      tpu.enqueue_dma source(%dma_start3A_61 : memref<2048x8xf32, #tpu.memory_space<hbm>>) target(%arg5 : memref<2048x8xf32, #tpu.memory_space<vmem>>) target_semaphore(%run_scoped3A_56 : memref<!tpu.dma_semaphore, #tpu.memory_space<semaphore_mem>>)
      %dma_wait3A = arith.constant 0 : i32
      %dma_wait3A_62 = tpu.memref_slice %arg2[%run_scoped3A_3, %multiple_of3A, %dma_wait3A] : memref<2x65664x8xf32, #tpu.memory_space<hbm>> -> memref<1x2048x8xf32, #tpu.memory_space<hbm>>
      %dma_wait3A_63 = tpu.memref_squeeze %dma_wait3A_62 : memref<1x2048x8xf32, #tpu.memory_space<hbm>> -> memref<2048x8xf32, #tpu.memory_space<hbm>>
      %dma_wait3A_64 = arith.constant 0 : i32
      %dma_wait3A_65 = tpu.memref_slice %arg2[%run_scoped3A_3, %multiple_of3A, %dma_wait3A_64] : memref<2x65664x8xf32, #tpu.memory_space<hbm>> -> memref<1x2048x8xf32, #tpu.memory_space<hbm>>
      %dma_wait3A_66 = tpu.memref_squeeze %dma_wait3A_65 : memref<1x2048x8xf32, #tpu.memory_space<hbm>> -> memref<2048x8xf32, #tpu.memory_space<hbm>>
      tpu.wait_dma2 semaphore(%run_scoped3A_56 : memref<!tpu.dma_semaphore, #tpu.memory_space<semaphore_mem>>) src(%dma_wait3A_66 : memref<2048x8xf32, #tpu.memory_space<hbm>>) dst(%arg5 : memref<2048x8xf32, #tpu.memory_space<vmem>>)
      tpu.yield
    }) : () -> ()
    %iota3A = tpu.iota {dimensions = array<i32: 0>} : vector<16xi32>
    %jit3A = arith.constant 4 : i32
    %div3A = vector.broadcast %jit3A : i32 to vector<16xi32>
    %div3A_4 = arith.divsi %iota3A, %div3A : vector<16xi32>
    %sign3A = arith.constant 0 : i32
    %sign3A_5 = vector.broadcast %sign3A : i32 to vector<16xi32>
    %sign3A_6 = arith.cmpi sgt, %iota3A, %sign3A_5 : vector<16xi32>
    %sign3A_7 = arith.extui %sign3A_6 : vector<16xi1> to vector<16xi32>
    %sign3A_8 = arith.constant 0 : i32
    %sign3A_9 = vector.broadcast %sign3A_8 : i32 to vector<16xi32>
    %sign3A_10 = arith.cmpi slt, %iota3A, %sign3A_9 : vector<16xi32>
    %sign3A_11 = arith.extui %sign3A_10 : vector<16xi1> to vector<16xi32>
    %sign3A_12 = arith.subi %sign3A_7, %sign3A_11 : vector<16xi32>
    %sign3A_13 = arith.constant 0 : i32
    %sign3A_14 = arith.cmpi sgt, %jit3A, %sign3A_13 : i32
    %sign3A_15 = arith.extui %sign3A_14 : i1 to i32
    %sign3A_16 = arith.constant 0 : i32
    %sign3A_17 = arith.cmpi slt, %jit3A, %sign3A_16 : i32
    %sign3A_18 = arith.extui %sign3A_17 : i1 to i32
    %sign3A_19 = arith.subi %sign3A_15, %sign3A_18 : i32
    %ne3A = vector.broadcast %sign3A_19 : i32 to vector<16xi32>
    %ne3A_20 = arith.cmpi ne, %sign3A_12, %ne3A : vector<16xi32>
    %rem3A = vector.broadcast %jit3A : i32 to vector<16xi32>
    %rem3A_21 = arith.remsi %iota3A, %rem3A : vector<16xi32>
    %ne3A_22 = arith.constant 0 : i32
    %ne3A_23 = vector.broadcast %ne3A_22 : i32 to vector<16xi32>
    %ne3A_24 = arith.cmpi ne, %rem3A_21, %ne3A_23 : vector<16xi32>
    %and3A = arith.andi %ne3A_20, %ne3A_24 : vector<16xi1>
    %sub3A = arith.constant 1 : i32
    %sub3A_25 = vector.broadcast %sub3A : i32 to vector<16xi32>
    %sub3A_26 = arith.subi %div3A_4, %sub3A_25 : vector<16xi32>
    %select_n3A = arith.select %and3A, %sub3A_26, %div3A_4 : vector<16xi1>, vector<16xi32>
    %jit3A_27 = arith.constant 4 : i32
    %eq3A = arith.constant 0 : i32
    %eq3A_28 = arith.cmpi eq, %jit3A_27, %eq3A : i32
    %jit3A_29 = arith.constant 1 : i32
    %select_n3A_30 = arith.select %eq3A_28, %jit3A_29, %jit3A_27 : i32
    %rem3A_31 = vector.broadcast %select_n3A_30 : i32 to vector<16xi32>
    %rem3A_32 = arith.remsi %iota3A, %rem3A_31 : vector<16xi32>
    %ne3A_33 = arith.constant 0 : i32
    %ne3A_34 = vector.broadcast %ne3A_33 : i32 to vector<16xi32>
    %ne3A_35 = arith.cmpi ne, %rem3A_32, %ne3A_34 : vector<16xi32>
    %lt3A = arith.constant 0 : i32
    %lt3A_36 = vector.broadcast %lt3A : i32 to vector<16xi32>
    %lt3A_37 = arith.cmpi slt, %rem3A_32, %lt3A_36 : vector<16xi32>
    %lt3A_38 = arith.constant 0 : i32
    %lt3A_39 = arith.cmpi slt, %select_n3A_30, %lt3A_38 : i32
    %ne3A_40 = vector.broadcast %lt3A_39 : i1 to vector<16xi1>
    %ne3A_41 = vector.broadcast %ne3A_40 : vector<16xi1> to vector<16xi1>
    %ne3A_42 = arith.xori %lt3A_37, %ne3A_41 : vector<16xi1>
    %and3A_43 = arith.andi %ne3A_42, %ne3A_35 : vector<16xi1>
    %add3A_44 = vector.broadcast %select_n3A_30 : i32 to vector<16xi32>
    %add3A_45 = arith.addi %rem3A_32, %add3A_44 : vector<16xi32>
    %select_n3A_46 = arith.select %and3A_43, %add3A_45, %rem3A_32 : vector<16xi1>, vector<16xi32>
    %broadcast_in_dim3A = arith.constant 4 : i32
    %broadcast_in_dim3A_47 = vector.broadcast %broadcast_in_dim3A : i32 to vector<16xi32>
    %scan3A = arith.constant 0 : i32
    %scan3A_48 = arith.constant 0 : i32
    %scan3A_49 = arith.constant 512 : i32
    %scan3A_50 = arith.addi %scan3A_48, %scan3A_49 : i32
    %scan3A_51 = arith.constant 1 : i32
    scf.for %scan3A_56 = %scan3A_48 to %scan3A_50 step %scan3A_51  : i32 {
      %mul3A_57 = arith.constant 4 : i32
      %mul3A_58 = arith.muli %scan3A_56, %mul3A_57 : i32
      %broadcast_in_dim3A_59 = vector.broadcast %mul3A_58 : i32 to vector<16xi32>
      %add3A_60 = arith.addi %broadcast_in_dim3A_59, %select_n3A : vector<16xi32>
      %gather3A = tpu.vector_load_idx %arg4[%add3A_60, %select_n3A_46] : memref<2048x8xf32, #tpu.memory_space<vmem>>[vector<16xi32>, vector<16xi32>], vector<16xf32>,
      %gather3A_61 = tpu.vector_load_idx %arg5[%add3A_60, %select_n3A_46] : memref<2048x8xf32, #tpu.memory_space<vmem>>[vector<16xi32>, vector<16xi32>], vector<16xf32>,
      %gather3A_62 = tpu.vector_load_idx %arg4[%add3A_60, %broadcast_in_dim3A_47] : memref<2048x8xf32, #tpu.memory_space<vmem>>[vector<16xi32>, vector<16xi32>], vector<16xf32>,
      %gather3A_63 = tpu.vector_load_idx %arg5[%add3A_60, %broadcast_in_dim3A_47] : memref<2048x8xf32, #tpu.memory_space<vmem>>[vector<16xi32>, vector<16xi32>], vector<16xf32>,
      %add3A_64 = arith.addf %gather3A_62, %gather3A_63 : vector<16xf32>
      %max3A = arith.constant 1.000000e+00 : f32
      %max3A_65 = vector.broadcast %max3A : f32 to vector<16xf32>
      %max3A_66 = arith.maximumf %add3A_64, %max3A_65 : vector<16xf32>
      %add3A_67 = arith.addf %gather3A, %gather3A_61 : vector<16xf32>
      %div3A_68 = arith.divf %add3A_67, %max3A_66 : vector<16xf32>
      %mul3A_69 = arith.constant 16 : i32
      %mul3A_70 = arith.muli %scan3A_56, %mul3A_69 : i32
      %swap3A = arith.index_cast %mul3A_70 : i32 to index
      %swap3A_71 = tpu.vector_load %arg6[%swap3A] {strides = array<i32>} : memref<8192xf32, #tpu.memory_space<vmem>>, vector<16xf32>,
      tpu.vector_store %arg6[%swap3A], %div3A_68 {strides = array<i32>} : memref<8192xf32, #tpu.memory_space<vmem>>, vector<16xf32>,
    }
    %scan3A_52 = arith.constant 512 : i32
    %mul3A_53 = arith.constant 8192 : i32
    %mul3A_54 = arith.muli %add3A, %mul3A_53 : i32
    %multiple_of3A_55 = tpu.assume_multiple %mul3A_54, 8192 : i32
    "tpu.region"() ({
      %run_scoped3A_56 = tpu.sem_alloc : memref<!tpu.dma_semaphore, #tpu.memory_space<semaphore_mem>>
      %dma_start3A = tpu.memref_slice %arg3[%multiple_of3A_55] : memref<262144xf32, #tpu.memory_space<hbm>> -> memref<8192xf32, #tpu.memory_space<hbm>>
      %dma_start3A_57 = tpu.memref_slice %arg3[%multiple_of3A_55] : memref<262144xf32, #tpu.memory_space<hbm>> -> memref<8192xf32, #tpu.memory_space<hbm>>
      tpu.enqueue_dma source(%arg6 : memref<8192xf32, #tpu.memory_space<vmem>>) target(%dma_start3A_57 : memref<8192xf32, #tpu.memory_space<hbm>>) target_semaphore(%run_scoped3A_56 : memref<!tpu.dma_semaphore, #tpu.memory_space<semaphore_mem>>)
      %dma_wait3A = tpu.memref_slice %arg3[%multiple_of3A_55] : memref<262144xf32, #tpu.memory_space<hbm>> -> memref<8192xf32, #tpu.memory_space<hbm>>
      %dma_wait3A_58 = tpu.memref_slice %arg3[%multiple_of3A_55] : memref<262144xf32, #tpu.memory_space<hbm>> -> memref<8192xf32, #tpu.memory_space<hbm>>
      tpu.wait_dma2 semaphore(%run_scoped3A_56 : memref<!tpu.dma_semaphore, #tpu.memory_space<semaphore_mem>>) src(%arg6 : memref<8192xf32, #tpu.memory_space<vmem>>) dst(%dma_wait3A_58 : memref<8192xf32, #tpu.memory_space<hbm>>)
      tpu.yield
    }) : () -> ()
    return
  }
}

#map = affine_map<(d0, d1) -> (0, 0)>
#map1 = affine_map<(d0, d1) -> (0, 0, 0)>
module attributes {stable_mosaic.version = 14 : i64} {
  func.func @body(%arg0: i32, %arg1: i32, %arg2: memref<16x122880xf32, #tpu.memory_space<hbm>>, %arg3: memref<4104x8xf32, #tpu.memory_space<hbm>>, %arg4: memref<2x65664x8xf32, #tpu.memory_space<hbm>>, %arg5: memref<65664x8xf32, #tpu.memory_space<vmem_shared>>, %arg6: memref<3840x8xf32, #tpu.memory_space<vmem>>, %arg7: memref<3840xf32, #tpu.memory_space<vmem>>, %arg8: memref<3840xf32, #tpu.memory_space<vmem>>, %arg9: memref<3840xf32, #tpu.memory_space<vmem>>, %arg10: memref<3840xf32, #tpu.memory_space<vmem>>, %arg11: memref<30x128xi32, #tpu.memory_space<vmem>>) attributes {dimension_semantics = [#tpu.dimension_semantics<core_parallel>, #tpu.dimension_semantics<subcore_parallel>], iteration_bounds = array<i64: 2, 16>, scalar_prefetch = 0 : i64, scratch_operands = 7 : i64, tpu.core_type = #tpu.core_type<sc_vector_subcore>, window_params = [{transform_indices = #map}, {transform_indices = #map}, {transform_indices = #map1}]} {
    %mul3A = arith.constant 2 : i32
    %mul3A_0 = arith.muli %arg1, %mul3A : i32
    %add3A = arith.addi %mul3A_0, %arg0 : i32
    %mul3A_1 = arith.constant 4104 : i32
    %mul3A_2 = arith.muli %arg1, %mul3A_1 : i32
    %multiple_of3A = tpu.assume_multiple %mul3A_2, 8 : i32
    "tpu.region"() ({
      %run_scoped3A_174 = tpu.sem_alloc : memref<!tpu.dma_semaphore, #tpu.memory_space<semaphore_mem>>
      %dma_start3A = arith.constant 0 : i32
      %dma_start3A_175 = tpu.memref_slice %arg5[%multiple_of3A, %dma_start3A] : memref<65664x8xf32, #tpu.memory_space<vmem_shared>> -> memref<4104x8xf32, #tpu.memory_space<vmem_shared>>
      tpu.enqueue_dma source(%arg3 : memref<4104x8xf32, #tpu.memory_space<hbm>>) target(%dma_start3A_175 : memref<4104x8xf32, #tpu.memory_space<vmem_shared>>) target_semaphore(%run_scoped3A_174 : memref<!tpu.dma_semaphore, #tpu.memory_space<semaphore_mem>>)
      %dma_wait3A = arith.constant 0 : i32
      %dma_wait3A_176 = tpu.memref_slice %arg5[%multiple_of3A, %dma_wait3A] : memref<65664x8xf32, #tpu.memory_space<vmem_shared>> -> memref<4104x8xf32, #tpu.memory_space<vmem_shared>>
      tpu.wait_dma2 semaphore(%run_scoped3A_174 : memref<!tpu.dma_semaphore, #tpu.memory_space<semaphore_mem>>) src(%arg3 : memref<4104x8xf32, #tpu.memory_space<hbm>>) dst(%dma_wait3A_176 : memref<4104x8xf32, #tpu.memory_space<vmem_shared>>)
      tpu.yield
    }) : () -> ()
    %barrier3A = arith.constant 0 : index
    tpu.barrier barrier_id(%barrier3A)
    %iota3A = tpu.iota {dimensions = array<i32: 0>} : vector<16xi32>
    %broadcast_in_dim3A = arith.constant 0 : i32
    %broadcast_in_dim3A_3 = vector.broadcast %broadcast_in_dim3A : i32 to vector<16xi32>
    %broadcast_in_dim3A_4 = arith.constant 1 : i32
    %broadcast_in_dim3A_5 = vector.broadcast %broadcast_in_dim3A_4 : i32 to vector<16xi32>
    %broadcast_in_dim3A_6 = arith.constant 2 : i32
    %broadcast_in_dim3A_7 = vector.broadcast %broadcast_in_dim3A_6 : i32 to vector<16xi32>
    %broadcast_in_dim3A_8 = arith.constant 3 : i32
    %broadcast_in_dim3A_9 = vector.broadcast %broadcast_in_dim3A_8 : i32 to vector<16xi32>
    %broadcast_in_dim3A_10 = arith.constant 4 : i32
    %broadcast_in_dim3A_11 = vector.broadcast %broadcast_in_dim3A_10 : i32 to vector<16xi32>
    %mul3A_12 = arith.constant 3840 : i32
    %mul3A_13 = arith.muli %add3A, %mul3A_12 : i32
    %multiple_of3A_14 = tpu.assume_multiple %mul3A_13, 3840 : i32
    %run_scoped3A = arith.constant 0 : i32
    "tpu.region"() ({
      %run_scoped3A_174 = tpu.sem_alloc : memref<!tpu.dma_semaphore, #tpu.memory_space<semaphore_mem>>
      %dma_start3A = tpu.memref_slice %arg2[%run_scoped3A, %multiple_of3A_14] : memref<16x122880xf32, #tpu.memory_space<hbm>> -> memref<1x3840xf32, #tpu.memory_space<hbm>>
      %dma_start3A_175 = tpu.memref_squeeze %dma_start3A : memref<1x3840xf32, #tpu.memory_space<hbm>> -> memref<3840xf32, #tpu.memory_space<hbm>>
      %dma_start3A_176 = tpu.memref_slice %arg2[%run_scoped3A, %multiple_of3A_14] : memref<16x122880xf32, #tpu.memory_space<hbm>> -> memref<1x3840xf32, #tpu.memory_space<hbm>>
      %dma_start3A_177 = tpu.memref_squeeze %dma_start3A_176 : memref<1x3840xf32, #tpu.memory_space<hbm>> -> memref<3840xf32, #tpu.memory_space<hbm>>
      tpu.enqueue_dma source(%dma_start3A_177 : memref<3840xf32, #tpu.memory_space<hbm>>) target(%arg7 : memref<3840xf32, #tpu.memory_space<vmem>>) target_semaphore(%run_scoped3A_174 : memref<!tpu.dma_semaphore, #tpu.memory_space<semaphore_mem>>)
      %dma_wait3A = tpu.memref_slice %arg2[%run_scoped3A, %multiple_of3A_14] : memref<16x122880xf32, #tpu.memory_space<hbm>> -> memref<1x3840xf32, #tpu.memory_space<hbm>>
      %dma_wait3A_178 = tpu.memref_squeeze %dma_wait3A : memref<1x3840xf32, #tpu.memory_space<hbm>> -> memref<3840xf32, #tpu.memory_space<hbm>>
      %dma_wait3A_179 = tpu.memref_slice %arg2[%run_scoped3A, %multiple_of3A_14] : memref<16x122880xf32, #tpu.memory_space<hbm>> -> memref<1x3840xf32, #tpu.memory_space<hbm>>
      %dma_wait3A_180 = tpu.memref_squeeze %dma_wait3A_179 : memref<1x3840xf32, #tpu.memory_space<hbm>> -> memref<3840xf32, #tpu.memory_space<hbm>>
      tpu.wait_dma2 semaphore(%run_scoped3A_174 : memref<!tpu.dma_semaphore, #tpu.memory_space<semaphore_mem>>) src(%dma_wait3A_180 : memref<3840xf32, #tpu.memory_space<hbm>>) dst(%arg7 : memref<3840xf32, #tpu.memory_space<vmem>>)
      tpu.yield
    }) : () -> ()
    %run_scoped3A_15 = arith.constant 1 : i32
    "tpu.region"() ({
      %run_scoped3A_174 = tpu.sem_alloc : memref<!tpu.dma_semaphore, #tpu.memory_space<semaphore_mem>>
      %dma_start3A = tpu.memref_slice %arg2[%run_scoped3A_15, %multiple_of3A_14] : memref<16x122880xf32, #tpu.memory_space<hbm>> -> memref<1x3840xf32, #tpu.memory_space<hbm>>
      %dma_start3A_175 = tpu.memref_squeeze %dma_start3A : memref<1x3840xf32, #tpu.memory_space<hbm>> -> memref<3840xf32, #tpu.memory_space<hbm>>
      %dma_start3A_176 = tpu.memref_slice %arg2[%run_scoped3A_15, %multiple_of3A_14] : memref<16x122880xf32, #tpu.memory_space<hbm>> -> memref<1x3840xf32, #tpu.memory_space<hbm>>
      %dma_start3A_177 = tpu.memref_squeeze %dma_start3A_176 : memref<1x3840xf32, #tpu.memory_space<hbm>> -> memref<3840xf32, #tpu.memory_space<hbm>>
      tpu.enqueue_dma source(%dma_start3A_177 : memref<3840xf32, #tpu.memory_space<hbm>>) target(%arg8 : memref<3840xf32, #tpu.memory_space<vmem>>) target_semaphore(%run_scoped3A_174 : memref<!tpu.dma_semaphore, #tpu.memory_space<semaphore_mem>>)
      %dma_wait3A = tpu.memref_slice %arg2[%run_scoped3A_15, %multiple_of3A_14] : memref<16x122880xf32, #tpu.memory_space<hbm>> -> memref<1x3840xf32, #tpu.memory_space<hbm>>
      %dma_wait3A_178 = tpu.memref_squeeze %dma_wait3A : memref<1x3840xf32, #tpu.memory_space<hbm>> -> memref<3840xf32, #tpu.memory_space<hbm>>
      %dma_wait3A_179 = tpu.memref_slice %arg2[%run_scoped3A_15, %multiple_of3A_14] : memref<16x122880xf32, #tpu.memory_space<hbm>> -> memref<1x3840xf32, #tpu.memory_space<hbm>>
      %dma_wait3A_180 = tpu.memref_squeeze %dma_wait3A_179 : memref<1x3840xf32, #tpu.memory_space<hbm>> -> memref<3840xf32, #tpu.memory_space<hbm>>
      tpu.wait_dma2 semaphore(%run_scoped3A_174 : memref<!tpu.dma_semaphore, #tpu.memory_space<semaphore_mem>>) src(%dma_wait3A_180 : memref<3840xf32, #tpu.memory_space<hbm>>) dst(%arg8 : memref<3840xf32, #tpu.memory_space<vmem>>)
      tpu.yield
    }) : () -> ()
    %run_scoped3A_16 = arith.constant 2 : i32
    "tpu.region"() ({
      %run_scoped3A_174 = tpu.sem_alloc : memref<!tpu.dma_semaphore, #tpu.memory_space<semaphore_mem>>
      %dma_start3A = tpu.memref_slice %arg2[%run_scoped3A_16, %multiple_of3A_14] : memref<16x122880xf32, #tpu.memory_space<hbm>> -> memref<1x3840xf32, #tpu.memory_space<hbm>>
      %dma_start3A_175 = tpu.memref_squeeze %dma_start3A : memref<1x3840xf32, #tpu.memory_space<hbm>> -> memref<3840xf32, #tpu.memory_space<hbm>>
      %dma_start3A_176 = tpu.memref_slice %arg2[%run_scoped3A_16, %multiple_of3A_14] : memref<16x122880xf32, #tpu.memory_space<hbm>> -> memref<1x3840xf32, #tpu.memory_space<hbm>>
      %dma_start3A_177 = tpu.memref_squeeze %dma_start3A_176 : memref<1x3840xf32, #tpu.memory_space<hbm>> -> memref<3840xf32, #tpu.memory_space<hbm>>
      tpu.enqueue_dma source(%dma_start3A_177 : memref<3840xf32, #tpu.memory_space<hbm>>) target(%arg9 : memref<3840xf32, #tpu.memory_space<vmem>>) target_semaphore(%run_scoped3A_174 : memref<!tpu.dma_semaphore, #tpu.memory_space<semaphore_mem>>)
      %dma_wait3A = tpu.memref_slice %arg2[%run_scoped3A_16, %multiple_of3A_14] : memref<16x122880xf32, #tpu.memory_space<hbm>> -> memref<1x3840xf32, #tpu.memory_space<hbm>>
      %dma_wait3A_178 = tpu.memref_squeeze %dma_wait3A : memref<1x3840xf32, #tpu.memory_space<hbm>> -> memref<3840xf32, #tpu.memory_space<hbm>>
      %dma_wait3A_179 = tpu.memref_slice %arg2[%run_scoped3A_16, %multiple_of3A_14] : memref<16x122880xf32, #tpu.memory_space<hbm>> -> memref<1x3840xf32, #tpu.memory_space<hbm>>
      %dma_wait3A_180 = tpu.memref_squeeze %dma_wait3A_179 : memref<1x3840xf32, #tpu.memory_space<hbm>> -> memref<3840xf32, #tpu.memory_space<hbm>>
      tpu.wait_dma2 semaphore(%run_scoped3A_174 : memref<!tpu.dma_semaphore, #tpu.memory_space<semaphore_mem>>) src(%dma_wait3A_180 : memref<3840xf32, #tpu.memory_space<hbm>>) dst(%arg9 : memref<3840xf32, #tpu.memory_space<vmem>>)
      tpu.yield
    }) : () -> ()
    %run_scoped3A_17 = arith.constant 3 : i32
    "tpu.region"() ({
      %run_scoped3A_174 = tpu.sem_alloc : memref<!tpu.dma_semaphore, #tpu.memory_space<semaphore_mem>>
      %dma_start3A = tpu.memref_slice %arg2[%run_scoped3A_17, %multiple_of3A_14] : memref<16x122880xf32, #tpu.memory_space<hbm>> -> memref<1x3840xf32, #tpu.memory_space<hbm>>
      %dma_start3A_175 = tpu.memref_squeeze %dma_start3A : memref<1x3840xf32, #tpu.memory_space<hbm>> -> memref<3840xf32, #tpu.memory_space<hbm>>
      %dma_start3A_176 = tpu.memref_slice %arg2[%run_scoped3A_17, %multiple_of3A_14] : memref<16x122880xf32, #tpu.memory_space<hbm>> -> memref<1x3840xf32, #tpu.memory_space<hbm>>
      %dma_start3A_177 = tpu.memref_squeeze %dma_start3A_176 : memref<1x3840xf32, #tpu.memory_space<hbm>> -> memref<3840xf32, #tpu.memory_space<hbm>>
      tpu.enqueue_dma source(%dma_start3A_177 : memref<3840xf32, #tpu.memory_space<hbm>>) target(%arg10 : memref<3840xf32, #tpu.memory_space<vmem>>) target_semaphore(%run_scoped3A_174 : memref<!tpu.dma_semaphore, #tpu.memory_space<semaphore_mem>>)
      %dma_wait3A = tpu.memref_slice %arg2[%run_scoped3A_17, %multiple_of3A_14] : memref<16x122880xf32, #tpu.memory_space<hbm>> -> memref<1x3840xf32, #tpu.memory_space<hbm>>
      %dma_wait3A_178 = tpu.memref_squeeze %dma_wait3A : memref<1x3840xf32, #tpu.memory_space<hbm>> -> memref<3840xf32, #tpu.memory_space<hbm>>
      %dma_wait3A_179 = tpu.memref_slice %arg2[%run_scoped3A_17, %multiple_of3A_14] : memref<16x122880xf32, #tpu.memory_space<hbm>> -> memref<1x3840xf32, #tpu.memory_space<hbm>>
      %dma_wait3A_180 = tpu.memref_squeeze %dma_wait3A_179 : memref<1x3840xf32, #tpu.memory_space<hbm>> -> memref<3840xf32, #tpu.memory_space<hbm>>
      tpu.wait_dma2 semaphore(%run_scoped3A_174 : memref<!tpu.dma_semaphore, #tpu.memory_space<semaphore_mem>>) src(%dma_wait3A_180 : memref<3840xf32, #tpu.memory_space<hbm>>) dst(%arg10 : memref<3840xf32, #tpu.memory_space<vmem>>)
      tpu.yield
    }) : () -> ()
    %scan3A = arith.constant 0 : i32
    %scan3A_18 = arith.constant 0 : i32
    %scan3A_19 = arith.constant 240 : i32
    %scan3A_20 = arith.addi %scan3A_18, %scan3A_19 : i32
    %scan3A_21 = arith.constant 1 : i32
    scf.for %scan3A_174 = %scan3A_18 to %scan3A_20 step %scan3A_21  : i32 {
      %mul3A_175 = arith.constant 16 : i32
      %mul3A_176 = arith.muli %scan3A_174, %mul3A_175 : i32
      %get3A = arith.index_cast %mul3A_176 : i32 to index
      %get3A_177 = tpu.vector_load %arg7[%get3A] {strides = array<i32>} : memref<3840xf32, #tpu.memory_space<vmem>>, vector<16xf32>,
      %mul3A_178 = arith.constant 16 : i32
      %mul3A_179 = arith.muli %scan3A_174, %mul3A_178 : i32
      %get3A_180 = arith.index_cast %mul3A_179 : i32 to index
      %get3A_181 = tpu.vector_load %arg8[%get3A_180] {strides = array<i32>} : memref<3840xf32, #tpu.memory_space<vmem>>, vector<16xf32>,
      %mul3A_182 = arith.constant 16 : i32
      %mul3A_183 = arith.muli %scan3A_174, %mul3A_182 : i32
      %get3A_184 = arith.index_cast %mul3A_183 : i32 to index
      %get3A_185 = tpu.vector_load %arg9[%get3A_184] {strides = array<i32>} : memref<3840xf32, #tpu.memory_space<vmem>>, vector<16xf32>,
      %mul3A_186 = arith.constant 16 : i32
      %mul3A_187 = arith.muli %scan3A_174, %mul3A_186 : i32
      %get3A_188 = arith.index_cast %mul3A_187 : i32 to index
      %get3A_189 = tpu.vector_load %arg10[%get3A_188] {strides = array<i32>} : memref<3840xf32, #tpu.memory_space<vmem>>, vector<16xf32>,
      %add3A_190 = arith.constant 5.120000e+01 : f32
      %add3A_191 = vector.broadcast %add3A_190 : f32 to vector<16xf32>
      %add3A_192 = arith.addf %get3A_177, %add3A_191 : vector<16xf32>
      %div3A = arith.constant 4.000000e-01 : f32
      %div3A_193 = vector.broadcast %div3A : f32 to vector<16xf32>
      %div3A_194 = arith.divf %add3A_192, %div3A_193 : vector<16xf32>
      %add3A_195 = arith.constant 5.120000e+01 : f32
      %add3A_196 = vector.broadcast %add3A_195 : f32 to vector<16xf32>
      %add3A_197 = arith.addf %get3A_181, %add3A_196 : vector<16xf32>
      %div3A_198 = arith.constant 4.000000e-01 : f32
      %div3A_199 = vector.broadcast %div3A_198 : f32 to vector<16xf32>
      %div3A_200 = arith.divf %add3A_197, %div3A_199 : vector<16xf32>
      %add3A_201 = arith.constant 5.000000e+00 : f32
      %add3A_202 = vector.broadcast %add3A_201 : f32 to vector<16xf32>
      %add3A_203 = arith.addf %get3A_185, %add3A_202 : vector<16xf32>
      %div3A_204 = arith.constant 8.000000e+00 : f32
      %div3A_205 = vector.broadcast %div3A_204 : f32 to vector<16xf32>
      %div3A_206 = arith.divf %add3A_203, %div3A_205 : vector<16xf32>
      %ge3A = arith.constant 0.000000e+00 : f32
      %ge3A_207 = vector.broadcast %ge3A : f32 to vector<16xf32>
      %ge3A_208 = arith.cmpf oge, %div3A_194, %ge3A_207 : vector<16xf32>
      %lt3A = arith.constant 2.560000e+02 : f32
      %lt3A_209 = vector.broadcast %lt3A : f32 to vector<16xf32>
      %lt3A_210 = arith.cmpf olt, %div3A_194, %lt3A_209 : vector<16xf32>
      %and3A = arith.andi %ge3A_208, %lt3A_210 : vector<16xi1>
      %ge3A_211 = arith.constant 0.000000e+00 : f32
      %ge3A_212 = vector.broadcast %ge3A_211 : f32 to vector<16xf32>
      %ge3A_213 = arith.cmpf oge, %div3A_200, %ge3A_212 : vector<16xf32>
      %and3A_214 = arith.andi %and3A, %ge3A_213 : vector<16xi1>
      %lt3A_215 = arith.constant 2.560000e+02 : f32
      %lt3A_216 = vector.broadcast %lt3A_215 : f32 to vector<16xf32>
      %lt3A_217 = arith.cmpf olt, %div3A_200, %lt3A_216 : vector<16xf32>
      %and3A_218 = arith.andi %and3A_214, %lt3A_217 : vector<16xi1>
      %ge3A_219 = arith.constant 0.000000e+00 : f32
      %ge3A_220 = vector.broadcast %ge3A_219 : f32 to vector<16xf32>
      %ge3A_221 = arith.cmpf oge, %div3A_206, %ge3A_220 : vector<16xf32>
      %and3A_222 = arith.andi %and3A_218, %ge3A_221 : vector<16xi1>
      %lt3A_223 = arith.constant 1.000000e+00 : f32
      %lt3A_224 = vector.broadcast %lt3A_223 : f32 to vector<16xf32>
      %lt3A_225 = arith.cmpf olt, %div3A_206, %lt3A_224 : vector<16xf32>
      %and3A_226 = arith.andi %and3A_222, %lt3A_225 : vector<16xi1>
      %convert_element_type3A = arith.fptosi %div3A_194 : vector<16xf32> to vector<16xi32>
      %convert_element_type3A_227 = arith.fptosi %div3A_200 : vector<16xf32> to vector<16xi32>
      %mul3A_228 = arith.constant 256 : i32
      %mul3A_229 = vector.broadcast %mul3A_228 : i32 to vector<16xi32>
      %mul3A_230 = arith.muli %convert_element_type3A_227, %mul3A_229 : vector<16xi32>
      %add3A_231 = arith.addi %mul3A_230, %convert_element_type3A : vector<16xi32>
      %jit3A = arith.constant 65536 : i32
      %broadcast_in_dim3A_232 = vector.broadcast %jit3A : i32 to vector<16xi32>
      %select_n3A = arith.select %and3A_226, %add3A_231, %broadcast_in_dim3A_232 : vector<16xi1>, vector<16xi32>
      %mul3A_233 = arith.constant 16 : i32
      %mul3A_234 = arith.muli %scan3A_174, %mul3A_233 : i32
      %broadcast_in_dim3A_235 = vector.broadcast %mul3A_234 : i32 to vector<16xi32>
      %add3A_236 = arith.addi %broadcast_in_dim3A_235, %iota3A : vector<16xi32>
      %jit3A_237 = arith.constant 0.000000e+00 : f32
      %broadcast_in_dim3A_238 = vector.broadcast %jit3A_237 : f32 to vector<16xf32>
      %select_n3A_239 = arith.select %and3A_226, %get3A_177, %broadcast_in_dim3A_238 : vector<16xi1>, vector<16xf32>
      tpu.vector_store_idx %arg6[%add3A_236, %broadcast_in_dim3A_3], %select_n3A_239 : memref<3840x8xf32, #tpu.memory_space<vmem>>[vector<16xi32>, vector<16xi32>], vector<16xf32>,
      %jit3A_240 = arith.constant 0.000000e+00 : f32
      %broadcast_in_dim3A_241 = vector.broadcast %jit3A_240 : f32 to vector<16xf32>
      %select_n3A_242 = arith.select %and3A_226, %get3A_181, %broadcast_in_dim3A_241 : vector<16xi1>, vector<16xf32>
      tpu.vector_store_idx %arg6[%add3A_236, %broadcast_in_dim3A_5], %select_n3A_242 : memref<3840x8xf32, #tpu.memory_space<vmem>>[vector<16xi32>, vector<16xi32>], vector<16xf32>,
      %jit3A_243 = arith.constant 0.000000e+00 : f32
      %broadcast_in_dim3A_244 = vector.broadcast %jit3A_243 : f32 to vector<16xf32>
      %select_n3A_245 = arith.select %and3A_226, %get3A_185, %broadcast_in_dim3A_244 : vector<16xi1>, vector<16xf32>
      tpu.vector_store_idx %arg6[%add3A_236, %broadcast_in_dim3A_7], %select_n3A_245 : memref<3840x8xf32, #tpu.memory_space<vmem>>[vector<16xi32>, vector<16xi32>], vector<16xf32>,
      %jit3A_246 = arith.constant 0.000000e+00 : f32
      %broadcast_in_dim3A_247 = vector.broadcast %jit3A_246 : f32 to vector<16xf32>
      %select_n3A_248 = arith.select %and3A_226, %get3A_189, %broadcast_in_dim3A_247 : vector<16xi1>, vector<16xf32>
      tpu.vector_store_idx %arg6[%add3A_236, %broadcast_in_dim3A_9], %select_n3A_248 : memref<3840x8xf32, #tpu.memory_space<vmem>>[vector<16xi32>, vector<16xi32>], vector<16xf32>,
      %jit3A_249 = arith.constant 1.000000e+00 : f32
      %jit3A_250 = arith.constant 0.000000e+00 : f32
      %broadcast_in_dim3A_251 = vector.broadcast %jit3A_249 : f32 to vector<16xf32>
      %broadcast_in_dim3A_252 = vector.broadcast %jit3A_250 : f32 to vector<16xf32>
      %select_n3A_253 = arith.select %and3A_226, %broadcast_in_dim3A_251, %broadcast_in_dim3A_252 : vector<16xi1>, vector<16xf32>
      tpu.vector_store_idx %arg6[%add3A_236, %broadcast_in_dim3A_11], %select_n3A_253 : memref<3840x8xf32, #tpu.memory_space<vmem>>[vector<16xi32>, vector<16xi32>], vector<16xf32>,
      %jit3A_254 = arith.constant 8 : i32
      %div3A_255 = arith.divsi %scan3A_174, %jit3A_254 : i32
      %sign3A = arith.constant 0 : i32
      %sign3A_256 = arith.cmpi sgt, %scan3A_174, %sign3A : i32
      %sign3A_257 = arith.extui %sign3A_256 : i1 to i32
      %sign3A_258 = arith.constant 0 : i32
      %sign3A_259 = arith.cmpi slt, %scan3A_174, %sign3A_258 : i32
      %sign3A_260 = arith.extui %sign3A_259 : i1 to i32
      %sign3A_261 = arith.subi %sign3A_257, %sign3A_260 : i32
      %sign3A_262 = arith.constant 0 : i32
      %sign3A_263 = arith.cmpi sgt, %jit3A_254, %sign3A_262 : i32
      %sign3A_264 = arith.extui %sign3A_263 : i1 to i32
      %sign3A_265 = arith.constant 0 : i32
      %sign3A_266 = arith.cmpi slt, %jit3A_254, %sign3A_265 : i32
      %sign3A_267 = arith.extui %sign3A_266 : i1 to i32
      %sign3A_268 = arith.subi %sign3A_264, %sign3A_267 : i32
      %ne3A = arith.cmpi ne, %sign3A_261, %sign3A_268 : i32
      %rem3A = arith.remsi %scan3A_174, %jit3A_254 : i32
      %ne3A_269 = arith.constant 0 : i32
      %ne3A_270 = arith.cmpi ne, %rem3A, %ne3A_269 : i32
      %and3A_271 = arith.andi %ne3A, %ne3A_270 : i1
      %sub3A = arith.constant 1 : i32
      %sub3A_272 = arith.subi %div3A_255, %sub3A : i32
      %select_n3A_273 = arith.select %and3A_271, %sub3A_272, %div3A_255 : i32
      %broadcast_in_dim3A_274 = vector.broadcast %select_n3A_273 : i32 to vector<16xi32>
      %jit3A_275 = arith.constant 8 : i32
      %eq3A = arith.constant 0 : i32
      %eq3A_276 = arith.cmpi eq, %jit3A_275, %eq3A : i32
      %jit3A_277 = arith.constant 1 : i32
      %select_n3A_278 = arith.select %eq3A_276, %jit3A_277, %jit3A_275 : i32
      %rem3A_279 = arith.remsi %scan3A_174, %select_n3A_278 : i32
      %ne3A_280 = arith.constant 0 : i32
      %ne3A_281 = arith.cmpi ne, %rem3A_279, %ne3A_280 : i32
      %lt3A_282 = arith.constant 0 : i32
      %lt3A_283 = arith.cmpi slt, %rem3A_279, %lt3A_282 : i32
      %lt3A_284 = arith.constant 0 : i32
      %lt3A_285 = arith.cmpi slt, %select_n3A_278, %lt3A_284 : i32
      %ne3A_286 = arith.xori %lt3A_283, %lt3A_285 : i1
      %and3A_287 = arith.andi %ne3A_286, %ne3A_281 : i1
      %add3A_288 = arith.addi %rem3A_279, %select_n3A_278 : i32
      %select_n3A_289 = arith.select %and3A_287, %add3A_288, %rem3A_279 : i32
      %mul3A_290 = arith.constant 16 : i32
      %mul3A_291 = arith.muli %select_n3A_289, %mul3A_290 : i32
      %broadcast_in_dim3A_292 = vector.broadcast %mul3A_291 : i32 to vector<16xi32>
      %add3A_293 = arith.addi %broadcast_in_dim3A_292, %iota3A : vector<16xi32>
      tpu.vector_store_idx %arg11[%broadcast_in_dim3A_274, %add3A_293], %select_n3A : memref<30x128xi32, #tpu.memory_space<vmem>>[vector<16xi32>, vector<16xi32>], vector<16xi32>,
    }
    %scan3A_22 = arith.constant 240 : i32
    %run_scoped3A_23 = arith.constant 0 : i32
    "tpu.region"() ({
      %run_scoped3A_174 = tpu.sem_alloc : memref<!tpu.dma_semaphore, #tpu.memory_space<semaphore_mem>>
      %dma_start3A = arith.constant 0 : i32
      %dma_start3A_175 = arith.constant 0 : i32
      %dma_start3A_176 = tpu.memref_slice %arg6[%dma_start3A, %dma_start3A_175] : memref<3840x8xf32, #tpu.memory_space<vmem>> -> memref<128x8xf32, #tpu.memory_space<vmem>>
      %dma_start3A_177 = arith.constant 0 : i32
      %dma_start3A_178 = tpu.memref_slice %arg11[%run_scoped3A_23, %dma_start3A_177] : memref<30x128xi32, #tpu.memory_space<vmem>> -> memref<1x128xi32, #tpu.memory_space<vmem>>
      %dma_start3A_179 = tpu.memref_squeeze %dma_start3A_178 : memref<1x128xi32, #tpu.memory_space<vmem>> -> memref<128xi32, #tpu.memory_space<vmem>>
      %dma_start3A_180 = arith.constant 0 : i32
      %dma_start3A_181 = arith.constant 0 : i32
      %dma_start3A_182 = tpu.memref_slice %arg5[%dma_start3A_180, %dma_start3A_181] : memref<65664x8xf32, #tpu.memory_space<vmem_shared>> -> memref<65664x8xf32, #tpu.memory_space<vmem_shared>>
      tpu.enqueue_indirect_dma source(%dma_start3A_176 : memref<128x8xf32, #tpu.memory_space<vmem>>) target(%dma_start3A_182 : memref<65664x8xf32, #tpu.memory_space<vmem_shared>>) offsets(%dma_start3A_179 : memref<128xi32, #tpu.memory_space<vmem>>) semaphore(%run_scoped3A_174 : memref<!tpu.dma_semaphore, #tpu.memory_space<semaphore_mem>>) {add = true}
      %dma_wait3A = arith.constant 0 : i32
      %dma_wait3A_183 = arith.constant 0 : i32
      %dma_wait3A_184 = tpu.memref_slice %arg6[%dma_wait3A, %dma_wait3A_183] : memref<3840x8xf32, #tpu.memory_space<vmem>> -> memref<128x8xf32, #tpu.memory_space<vmem>>
      %dma_wait3A_185 = arith.constant 0 : i32
      %dma_wait3A_186 = tpu.memref_slice %arg11[%run_scoped3A_23, %dma_wait3A_185] : memref<30x128xi32, #tpu.memory_space<vmem>> -> memref<1x128xi32, #tpu.memory_space<vmem>>
      %dma_wait3A_187 = tpu.memref_squeeze %dma_wait3A_186 : memref<1x128xi32, #tpu.memory_space<vmem>> -> memref<128xi32, #tpu.memory_space<vmem>>
      %dma_wait3A_188 = arith.constant 0 : i32
      %dma_wait3A_189 = arith.constant 0 : i32
      %dma_wait3A_190 = tpu.memref_slice %arg5[%dma_wait3A_188, %dma_wait3A_189] : memref<65664x8xf32, #tpu.memory_space<vmem_shared>> -> memref<65664x8xf32, #tpu.memory_space<vmem_shared>>
      tpu.wait_indirect_dma semaphore(%run_scoped3A_174 : memref<!tpu.dma_semaphore, #tpu.memory_space<semaphore_mem>>) src(%dma_wait3A_184 : memref<128x8xf32, #tpu.memory_space<vmem>>) dst(%dma_wait3A_190 : memref<65664x8xf32, #tpu.memory_space<vmem_shared>>)
      tpu.yield
    }) : () -> ()
    %run_scoped3A_24 = arith.constant 1 : i32
    "tpu.region"() ({
      %run_scoped3A_174 = tpu.sem_alloc : memref<!tpu.dma_semaphore, #tpu.memory_space<semaphore_mem>>
      %dma_start3A = arith.constant 128 : i32
      %dma_start3A_175 = arith.constant 0 : i32
      %dma_start3A_176 = tpu.memref_slice %arg6[%dma_start3A, %dma_start3A_175] : memref<3840x8xf32, #tpu.memory_space<vmem>> -> memref<128x8xf32, #tpu.memory_space<vmem>>
      %dma_start3A_177 = arith.constant 0 : i32
      %dma_start3A_178 = tpu.memref_slice %arg11[%run_scoped3A_24, %dma_start3A_177] : memref<30x128xi32, #tpu.memory_space<vmem>> -> memref<1x128xi32, #tpu.memory_space<vmem>>
      %dma_start3A_179 = tpu.memref_squeeze %dma_start3A_178 : memref<1x128xi32, #tpu.memory_space<vmem>> -> memref<128xi32, #tpu.memory_space<vmem>>
      %dma_start3A_180 = arith.constant 0 : i32
      %dma_start3A_181 = arith.constant 0 : i32
      %dma_start3A_182 = tpu.memref_slice %arg5[%dma_start3A_180, %dma_start3A_181] : memref<65664x8xf32, #tpu.memory_space<vmem_shared>> -> memref<65664x8xf32, #tpu.memory_space<vmem_shared>>
      tpu.enqueue_indirect_dma source(%dma_start3A_176 : memref<128x8xf32, #tpu.memory_space<vmem>>) target(%dma_start3A_182 : memref<65664x8xf32, #tpu.memory_space<vmem_shared>>) offsets(%dma_start3A_179 : memref<128xi32, #tpu.memory_space<vmem>>) semaphore(%run_scoped3A_174 : memref<!tpu.dma_semaphore, #tpu.memory_space<semaphore_mem>>) {add = true}
      %dma_wait3A = arith.constant 128 : i32
      %dma_wait3A_183 = arith.constant 0 : i32
      %dma_wait3A_184 = tpu.memref_slice %arg6[%dma_wait3A, %dma_wait3A_183] : memref<3840x8xf32, #tpu.memory_space<vmem>> -> memref<128x8xf32, #tpu.memory_space<vmem>>
      %dma_wait3A_185 = arith.constant 0 : i32
      %dma_wait3A_186 = tpu.memref_slice %arg11[%run_scoped3A_24, %dma_wait3A_185] : memref<30x128xi32, #tpu.memory_space<vmem>> -> memref<1x128xi32, #tpu.memory_space<vmem>>
      %dma_wait3A_187 = tpu.memref_squeeze %dma_wait3A_186 : memref<1x128xi32, #tpu.memory_space<vmem>> -> memref<128xi32, #tpu.memory_space<vmem>>
      %dma_wait3A_188 = arith.constant 0 : i32
      %dma_wait3A_189 = arith.constant 0 : i32
      %dma_wait3A_190 = tpu.memref_slice %arg5[%dma_wait3A_188, %dma_wait3A_189] : memref<65664x8xf32, #tpu.memory_space<vmem_shared>> -> memref<65664x8xf32, #tpu.memory_space<vmem_shared>>
      tpu.wait_indirect_dma semaphore(%run_scoped3A_174 : memref<!tpu.dma_semaphore, #tpu.memory_space<semaphore_mem>>) src(%dma_wait3A_184 : memref<128x8xf32, #tpu.memory_space<vmem>>) dst(%dma_wait3A_190 : memref<65664x8xf32, #tpu.memory_space<vmem_shared>>)
      tpu.yield
    }) : () -> ()
    %run_scoped3A_25 = arith.constant 2 : i32
    "tpu.region"() ({
      %run_scoped3A_174 = tpu.sem_alloc : memref<!tpu.dma_semaphore, #tpu.memory_space<semaphore_mem>>
      %dma_start3A = arith.constant 256 : i32
      %dma_start3A_175 = arith.constant 0 : i32
      %dma_start3A_176 = tpu.memref_slice %arg6[%dma_start3A, %dma_start3A_175] : memref<3840x8xf32, #tpu.memory_space<vmem>> -> memref<128x8xf32, #tpu.memory_space<vmem>>
      %dma_start3A_177 = arith.constant 0 : i32
      %dma_start3A_178 = tpu.memref_slice %arg11[%run_scoped3A_25, %dma_start3A_177] : memref<30x128xi32, #tpu.memory_space<vmem>> -> memref<1x128xi32, #tpu.memory_space<vmem>>
      %dma_start3A_179 = tpu.memref_squeeze %dma_start3A_178 : memref<1x128xi32, #tpu.memory_space<vmem>> -> memref<128xi32, #tpu.memory_space<vmem>>
      %dma_start3A_180 = arith.constant 0 : i32
      %dma_start3A_181 = arith.constant 0 : i32
      %dma_start3A_182 = tpu.memref_slice %arg5[%dma_start3A_180, %dma_start3A_181] : memref<65664x8xf32, #tpu.memory_space<vmem_shared>> -> memref<65664x8xf32, #tpu.memory_space<vmem_shared>>
      tpu.enqueue_indirect_dma source(%dma_start3A_176 : memref<128x8xf32, #tpu.memory_space<vmem>>) target(%dma_start3A_182 : memref<65664x8xf32, #tpu.memory_space<vmem_shared>>) offsets(%dma_start3A_179 : memref<128xi32, #tpu.memory_space<vmem>>) semaphore(%run_scoped3A_174 : memref<!tpu.dma_semaphore, #tpu.memory_space<semaphore_mem>>) {add = true}
      %dma_wait3A = arith.constant 256 : i32
      %dma_wait3A_183 = arith.constant 0 : i32
      %dma_wait3A_184 = tpu.memref_slice %arg6[%dma_wait3A, %dma_wait3A_183] : memref<3840x8xf32, #tpu.memory_space<vmem>> -> memref<128x8xf32, #tpu.memory_space<vmem>>
      %dma_wait3A_185 = arith.constant 0 : i32
      %dma_wait3A_186 = tpu.memref_slice %arg11[%run_scoped3A_25, %dma_wait3A_185] : memref<30x128xi32, #tpu.memory_space<vmem>> -> memref<1x128xi32, #tpu.memory_space<vmem>>
      %dma_wait3A_187 = tpu.memref_squeeze %dma_wait3A_186 : memref<1x128xi32, #tpu.memory_space<vmem>> -> memref<128xi32, #tpu.memory_space<vmem>>
      %dma_wait3A_188 = arith.constant 0 : i32
      %dma_wait3A_189 = arith.constant 0 : i32
      %dma_wait3A_190 = tpu.memref_slice %arg5[%dma_wait3A_188, %dma_wait3A_189] : memref<65664x8xf32, #tpu.memory_space<vmem_shared>> -> memref<65664x8xf32, #tpu.memory_space<vmem_shared>>
      tpu.wait_indirect_dma semaphore(%run_scoped3A_174 : memref<!tpu.dma_semaphore, #tpu.memory_space<semaphore_mem>>) src(%dma_wait3A_184 : memref<128x8xf32, #tpu.memory_space<vmem>>) dst(%dma_wait3A_190 : memref<65664x8xf32, #tpu.memory_space<vmem_shared>>)
      tpu.yield
    }) : () -> ()
    %run_scoped3A_26 = arith.constant 3 : i32
    "tpu.region"() ({
      %run_scoped3A_174 = tpu.sem_alloc : memref<!tpu.dma_semaphore, #tpu.memory_space<semaphore_mem>>
      %dma_start3A = arith.constant 384 : i32
      %dma_start3A_175 = arith.constant 0 : i32
      %dma_start3A_176 = tpu.memref_slice %arg6[%dma_start3A, %dma_start3A_175] : memref<3840x8xf32, #tpu.memory_space<vmem>> -> memref<128x8xf32, #tpu.memory_space<vmem>>
      %dma_start3A_177 = arith.constant 0 : i32
      %dma_start3A_178 = tpu.memref_slice %arg11[%run_scoped3A_26, %dma_start3A_177] : memref<30x128xi32, #tpu.memory_space<vmem>> -> memref<1x128xi32, #tpu.memory_space<vmem>>
      %dma_start3A_179 = tpu.memref_squeeze %dma_start3A_178 : memref<1x128xi32, #tpu.memory_space<vmem>> -> memref<128xi32, #tpu.memory_space<vmem>>
      %dma_start3A_180 = arith.constant 0 : i32
      %dma_start3A_181 = arith.constant 0 : i32
      %dma_start3A_182 = tpu.memref_slice %arg5[%dma_start3A_180, %dma_start3A_181] : memref<65664x8xf32, #tpu.memory_space<vmem_shared>> -> memref<65664x8xf32, #tpu.memory_space<vmem_shared>>
      tpu.enqueue_indirect_dma source(%dma_start3A_176 : memref<128x8xf32, #tpu.memory_space<vmem>>) target(%dma_start3A_182 : memref<65664x8xf32, #tpu.memory_space<vmem_shared>>) offsets(%dma_start3A_179 : memref<128xi32, #tpu.memory_space<vmem>>) semaphore(%run_scoped3A_174 : memref<!tpu.dma_semaphore, #tpu.memory_space<semaphore_mem>>) {add = true}
      %dma_wait3A = arith.constant 384 : i32
      %dma_wait3A_183 = arith.constant 0 : i32
      %dma_wait3A_184 = tpu.memref_slice %arg6[%dma_wait3A, %dma_wait3A_183] : memref<3840x8xf32, #tpu.memory_space<vmem>> -> memref<128x8xf32, #tpu.memory_space<vmem>>
      %dma_wait3A_185 = arith.constant 0 : i32
      %dma_wait3A_186 = tpu.memref_slice %arg11[%run_scoped3A_26, %dma_wait3A_185] : memref<30x128xi32, #tpu.memory_space<vmem>> -> memref<1x128xi32, #tpu.memory_space<vmem>>
      %dma_wait3A_187 = tpu.memref_squeeze %dma_wait3A_186 : memref<1x128xi32, #tpu.memory_space<vmem>> -> memref<128xi32, #tpu.memory_space<vmem>>
      %dma_wait3A_188 = arith.constant 0 : i32
      %dma_wait3A_189 = arith.constant 0 : i32
      %dma_wait3A_190 = tpu.memref_slice %arg5[%dma_wait3A_188, %dma_wait3A_189] : memref<65664x8xf32, #tpu.memory_space<vmem_shared>> -> memref<65664x8xf32, #tpu.memory_space<vmem_shared>>
      tpu.wait_indirect_dma semaphore(%run_scoped3A_174 : memref<!tpu.dma_semaphore, #tpu.memory_space<semaphore_mem>>) src(%dma_wait3A_184 : memref<128x8xf32, #tpu.memory_space<vmem>>) dst(%dma_wait3A_190 : memref<65664x8xf32, #tpu.memory_space<vmem_shared>>)
      tpu.yield
    }) : () -> ()
    %run_scoped3A_27 = arith.constant 4 : i32
    "tpu.region"() ({
      %run_scoped3A_174 = tpu.sem_alloc : memref<!tpu.dma_semaphore, #tpu.memory_space<semaphore_mem>>
      %dma_start3A = arith.constant 512 : i32
      %dma_start3A_175 = arith.constant 0 : i32
      %dma_start3A_176 = tpu.memref_slice %arg6[%dma_start3A, %dma_start3A_175] : memref<3840x8xf32, #tpu.memory_space<vmem>> -> memref<128x8xf32, #tpu.memory_space<vmem>>
      %dma_start3A_177 = arith.constant 0 : i32
      %dma_start3A_178 = tpu.memref_slice %arg11[%run_scoped3A_27, %dma_start3A_177] : memref<30x128xi32, #tpu.memory_space<vmem>> -> memref<1x128xi32, #tpu.memory_space<vmem>>
      %dma_start3A_179 = tpu.memref_squeeze %dma_start3A_178 : memref<1x128xi32, #tpu.memory_space<vmem>> -> memref<128xi32, #tpu.memory_space<vmem>>
      %dma_start3A_180 = arith.constant 0 : i32
      %dma_start3A_181 = arith.constant 0 : i32
      %dma_start3A_182 = tpu.memref_slice %arg5[%dma_start3A_180, %dma_start3A_181] : memref<65664x8xf32, #tpu.memory_space<vmem_shared>> -> memref<65664x8xf32, #tpu.memory_space<vmem_shared>>
      tpu.enqueue_indirect_dma source(%dma_start3A_176 : memref<128x8xf32, #tpu.memory_space<vmem>>) target(%dma_start3A_182 : memref<65664x8xf32, #tpu.memory_space<vmem_shared>>) offsets(%dma_start3A_179 : memref<128xi32, #tpu.memory_space<vmem>>) semaphore(%run_scoped3A_174 : memref<!tpu.dma_semaphore, #tpu.memory_space<semaphore_mem>>) {add = true}
      %dma_wait3A = arith.constant 512 : i32
      %dma_wait3A_183 = arith.constant 0 : i32
      %dma_wait3A_184 = tpu.memref_slice %arg6[%dma_wait3A, %dma_wait3A_183] : memref<3840x8xf32, #tpu.memory_space<vmem>> -> memref<128x8xf32, #tpu.memory_space<vmem>>
      %dma_wait3A_185 = arith.constant 0 : i32
      %dma_wait3A_186 = tpu.memref_slice %arg11[%run_scoped3A_27, %dma_wait3A_185] : memref<30x128xi32, #tpu.memory_space<vmem>> -> memref<1x128xi32, #tpu.memory_space<vmem>>
      %dma_wait3A_187 = tpu.memref_squeeze %dma_wait3A_186 : memref<1x128xi32, #tpu.memory_space<vmem>> -> memref<128xi32, #tpu.memory_space<vmem>>
      %dma_wait3A_188 = arith.constant 0 : i32
      %dma_wait3A_189 = arith.constant 0 : i32
      %dma_wait3A_190 = tpu.memref_slice %arg5[%dma_wait3A_188, %dma_wait3A_189] : memref<65664x8xf32, #tpu.memory_space<vmem_shared>> -> memref<65664x8xf32, #tpu.memory_space<vmem_shared>>
      tpu.wait_indirect_dma semaphore(%run_scoped3A_174 : memref<!tpu.dma_semaphore, #tpu.memory_space<semaphore_mem>>) src(%dma_wait3A_184 : memref<128x8xf32, #tpu.memory_space<vmem>>) dst(%dma_wait3A_190 : memref<65664x8xf32, #tpu.memory_space<vmem_shared>>)
      tpu.yield
    }) : () -> ()
    %run_scoped3A_28 = arith.constant 5 : i32
    "tpu.region"() ({
      %run_scoped3A_174 = tpu.sem_alloc : memref<!tpu.dma_semaphore, #tpu.memory_space<semaphore_mem>>
      %dma_start3A = arith.constant 640 : i32
      %dma_start3A_175 = arith.constant 0 : i32
      %dma_start3A_176 = tpu.memref_slice %arg6[%dma_start3A, %dma_start3A_175] : memref<3840x8xf32, #tpu.memory_space<vmem>> -> memref<128x8xf32, #tpu.memory_space<vmem>>
      %dma_start3A_177 = arith.constant 0 : i32
      %dma_start3A_178 = tpu.memref_slice %arg11[%run_scoped3A_28, %dma_start3A_177] : memref<30x128xi32, #tpu.memory_space<vmem>> -> memref<1x128xi32, #tpu.memory_space<vmem>>
      %dma_start3A_179 = tpu.memref_squeeze %dma_start3A_178 : memref<1x128xi32, #tpu.memory_space<vmem>> -> memref<128xi32, #tpu.memory_space<vmem>>
      %dma_start3A_180 = arith.constant 0 : i32
      %dma_start3A_181 = arith.constant 0 : i32
      %dma_start3A_182 = tpu.memref_slice %arg5[%dma_start3A_180, %dma_start3A_181] : memref<65664x8xf32, #tpu.memory_space<vmem_shared>> -> memref<65664x8xf32, #tpu.memory_space<vmem_shared>>
      tpu.enqueue_indirect_dma source(%dma_start3A_176 : memref<128x8xf32, #tpu.memory_space<vmem>>) target(%dma_start3A_182 : memref<65664x8xf32, #tpu.memory_space<vmem_shared>>) offsets(%dma_start3A_179 : memref<128xi32, #tpu.memory_space<vmem>>) semaphore(%run_scoped3A_174 : memref<!tpu.dma_semaphore, #tpu.memory_space<semaphore_mem>>) {add = true}
      %dma_wait3A = arith.constant 640 : i32
      %dma_wait3A_183 = arith.constant 0 : i32
      %dma_wait3A_184 = tpu.memref_slice %arg6[%dma_wait3A, %dma_wait3A_183] : memref<3840x8xf32, #tpu.memory_space<vmem>> -> memref<128x8xf32, #tpu.memory_space<vmem>>
      %dma_wait3A_185 = arith.constant 0 : i32
      %dma_wait3A_186 = tpu.memref_slice %arg11[%run_scoped3A_28, %dma_wait3A_185] : memref<30x128xi32, #tpu.memory_space<vmem>> -> memref<1x128xi32, #tpu.memory_space<vmem>>
      %dma_wait3A_187 = tpu.memref_squeeze %dma_wait3A_186 : memref<1x128xi32, #tpu.memory_space<vmem>> -> memref<128xi32, #tpu.memory_space<vmem>>
      %dma_wait3A_188 = arith.constant 0 : i32
      %dma_wait3A_189 = arith.constant 0 : i32
      %dma_wait3A_190 = tpu.memref_slice %arg5[%dma_wait3A_188, %dma_wait3A_189] : memref<65664x8xf32, #tpu.memory_space<vmem_shared>> -> memref<65664x8xf32, #tpu.memory_space<vmem_shared>>
      tpu.wait_indirect_dma semaphore(%run_scoped3A_174 : memref<!tpu.dma_semaphore, #tpu.memory_space<semaphore_mem>>) src(%dma_wait3A_184 : memref<128x8xf32, #tpu.memory_space<vmem>>) dst(%dma_wait3A_190 : memref<65664x8xf32, #tpu.memory_space<vmem_shared>>)
      tpu.yield
    }) : () -> ()
    %run_scoped3A_29 = arith.constant 6 : i32
    "tpu.region"() ({
      %run_scoped3A_174 = tpu.sem_alloc : memref<!tpu.dma_semaphore, #tpu.memory_space<semaphore_mem>>
      %dma_start3A = arith.constant 768 : i32
      %dma_start3A_175 = arith.constant 0 : i32
      %dma_start3A_176 = tpu.memref_slice %arg6[%dma_start3A, %dma_start3A_175] : memref<3840x8xf32, #tpu.memory_space<vmem>> -> memref<128x8xf32, #tpu.memory_space<vmem>>
      %dma_start3A_177 = arith.constant 0 : i32
      %dma_start3A_178 = tpu.memref_slice %arg11[%run_scoped3A_29, %dma_start3A_177] : memref<30x128xi32, #tpu.memory_space<vmem>> -> memref<1x128xi32, #tpu.memory_space<vmem>>
      %dma_start3A_179 = tpu.memref_squeeze %dma_start3A_178 : memref<1x128xi32, #tpu.memory_space<vmem>> -> memref<128xi32, #tpu.memory_space<vmem>>
      %dma_start3A_180 = arith.constant 0 : i32
      %dma_start3A_181 = arith.constant 0 : i32
      %dma_start3A_182 = tpu.memref_slice %arg5[%dma_start3A_180, %dma_start3A_181] : memref<65664x8xf32, #tpu.memory_space<vmem_shared>> -> memref<65664x8xf32, #tpu.memory_space<vmem_shared>>
      tpu.enqueue_indirect_dma source(%dma_start3A_176 : memref<128x8xf32, #tpu.memory_space<vmem>>) target(%dma_start3A_182 : memref<65664x8xf32, #tpu.memory_space<vmem_shared>>) offsets(%dma_start3A_179 : memref<128xi32, #tpu.memory_space<vmem>>) semaphore(%run_scoped3A_174 : memref<!tpu.dma_semaphore, #tpu.memory_space<semaphore_mem>>) {add = true}
      %dma_wait3A = arith.constant 768 : i32
      %dma_wait3A_183 = arith.constant 0 : i32
      %dma_wait3A_184 = tpu.memref_slice %arg6[%dma_wait3A, %dma_wait3A_183] : memref<3840x8xf32, #tpu.memory_space<vmem>> -> memref<128x8xf32, #tpu.memory_space<vmem>>
      %dma_wait3A_185 = arith.constant 0 : i32
      %dma_wait3A_186 = tpu.memref_slice %arg11[%run_scoped3A_29, %dma_wait3A_185] : memref<30x128xi32, #tpu.memory_space<vmem>> -> memref<1x128xi32, #tpu.memory_space<vmem>>
      %dma_wait3A_187 = tpu.memref_squeeze %dma_wait3A_186 : memref<1x128xi32, #tpu.memory_space<vmem>> -> memref<128xi32, #tpu.memory_space<vmem>>
      %dma_wait3A_188 = arith.constant 0 : i32
      %dma_wait3A_189 = arith.constant 0 : i32
      %dma_wait3A_190 = tpu.memref_slice %arg5[%dma_wait3A_188, %dma_wait3A_189] : memref<65664x8xf32, #tpu.memory_space<vmem_shared>> -> memref<65664x8xf32, #tpu.memory_space<vmem_shared>>
      tpu.wait_indirect_dma semaphore(%run_scoped3A_174 : memref<!tpu.dma_semaphore, #tpu.memory_space<semaphore_mem>>) src(%dma_wait3A_184 : memref<128x8xf32, #tpu.memory_space<vmem>>) dst(%dma_wait3A_190 : memref<65664x8xf32, #tpu.memory_space<vmem_shared>>)
      tpu.yield
    }) : () -> ()
    %run_scoped3A_30 = arith.constant 7 : i32
    "tpu.region"() ({
      %run_scoped3A_174 = tpu.sem_alloc : memref<!tpu.dma_semaphore, #tpu.memory_space<semaphore_mem>>
      %dma_start3A = arith.constant 896 : i32
      %dma_start3A_175 = arith.constant 0 : i32
      %dma_start3A_176 = tpu.memref_slice %arg6[%dma_start3A, %dma_start3A_175] : memref<3840x8xf32, #tpu.memory_space<vmem>> -> memref<128x8xf32, #tpu.memory_space<vmem>>
      %dma_start3A_177 = arith.constant 0 : i32
      %dma_start3A_178 = tpu.memref_slice %arg11[%run_scoped3A_30, %dma_start3A_177] : memref<30x128xi32, #tpu.memory_space<vmem>> -> memref<1x128xi32, #tpu.memory_space<vmem>>
      %dma_start3A_179 = tpu.memref_squeeze %dma_start3A_178 : memref<1x128xi32, #tpu.memory_space<vmem>> -> memref<128xi32, #tpu.memory_space<vmem>>
      %dma_start3A_180 = arith.constant 0 : i32
      %dma_start3A_181 = arith.constant 0 : i32
      %dma_start3A_182 = tpu.memref_slice %arg5[%dma_start3A_180, %dma_start3A_181] : memref<65664x8xf32, #tpu.memory_space<vmem_shared>> -> memref<65664x8xf32, #tpu.memory_space<vmem_shared>>
      tpu.enqueue_indirect_dma source(%dma_start3A_176 : memref<128x8xf32, #tpu.memory_space<vmem>>) target(%dma_start3A_182 : memref<65664x8xf32, #tpu.memory_space<vmem_shared>>) offsets(%dma_start3A_179 : memref<128xi32, #tpu.memory_space<vmem>>) semaphore(%run_scoped3A_174 : memref<!tpu.dma_semaphore, #tpu.memory_space<semaphore_mem>>) {add = true}
      %dma_wait3A = arith.constant 896 : i32
      %dma_wait3A_183 = arith.constant 0 : i32
      %dma_wait3A_184 = tpu.memref_slice %arg6[%dma_wait3A, %dma_wait3A_183] : memref<3840x8xf32, #tpu.memory_space<vmem>> -> memref<128x8xf32, #tpu.memory_space<vmem>>
      %dma_wait3A_185 = arith.constant 0 : i32
      %dma_wait3A_186 = tpu.memref_slice %arg11[%run_scoped3A_30, %dma_wait3A_185] : memref<30x128xi32, #tpu.memory_space<vmem>> -> memref<1x128xi32, #tpu.memory_space<vmem>>
      %dma_wait3A_187 = tpu.memref_squeeze %dma_wait3A_186 : memref<1x128xi32, #tpu.memory_space<vmem>> -> memref<128xi32, #tpu.memory_space<vmem>>
      %dma_wait3A_188 = arith.constant 0 : i32
      %dma_wait3A_189 = arith.constant 0 : i32
      %dma_wait3A_190 = tpu.memref_slice %arg5[%dma_wait3A_188, %dma_wait3A_189] : memref<65664x8xf32, #tpu.memory_space<vmem_shared>> -> memref<65664x8xf32, #tpu.memory_space<vmem_shared>>
      tpu.wait_indirect_dma semaphore(%run_scoped3A_174 : memref<!tpu.dma_semaphore, #tpu.memory_space<semaphore_mem>>) src(%dma_wait3A_184 : memref<128x8xf32, #tpu.memory_space<vmem>>) dst(%dma_wait3A_190 : memref<65664x8xf32, #tpu.memory_space<vmem_shared>>)
      tpu.yield
    }) : () -> ()
    %run_scoped3A_31 = arith.constant 8 : i32
    "tpu.region"() ({
      %run_scoped3A_174 = tpu.sem_alloc : memref<!tpu.dma_semaphore, #tpu.memory_space<semaphore_mem>>
      %dma_start3A = arith.constant 1024 : i32
      %dma_start3A_175 = arith.constant 0 : i32
      %dma_start3A_176 = tpu.memref_slice %arg6[%dma_start3A, %dma_start3A_175] : memref<3840x8xf32, #tpu.memory_space<vmem>> -> memref<128x8xf32, #tpu.memory_space<vmem>>
      %dma_start3A_177 = arith.constant 0 : i32
      %dma_start3A_178 = tpu.memref_slice %arg11[%run_scoped3A_31, %dma_start3A_177] : memref<30x128xi32, #tpu.memory_space<vmem>> -> memref<1x128xi32, #tpu.memory_space<vmem>>
      %dma_start3A_179 = tpu.memref_squeeze %dma_start3A_178 : memref<1x128xi32, #tpu.memory_space<vmem>> -> memref<128xi32, #tpu.memory_space<vmem>>
      %dma_start3A_180 = arith.constant 0 : i32
      %dma_start3A_181 = arith.constant 0 : i32
      %dma_start3A_182 = tpu.memref_slice %arg5[%dma_start3A_180, %dma_start3A_181] : memref<65664x8xf32, #tpu.memory_space<vmem_shared>> -> memref<65664x8xf32, #tpu.memory_space<vmem_shared>>
      tpu.enqueue_indirect_dma source(%dma_start3A_176 : memref<128x8xf32, #tpu.memory_space<vmem>>) target(%dma_start3A_182 : memref<65664x8xf32, #tpu.memory_space<vmem_shared>>) offsets(%dma_start3A_179 : memref<128xi32, #tpu.memory_space<vmem>>) semaphore(%run_scoped3A_174 : memref<!tpu.dma_semaphore, #tpu.memory_space<semaphore_mem>>) {add = true}
      %dma_wait3A = arith.constant 1024 : i32
      %dma_wait3A_183 = arith.constant 0 : i32
      %dma_wait3A_184 = tpu.memref_slice %arg6[%dma_wait3A, %dma_wait3A_183] : memref<3840x8xf32, #tpu.memory_space<vmem>> -> memref<128x8xf32, #tpu.memory_space<vmem>>
      %dma_wait3A_185 = arith.constant 0 : i32
      %dma_wait3A_186 = tpu.memref_slice %arg11[%run_scoped3A_31, %dma_wait3A_185] : memref<30x128xi32, #tpu.memory_space<vmem>> -> memref<1x128xi32, #tpu.memory_space<vmem>>
      %dma_wait3A_187 = tpu.memref_squeeze %dma_wait3A_186 : memref<1x128xi32, #tpu.memory_space<vmem>> -> memref<128xi32, #tpu.memory_space<vmem>>
      %dma_wait3A_188 = arith.constant 0 : i32
      %dma_wait3A_189 = arith.constant 0 : i32
      %dma_wait3A_190 = tpu.memref_slice %arg5[%dma_wait3A_188, %dma_wait3A_189] : memref<65664x8xf32, #tpu.memory_space<vmem_shared>> -> memref<65664x8xf32, #tpu.memory_space<vmem_shared>>
      tpu.wait_indirect_dma semaphore(%run_scoped3A_174 : memref<!tpu.dma_semaphore, #tpu.memory_space<semaphore_mem>>) src(%dma_wait3A_184 : memref<128x8xf32, #tpu.memory_space<vmem>>) dst(%dma_wait3A_190 : memref<65664x8xf32, #tpu.memory_space<vmem_shared>>)
      tpu.yield
    }) : () -> ()
    %run_scoped3A_32 = arith.constant 9 : i32
    "tpu.region"() ({
      %run_scoped3A_174 = tpu.sem_alloc : memref<!tpu.dma_semaphore, #tpu.memory_space<semaphore_mem>>
      %dma_start3A = arith.constant 1152 : i32
      %dma_start3A_175 = arith.constant 0 : i32
      %dma_start3A_176 = tpu.memref_slice %arg6[%dma_start3A, %dma_start3A_175] : memref<3840x8xf32, #tpu.memory_space<vmem>> -> memref<128x8xf32, #tpu.memory_space<vmem>>
      %dma_start3A_177 = arith.constant 0 : i32
      %dma_start3A_178 = tpu.memref_slice %arg11[%run_scoped3A_32, %dma_start3A_177] : memref<30x128xi32, #tpu.memory_space<vmem>> -> memref<1x128xi32, #tpu.memory_space<vmem>>
      %dma_start3A_179 = tpu.memref_squeeze %dma_start3A_178 : memref<1x128xi32, #tpu.memory_space<vmem>> -> memref<128xi32, #tpu.memory_space<vmem>>
      %dma_start3A_180 = arith.constant 0 : i32
      %dma_start3A_181 = arith.constant 0 : i32
      %dma_start3A_182 = tpu.memref_slice %arg5[%dma_start3A_180, %dma_start3A_181] : memref<65664x8xf32, #tpu.memory_space<vmem_shared>> -> memref<65664x8xf32, #tpu.memory_space<vmem_shared>>
      tpu.enqueue_indirect_dma source(%dma_start3A_176 : memref<128x8xf32, #tpu.memory_space<vmem>>) target(%dma_start3A_182 : memref<65664x8xf32, #tpu.memory_space<vmem_shared>>) offsets(%dma_start3A_179 : memref<128xi32, #tpu.memory_space<vmem>>) semaphore(%run_scoped3A_174 : memref<!tpu.dma_semaphore, #tpu.memory_space<semaphore_mem>>) {add = true}
      %dma_wait3A = arith.constant 1152 : i32
      %dma_wait3A_183 = arith.constant 0 : i32
      %dma_wait3A_184 = tpu.memref_slice %arg6[%dma_wait3A, %dma_wait3A_183] : memref<3840x8xf32, #tpu.memory_space<vmem>> -> memref<128x8xf32, #tpu.memory_space<vmem>>
      %dma_wait3A_185 = arith.constant 0 : i32
      %dma_wait3A_186 = tpu.memref_slice %arg11[%run_scoped3A_32, %dma_wait3A_185] : memref<30x128xi32, #tpu.memory_space<vmem>> -> memref<1x128xi32, #tpu.memory_space<vmem>>
      %dma_wait3A_187 = tpu.memref_squeeze %dma_wait3A_186 : memref<1x128xi32, #tpu.memory_space<vmem>> -> memref<128xi32, #tpu.memory_space<vmem>>
      %dma_wait3A_188 = arith.constant 0 : i32
      %dma_wait3A_189 = arith.constant 0 : i32
      %dma_wait3A_190 = tpu.memref_slice %arg5[%dma_wait3A_188, %dma_wait3A_189] : memref<65664x8xf32, #tpu.memory_space<vmem_shared>> -> memref<65664x8xf32, #tpu.memory_space<vmem_shared>>
      tpu.wait_indirect_dma semaphore(%run_scoped3A_174 : memref<!tpu.dma_semaphore, #tpu.memory_space<semaphore_mem>>) src(%dma_wait3A_184 : memref<128x8xf32, #tpu.memory_space<vmem>>) dst(%dma_wait3A_190 : memref<65664x8xf32, #tpu.memory_space<vmem_shared>>)
      tpu.yield
    }) : () -> ()
    %run_scoped3A_33 = arith.constant 10 : i32
    "tpu.region"() ({
      %run_scoped3A_174 = tpu.sem_alloc : memref<!tpu.dma_semaphore, #tpu.memory_space<semaphore_mem>>
      %dma_start3A = arith.constant 1280 : i32
      %dma_start3A_175 = arith.constant 0 : i32
      %dma_start3A_176 = tpu.memref_slice %arg6[%dma_start3A, %dma_start3A_175] : memref<3840x8xf32, #tpu.memory_space<vmem>> -> memref<128x8xf32, #tpu.memory_space<vmem>>
      %dma_start3A_177 = arith.constant 0 : i32
      %dma_start3A_178 = tpu.memref_slice %arg11[%run_scoped3A_33, %dma_start3A_177] : memref<30x128xi32, #tpu.memory_space<vmem>> -> memref<1x128xi32, #tpu.memory_space<vmem>>
      %dma_start3A_179 = tpu.memref_squeeze %dma_start3A_178 : memref<1x128xi32, #tpu.memory_space<vmem>> -> memref<128xi32, #tpu.memory_space<vmem>>
      %dma_start3A_180 = arith.constant 0 : i32
      %dma_start3A_181 = arith.constant 0 : i32
      %dma_start3A_182 = tpu.memref_slice %arg5[%dma_start3A_180, %dma_start3A_181] : memref<65664x8xf32, #tpu.memory_space<vmem_shared>> -> memref<65664x8xf32, #tpu.memory_space<vmem_shared>>
      tpu.enqueue_indirect_dma source(%dma_start3A_176 : memref<128x8xf32, #tpu.memory_space<vmem>>) target(%dma_start3A_182 : memref<65664x8xf32, #tpu.memory_space<vmem_shared>>) offsets(%dma_start3A_179 : memref<128xi32, #tpu.memory_space<vmem>>) semaphore(%run_scoped3A_174 : memref<!tpu.dma_semaphore, #tpu.memory_space<semaphore_mem>>) {add = true}
      %dma_wait3A = arith.constant 1280 : i32
      %dma_wait3A_183 = arith.constant 0 : i32
      %dma_wait3A_184 = tpu.memref_slice %arg6[%dma_wait3A, %dma_wait3A_183] : memref<3840x8xf32, #tpu.memory_space<vmem>> -> memref<128x8xf32, #tpu.memory_space<vmem>>
      %dma_wait3A_185 = arith.constant 0 : i32
      %dma_wait3A_186 = tpu.memref_slice %arg11[%run_scoped3A_33, %dma_wait3A_185] : memref<30x128xi32, #tpu.memory_space<vmem>> -> memref<1x128xi32, #tpu.memory_space<vmem>>
      %dma_wait3A_187 = tpu.memref_squeeze %dma_wait3A_186 : memref<1x128xi32, #tpu.memory_space<vmem>> -> memref<128xi32, #tpu.memory_space<vmem>>
      %dma_wait3A_188 = arith.constant 0 : i32
      %dma_wait3A_189 = arith.constant 0 : i32
      %dma_wait3A_190 = tpu.memref_slice %arg5[%dma_wait3A_188, %dma_wait3A_189] : memref<65664x8xf32, #tpu.memory_space<vmem_shared>> -> memref<65664x8xf32, #tpu.memory_space<vmem_shared>>
      tpu.wait_indirect_dma semaphore(%run_scoped3A_174 : memref<!tpu.dma_semaphore, #tpu.memory_space<semaphore_mem>>) src(%dma_wait3A_184 : memref<128x8xf32, #tpu.memory_space<vmem>>) dst(%dma_wait3A_190 : memref<65664x8xf32, #tpu.memory_space<vmem_shared>>)
      tpu.yield
    }) : () -> ()
    %run_scoped3A_34 = arith.constant 11 : i32
    "tpu.region"() ({
      %run_scoped3A_174 = tpu.sem_alloc : memref<!tpu.dma_semaphore, #tpu.memory_space<semaphore_mem>>
      %dma_start3A = arith.constant 1408 : i32
      %dma_start3A_175 = arith.constant 0 : i32
      %dma_start3A_176 = tpu.memref_slice %arg6[%dma_start3A, %dma_start3A_175] : memref<3840x8xf32, #tpu.memory_space<vmem>> -> memref<128x8xf32, #tpu.memory_space<vmem>>
      %dma_start3A_177 = arith.constant 0 : i32
      %dma_start3A_178 = tpu.memref_slice %arg11[%run_scoped3A_34, %dma_start3A_177] : memref<30x128xi32, #tpu.memory_space<vmem>> -> memref<1x128xi32, #tpu.memory_space<vmem>>
      %dma_start3A_179 = tpu.memref_squeeze %dma_start3A_178 : memref<1x128xi32, #tpu.memory_space<vmem>> -> memref<128xi32, #tpu.memory_space<vmem>>
      %dma_start3A_180 = arith.constant 0 : i32
      %dma_start3A_181 = arith.constant 0 : i32
      %dma_start3A_182 = tpu.memref_slice %arg5[%dma_start3A_180, %dma_start3A_181] : memref<65664x8xf32, #tpu.memory_space<vmem_shared>> -> memref<65664x8xf32, #tpu.memory_space<vmem_shared>>
      tpu.enqueue_indirect_dma source(%dma_start3A_176 : memref<128x8xf32, #tpu.memory_space<vmem>>) target(%dma_start3A_182 : memref<65664x8xf32, #tpu.memory_space<vmem_shared>>) offsets(%dma_start3A_179 : memref<128xi32, #tpu.memory_space<vmem>>) semaphore(%run_scoped3A_174 : memref<!tpu.dma_semaphore, #tpu.memory_space<semaphore_mem>>) {add = true}
      %dma_wait3A = arith.constant 1408 : i32
      %dma_wait3A_183 = arith.constant 0 : i32
      %dma_wait3A_184 = tpu.memref_slice %arg6[%dma_wait3A, %dma_wait3A_183] : memref<3840x8xf32, #tpu.memory_space<vmem>> -> memref<128x8xf32, #tpu.memory_space<vmem>>
      %dma_wait3A_185 = arith.constant 0 : i32
      %dma_wait3A_186 = tpu.memref_slice %arg11[%run_scoped3A_34, %dma_wait3A_185] : memref<30x128xi32, #tpu.memory_space<vmem>> -> memref<1x128xi32, #tpu.memory_space<vmem>>
      %dma_wait3A_187 = tpu.memref_squeeze %dma_wait3A_186 : memref<1x128xi32, #tpu.memory_space<vmem>> -> memref<128xi32, #tpu.memory_space<vmem>>
      %dma_wait3A_188 = arith.constant 0 : i32
      %dma_wait3A_189 = arith.constant 0 : i32
      %dma_wait3A_190 = tpu.memref_slice %arg5[%dma_wait3A_188, %dma_wait3A_189] : memref<65664x8xf32, #tpu.memory_space<vmem_shared>> -> memref<65664x8xf32, #tpu.memory_space<vmem_shared>>
      tpu.wait_indirect_dma semaphore(%run_scoped3A_174 : memref<!tpu.dma_semaphore, #tpu.memory_space<semaphore_mem>>) src(%dma_wait3A_184 : memref<128x8xf32, #tpu.memory_space<vmem>>) dst(%dma_wait3A_190 : memref<65664x8xf32, #tpu.memory_space<vmem_shared>>)
      tpu.yield
    }) : () -> ()
    %run_scoped3A_35 = arith.constant 12 : i32
    "tpu.region"() ({
      %run_scoped3A_174 = tpu.sem_alloc : memref<!tpu.dma_semaphore, #tpu.memory_space<semaphore_mem>>
      %dma_start3A = arith.constant 1536 : i32
      %dma_start3A_175 = arith.constant 0 : i32
      %dma_start3A_176 = tpu.memref_slice %arg6[%dma_start3A, %dma_start3A_175] : memref<3840x8xf32, #tpu.memory_space<vmem>> -> memref<128x8xf32, #tpu.memory_space<vmem>>
      %dma_start3A_177 = arith.constant 0 : i32
      %dma_start3A_178 = tpu.memref_slice %arg11[%run_scoped3A_35, %dma_start3A_177] : memref<30x128xi32, #tpu.memory_space<vmem>> -> memref<1x128xi32, #tpu.memory_space<vmem>>
      %dma_start3A_179 = tpu.memref_squeeze %dma_start3A_178 : memref<1x128xi32, #tpu.memory_space<vmem>> -> memref<128xi32, #tpu.memory_space<vmem>>
      %dma_start3A_180 = arith.constant 0 : i32
      %dma_start3A_181 = arith.constant 0 : i32
      %dma_start3A_182 = tpu.memref_slice %arg5[%dma_start3A_180, %dma_start3A_181] : memref<65664x8xf32, #tpu.memory_space<vmem_shared>> -> memref<65664x8xf32, #tpu.memory_space<vmem_shared>>
      tpu.enqueue_indirect_dma source(%dma_start3A_176 : memref<128x8xf32, #tpu.memory_space<vmem>>) target(%dma_start3A_182 : memref<65664x8xf32, #tpu.memory_space<vmem_shared>>) offsets(%dma_start3A_179 : memref<128xi32, #tpu.memory_space<vmem>>) semaphore(%run_scoped3A_174 : memref<!tpu.dma_semaphore, #tpu.memory_space<semaphore_mem>>) {add = true}
      %dma_wait3A = arith.constant 1536 : i32
      %dma_wait3A_183 = arith.constant 0 : i32
      %dma_wait3A_184 = tpu.memref_slice %arg6[%dma_wait3A, %dma_wait3A_183] : memref<3840x8xf32, #tpu.memory_space<vmem>> -> memref<128x8xf32, #tpu.memory_space<vmem>>
      %dma_wait3A_185 = arith.constant 0 : i32
      %dma_wait3A_186 = tpu.memref_slice %arg11[%run_scoped3A_35, %dma_wait3A_185] : memref<30x128xi32, #tpu.memory_space<vmem>> -> memref<1x128xi32, #tpu.memory_space<vmem>>
      %dma_wait3A_187 = tpu.memref_squeeze %dma_wait3A_186 : memref<1x128xi32, #tpu.memory_space<vmem>> -> memref<128xi32, #tpu.memory_space<vmem>>
      %dma_wait3A_188 = arith.constant 0 : i32
      %dma_wait3A_189 = arith.constant 0 : i32
      %dma_wait3A_190 = tpu.memref_slice %arg5[%dma_wait3A_188, %dma_wait3A_189] : memref<65664x8xf32, #tpu.memory_space<vmem_shared>> -> memref<65664x8xf32, #tpu.memory_space<vmem_shared>>
      tpu.wait_indirect_dma semaphore(%run_scoped3A_174 : memref<!tpu.dma_semaphore, #tpu.memory_space<semaphore_mem>>) src(%dma_wait3A_184 : memref<128x8xf32, #tpu.memory_space<vmem>>) dst(%dma_wait3A_190 : memref<65664x8xf32, #tpu.memory_space<vmem_shared>>)
      tpu.yield
    }) : () -> ()
    %run_scoped3A_36 = arith.constant 13 : i32
    "tpu.region"() ({
      %run_scoped3A_174 = tpu.sem_alloc : memref<!tpu.dma_semaphore, #tpu.memory_space<semaphore_mem>>
      %dma_start3A = arith.constant 1664 : i32
      %dma_start3A_175 = arith.constant 0 : i32
      %dma_start3A_176 = tpu.memref_slice %arg6[%dma_start3A, %dma_start3A_175] : memref<3840x8xf32, #tpu.memory_space<vmem>> -> memref<128x8xf32, #tpu.memory_space<vmem>>
      %dma_start3A_177 = arith.constant 0 : i32
      %dma_start3A_178 = tpu.memref_slice %arg11[%run_scoped3A_36, %dma_start3A_177] : memref<30x128xi32, #tpu.memory_space<vmem>> -> memref<1x128xi32, #tpu.memory_space<vmem>>
      %dma_start3A_179 = tpu.memref_squeeze %dma_start3A_178 : memref<1x128xi32, #tpu.memory_space<vmem>> -> memref<128xi32, #tpu.memory_space<vmem>>
      %dma_start3A_180 = arith.constant 0 : i32
      %dma_start3A_181 = arith.constant 0 : i32
      %dma_start3A_182 = tpu.memref_slice %arg5[%dma_start3A_180, %dma_start3A_181] : memref<65664x8xf32, #tpu.memory_space<vmem_shared>> -> memref<65664x8xf32, #tpu.memory_space<vmem_shared>>
      tpu.enqueue_indirect_dma source(%dma_start3A_176 : memref<128x8xf32, #tpu.memory_space<vmem>>) target(%dma_start3A_182 : memref<65664x8xf32, #tpu.memory_space<vmem_shared>>) offsets(%dma_start3A_179 : memref<128xi32, #tpu.memory_space<vmem>>) semaphore(%run_scoped3A_174 : memref<!tpu.dma_semaphore, #tpu.memory_space<semaphore_mem>>) {add = true}
      %dma_wait3A = arith.constant 1664 : i32
      %dma_wait3A_183 = arith.constant 0 : i32
      %dma_wait3A_184 = tpu.memref_slice %arg6[%dma_wait3A, %dma_wait3A_183] : memref<3840x8xf32, #tpu.memory_space<vmem>> -> memref<128x8xf32, #tpu.memory_space<vmem>>
      %dma_wait3A_185 = arith.constant 0 : i32
      %dma_wait3A_186 = tpu.memref_slice %arg11[%run_scoped3A_36, %dma_wait3A_185] : memref<30x128xi32, #tpu.memory_space<vmem>> -> memref<1x128xi32, #tpu.memory_space<vmem>>
      %dma_wait3A_187 = tpu.memref_squeeze %dma_wait3A_186 : memref<1x128xi32, #tpu.memory_space<vmem>> -> memref<128xi32, #tpu.memory_space<vmem>>
      %dma_wait3A_188 = arith.constant 0 : i32
      %dma_wait3A_189 = arith.constant 0 : i32
      %dma_wait3A_190 = tpu.memref_slice %arg5[%dma_wait3A_188, %dma_wait3A_189] : memref<65664x8xf32, #tpu.memory_space<vmem_shared>> -> memref<65664x8xf32, #tpu.memory_space<vmem_shared>>
      tpu.wait_indirect_dma semaphore(%run_scoped3A_174 : memref<!tpu.dma_semaphore, #tpu.memory_space<semaphore_mem>>) src(%dma_wait3A_184 : memref<128x8xf32, #tpu.memory_space<vmem>>) dst(%dma_wait3A_190 : memref<65664x8xf32, #tpu.memory_space<vmem_shared>>)
      tpu.yield
    }) : () -> ()
    %run_scoped3A_37 = arith.constant 14 : i32
    "tpu.region"() ({
      %run_scoped3A_174 = tpu.sem_alloc : memref<!tpu.dma_semaphore, #tpu.memory_space<semaphore_mem>>
      %dma_start3A = arith.constant 1792 : i32
      %dma_start3A_175 = arith.constant 0 : i32
      %dma_start3A_176 = tpu.memref_slice %arg6[%dma_start3A, %dma_start3A_175] : memref<3840x8xf32, #tpu.memory_space<vmem>> -> memref<128x8xf32, #tpu.memory_space<vmem>>
      %dma_start3A_177 = arith.constant 0 : i32
      %dma_start3A_178 = tpu.memref_slice %arg11[%run_scoped3A_37, %dma_start3A_177] : memref<30x128xi32, #tpu.memory_space<vmem>> -> memref<1x128xi32, #tpu.memory_space<vmem>>
      %dma_start3A_179 = tpu.memref_squeeze %dma_start3A_178 : memref<1x128xi32, #tpu.memory_space<vmem>> -> memref<128xi32, #tpu.memory_space<vmem>>
      %dma_start3A_180 = arith.constant 0 : i32
      %dma_start3A_181 = arith.constant 0 : i32
      %dma_start3A_182 = tpu.memref_slice %arg5[%dma_start3A_180, %dma_start3A_181] : memref<65664x8xf32, #tpu.memory_space<vmem_shared>> -> memref<65664x8xf32, #tpu.memory_space<vmem_shared>>
      tpu.enqueue_indirect_dma source(%dma_start3A_176 : memref<128x8xf32, #tpu.memory_space<vmem>>) target(%dma_start3A_182 : memref<65664x8xf32, #tpu.memory_space<vmem_shared>>) offsets(%dma_start3A_179 : memref<128xi32, #tpu.memory_space<vmem>>) semaphore(%run_scoped3A_174 : memref<!tpu.dma_semaphore, #tpu.memory_space<semaphore_mem>>) {add = true}
      %dma_wait3A = arith.constant 1792 : i32
      %dma_wait3A_183 = arith.constant 0 : i32
      %dma_wait3A_184 = tpu.memref_slice %arg6[%dma_wait3A, %dma_wait3A_183] : memref<3840x8xf32, #tpu.memory_space<vmem>> -> memref<128x8xf32, #tpu.memory_space<vmem>>
      %dma_wait3A_185 = arith.constant 0 : i32
      %dma_wait3A_186 = tpu.memref_slice %arg11[%run_scoped3A_37, %dma_wait3A_185] : memref<30x128xi32, #tpu.memory_space<vmem>> -> memref<1x128xi32, #tpu.memory_space<vmem>>
      %dma_wait3A_187 = tpu.memref_squeeze %dma_wait3A_186 : memref<1x128xi32, #tpu.memory_space<vmem>> -> memref<128xi32, #tpu.memory_space<vmem>>
      %dma_wait3A_188 = arith.constant 0 : i32
      %dma_wait3A_189 = arith.constant 0 : i32
      %dma_wait3A_190 = tpu.memref_slice %arg5[%dma_wait3A_188, %dma_wait3A_189] : memref<65664x8xf32, #tpu.memory_space<vmem_shared>> -> memref<65664x8xf32, #tpu.memory_space<vmem_shared>>
      tpu.wait_indirect_dma semaphore(%run_scoped3A_174 : memref<!tpu.dma_semaphore, #tpu.memory_space<semaphore_mem>>) src(%dma_wait3A_184 : memref<128x8xf32, #tpu.memory_space<vmem>>) dst(%dma_wait3A_190 : memref<65664x8xf32, #tpu.memory_space<vmem_shared>>)
      tpu.yield
    }) : () -> ()
    %run_scoped3A_38 = arith.constant 15 : i32
    "tpu.region"() ({
      %run_scoped3A_174 = tpu.sem_alloc : memref<!tpu.dma_semaphore, #tpu.memory_space<semaphore_mem>>
      %dma_start3A = arith.constant 1920 : i32
      %dma_start3A_175 = arith.constant 0 : i32
      %dma_start3A_176 = tpu.memref_slice %arg6[%dma_start3A, %dma_start3A_175] : memref<3840x8xf32, #tpu.memory_space<vmem>> -> memref<128x8xf32, #tpu.memory_space<vmem>>
      %dma_start3A_177 = arith.constant 0 : i32
      %dma_start3A_178 = tpu.memref_slice %arg11[%run_scoped3A_38, %dma_start3A_177] : memref<30x128xi32, #tpu.memory_space<vmem>> -> memref<1x128xi32, #tpu.memory_space<vmem>>
      %dma_start3A_179 = tpu.memref_squeeze %dma_start3A_178 : memref<1x128xi32, #tpu.memory_space<vmem>> -> memref<128xi32, #tpu.memory_space<vmem>>
      %dma_start3A_180 = arith.constant 0 : i32
      %dma_start3A_181 = arith.constant 0 : i32
      %dma_start3A_182 = tpu.memref_slice %arg5[%dma_start3A_180, %dma_start3A_181] : memref<65664x8xf32, #tpu.memory_space<vmem_shared>> -> memref<65664x8xf32, #tpu.memory_space<vmem_shared>>
      tpu.enqueue_indirect_dma source(%dma_start3A_176 : memref<128x8xf32, #tpu.memory_space<vmem>>) target(%dma_start3A_182 : memref<65664x8xf32, #tpu.memory_space<vmem_shared>>) offsets(%dma_start3A_179 : memref<128xi32, #tpu.memory_space<vmem>>) semaphore(%run_scoped3A_174 : memref<!tpu.dma_semaphore, #tpu.memory_space<semaphore_mem>>) {add = true}
      %dma_wait3A = arith.constant 1920 : i32
      %dma_wait3A_183 = arith.constant 0 : i32
      %dma_wait3A_184 = tpu.memref_slice %arg6[%dma_wait3A, %dma_wait3A_183] : memref<3840x8xf32, #tpu.memory_space<vmem>> -> memref<128x8xf32, #tpu.memory_space<vmem>>
      %dma_wait3A_185 = arith.constant 0 : i32
      %dma_wait3A_186 = tpu.memref_slice %arg11[%run_scoped3A_38, %dma_wait3A_185] : memref<30x128xi32, #tpu.memory_space<vmem>> -> memref<1x128xi32, #tpu.memory_space<vmem>>
      %dma_wait3A_187 = tpu.memref_squeeze %dma_wait3A_186 : memref<1x128xi32, #tpu.memory_space<vmem>> -> memref<128xi32, #tpu.memory_space<vmem>>
      %dma_wait3A_188 = arith.constant 0 : i32
      %dma_wait3A_189 = arith.constant 0 : i32
      %dma_wait3A_190 = tpu.memref_slice %arg5[%dma_wait3A_188, %dma_wait3A_189] : memref<65664x8xf32, #tpu.memory_space<vmem_shared>> -> memref<65664x8xf32, #tpu.memory_space<vmem_shared>>
      tpu.wait_indirect_dma semaphore(%run_scoped3A_174 : memref<!tpu.dma_semaphore, #tpu.memory_space<semaphore_mem>>) src(%dma_wait3A_184 : memref<128x8xf32, #tpu.memory_space<vmem>>) dst(%dma_wait3A_190 : memref<65664x8xf32, #tpu.memory_space<vmem_shared>>)
      tpu.yield
    }) : () -> ()
    %run_scoped3A_39 = arith.constant 16 : i32
    "tpu.region"() ({
      %run_scoped3A_174 = tpu.sem_alloc : memref<!tpu.dma_semaphore, #tpu.memory_space<semaphore_mem>>
      %dma_start3A = arith.constant 2048 : i32
      %dma_start3A_175 = arith.constant 0 : i32
      %dma_start3A_176 = tpu.memref_slice %arg6[%dma_start3A, %dma_start3A_175] : memref<3840x8xf32, #tpu.memory_space<vmem>> -> memref<128x8xf32, #tpu.memory_space<vmem>>
      %dma_start3A_177 = arith.constant 0 : i32
      %dma_start3A_178 = tpu.memref_slice %arg11[%run_scoped3A_39, %dma_start3A_177] : memref<30x128xi32, #tpu.memory_space<vmem>> -> memref<1x128xi32, #tpu.memory_space<vmem>>
      %dma_start3A_179 = tpu.memref_squeeze %dma_start3A_178 : memref<1x128xi32, #tpu.memory_space<vmem>> -> memref<128xi32, #tpu.memory_space<vmem>>
      %dma_start3A_180 = arith.constant 0 : i32
      %dma_start3A_181 = arith.constant 0 : i32
      %dma_start3A_182 = tpu.memref_slice %arg5[%dma_start3A_180, %dma_start3A_181] : memref<65664x8xf32, #tpu.memory_space<vmem_shared>> -> memref<65664x8xf32, #tpu.memory_space<vmem_shared>>
      tpu.enqueue_indirect_dma source(%dma_start3A_176 : memref<128x8xf32, #tpu.memory_space<vmem>>) target(%dma_start3A_182 : memref<65664x8xf32, #tpu.memory_space<vmem_shared>>) offsets(%dma_start3A_179 : memref<128xi32, #tpu.memory_space<vmem>>) semaphore(%run_scoped3A_174 : memref<!tpu.dma_semaphore, #tpu.memory_space<semaphore_mem>>) {add = true}
      %dma_wait3A = arith.constant 2048 : i32
      %dma_wait3A_183 = arith.constant 0 : i32
      %dma_wait3A_184 = tpu.memref_slice %arg6[%dma_wait3A, %dma_wait3A_183] : memref<3840x8xf32, #tpu.memory_space<vmem>> -> memref<128x8xf32, #tpu.memory_space<vmem>>
      %dma_wait3A_185 = arith.constant 0 : i32
      %dma_wait3A_186 = tpu.memref_slice %arg11[%run_scoped3A_39, %dma_wait3A_185] : memref<30x128xi32, #tpu.memory_space<vmem>> -> memref<1x128xi32, #tpu.memory_space<vmem>>
      %dma_wait3A_187 = tpu.memref_squeeze %dma_wait3A_186 : memref<1x128xi32, #tpu.memory_space<vmem>> -> memref<128xi32, #tpu.memory_space<vmem>>
      %dma_wait3A_188 = arith.constant 0 : i32
      %dma_wait3A_189 = arith.constant 0 : i32
      %dma_wait3A_190 = tpu.memref_slice %arg5[%dma_wait3A_188, %dma_wait3A_189] : memref<65664x8xf32, #tpu.memory_space<vmem_shared>> -> memref<65664x8xf32, #tpu.memory_space<vmem_shared>>
      tpu.wait_indirect_dma semaphore(%run_scoped3A_174 : memref<!tpu.dma_semaphore, #tpu.memory_space<semaphore_mem>>) src(%dma_wait3A_184 : memref<128x8xf32, #tpu.memory_space<vmem>>) dst(%dma_wait3A_190 : memref<65664x8xf32, #tpu.memory_space<vmem_shared>>)
      tpu.yield
    }) : () -> ()
    %run_scoped3A_40 = arith.constant 17 : i32
    "tpu.region"() ({
      %run_scoped3A_174 = tpu.sem_alloc : memref<!tpu.dma_semaphore, #tpu.memory_space<semaphore_mem>>
      %dma_start3A = arith.constant 2176 : i32
      %dma_start3A_175 = arith.constant 0 : i32
      %dma_start3A_176 = tpu.memref_slice %arg6[%dma_start3A, %dma_start3A_175] : memref<3840x8xf32, #tpu.memory_space<vmem>> -> memref<128x8xf32, #tpu.memory_space<vmem>>
      %dma_start3A_177 = arith.constant 0 : i32
      %dma_start3A_178 = tpu.memref_slice %arg11[%run_scoped3A_40, %dma_start3A_177] : memref<30x128xi32, #tpu.memory_space<vmem>> -> memref<1x128xi32, #tpu.memory_space<vmem>>
      %dma_start3A_179 = tpu.memref_squeeze %dma_start3A_178 : memref<1x128xi32, #tpu.memory_space<vmem>> -> memref<128xi32, #tpu.memory_space<vmem>>
      %dma_start3A_180 = arith.constant 0 : i32
      %dma_start3A_181 = arith.constant 0 : i32
      %dma_start3A_182 = tpu.memref_slice %arg5[%dma_start3A_180, %dma_start3A_181] : memref<65664x8xf32, #tpu.memory_space<vmem_shared>> -> memref<65664x8xf32, #tpu.memory_space<vmem_shared>>
      tpu.enqueue_indirect_dma source(%dma_start3A_176 : memref<128x8xf32, #tpu.memory_space<vmem>>) target(%dma_start3A_182 : memref<65664x8xf32, #tpu.memory_space<vmem_shared>>) offsets(%dma_start3A_179 : memref<128xi32, #tpu.memory_space<vmem>>) semaphore(%run_scoped3A_174 : memref<!tpu.dma_semaphore, #tpu.memory_space<semaphore_mem>>) {add = true}
      %dma_wait3A = arith.constant 2176 : i32
      %dma_wait3A_183 = arith.constant 0 : i32
      %dma_wait3A_184 = tpu.memref_slice %arg6[%dma_wait3A, %dma_wait3A_183] : memref<3840x8xf32, #tpu.memory_space<vmem>> -> memref<128x8xf32, #tpu.memory_space<vmem>>
      %dma_wait3A_185 = arith.constant 0 : i32
      %dma_wait3A_186 = tpu.memref_slice %arg11[%run_scoped3A_40, %dma_wait3A_185] : memref<30x128xi32, #tpu.memory_space<vmem>> -> memref<1x128xi32, #tpu.memory_space<vmem>>
      %dma_wait3A_187 = tpu.memref_squeeze %dma_wait3A_186 : memref<1x128xi32, #tpu.memory_space<vmem>> -> memref<128xi32, #tpu.memory_space<vmem>>
      %dma_wait3A_188 = arith.constant 0 : i32
      %dma_wait3A_189 = arith.constant 0 : i32
      %dma_wait3A_190 = tpu.memref_slice %arg5[%dma_wait3A_188, %dma_wait3A_189] : memref<65664x8xf32, #tpu.memory_space<vmem_shared>> -> memref<65664x8xf32, #tpu.memory_space<vmem_shared>>
      tpu.wait_indirect_dma semaphore(%run_scoped3A_174 : memref<!tpu.dma_semaphore, #tpu.memory_space<semaphore_mem>>) src(%dma_wait3A_184 : memref<128x8xf32, #tpu.memory_space<vmem>>) dst(%dma_wait3A_190 : memref<65664x8xf32, #tpu.memory_space<vmem_shared>>)
      tpu.yield
    }) : () -> ()
    %run_scoped3A_41 = arith.constant 18 : i32
    "tpu.region"() ({
      %run_scoped3A_174 = tpu.sem_alloc : memref<!tpu.dma_semaphore, #tpu.memory_space<semaphore_mem>>
      %dma_start3A = arith.constant 2304 : i32
      %dma_start3A_175 = arith.constant 0 : i32
      %dma_start3A_176 = tpu.memref_slice %arg6[%dma_start3A, %dma_start3A_175] : memref<3840x8xf32, #tpu.memory_space<vmem>> -> memref<128x8xf32, #tpu.memory_space<vmem>>
      %dma_start3A_177 = arith.constant 0 : i32
      %dma_start3A_178 = tpu.memref_slice %arg11[%run_scoped3A_41, %dma_start3A_177] : memref<30x128xi32, #tpu.memory_space<vmem>> -> memref<1x128xi32, #tpu.memory_space<vmem>>
      %dma_start3A_179 = tpu.memref_squeeze %dma_start3A_178 : memref<1x128xi32, #tpu.memory_space<vmem>> -> memref<128xi32, #tpu.memory_space<vmem>>
      %dma_start3A_180 = arith.constant 0 : i32
      %dma_start3A_181 = arith.constant 0 : i32
      %dma_start3A_182 = tpu.memref_slice %arg5[%dma_start3A_180, %dma_start3A_181] : memref<65664x8xf32, #tpu.memory_space<vmem_shared>> -> memref<65664x8xf32, #tpu.memory_space<vmem_shared>>
      tpu.enqueue_indirect_dma source(%dma_start3A_176 : memref<128x8xf32, #tpu.memory_space<vmem>>) target(%dma_start3A_182 : memref<65664x8xf32, #tpu.memory_space<vmem_shared>>) offsets(%dma_start3A_179 : memref<128xi32, #tpu.memory_space<vmem>>) semaphore(%run_scoped3A_174 : memref<!tpu.dma_semaphore, #tpu.memory_space<semaphore_mem>>) {add = true}
      %dma_wait3A = arith.constant 2304 : i32
      %dma_wait3A_183 = arith.constant 0 : i32
      %dma_wait3A_184 = tpu.memref_slice %arg6[%dma_wait3A, %dma_wait3A_183] : memref<3840x8xf32, #tpu.memory_space<vmem>> -> memref<128x8xf32, #tpu.memory_space<vmem>>
      %dma_wait3A_185 = arith.constant 0 : i32
      %dma_wait3A_186 = tpu.memref_slice %arg11[%run_scoped3A_41, %dma_wait3A_185] : memref<30x128xi32, #tpu.memory_space<vmem>> -> memref<1x128xi32, #tpu.memory_space<vmem>>
      %dma_wait3A_187 = tpu.memref_squeeze %dma_wait3A_186 : memref<1x128xi32, #tpu.memory_space<vmem>> -> memref<128xi32, #tpu.memory_space<vmem>>
      %dma_wait3A_188 = arith.constant 0 : i32
      %dma_wait3A_189 = arith.constant 0 : i32
      %dma_wait3A_190 = tpu.memref_slice %arg5[%dma_wait3A_188, %dma_wait3A_189] : memref<65664x8xf32, #tpu.memory_space<vmem_shared>> -> memref<65664x8xf32, #tpu.memory_space<vmem_shared>>
      tpu.wait_indirect_dma semaphore(%run_scoped3A_174 : memref<!tpu.dma_semaphore, #tpu.memory_space<semaphore_mem>>) src(%dma_wait3A_184 : memref<128x8xf32, #tpu.memory_space<vmem>>) dst(%dma_wait3A_190 : memref<65664x8xf32, #tpu.memory_space<vmem_shared>>)
      tpu.yield
    }) : () -> ()
    %run_scoped3A_42 = arith.constant 19 : i32
    "tpu.region"() ({
      %run_scoped3A_174 = tpu.sem_alloc : memref<!tpu.dma_semaphore, #tpu.memory_space<semaphore_mem>>
      %dma_start3A = arith.constant 2432 : i32
      %dma_start3A_175 = arith.constant 0 : i32
      %dma_start3A_176 = tpu.memref_slice %arg6[%dma_start3A, %dma_start3A_175] : memref<3840x8xf32, #tpu.memory_space<vmem>> -> memref<128x8xf32, #tpu.memory_space<vmem>>
      %dma_start3A_177 = arith.constant 0 : i32
      %dma_start3A_178 = tpu.memref_slice %arg11[%run_scoped3A_42, %dma_start3A_177] : memref<30x128xi32, #tpu.memory_space<vmem>> -> memref<1x128xi32, #tpu.memory_space<vmem>>
      %dma_start3A_179 = tpu.memref_squeeze %dma_start3A_178 : memref<1x128xi32, #tpu.memory_space<vmem>> -> memref<128xi32, #tpu.memory_space<vmem>>
      %dma_start3A_180 = arith.constant 0 : i32
      %dma_start3A_181 = arith.constant 0 : i32
      %dma_start3A_182 = tpu.memref_slice %arg5[%dma_start3A_180, %dma_start3A_181] : memref<65664x8xf32, #tpu.memory_space<vmem_shared>> -> memref<65664x8xf32, #tpu.memory_space<vmem_shared>>
      tpu.enqueue_indirect_dma source(%dma_start3A_176 : memref<128x8xf32, #tpu.memory_space<vmem>>) target(%dma_start3A_182 : memref<65664x8xf32, #tpu.memory_space<vmem_shared>>) offsets(%dma_start3A_179 : memref<128xi32, #tpu.memory_space<vmem>>) semaphore(%run_scoped3A_174 : memref<!tpu.dma_semaphore, #tpu.memory_space<semaphore_mem>>) {add = true}
      %dma_wait3A = arith.constant 2432 : i32
      %dma_wait3A_183 = arith.constant 0 : i32
      %dma_wait3A_184 = tpu.memref_slice %arg6[%dma_wait3A, %dma_wait3A_183] : memref<3840x8xf32, #tpu.memory_space<vmem>> -> memref<128x8xf32, #tpu.memory_space<vmem>>
      %dma_wait3A_185 = arith.constant 0 : i32
      %dma_wait3A_186 = tpu.memref_slice %arg11[%run_scoped3A_42, %dma_wait3A_185] : memref<30x128xi32, #tpu.memory_space<vmem>> -> memref<1x128xi32, #tpu.memory_space<vmem>>
      %dma_wait3A_187 = tpu.memref_squeeze %dma_wait3A_186 : memref<1x128xi32, #tpu.memory_space<vmem>> -> memref<128xi32, #tpu.memory_space<vmem>>
      %dma_wait3A_188 = arith.constant 0 : i32
      %dma_wait3A_189 = arith.constant 0 : i32
      %dma_wait3A_190 = tpu.memref_slice %arg5[%dma_wait3A_188, %dma_wait3A_189] : memref<65664x8xf32, #tpu.memory_space<vmem_shared>> -> memref<65664x8xf32, #tpu.memory_space<vmem_shared>>
      tpu.wait_indirect_dma semaphore(%run_scoped3A_174 : memref<!tpu.dma_semaphore, #tpu.memory_space<semaphore_mem>>) src(%dma_wait3A_184 : memref<128x8xf32, #tpu.memory_space<vmem>>) dst(%dma_wait3A_190 : memref<65664x8xf32, #tpu.memory_space<vmem_shared>>)
      tpu.yield
    }) : () -> ()
    %run_scoped3A_43 = arith.constant 20 : i32
    "tpu.region"() ({
      %run_scoped3A_174 = tpu.sem_alloc : memref<!tpu.dma_semaphore, #tpu.memory_space<semaphore_mem>>
      %dma_start3A = arith.constant 2560 : i32
      %dma_start3A_175 = arith.constant 0 : i32
      %dma_start3A_176 = tpu.memref_slice %arg6[%dma_start3A, %dma_start3A_175] : memref<3840x8xf32, #tpu.memory_space<vmem>> -> memref<128x8xf32, #tpu.memory_space<vmem>>
      %dma_start3A_177 = arith.constant 0 : i32
      %dma_start3A_178 = tpu.memref_slice %arg11[%run_scoped3A_43, %dma_start3A_177] : memref<30x128xi32, #tpu.memory_space<vmem>> -> memref<1x128xi32, #tpu.memory_space<vmem>>
      %dma_start3A_179 = tpu.memref_squeeze %dma_start3A_178 : memref<1x128xi32, #tpu.memory_space<vmem>> -> memref<128xi32, #tpu.memory_space<vmem>>
      %dma_start3A_180 = arith.constant 0 : i32
      %dma_start3A_181 = arith.constant 0 : i32
      %dma_start3A_182 = tpu.memref_slice %arg5[%dma_start3A_180, %dma_start3A_181] : memref<65664x8xf32, #tpu.memory_space<vmem_shared>> -> memref<65664x8xf32, #tpu.memory_space<vmem_shared>>
      tpu.enqueue_indirect_dma source(%dma_start3A_176 : memref<128x8xf32, #tpu.memory_space<vmem>>) target(%dma_start3A_182 : memref<65664x8xf32, #tpu.memory_space<vmem_shared>>) offsets(%dma_start3A_179 : memref<128xi32, #tpu.memory_space<vmem>>) semaphore(%run_scoped3A_174 : memref<!tpu.dma_semaphore, #tpu.memory_space<semaphore_mem>>) {add = true}
      %dma_wait3A = arith.constant 2560 : i32
      %dma_wait3A_183 = arith.constant 0 : i32
      %dma_wait3A_184 = tpu.memref_slice %arg6[%dma_wait3A, %dma_wait3A_183] : memref<3840x8xf32, #tpu.memory_space<vmem>> -> memref<128x8xf32, #tpu.memory_space<vmem>>
      %dma_wait3A_185 = arith.constant 0 : i32
      %dma_wait3A_186 = tpu.memref_slice %arg11[%run_scoped3A_43, %dma_wait3A_185] : memref<30x128xi32, #tpu.memory_space<vmem>> -> memref<1x128xi32, #tpu.memory_space<vmem>>
      %dma_wait3A_187 = tpu.memref_squeeze %dma_wait3A_186 : memref<1x128xi32, #tpu.memory_space<vmem>> -> memref<128xi32, #tpu.memory_space<vmem>>
      %dma_wait3A_188 = arith.constant 0 : i32
      %dma_wait3A_189 = arith.constant 0 : i32
      %dma_wait3A_190 = tpu.memref_slice %arg5[%dma_wait3A_188, %dma_wait3A_189] : memref<65664x8xf32, #tpu.memory_space<vmem_shared>> -> memref<65664x8xf32, #tpu.memory_space<vmem_shared>>
      tpu.wait_indirect_dma semaphore(%run_scoped3A_174 : memref<!tpu.dma_semaphore, #tpu.memory_space<semaphore_mem>>) src(%dma_wait3A_184 : memref<128x8xf32, #tpu.memory_space<vmem>>) dst(%dma_wait3A_190 : memref<65664x8xf32, #tpu.memory_space<vmem_shared>>)
      tpu.yield
    }) : () -> ()
    %run_scoped3A_44 = arith.constant 21 : i32
    "tpu.region"() ({
      %run_scoped3A_174 = tpu.sem_alloc : memref<!tpu.dma_semaphore, #tpu.memory_space<semaphore_mem>>
      %dma_start3A = arith.constant 2688 : i32
      %dma_start3A_175 = arith.constant 0 : i32
      %dma_start3A_176 = tpu.memref_slice %arg6[%dma_start3A, %dma_start3A_175] : memref<3840x8xf32, #tpu.memory_space<vmem>> -> memref<128x8xf32, #tpu.memory_space<vmem>>
      %dma_start3A_177 = arith.constant 0 : i32
      %dma_start3A_178 = tpu.memref_slice %arg11[%run_scoped3A_44, %dma_start3A_177] : memref<30x128xi32, #tpu.memory_space<vmem>> -> memref<1x128xi32, #tpu.memory_space<vmem>>
      %dma_start3A_179 = tpu.memref_squeeze %dma_start3A_178 : memref<1x128xi32, #tpu.memory_space<vmem>> -> memref<128xi32, #tpu.memory_space<vmem>>
      %dma_start3A_180 = arith.constant 0 : i32
      %dma_start3A_181 = arith.constant 0 : i32
      %dma_start3A_182 = tpu.memref_slice %arg5[%dma_start3A_180, %dma_start3A_181] : memref<65664x8xf32, #tpu.memory_space<vmem_shared>> -> memref<65664x8xf32, #tpu.memory_space<vmem_shared>>
      tpu.enqueue_indirect_dma source(%dma_start3A_176 : memref<128x8xf32, #tpu.memory_space<vmem>>) target(%dma_start3A_182 : memref<65664x8xf32, #tpu.memory_space<vmem_shared>>) offsets(%dma_start3A_179 : memref<128xi32, #tpu.memory_space<vmem>>) semaphore(%run_scoped3A_174 : memref<!tpu.dma_semaphore, #tpu.memory_space<semaphore_mem>>) {add = true}
      %dma_wait3A = arith.constant 2688 : i32
      %dma_wait3A_183 = arith.constant 0 : i32
      %dma_wait3A_184 = tpu.memref_slice %arg6[%dma_wait3A, %dma_wait3A_183] : memref<3840x8xf32, #tpu.memory_space<vmem>> -> memref<128x8xf32, #tpu.memory_space<vmem>>
      %dma_wait3A_185 = arith.constant 0 : i32
      %dma_wait3A_186 = tpu.memref_slice %arg11[%run_scoped3A_44, %dma_wait3A_185] : memref<30x128xi32, #tpu.memory_space<vmem>> -> memref<1x128xi32, #tpu.memory_space<vmem>>
      %dma_wait3A_187 = tpu.memref_squeeze %dma_wait3A_186 : memref<1x128xi32, #tpu.memory_space<vmem>> -> memref<128xi32, #tpu.memory_space<vmem>>
      %dma_wait3A_188 = arith.constant 0 : i32
      %dma_wait3A_189 = arith.constant 0 : i32
      %dma_wait3A_190 = tpu.memref_slice %arg5[%dma_wait3A_188, %dma_wait3A_189] : memref<65664x8xf32, #tpu.memory_space<vmem_shared>> -> memref<65664x8xf32, #tpu.memory_space<vmem_shared>>
      tpu.wait_indirect_dma semaphore(%run_scoped3A_174 : memref<!tpu.dma_semaphore, #tpu.memory_space<semaphore_mem>>) src(%dma_wait3A_184 : memref<128x8xf32, #tpu.memory_space<vmem>>) dst(%dma_wait3A_190 : memref<65664x8xf32, #tpu.memory_space<vmem_shared>>)
      tpu.yield
    }) : () -> ()
    %run_scoped3A_45 = arith.constant 22 : i32
    "tpu.region"() ({
      %run_scoped3A_174 = tpu.sem_alloc : memref<!tpu.dma_semaphore, #tpu.memory_space<semaphore_mem>>
      %dma_start3A = arith.constant 2816 : i32
      %dma_start3A_175 = arith.constant 0 : i32
      %dma_start3A_176 = tpu.memref_slice %arg6[%dma_start3A, %dma_start3A_175] : memref<3840x8xf32, #tpu.memory_space<vmem>> -> memref<128x8xf32, #tpu.memory_space<vmem>>
      %dma_start3A_177 = arith.constant 0 : i32
      %dma_start3A_178 = tpu.memref_slice %arg11[%run_scoped3A_45, %dma_start3A_177] : memref<30x128xi32, #tpu.memory_space<vmem>> -> memref<1x128xi32, #tpu.memory_space<vmem>>
      %dma_start3A_179 = tpu.memref_squeeze %dma_start3A_178 : memref<1x128xi32, #tpu.memory_space<vmem>> -> memref<128xi32, #tpu.memory_space<vmem>>
      %dma_start3A_180 = arith.constant 0 : i32
      %dma_start3A_181 = arith.constant 0 : i32
      %dma_start3A_182 = tpu.memref_slice %arg5[%dma_start3A_180, %dma_start3A_181] : memref<65664x8xf32, #tpu.memory_space<vmem_shared>> -> memref<65664x8xf32, #tpu.memory_space<vmem_shared>>
      tpu.enqueue_indirect_dma source(%dma_start3A_176 : memref<128x8xf32, #tpu.memory_space<vmem>>) target(%dma_start3A_182 : memref<65664x8xf32, #tpu.memory_space<vmem_shared>>) offsets(%dma_start3A_179 : memref<128xi32, #tpu.memory_space<vmem>>) semaphore(%run_scoped3A_174 : memref<!tpu.dma_semaphore, #tpu.memory_space<semaphore_mem>>) {add = true}
      %dma_wait3A = arith.constant 2816 : i32
      %dma_wait3A_183 = arith.constant 0 : i32
      %dma_wait3A_184 = tpu.memref_slice %arg6[%dma_wait3A, %dma_wait3A_183] : memref<3840x8xf32, #tpu.memory_space<vmem>> -> memref<128x8xf32, #tpu.memory_space<vmem>>
      %dma_wait3A_185 = arith.constant 0 : i32
      %dma_wait3A_186 = tpu.memref_slice %arg11[%run_scoped3A_45, %dma_wait3A_185] : memref<30x128xi32, #tpu.memory_space<vmem>> -> memref<1x128xi32, #tpu.memory_space<vmem>>
      %dma_wait3A_187 = tpu.memref_squeeze %dma_wait3A_186 : memref<1x128xi32, #tpu.memory_space<vmem>> -> memref<128xi32, #tpu.memory_space<vmem>>
      %dma_wait3A_188 = arith.constant 0 : i32
      %dma_wait3A_189 = arith.constant 0 : i32
      %dma_wait3A_190 = tpu.memref_slice %arg5[%dma_wait3A_188, %dma_wait3A_189] : memref<65664x8xf32, #tpu.memory_space<vmem_shared>> -> memref<65664x8xf32, #tpu.memory_space<vmem_shared>>
      tpu.wait_indirect_dma semaphore(%run_scoped3A_174 : memref<!tpu.dma_semaphore, #tpu.memory_space<semaphore_mem>>) src(%dma_wait3A_184 : memref<128x8xf32, #tpu.memory_space<vmem>>) dst(%dma_wait3A_190 : memref<65664x8xf32, #tpu.memory_space<vmem_shared>>)
      tpu.yield
    }) : () -> ()
    %run_scoped3A_46 = arith.constant 23 : i32
    "tpu.region"() ({
      %run_scoped3A_174 = tpu.sem_alloc : memref<!tpu.dma_semaphore, #tpu.memory_space<semaphore_mem>>
      %dma_start3A = arith.constant 2944 : i32
      %dma_start3A_175 = arith.constant 0 : i32
      %dma_start3A_176 = tpu.memref_slice %arg6[%dma_start3A, %dma_start3A_175] : memref<3840x8xf32, #tpu.memory_space<vmem>> -> memref<128x8xf32, #tpu.memory_space<vmem>>
      %dma_start3A_177 = arith.constant 0 : i32
      %dma_start3A_178 = tpu.memref_slice %arg11[%run_scoped3A_46, %dma_start3A_177] : memref<30x128xi32, #tpu.memory_space<vmem>> -> memref<1x128xi32, #tpu.memory_space<vmem>>
      %dma_start3A_179 = tpu.memref_squeeze %dma_start3A_178 : memref<1x128xi32, #tpu.memory_space<vmem>> -> memref<128xi32, #tpu.memory_space<vmem>>
      %dma_start3A_180 = arith.constant 0 : i32
      %dma_start3A_181 = arith.constant 0 : i32
      %dma_start3A_182 = tpu.memref_slice %arg5[%dma_start3A_180, %dma_start3A_181] : memref<65664x8xf32, #tpu.memory_space<vmem_shared>> -> memref<65664x8xf32, #tpu.memory_space<vmem_shared>>
      tpu.enqueue_indirect_dma source(%dma_start3A_176 : memref<128x8xf32, #tpu.memory_space<vmem>>) target(%dma_start3A_182 : memref<65664x8xf32, #tpu.memory_space<vmem_shared>>) offsets(%dma_start3A_179 : memref<128xi32, #tpu.memory_space<vmem>>) semaphore(%run_scoped3A_174 : memref<!tpu.dma_semaphore, #tpu.memory_space<semaphore_mem>>) {add = true}
      %dma_wait3A = arith.constant 2944 : i32
      %dma_wait3A_183 = arith.constant 0 : i32
      %dma_wait3A_184 = tpu.memref_slice %arg6[%dma_wait3A, %dma_wait3A_183] : memref<3840x8xf32, #tpu.memory_space<vmem>> -> memref<128x8xf32, #tpu.memory_space<vmem>>
      %dma_wait3A_185 = arith.constant 0 : i32
      %dma_wait3A_186 = tpu.memref_slice %arg11[%run_scoped3A_46, %dma_wait3A_185] : memref<30x128xi32, #tpu.memory_space<vmem>> -> memref<1x128xi32, #tpu.memory_space<vmem>>
      %dma_wait3A_187 = tpu.memref_squeeze %dma_wait3A_186 : memref<1x128xi32, #tpu.memory_space<vmem>> -> memref<128xi32, #tpu.memory_space<vmem>>
      %dma_wait3A_188 = arith.constant 0 : i32
      %dma_wait3A_189 = arith.constant 0 : i32
      %dma_wait3A_190 = tpu.memref_slice %arg5[%dma_wait3A_188, %dma_wait3A_189] : memref<65664x8xf32, #tpu.memory_space<vmem_shared>> -> memref<65664x8xf32, #tpu.memory_space<vmem_shared>>
      tpu.wait_indirect_dma semaphore(%run_scoped3A_174 : memref<!tpu.dma_semaphore, #tpu.memory_space<semaphore_mem>>) src(%dma_wait3A_184 : memref<128x8xf32, #tpu.memory_space<vmem>>) dst(%dma_wait3A_190 : memref<65664x8xf32, #tpu.memory_space<vmem_shared>>)
      tpu.yield
    }) : () -> ()
    %run_scoped3A_47 = arith.constant 24 : i32
    "tpu.region"() ({
      %run_scoped3A_174 = tpu.sem_alloc : memref<!tpu.dma_semaphore, #tpu.memory_space<semaphore_mem>>
      %dma_start3A = arith.constant 3072 : i32
      %dma_start3A_175 = arith.constant 0 : i32
      %dma_start3A_176 = tpu.memref_slice %arg6[%dma_start3A, %dma_start3A_175] : memref<3840x8xf32, #tpu.memory_space<vmem>> -> memref<128x8xf32, #tpu.memory_space<vmem>>
      %dma_start3A_177 = arith.constant 0 : i32
      %dma_start3A_178 = tpu.memref_slice %arg11[%run_scoped3A_47, %dma_start3A_177] : memref<30x128xi32, #tpu.memory_space<vmem>> -> memref<1x128xi32, #tpu.memory_space<vmem>>
      %dma_start3A_179 = tpu.memref_squeeze %dma_start3A_178 : memref<1x128xi32, #tpu.memory_space<vmem>> -> memref<128xi32, #tpu.memory_space<vmem>>
      %dma_start3A_180 = arith.constant 0 : i32
      %dma_start3A_181 = arith.constant 0 : i32
      %dma_start3A_182 = tpu.memref_slice %arg5[%dma_start3A_180, %dma_start3A_181] : memref<65664x8xf32, #tpu.memory_space<vmem_shared>> -> memref<65664x8xf32, #tpu.memory_space<vmem_shared>>
      tpu.enqueue_indirect_dma source(%dma_start3A_176 : memref<128x8xf32, #tpu.memory_space<vmem>>) target(%dma_start3A_182 : memref<65664x8xf32, #tpu.memory_space<vmem_shared>>) offsets(%dma_start3A_179 : memref<128xi32, #tpu.memory_space<vmem>>) semaphore(%run_scoped3A_174 : memref<!tpu.dma_semaphore, #tpu.memory_space<semaphore_mem>>) {add = true}
      %dma_wait3A = arith.constant 3072 : i32
      %dma_wait3A_183 = arith.constant 0 : i32
      %dma_wait3A_184 = tpu.memref_slice %arg6[%dma_wait3A, %dma_wait3A_183] : memref<3840x8xf32, #tpu.memory_space<vmem>> -> memref<128x8xf32, #tpu.memory_space<vmem>>
      %dma_wait3A_185 = arith.constant 0 : i32
      %dma_wait3A_186 = tpu.memref_slice %arg11[%run_scoped3A_47, %dma_wait3A_185] : memref<30x128xi32, #tpu.memory_space<vmem>> -> memref<1x128xi32, #tpu.memory_space<vmem>>
      %dma_wait3A_187 = tpu.memref_squeeze %dma_wait3A_186 : memref<1x128xi32, #tpu.memory_space<vmem>> -> memref<128xi32, #tpu.memory_space<vmem>>
      %dma_wait3A_188 = arith.constant 0 : i32
      %dma_wait3A_189 = arith.constant 0 : i32
      %dma_wait3A_190 = tpu.memref_slice %arg5[%dma_wait3A_188, %dma_wait3A_189] : memref<65664x8xf32, #tpu.memory_space<vmem_shared>> -> memref<65664x8xf32, #tpu.memory_space<vmem_shared>>
      tpu.wait_indirect_dma semaphore(%run_scoped3A_174 : memref<!tpu.dma_semaphore, #tpu.memory_space<semaphore_mem>>) src(%dma_wait3A_184 : memref<128x8xf32, #tpu.memory_space<vmem>>) dst(%dma_wait3A_190 : memref<65664x8xf32, #tpu.memory_space<vmem_shared>>)
      tpu.yield
    }) : () -> ()
    %run_scoped3A_48 = arith.constant 25 : i32
    "tpu.region"() ({
      %run_scoped3A_174 = tpu.sem_alloc : memref<!tpu.dma_semaphore, #tpu.memory_space<semaphore_mem>>
      %dma_start3A = arith.constant 3200 : i32
      %dma_start3A_175 = arith.constant 0 : i32
      %dma_start3A_176 = tpu.memref_slice %arg6[%dma_start3A, %dma_start3A_175] : memref<3840x8xf32, #tpu.memory_space<vmem>> -> memref<128x8xf32, #tpu.memory_space<vmem>>
      %dma_start3A_177 = arith.constant 0 : i32
      %dma_start3A_178 = tpu.memref_slice %arg11[%run_scoped3A_48, %dma_start3A_177] : memref<30x128xi32, #tpu.memory_space<vmem>> -> memref<1x128xi32, #tpu.memory_space<vmem>>
      %dma_start3A_179 = tpu.memref_squeeze %dma_start3A_178 : memref<1x128xi32, #tpu.memory_space<vmem>> -> memref<128xi32, #tpu.memory_space<vmem>>
      %dma_start3A_180 = arith.constant 0 : i32
      %dma_start3A_181 = arith.constant 0 : i32
      %dma_start3A_182 = tpu.memref_slice %arg5[%dma_start3A_180, %dma_start3A_181] : memref<65664x8xf32, #tpu.memory_space<vmem_shared>> -> memref<65664x8xf32, #tpu.memory_space<vmem_shared>>
      tpu.enqueue_indirect_dma source(%dma_start3A_176 : memref<128x8xf32, #tpu.memory_space<vmem>>) target(%dma_start3A_182 : memref<65664x8xf32, #tpu.memory_space<vmem_shared>>) offsets(%dma_start3A_179 : memref<128xi32, #tpu.memory_space<vmem>>) semaphore(%run_scoped3A_174 : memref<!tpu.dma_semaphore, #tpu.memory_space<semaphore_mem>>) {add = true}
      %dma_wait3A = arith.constant 3200 : i32
      %dma_wait3A_183 = arith.constant 0 : i32
      %dma_wait3A_184 = tpu.memref_slice %arg6[%dma_wait3A, %dma_wait3A_183] : memref<3840x8xf32, #tpu.memory_space<vmem>> -> memref<128x8xf32, #tpu.memory_space<vmem>>
      %dma_wait3A_185 = arith.constant 0 : i32
      %dma_wait3A_186 = tpu.memref_slice %arg11[%run_scoped3A_48, %dma_wait3A_185] : memref<30x128xi32, #tpu.memory_space<vmem>> -> memref<1x128xi32, #tpu.memory_space<vmem>>
      %dma_wait3A_187 = tpu.memref_squeeze %dma_wait3A_186 : memref<1x128xi32, #tpu.memory_space<vmem>> -> memref<128xi32, #tpu.memory_space<vmem>>
      %dma_wait3A_188 = arith.constant 0 : i32
      %dma_wait3A_189 = arith.constant 0 : i32
      %dma_wait3A_190 = tpu.memref_slice %arg5[%dma_wait3A_188, %dma_wait3A_189] : memref<65664x8xf32, #tpu.memory_space<vmem_shared>> -> memref<65664x8xf32, #tpu.memory_space<vmem_shared>>
      tpu.wait_indirect_dma semaphore(%run_scoped3A_174 : memref<!tpu.dma_semaphore, #tpu.memory_space<semaphore_mem>>) src(%dma_wait3A_184 : memref<128x8xf32, #tpu.memory_space<vmem>>) dst(%dma_wait3A_190 : memref<65664x8xf32, #tpu.memory_space<vmem_shared>>)
      tpu.yield
    }) : () -> ()
    %run_scoped3A_49 = arith.constant 26 : i32
    "tpu.region"() ({
      %run_scoped3A_174 = tpu.sem_alloc : memref<!tpu.dma_semaphore, #tpu.memory_space<semaphore_mem>>
      %dma_start3A = arith.constant 3328 : i32
      %dma_start3A_175 = arith.constant 0 : i32
      %dma_start3A_176 = tpu.memref_slice %arg6[%dma_start3A, %dma_start3A_175] : memref<3840x8xf32, #tpu.memory_space<vmem>> -> memref<128x8xf32, #tpu.memory_space<vmem>>
      %dma_start3A_177 = arith.constant 0 : i32
      %dma_start3A_178 = tpu.memref_slice %arg11[%run_scoped3A_49, %dma_start3A_177] : memref<30x128xi32, #tpu.memory_space<vmem>> -> memref<1x128xi32, #tpu.memory_space<vmem>>
      %dma_start3A_179 = tpu.memref_squeeze %dma_start3A_178 : memref<1x128xi32, #tpu.memory_space<vmem>> -> memref<128xi32, #tpu.memory_space<vmem>>
      %dma_start3A_180 = arith.constant 0 : i32
      %dma_start3A_181 = arith.constant 0 : i32
      %dma_start3A_182 = tpu.memref_slice %arg5[%dma_start3A_180, %dma_start3A_181] : memref<65664x8xf32, #tpu.memory_space<vmem_shared>> -> memref<65664x8xf32, #tpu.memory_space<vmem_shared>>
      tpu.enqueue_indirect_dma source(%dma_start3A_176 : memref<128x8xf32, #tpu.memory_space<vmem>>) target(%dma_start3A_182 : memref<65664x8xf32, #tpu.memory_space<vmem_shared>>) offsets(%dma_start3A_179 : memref<128xi32, #tpu.memory_space<vmem>>) semaphore(%run_scoped3A_174 : memref<!tpu.dma_semaphore, #tpu.memory_space<semaphore_mem>>) {add = true}
      %dma_wait3A = arith.constant 3328 : i32
      %dma_wait3A_183 = arith.constant 0 : i32
      %dma_wait3A_184 = tpu.memref_slice %arg6[%dma_wait3A, %dma_wait3A_183] : memref<3840x8xf32, #tpu.memory_space<vmem>> -> memref<128x8xf32, #tpu.memory_space<vmem>>
      %dma_wait3A_185 = arith.constant 0 : i32
      %dma_wait3A_186 = tpu.memref_slice %arg11[%run_scoped3A_49, %dma_wait3A_185] : memref<30x128xi32, #tpu.memory_space<vmem>> -> memref<1x128xi32, #tpu.memory_space<vmem>>
      %dma_wait3A_187 = tpu.memref_squeeze %dma_wait3A_186 : memref<1x128xi32, #tpu.memory_space<vmem>> -> memref<128xi32, #tpu.memory_space<vmem>>
      %dma_wait3A_188 = arith.constant 0 : i32
      %dma_wait3A_189 = arith.constant 0 : i32
      %dma_wait3A_190 = tpu.memref_slice %arg5[%dma_wait3A_188, %dma_wait3A_189] : memref<65664x8xf32, #tpu.memory_space<vmem_shared>> -> memref<65664x8xf32, #tpu.memory_space<vmem_shared>>
      tpu.wait_indirect_dma semaphore(%run_scoped3A_174 : memref<!tpu.dma_semaphore, #tpu.memory_space<semaphore_mem>>) src(%dma_wait3A_184 : memref<128x8xf32, #tpu.memory_space<vmem>>) dst(%dma_wait3A_190 : memref<65664x8xf32, #tpu.memory_space<vmem_shared>>)
      tpu.yield
    }) : () -> ()
    %run_scoped3A_50 = arith.constant 27 : i32
    "tpu.region"() ({
      %run_scoped3A_174 = tpu.sem_alloc : memref<!tpu.dma_semaphore, #tpu.memory_space<semaphore_mem>>
      %dma_start3A = arith.constant 3456 : i32
      %dma_start3A_175 = arith.constant 0 : i32
      %dma_start3A_176 = tpu.memref_slice %arg6[%dma_start3A, %dma_start3A_175] : memref<3840x8xf32, #tpu.memory_space<vmem>> -> memref<128x8xf32, #tpu.memory_space<vmem>>
      %dma_start3A_177 = arith.constant 0 : i32
      %dma_start3A_178 = tpu.memref_slice %arg11[%run_scoped3A_50, %dma_start3A_177] : memref<30x128xi32, #tpu.memory_space<vmem>> -> memref<1x128xi32, #tpu.memory_space<vmem>>
      %dma_start3A_179 = tpu.memref_squeeze %dma_start3A_178 : memref<1x128xi32, #tpu.memory_space<vmem>> -> memref<128xi32, #tpu.memory_space<vmem>>
      %dma_start3A_180 = arith.constant 0 : i32
      %dma_start3A_181 = arith.constant 0 : i32
      %dma_start3A_182 = tpu.memref_slice %arg5[%dma_start3A_180, %dma_start3A_181] : memref<65664x8xf32, #tpu.memory_space<vmem_shared>> -> memref<65664x8xf32, #tpu.memory_space<vmem_shared>>
      tpu.enqueue_indirect_dma source(%dma_start3A_176 : memref<128x8xf32, #tpu.memory_space<vmem>>) target(%dma_start3A_182 : memref<65664x8xf32, #tpu.memory_space<vmem_shared>>) offsets(%dma_start3A_179 : memref<128xi32, #tpu.memory_space<vmem>>) semaphore(%run_scoped3A_174 : memref<!tpu.dma_semaphore, #tpu.memory_space<semaphore_mem>>) {add = true}
      %dma_wait3A = arith.constant 3456 : i32
      %dma_wait3A_183 = arith.constant 0 : i32
      %dma_wait3A_184 = tpu.memref_slice %arg6[%dma_wait3A, %dma_wait3A_183] : memref<3840x8xf32, #tpu.memory_space<vmem>> -> memref<128x8xf32, #tpu.memory_space<vmem>>
      %dma_wait3A_185 = arith.constant 0 : i32
      %dma_wait3A_186 = tpu.memref_slice %arg11[%run_scoped3A_50, %dma_wait3A_185] : memref<30x128xi32, #tpu.memory_space<vmem>> -> memref<1x128xi32, #tpu.memory_space<vmem>>
      %dma_wait3A_187 = tpu.memref_squeeze %dma_wait3A_186 : memref<1x128xi32, #tpu.memory_space<vmem>> -> memref<128xi32, #tpu.memory_space<vmem>>
      %dma_wait3A_188 = arith.constant 0 : i32
      %dma_wait3A_189 = arith.constant 0 : i32
      %dma_wait3A_190 = tpu.memref_slice %arg5[%dma_wait3A_188, %dma_wait3A_189] : memref<65664x8xf32, #tpu.memory_space<vmem_shared>> -> memref<65664x8xf32, #tpu.memory_space<vmem_shared>>
      tpu.wait_indirect_dma semaphore(%run_scoped3A_174 : memref<!tpu.dma_semaphore, #tpu.memory_space<semaphore_mem>>) src(%dma_wait3A_184 : memref<128x8xf32, #tpu.memory_space<vmem>>) dst(%dma_wait3A_190 : memref<65664x8xf32, #tpu.memory_space<vmem_shared>>)
      tpu.yield
    }) : () -> ()
    %run_scoped3A_51 = arith.constant 28 : i32
    "tpu.region"() ({
      %run_scoped3A_174 = tpu.sem_alloc : memref<!tpu.dma_semaphore, #tpu.memory_space<semaphore_mem>>
      %dma_start3A = arith.constant 3584 : i32
      %dma_start3A_175 = arith.constant 0 : i32
      %dma_start3A_176 = tpu.memref_slice %arg6[%dma_start3A, %dma_start3A_175] : memref<3840x8xf32, #tpu.memory_space<vmem>> -> memref<128x8xf32, #tpu.memory_space<vmem>>
      %dma_start3A_177 = arith.constant 0 : i32
      %dma_start3A_178 = tpu.memref_slice %arg11[%run_scoped3A_51, %dma_start3A_177] : memref<30x128xi32, #tpu.memory_space<vmem>> -> memref<1x128xi32, #tpu.memory_space<vmem>>
      %dma_start3A_179 = tpu.memref_squeeze %dma_start3A_178 : memref<1x128xi32, #tpu.memory_space<vmem>> -> memref<128xi32, #tpu.memory_space<vmem>>
      %dma_start3A_180 = arith.constant 0 : i32
      %dma_start3A_181 = arith.constant 0 : i32
      %dma_start3A_182 = tpu.memref_slice %arg5[%dma_start3A_180, %dma_start3A_181] : memref<65664x8xf32, #tpu.memory_space<vmem_shared>> -> memref<65664x8xf32, #tpu.memory_space<vmem_shared>>
      tpu.enqueue_indirect_dma source(%dma_start3A_176 : memref<128x8xf32, #tpu.memory_space<vmem>>) target(%dma_start3A_182 : memref<65664x8xf32, #tpu.memory_space<vmem_shared>>) offsets(%dma_start3A_179 : memref<128xi32, #tpu.memory_space<vmem>>) semaphore(%run_scoped3A_174 : memref<!tpu.dma_semaphore, #tpu.memory_space<semaphore_mem>>) {add = true}
      %dma_wait3A = arith.constant 3584 : i32
      %dma_wait3A_183 = arith.constant 0 : i32
      %dma_wait3A_184 = tpu.memref_slice %arg6[%dma_wait3A, %dma_wait3A_183] : memref<3840x8xf32, #tpu.memory_space<vmem>> -> memref<128x8xf32, #tpu.memory_space<vmem>>
      %dma_wait3A_185 = arith.constant 0 : i32
      %dma_wait3A_186 = tpu.memref_slice %arg11[%run_scoped3A_51, %dma_wait3A_185] : memref<30x128xi32, #tpu.memory_space<vmem>> -> memref<1x128xi32, #tpu.memory_space<vmem>>
      %dma_wait3A_187 = tpu.memref_squeeze %dma_wait3A_186 : memref<1x128xi32, #tpu.memory_space<vmem>> -> memref<128xi32, #tpu.memory_space<vmem>>
      %dma_wait3A_188 = arith.constant 0 : i32
      %dma_wait3A_189 = arith.constant 0 : i32
      %dma_wait3A_190 = tpu.memref_slice %arg5[%dma_wait3A_188, %dma_wait3A_189] : memref<65664x8xf32, #tpu.memory_space<vmem_shared>> -> memref<65664x8xf32, #tpu.memory_space<vmem_shared>>
      tpu.wait_indirect_dma semaphore(%run_scoped3A_174 : memref<!tpu.dma_semaphore, #tpu.memory_space<semaphore_mem>>) src(%dma_wait3A_184 : memref<128x8xf32, #tpu.memory_space<vmem>>) dst(%dma_wait3A_190 : memref<65664x8xf32, #tpu.memory_space<vmem_shared>>)
      tpu.yield
    }) : () -> ()
    %run_scoped3A_52 = arith.constant 29 : i32
    "tpu.region"() ({
      %run_scoped3A_174 = tpu.sem_alloc : memref<!tpu.dma_semaphore, #tpu.memory_space<semaphore_mem>>
      %dma_start3A = arith.constant 3712 : i32
      %dma_start3A_175 = arith.constant 0 : i32
      %dma_start3A_176 = tpu.memref_slice %arg6[%dma_start3A, %dma_start3A_175] : memref<3840x8xf32, #tpu.memory_space<vmem>> -> memref<128x8xf32, #tpu.memory_space<vmem>>
      %dma_start3A_177 = arith.constant 0 : i32
      %dma_start3A_178 = tpu.memref_slice %arg11[%run_scoped3A_52, %dma_start3A_177] : memref<30x128xi32, #tpu.memory_space<vmem>> -> memref<1x128xi32, #tpu.memory_space<vmem>>
      %dma_start3A_179 = tpu.memref_squeeze %dma_start3A_178 : memref<1x128xi32, #tpu.memory_space<vmem>> -> memref<128xi32, #tpu.memory_space<vmem>>
      %dma_start3A_180 = arith.constant 0 : i32
      %dma_start3A_181 = arith.constant 0 : i32
      %dma_start3A_182 = tpu.memref_slice %arg5[%dma_start3A_180, %dma_start3A_181] : memref<65664x8xf32, #tpu.memory_space<vmem_shared>> -> memref<65664x8xf32, #tpu.memory_space<vmem_shared>>
      tpu.enqueue_indirect_dma source(%dma_start3A_176 : memref<128x8xf32, #tpu.memory_space<vmem>>) target(%dma_start3A_182 : memref<65664x8xf32, #tpu.memory_space<vmem_shared>>) offsets(%dma_start3A_179 : memref<128xi32, #tpu.memory_space<vmem>>) semaphore(%run_scoped3A_174 : memref<!tpu.dma_semaphore, #tpu.memory_space<semaphore_mem>>) {add = true}
      %dma_wait3A = arith.constant 3712 : i32
      %dma_wait3A_183 = arith.constant 0 : i32
      %dma_wait3A_184 = tpu.memref_slice %arg6[%dma_wait3A, %dma_wait3A_183] : memref<3840x8xf32, #tpu.memory_space<vmem>> -> memref<128x8xf32, #tpu.memory_space<vmem>>
      %dma_wait3A_185 = arith.constant 0 : i32
      %dma_wait3A_186 = tpu.memref_slice %arg11[%run_scoped3A_52, %dma_wait3A_185] : memref<30x128xi32, #tpu.memory_space<vmem>> -> memref<1x128xi32, #tpu.memory_space<vmem>>
      %dma_wait3A_187 = tpu.memref_squeeze %dma_wait3A_186 : memref<1x128xi32, #tpu.memory_space<vmem>> -> memref<128xi32, #tpu.memory_space<vmem>>
      %dma_wait3A_188 = arith.constant 0 : i32
      %dma_wait3A_189 = arith.constant 0 : i32
      %dma_wait3A_190 = tpu.memref_slice %arg5[%dma_wait3A_188, %dma_wait3A_189] : memref<65664x8xf32, #tpu.memory_space<vmem_shared>> -> memref<65664x8xf32, #tpu.memory_space<vmem_shared>>
      tpu.wait_indirect_dma semaphore(%run_scoped3A_174 : memref<!tpu.dma_semaphore, #tpu.memory_space<semaphore_mem>>) src(%dma_wait3A_184 : memref<128x8xf32, #tpu.memory_space<vmem>>) dst(%dma_wait3A_190 : memref<65664x8xf32, #tpu.memory_space<vmem_shared>>)
      tpu.yield
    }) : () -> ()
    %run_scoped3A_53 = arith.constant 4 : i32
    "tpu.region"() ({
      %run_scoped3A_174 = tpu.sem_alloc : memref<!tpu.dma_semaphore, #tpu.memory_space<semaphore_mem>>
      %dma_start3A = tpu.memref_slice %arg2[%run_scoped3A_53, %multiple_of3A_14] : memref<16x122880xf32, #tpu.memory_space<hbm>> -> memref<1x3840xf32, #tpu.memory_space<hbm>>
      %dma_start3A_175 = tpu.memref_squeeze %dma_start3A : memref<1x3840xf32, #tpu.memory_space<hbm>> -> memref<3840xf32, #tpu.memory_space<hbm>>
      %dma_start3A_176 = tpu.memref_slice %arg2[%run_scoped3A_53, %multiple_of3A_14] : memref<16x122880xf32, #tpu.memory_space<hbm>> -> memref<1x3840xf32, #tpu.memory_space<hbm>>
      %dma_start3A_177 = tpu.memref_squeeze %dma_start3A_176 : memref<1x3840xf32, #tpu.memory_space<hbm>> -> memref<3840xf32, #tpu.memory_space<hbm>>
      tpu.enqueue_dma source(%dma_start3A_177 : memref<3840xf32, #tpu.memory_space<hbm>>) target(%arg7 : memref<3840xf32, #tpu.memory_space<vmem>>) target_semaphore(%run_scoped3A_174 : memref<!tpu.dma_semaphore, #tpu.memory_space<semaphore_mem>>)
      %dma_wait3A = tpu.memref_slice %arg2[%run_scoped3A_53, %multiple_of3A_14] : memref<16x122880xf32, #tpu.memory_space<hbm>> -> memref<1x3840xf32, #tpu.memory_space<hbm>>
      %dma_wait3A_178 = tpu.memref_squeeze %dma_wait3A : memref<1x3840xf32, #tpu.memory_space<hbm>> -> memref<3840xf32, #tpu.memory_space<hbm>>
      %dma_wait3A_179 = tpu.memref_slice %arg2[%run_scoped3A_53, %multiple_of3A_14] : memref<16x122880xf32, #tpu.memory_space<hbm>> -> memref<1x3840xf32, #tpu.memory_space<hbm>>
      %dma_wait3A_180 = tpu.memref_squeeze %dma_wait3A_179 : memref<1x3840xf32, #tpu.memory_space<hbm>> -> memref<3840xf32, #tpu.memory_space<hbm>>
      tpu.wait_dma2 semaphore(%run_scoped3A_174 : memref<!tpu.dma_semaphore, #tpu.memory_space<semaphore_mem>>) src(%dma_wait3A_180 : memref<3840xf32, #tpu.memory_space<hbm>>) dst(%arg7 : memref<3840xf32, #tpu.memory_space<vmem>>)
      tpu.yield
    }) : () -> ()
    %run_scoped3A_54 = arith.constant 5 : i32
    "tpu.region"() ({
      %run_scoped3A_174 = tpu.sem_alloc : memref<!tpu.dma_semaphore, #tpu.memory_space<semaphore_mem>>
      %dma_start3A = tpu.memref_slice %arg2[%run_scoped3A_54, %multiple_of3A_14] : memref<16x122880xf32, #tpu.memory_space<hbm>> -> memref<1x3840xf32, #tpu.memory_space<hbm>>
      %dma_start3A_175 = tpu.memref_squeeze %dma_start3A : memref<1x3840xf32, #tpu.memory_space<hbm>> -> memref<3840xf32, #tpu.memory_space<hbm>>
      %dma_start3A_176 = tpu.memref_slice %arg2[%run_scoped3A_54, %multiple_of3A_14] : memref<16x122880xf32, #tpu.memory_space<hbm>> -> memref<1x3840xf32, #tpu.memory_space<hbm>>
      %dma_start3A_177 = tpu.memref_squeeze %dma_start3A_176 : memref<1x3840xf32, #tpu.memory_space<hbm>> -> memref<3840xf32, #tpu.memory_space<hbm>>
      tpu.enqueue_dma source(%dma_start3A_177 : memref<3840xf32, #tpu.memory_space<hbm>>) target(%arg8 : memref<3840xf32, #tpu.memory_space<vmem>>) target_semaphore(%run_scoped3A_174 : memref<!tpu.dma_semaphore, #tpu.memory_space<semaphore_mem>>)
      %dma_wait3A = tpu.memref_slice %arg2[%run_scoped3A_54, %multiple_of3A_14] : memref<16x122880xf32, #tpu.memory_space<hbm>> -> memref<1x3840xf32, #tpu.memory_space<hbm>>
      %dma_wait3A_178 = tpu.memref_squeeze %dma_wait3A : memref<1x3840xf32, #tpu.memory_space<hbm>> -> memref<3840xf32, #tpu.memory_space<hbm>>
      %dma_wait3A_179 = tpu.memref_slice %arg2[%run_scoped3A_54, %multiple_of3A_14] : memref<16x122880xf32, #tpu.memory_space<hbm>> -> memref<1x3840xf32, #tpu.memory_space<hbm>>
      %dma_wait3A_180 = tpu.memref_squeeze %dma_wait3A_179 : memref<1x3840xf32, #tpu.memory_space<hbm>> -> memref<3840xf32, #tpu.memory_space<hbm>>
      tpu.wait_dma2 semaphore(%run_scoped3A_174 : memref<!tpu.dma_semaphore, #tpu.memory_space<semaphore_mem>>) src(%dma_wait3A_180 : memref<3840xf32, #tpu.memory_space<hbm>>) dst(%arg8 : memref<3840xf32, #tpu.memory_space<vmem>>)
      tpu.yield
    }) : () -> ()
    %run_scoped3A_55 = arith.constant 6 : i32
    "tpu.region"() ({
      %run_scoped3A_174 = tpu.sem_alloc : memref<!tpu.dma_semaphore, #tpu.memory_space<semaphore_mem>>
      %dma_start3A = tpu.memref_slice %arg2[%run_scoped3A_55, %multiple_of3A_14] : memref<16x122880xf32, #tpu.memory_space<hbm>> -> memref<1x3840xf32, #tpu.memory_space<hbm>>
      %dma_start3A_175 = tpu.memref_squeeze %dma_start3A : memref<1x3840xf32, #tpu.memory_space<hbm>> -> memref<3840xf32, #tpu.memory_space<hbm>>
      %dma_start3A_176 = tpu.memref_slice %arg2[%run_scoped3A_55, %multiple_of3A_14] : memref<16x122880xf32, #tpu.memory_space<hbm>> -> memref<1x3840xf32, #tpu.memory_space<hbm>>
      %dma_start3A_177 = tpu.memref_squeeze %dma_start3A_176 : memref<1x3840xf32, #tpu.memory_space<hbm>> -> memref<3840xf32, #tpu.memory_space<hbm>>
      tpu.enqueue_dma source(%dma_start3A_177 : memref<3840xf32, #tpu.memory_space<hbm>>) target(%arg9 : memref<3840xf32, #tpu.memory_space<vmem>>) target_semaphore(%run_scoped3A_174 : memref<!tpu.dma_semaphore, #tpu.memory_space<semaphore_mem>>)
      %dma_wait3A = tpu.memref_slice %arg2[%run_scoped3A_55, %multiple_of3A_14] : memref<16x122880xf32, #tpu.memory_space<hbm>> -> memref<1x3840xf32, #tpu.memory_space<hbm>>
      %dma_wait3A_178 = tpu.memref_squeeze %dma_wait3A : memref<1x3840xf32, #tpu.memory_space<hbm>> -> memref<3840xf32, #tpu.memory_space<hbm>>
      %dma_wait3A_179 = tpu.memref_slice %arg2[%run_scoped3A_55, %multiple_of3A_14] : memref<16x122880xf32, #tpu.memory_space<hbm>> -> memref<1x3840xf32, #tpu.memory_space<hbm>>
      %dma_wait3A_180 = tpu.memref_squeeze %dma_wait3A_179 : memref<1x3840xf32, #tpu.memory_space<hbm>> -> memref<3840xf32, #tpu.memory_space<hbm>>
      tpu.wait_dma2 semaphore(%run_scoped3A_174 : memref<!tpu.dma_semaphore, #tpu.memory_space<semaphore_mem>>) src(%dma_wait3A_180 : memref<3840xf32, #tpu.memory_space<hbm>>) dst(%arg9 : memref<3840xf32, #tpu.memory_space<vmem>>)
      tpu.yield
    }) : () -> ()
    %run_scoped3A_56 = arith.constant 7 : i32
    "tpu.region"() ({
      %run_scoped3A_174 = tpu.sem_alloc : memref<!tpu.dma_semaphore, #tpu.memory_space<semaphore_mem>>
      %dma_start3A = tpu.memref_slice %arg2[%run_scoped3A_56, %multiple_of3A_14] : memref<16x122880xf32, #tpu.memory_space<hbm>> -> memref<1x3840xf32, #tpu.memory_space<hbm>>
      %dma_start3A_175 = tpu.memref_squeeze %dma_start3A : memref<1x3840xf32, #tpu.memory_space<hbm>> -> memref<3840xf32, #tpu.memory_space<hbm>>
      %dma_start3A_176 = tpu.memref_slice %arg2[%run_scoped3A_56, %multiple_of3A_14] : memref<16x122880xf32, #tpu.memory_space<hbm>> -> memref<1x3840xf32, #tpu.memory_space<hbm>>
      %dma_start3A_177 = tpu.memref_squeeze %dma_start3A_176 : memref<1x3840xf32, #tpu.memory_space<hbm>> -> memref<3840xf32, #tpu.memory_space<hbm>>
      tpu.enqueue_dma source(%dma_start3A_177 : memref<3840xf32, #tpu.memory_space<hbm>>) target(%arg10 : memref<3840xf32, #tpu.memory_space<vmem>>) target_semaphore(%run_scoped3A_174 : memref<!tpu.dma_semaphore, #tpu.memory_space<semaphore_mem>>)
      %dma_wait3A = tpu.memref_slice %arg2[%run_scoped3A_56, %multiple_of3A_14] : memref<16x122880xf32, #tpu.memory_space<hbm>> -> memref<1x3840xf32, #tpu.memory_space<hbm>>
      %dma_wait3A_178 = tpu.memref_squeeze %dma_wait3A : memref<1x3840xf32, #tpu.memory_space<hbm>> -> memref<3840xf32, #tpu.memory_space<hbm>>
      %dma_wait3A_179 = tpu.memref_slice %arg2[%run_scoped3A_56, %multiple_of3A_14] : memref<16x122880xf32, #tpu.memory_space<hbm>> -> memref<1x3840xf32, #tpu.memory_space<hbm>>
      %dma_wait3A_180 = tpu.memref_squeeze %dma_wait3A_179 : memref<1x3840xf32, #tpu.memory_space<hbm>> -> memref<3840xf32, #tpu.memory_space<hbm>>
      tpu.wait_dma2 semaphore(%run_scoped3A_174 : memref<!tpu.dma_semaphore, #tpu.memory_space<semaphore_mem>>) src(%dma_wait3A_180 : memref<3840xf32, #tpu.memory_space<hbm>>) dst(%arg10 : memref<3840xf32, #tpu.memory_space<vmem>>)
      tpu.yield
    }) : () -> ()
    %scan3A_57 = arith.constant 0 : i32
    %scan3A_58 = arith.constant 0 : i32
    %scan3A_59 = arith.constant 240 : i32
    %scan3A_60 = arith.addi %scan3A_58, %scan3A_59 : i32
    %scan3A_61 = arith.constant 1 : i32
    scf.for %scan3A_174 = %scan3A_58 to %scan3A_60 step %scan3A_61  : i32 {
      %mul3A_175 = arith.constant 16 : i32
      %mul3A_176 = arith.muli %scan3A_174, %mul3A_175 : i32
      %get3A = arith.index_cast %mul3A_176 : i32 to index
      %get3A_177 = tpu.vector_load %arg7[%get3A] {strides = array<i32>} : memref<3840xf32, #tpu.memory_space<vmem>>, vector<16xf32>,
      %mul3A_178 = arith.constant 16 : i32
      %mul3A_179 = arith.muli %scan3A_174, %mul3A_178 : i32
      %get3A_180 = arith.index_cast %mul3A_179 : i32 to index
      %get3A_181 = tpu.vector_load %arg8[%get3A_180] {strides = array<i32>} : memref<3840xf32, #tpu.memory_space<vmem>>, vector<16xf32>,
      %mul3A_182 = arith.constant 16 : i32
      %mul3A_183 = arith.muli %scan3A_174, %mul3A_182 : i32
      %get3A_184 = arith.index_cast %mul3A_183 : i32 to index
      %get3A_185 = tpu.vector_load %arg9[%get3A_184] {strides = array<i32>} : memref<3840xf32, #tpu.memory_space<vmem>>, vector<16xf32>,
      %mul3A_186 = arith.constant 16 : i32
      %mul3A_187 = arith.muli %scan3A_174, %mul3A_186 : i32
      %get3A_188 = arith.index_cast %mul3A_187 : i32 to index
      %get3A_189 = tpu.vector_load %arg10[%get3A_188] {strides = array<i32>} : memref<3840xf32, #tpu.memory_space<vmem>>, vector<16xf32>,
      %add3A_190 = arith.constant 5.120000e+01 : f32
      %add3A_191 = vector.broadcast %add3A_190 : f32 to vector<16xf32>
      %add3A_192 = arith.addf %get3A_177, %add3A_191 : vector<16xf32>
      %div3A = arith.constant 4.000000e-01 : f32
      %div3A_193 = vector.broadcast %div3A : f32 to vector<16xf32>
      %div3A_194 = arith.divf %add3A_192, %div3A_193 : vector<16xf32>
      %add3A_195 = arith.constant 5.120000e+01 : f32
      %add3A_196 = vector.broadcast %add3A_195 : f32 to vector<16xf32>
      %add3A_197 = arith.addf %get3A_181, %add3A_196 : vector<16xf32>
      %div3A_198 = arith.constant 4.000000e-01 : f32
      %div3A_199 = vector.broadcast %div3A_198 : f32 to vector<16xf32>
      %div3A_200 = arith.divf %add3A_197, %div3A_199 : vector<16xf32>
      %add3A_201 = arith.constant 5.000000e+00 : f32
      %add3A_202 = vector.broadcast %add3A_201 : f32 to vector<16xf32>
      %add3A_203 = arith.addf %get3A_185, %add3A_202 : vector<16xf32>
      %div3A_204 = arith.constant 8.000000e+00 : f32
      %div3A_205 = vector.broadcast %div3A_204 : f32 to vector<16xf32>
      %div3A_206 = arith.divf %add3A_203, %div3A_205 : vector<16xf32>
      %ge3A = arith.constant 0.000000e+00 : f32
      %ge3A_207 = vector.broadcast %ge3A : f32 to vector<16xf32>
      %ge3A_208 = arith.cmpf oge, %div3A_194, %ge3A_207 : vector<16xf32>
      %lt3A = arith.constant 2.560000e+02 : f32
      %lt3A_209 = vector.broadcast %lt3A : f32 to vector<16xf32>
      %lt3A_210 = arith.cmpf olt, %div3A_194, %lt3A_209 : vector<16xf32>
      %and3A = arith.andi %ge3A_208, %lt3A_210 : vector<16xi1>
      %ge3A_211 = arith.constant 0.000000e+00 : f32
      %ge3A_212 = vector.broadcast %ge3A_211 : f32 to vector<16xf32>
      %ge3A_213 = arith.cmpf oge, %div3A_200, %ge3A_212 : vector<16xf32>
      %and3A_214 = arith.andi %and3A, %ge3A_213 : vector<16xi1>
      %lt3A_215 = arith.constant 2.560000e+02 : f32
      %lt3A_216 = vector.broadcast %lt3A_215 : f32 to vector<16xf32>
      %lt3A_217 = arith.cmpf olt, %div3A_200, %lt3A_216 : vector<16xf32>
      %and3A_218 = arith.andi %and3A_214, %lt3A_217 : vector<16xi1>
      %ge3A_219 = arith.constant 0.000000e+00 : f32
      %ge3A_220 = vector.broadcast %ge3A_219 : f32 to vector<16xf32>
      %ge3A_221 = arith.cmpf oge, %div3A_206, %ge3A_220 : vector<16xf32>
      %and3A_222 = arith.andi %and3A_218, %ge3A_221 : vector<16xi1>
      %lt3A_223 = arith.constant 1.000000e+00 : f32
      %lt3A_224 = vector.broadcast %lt3A_223 : f32 to vector<16xf32>
      %lt3A_225 = arith.cmpf olt, %div3A_206, %lt3A_224 : vector<16xf32>
      %and3A_226 = arith.andi %and3A_222, %lt3A_225 : vector<16xi1>
      %convert_element_type3A = arith.fptosi %div3A_194 : vector<16xf32> to vector<16xi32>
      %convert_element_type3A_227 = arith.fptosi %div3A_200 : vector<16xf32> to vector<16xi32>
      %mul3A_228 = arith.constant 256 : i32
      %mul3A_229 = vector.broadcast %mul3A_228 : i32 to vector<16xi32>
      %mul3A_230 = arith.muli %convert_element_type3A_227, %mul3A_229 : vector<16xi32>
      %add3A_231 = arith.addi %mul3A_230, %convert_element_type3A : vector<16xi32>
      %jit3A = arith.constant 65536 : i32
      %broadcast_in_dim3A_232 = vector.broadcast %jit3A : i32 to vector<16xi32>
      %select_n3A = arith.select %and3A_226, %add3A_231, %broadcast_in_dim3A_232 : vector<16xi1>, vector<16xi32>
      %mul3A_233 = arith.constant 16 : i32
      %mul3A_234 = arith.muli %scan3A_174, %mul3A_233 : i32
      %broadcast_in_dim3A_235 = vector.broadcast %mul3A_234 : i32 to vector<16xi32>
      %add3A_236 = arith.addi %broadcast_in_dim3A_235, %iota3A : vector<16xi32>
      %jit3A_237 = arith.constant 0.000000e+00 : f32
      %broadcast_in_dim3A_238 = vector.broadcast %jit3A_237 : f32 to vector<16xf32>
      %select_n3A_239 = arith.select %and3A_226, %get3A_177, %broadcast_in_dim3A_238 : vector<16xi1>, vector<16xf32>
      tpu.vector_store_idx %arg6[%add3A_236, %broadcast_in_dim3A_3], %select_n3A_239 : memref<3840x8xf32, #tpu.memory_space<vmem>>[vector<16xi32>, vector<16xi32>], vector<16xf32>,
      %jit3A_240 = arith.constant 0.000000e+00 : f32
      %broadcast_in_dim3A_241 = vector.broadcast %jit3A_240 : f32 to vector<16xf32>
      %select_n3A_242 = arith.select %and3A_226, %get3A_181, %broadcast_in_dim3A_241 : vector<16xi1>, vector<16xf32>
      tpu.vector_store_idx %arg6[%add3A_236, %broadcast_in_dim3A_5], %select_n3A_242 : memref<3840x8xf32, #tpu.memory_space<vmem>>[vector<16xi32>, vector<16xi32>], vector<16xf32>,
      %jit3A_243 = arith.constant 0.000000e+00 : f32
      %broadcast_in_dim3A_244 = vector.broadcast %jit3A_243 : f32 to vector<16xf32>
      %select_n3A_245 = arith.select %and3A_226, %get3A_185, %broadcast_in_dim3A_244 : vector<16xi1>, vector<16xf32>
      tpu.vector_store_idx %arg6[%add3A_236, %broadcast_in_dim3A_7], %select_n3A_245 : memref<3840x8xf32, #tpu.memory_space<vmem>>[vector<16xi32>, vector<16xi32>], vector<16xf32>,
      %jit3A_246 = arith.constant 0.000000e+00 : f32
      %broadcast_in_dim3A_247 = vector.broadcast %jit3A_246 : f32 to vector<16xf32>
      %select_n3A_248 = arith.select %and3A_226, %get3A_189, %broadcast_in_dim3A_247 : vector<16xi1>, vector<16xf32>
      tpu.vector_store_idx %arg6[%add3A_236, %broadcast_in_dim3A_9], %select_n3A_248 : memref<3840x8xf32, #tpu.memory_space<vmem>>[vector<16xi32>, vector<16xi32>], vector<16xf32>,
      %jit3A_249 = arith.constant 1.000000e+00 : f32
      %jit3A_250 = arith.constant 0.000000e+00 : f32
      %broadcast_in_dim3A_251 = vector.broadcast %jit3A_249 : f32 to vector<16xf32>
      %broadcast_in_dim3A_252 = vector.broadcast %jit3A_250 : f32 to vector<16xf32>
      %select_n3A_253 = arith.select %and3A_226, %broadcast_in_dim3A_251, %broadcast_in_dim3A_252 : vector<16xi1>, vector<16xf32>
      tpu.vector_store_idx %arg6[%add3A_236, %broadcast_in_dim3A_11], %select_n3A_253 : memref<3840x8xf32, #tpu.memory_space<vmem>>[vector<16xi32>, vector<16xi32>], vector<16xf32>,
      %jit3A_254 = arith.constant 8 : i32
      %div3A_255 = arith.divsi %scan3A_174, %jit3A_254 : i32
      %sign3A = arith.constant 0 : i32
      %sign3A_256 = arith.cmpi sgt, %scan3A_174, %sign3A : i32
      %sign3A_257 = arith.extui %sign3A_256 : i1 to i32
      %sign3A_258 = arith.constant 0 : i32
      %sign3A_259 = arith.cmpi slt, %scan3A_174, %sign3A_258 : i32
      %sign3A_260 = arith.extui %sign3A_259 : i1 to i32
      %sign3A_261 = arith.subi %sign3A_257, %sign3A_260 : i32
      %sign3A_262 = arith.constant 0 : i32
      %sign3A_263 = arith.cmpi sgt, %jit3A_254, %sign3A_262 : i32
      %sign3A_264 = arith.extui %sign3A_263 : i1 to i32
      %sign3A_265 = arith.constant 0 : i32
      %sign3A_266 = arith.cmpi slt, %jit3A_254, %sign3A_265 : i32
      %sign3A_267 = arith.extui %sign3A_266 : i1 to i32
      %sign3A_268 = arith.subi %sign3A_264, %sign3A_267 : i32
      %ne3A = arith.cmpi ne, %sign3A_261, %sign3A_268 : i32
      %rem3A = arith.remsi %scan3A_174, %jit3A_254 : i32
      %ne3A_269 = arith.constant 0 : i32
      %ne3A_270 = arith.cmpi ne, %rem3A, %ne3A_269 : i32
      %and3A_271 = arith.andi %ne3A, %ne3A_270 : i1
      %sub3A = arith.constant 1 : i32
      %sub3A_272 = arith.subi %div3A_255, %sub3A : i32
      %select_n3A_273 = arith.select %and3A_271, %sub3A_272, %div3A_255 : i32
      %broadcast_in_dim3A_274 = vector.broadcast %select_n3A_273 : i32 to vector<16xi32>
      %jit3A_275 = arith.constant 8 : i32
      %eq3A = arith.constant 0 : i32
      %eq3A_276 = arith.cmpi eq, %jit3A_275, %eq3A : i32
      %jit3A_277 = arith.constant 1 : i32
      %select_n3A_278 = arith.select %eq3A_276, %jit3A_277, %jit3A_275 : i32
      %rem3A_279 = arith.remsi %scan3A_174, %select_n3A_278 : i32
      %ne3A_280 = arith.constant 0 : i32
      %ne3A_281 = arith.cmpi ne, %rem3A_279, %ne3A_280 : i32
      %lt3A_282 = arith.constant 0 : i32
      %lt3A_283 = arith.cmpi slt, %rem3A_279, %lt3A_282 : i32
      %lt3A_284 = arith.constant 0 : i32
      %lt3A_285 = arith.cmpi slt, %select_n3A_278, %lt3A_284 : i32
      %ne3A_286 = arith.xori %lt3A_283, %lt3A_285 : i1
      %and3A_287 = arith.andi %ne3A_286, %ne3A_281 : i1
      %add3A_288 = arith.addi %rem3A_279, %select_n3A_278 : i32
      %select_n3A_289 = arith.select %and3A_287, %add3A_288, %rem3A_279 : i32
      %mul3A_290 = arith.constant 16 : i32
      %mul3A_291 = arith.muli %select_n3A_289, %mul3A_290 : i32
      %broadcast_in_dim3A_292 = vector.broadcast %mul3A_291 : i32 to vector<16xi32>
      %add3A_293 = arith.addi %broadcast_in_dim3A_292, %iota3A : vector<16xi32>
      tpu.vector_store_idx %arg11[%broadcast_in_dim3A_274, %add3A_293], %select_n3A : memref<30x128xi32, #tpu.memory_space<vmem>>[vector<16xi32>, vector<16xi32>], vector<16xi32>,
    }
    %scan3A_62 = arith.constant 240 : i32
    %run_scoped3A_63 = arith.constant 0 : i32
    "tpu.region"() ({
      %run_scoped3A_174 = tpu.sem_alloc : memref<!tpu.dma_semaphore, #tpu.memory_space<semaphore_mem>>
      %dma_start3A = arith.constant 0 : i32
      %dma_start3A_175 = arith.constant 0 : i32
      %dma_start3A_176 = tpu.memref_slice %arg6[%dma_start3A, %dma_start3A_175] : memref<3840x8xf32, #tpu.memory_space<vmem>> -> memref<128x8xf32, #tpu.memory_space<vmem>>
      %dma_start3A_177 = arith.constant 0 : i32
      %dma_start3A_178 = tpu.memref_slice %arg11[%run_scoped3A_63, %dma_start3A_177] : memref<30x128xi32, #tpu.memory_space<vmem>> -> memref<1x128xi32, #tpu.memory_space<vmem>>
      %dma_start3A_179 = tpu.memref_squeeze %dma_start3A_178 : memref<1x128xi32, #tpu.memory_space<vmem>> -> memref<128xi32, #tpu.memory_space<vmem>>
      %dma_start3A_180 = arith.constant 0 : i32
      %dma_start3A_181 = arith.constant 0 : i32
      %dma_start3A_182 = tpu.memref_slice %arg5[%dma_start3A_180, %dma_start3A_181] : memref<65664x8xf32, #tpu.memory_space<vmem_shared>> -> memref<65664x8xf32, #tpu.memory_space<vmem_shared>>
      tpu.enqueue_indirect_dma source(%dma_start3A_176 : memref<128x8xf32, #tpu.memory_space<vmem>>) target(%dma_start3A_182 : memref<65664x8xf32, #tpu.memory_space<vmem_shared>>) offsets(%dma_start3A_179 : memref<128xi32, #tpu.memory_space<vmem>>) semaphore(%run_scoped3A_174 : memref<!tpu.dma_semaphore, #tpu.memory_space<semaphore_mem>>) {add = true}
      %dma_wait3A = arith.constant 0 : i32
      %dma_wait3A_183 = arith.constant 0 : i32
      %dma_wait3A_184 = tpu.memref_slice %arg6[%dma_wait3A, %dma_wait3A_183] : memref<3840x8xf32, #tpu.memory_space<vmem>> -> memref<128x8xf32, #tpu.memory_space<vmem>>
      %dma_wait3A_185 = arith.constant 0 : i32
      %dma_wait3A_186 = tpu.memref_slice %arg11[%run_scoped3A_63, %dma_wait3A_185] : memref<30x128xi32, #tpu.memory_space<vmem>> -> memref<1x128xi32, #tpu.memory_space<vmem>>
      %dma_wait3A_187 = tpu.memref_squeeze %dma_wait3A_186 : memref<1x128xi32, #tpu.memory_space<vmem>> -> memref<128xi32, #tpu.memory_space<vmem>>
      %dma_wait3A_188 = arith.constant 0 : i32
      %dma_wait3A_189 = arith.constant 0 : i32
      %dma_wait3A_190 = tpu.memref_slice %arg5[%dma_wait3A_188, %dma_wait3A_189] : memref<65664x8xf32, #tpu.memory_space<vmem_shared>> -> memref<65664x8xf32, #tpu.memory_space<vmem_shared>>
      tpu.wait_indirect_dma semaphore(%run_scoped3A_174 : memref<!tpu.dma_semaphore, #tpu.memory_space<semaphore_mem>>) src(%dma_wait3A_184 : memref<128x8xf32, #tpu.memory_space<vmem>>) dst(%dma_wait3A_190 : memref<65664x8xf32, #tpu.memory_space<vmem_shared>>)
      tpu.yield
    }) : () -> ()
    %run_scoped3A_64 = arith.constant 1 : i32
    "tpu.region"() ({
      %run_scoped3A_174 = tpu.sem_alloc : memref<!tpu.dma_semaphore, #tpu.memory_space<semaphore_mem>>
      %dma_start3A = arith.constant 128 : i32
      %dma_start3A_175 = arith.constant 0 : i32
      %dma_start3A_176 = tpu.memref_slice %arg6[%dma_start3A, %dma_start3A_175] : memref<3840x8xf32, #tpu.memory_space<vmem>> -> memref<128x8xf32, #tpu.memory_space<vmem>>
      %dma_start3A_177 = arith.constant 0 : i32
      %dma_start3A_178 = tpu.memref_slice %arg11[%run_scoped3A_64, %dma_start3A_177] : memref<30x128xi32, #tpu.memory_space<vmem>> -> memref<1x128xi32, #tpu.memory_space<vmem>>
      %dma_start3A_179 = tpu.memref_squeeze %dma_start3A_178 : memref<1x128xi32, #tpu.memory_space<vmem>> -> memref<128xi32, #tpu.memory_space<vmem>>
      %dma_start3A_180 = arith.constant 0 : i32
      %dma_start3A_181 = arith.constant 0 : i32
      %dma_start3A_182 = tpu.memref_slice %arg5[%dma_start3A_180, %dma_start3A_181] : memref<65664x8xf32, #tpu.memory_space<vmem_shared>> -> memref<65664x8xf32, #tpu.memory_space<vmem_shared>>
      tpu.enqueue_indirect_dma source(%dma_start3A_176 : memref<128x8xf32, #tpu.memory_space<vmem>>) target(%dma_start3A_182 : memref<65664x8xf32, #tpu.memory_space<vmem_shared>>) offsets(%dma_start3A_179 : memref<128xi32, #tpu.memory_space<vmem>>) semaphore(%run_scoped3A_174 : memref<!tpu.dma_semaphore, #tpu.memory_space<semaphore_mem>>) {add = true}
      %dma_wait3A = arith.constant 128 : i32
      %dma_wait3A_183 = arith.constant 0 : i32
      %dma_wait3A_184 = tpu.memref_slice %arg6[%dma_wait3A, %dma_wait3A_183] : memref<3840x8xf32, #tpu.memory_space<vmem>> -> memref<128x8xf32, #tpu.memory_space<vmem>>
      %dma_wait3A_185 = arith.constant 0 : i32
      %dma_wait3A_186 = tpu.memref_slice %arg11[%run_scoped3A_64, %dma_wait3A_185] : memref<30x128xi32, #tpu.memory_space<vmem>> -> memref<1x128xi32, #tpu.memory_space<vmem>>
      %dma_wait3A_187 = tpu.memref_squeeze %dma_wait3A_186 : memref<1x128xi32, #tpu.memory_space<vmem>> -> memref<128xi32, #tpu.memory_space<vmem>>
      %dma_wait3A_188 = arith.constant 0 : i32
      %dma_wait3A_189 = arith.constant 0 : i32
      %dma_wait3A_190 = tpu.memref_slice %arg5[%dma_wait3A_188, %dma_wait3A_189] : memref<65664x8xf32, #tpu.memory_space<vmem_shared>> -> memref<65664x8xf32, #tpu.memory_space<vmem_shared>>
      tpu.wait_indirect_dma semaphore(%run_scoped3A_174 : memref<!tpu.dma_semaphore, #tpu.memory_space<semaphore_mem>>) src(%dma_wait3A_184 : memref<128x8xf32, #tpu.memory_space<vmem>>) dst(%dma_wait3A_190 : memref<65664x8xf32, #tpu.memory_space<vmem_shared>>)
      tpu.yield
    }) : () -> ()
    %run_scoped3A_65 = arith.constant 2 : i32
    "tpu.region"() ({
      %run_scoped3A_174 = tpu.sem_alloc : memref<!tpu.dma_semaphore, #tpu.memory_space<semaphore_mem>>
      %dma_start3A = arith.constant 256 : i32
      %dma_start3A_175 = arith.constant 0 : i32
      %dma_start3A_176 = tpu.memref_slice %arg6[%dma_start3A, %dma_start3A_175] : memref<3840x8xf32, #tpu.memory_space<vmem>> -> memref<128x8xf32, #tpu.memory_space<vmem>>
      %dma_start3A_177 = arith.constant 0 : i32
      %dma_start3A_178 = tpu.memref_slice %arg11[%run_scoped3A_65, %dma_start3A_177] : memref<30x128xi32, #tpu.memory_space<vmem>> -> memref<1x128xi32, #tpu.memory_space<vmem>>
      %dma_start3A_179 = tpu.memref_squeeze %dma_start3A_178 : memref<1x128xi32, #tpu.memory_space<vmem>> -> memref<128xi32, #tpu.memory_space<vmem>>
      %dma_start3A_180 = arith.constant 0 : i32
      %dma_start3A_181 = arith.constant 0 : i32
      %dma_start3A_182 = tpu.memref_slice %arg5[%dma_start3A_180, %dma_start3A_181] : memref<65664x8xf32, #tpu.memory_space<vmem_shared>> -> memref<65664x8xf32, #tpu.memory_space<vmem_shared>>
      tpu.enqueue_indirect_dma source(%dma_start3A_176 : memref<128x8xf32, #tpu.memory_space<vmem>>) target(%dma_start3A_182 : memref<65664x8xf32, #tpu.memory_space<vmem_shared>>) offsets(%dma_start3A_179 : memref<128xi32, #tpu.memory_space<vmem>>) semaphore(%run_scoped3A_174 : memref<!tpu.dma_semaphore, #tpu.memory_space<semaphore_mem>>) {add = true}
      %dma_wait3A = arith.constant 256 : i32
      %dma_wait3A_183 = arith.constant 0 : i32
      %dma_wait3A_184 = tpu.memref_slice %arg6[%dma_wait3A, %dma_wait3A_183] : memref<3840x8xf32, #tpu.memory_space<vmem>> -> memref<128x8xf32, #tpu.memory_space<vmem>>
      %dma_wait3A_185 = arith.constant 0 : i32
      %dma_wait3A_186 = tpu.memref_slice %arg11[%run_scoped3A_65, %dma_wait3A_185] : memref<30x128xi32, #tpu.memory_space<vmem>> -> memref<1x128xi32, #tpu.memory_space<vmem>>
      %dma_wait3A_187 = tpu.memref_squeeze %dma_wait3A_186 : memref<1x128xi32, #tpu.memory_space<vmem>> -> memref<128xi32, #tpu.memory_space<vmem>>
      %dma_wait3A_188 = arith.constant 0 : i32
      %dma_wait3A_189 = arith.constant 0 : i32
      %dma_wait3A_190 = tpu.memref_slice %arg5[%dma_wait3A_188, %dma_wait3A_189] : memref<65664x8xf32, #tpu.memory_space<vmem_shared>> -> memref<65664x8xf32, #tpu.memory_space<vmem_shared>>
      tpu.wait_indirect_dma semaphore(%run_scoped3A_174 : memref<!tpu.dma_semaphore, #tpu.memory_space<semaphore_mem>>) src(%dma_wait3A_184 : memref<128x8xf32, #tpu.memory_space<vmem>>) dst(%dma_wait3A_190 : memref<65664x8xf32, #tpu.memory_space<vmem_shared>>)
      tpu.yield
    }) : () -> ()
    %run_scoped3A_66 = arith.constant 3 : i32
    "tpu.region"() ({
      %run_scoped3A_174 = tpu.sem_alloc : memref<!tpu.dma_semaphore, #tpu.memory_space<semaphore_mem>>
      %dma_start3A = arith.constant 384 : i32
      %dma_start3A_175 = arith.constant 0 : i32
      %dma_start3A_176 = tpu.memref_slice %arg6[%dma_start3A, %dma_start3A_175] : memref<3840x8xf32, #tpu.memory_space<vmem>> -> memref<128x8xf32, #tpu.memory_space<vmem>>
      %dma_start3A_177 = arith.constant 0 : i32
      %dma_start3A_178 = tpu.memref_slice %arg11[%run_scoped3A_66, %dma_start3A_177] : memref<30x128xi32, #tpu.memory_space<vmem>> -> memref<1x128xi32, #tpu.memory_space<vmem>>
      %dma_start3A_179 = tpu.memref_squeeze %dma_start3A_178 : memref<1x128xi32, #tpu.memory_space<vmem>> -> memref<128xi32, #tpu.memory_space<vmem>>
      %dma_start3A_180 = arith.constant 0 : i32
      %dma_start3A_181 = arith.constant 0 : i32
      %dma_start3A_182 = tpu.memref_slice %arg5[%dma_start3A_180, %dma_start3A_181] : memref<65664x8xf32, #tpu.memory_space<vmem_shared>> -> memref<65664x8xf32, #tpu.memory_space<vmem_shared>>
      tpu.enqueue_indirect_dma source(%dma_start3A_176 : memref<128x8xf32, #tpu.memory_space<vmem>>) target(%dma_start3A_182 : memref<65664x8xf32, #tpu.memory_space<vmem_shared>>) offsets(%dma_start3A_179 : memref<128xi32, #tpu.memory_space<vmem>>) semaphore(%run_scoped3A_174 : memref<!tpu.dma_semaphore, #tpu.memory_space<semaphore_mem>>) {add = true}
      %dma_wait3A = arith.constant 384 : i32
      %dma_wait3A_183 = arith.constant 0 : i32
      %dma_wait3A_184 = tpu.memref_slice %arg6[%dma_wait3A, %dma_wait3A_183] : memref<3840x8xf32, #tpu.memory_space<vmem>> -> memref<128x8xf32, #tpu.memory_space<vmem>>
      %dma_wait3A_185 = arith.constant 0 : i32
      %dma_wait3A_186 = tpu.memref_slice %arg11[%run_scoped3A_66, %dma_wait3A_185] : memref<30x128xi32, #tpu.memory_space<vmem>> -> memref<1x128xi32, #tpu.memory_space<vmem>>
      %dma_wait3A_187 = tpu.memref_squeeze %dma_wait3A_186 : memref<1x128xi32, #tpu.memory_space<vmem>> -> memref<128xi32, #tpu.memory_space<vmem>>
      %dma_wait3A_188 = arith.constant 0 : i32
      %dma_wait3A_189 = arith.constant 0 : i32
      %dma_wait3A_190 = tpu.memref_slice %arg5[%dma_wait3A_188, %dma_wait3A_189] : memref<65664x8xf32, #tpu.memory_space<vmem_shared>> -> memref<65664x8xf32, #tpu.memory_space<vmem_shared>>
      tpu.wait_indirect_dma semaphore(%run_scoped3A_174 : memref<!tpu.dma_semaphore, #tpu.memory_space<semaphore_mem>>) src(%dma_wait3A_184 : memref<128x8xf32, #tpu.memory_space<vmem>>) dst(%dma_wait3A_190 : memref<65664x8xf32, #tpu.memory_space<vmem_shared>>)
      tpu.yield
    }) : () -> ()
    %run_scoped3A_67 = arith.constant 4 : i32
    "tpu.region"() ({
      %run_scoped3A_174 = tpu.sem_alloc : memref<!tpu.dma_semaphore, #tpu.memory_space<semaphore_mem>>
      %dma_start3A = arith.constant 512 : i32
      %dma_start3A_175 = arith.constant 0 : i32
      %dma_start3A_176 = tpu.memref_slice %arg6[%dma_start3A, %dma_start3A_175] : memref<3840x8xf32, #tpu.memory_space<vmem>> -> memref<128x8xf32, #tpu.memory_space<vmem>>
      %dma_start3A_177 = arith.constant 0 : i32
      %dma_start3A_178 = tpu.memref_slice %arg11[%run_scoped3A_67, %dma_start3A_177] : memref<30x128xi32, #tpu.memory_space<vmem>> -> memref<1x128xi32, #tpu.memory_space<vmem>>
      %dma_start3A_179 = tpu.memref_squeeze %dma_start3A_178 : memref<1x128xi32, #tpu.memory_space<vmem>> -> memref<128xi32, #tpu.memory_space<vmem>>
      %dma_start3A_180 = arith.constant 0 : i32
      %dma_start3A_181 = arith.constant 0 : i32
      %dma_start3A_182 = tpu.memref_slice %arg5[%dma_start3A_180, %dma_start3A_181] : memref<65664x8xf32, #tpu.memory_space<vmem_shared>> -> memref<65664x8xf32, #tpu.memory_space<vmem_shared>>
      tpu.enqueue_indirect_dma source(%dma_start3A_176 : memref<128x8xf32, #tpu.memory_space<vmem>>) target(%dma_start3A_182 : memref<65664x8xf32, #tpu.memory_space<vmem_shared>>) offsets(%dma_start3A_179 : memref<128xi32, #tpu.memory_space<vmem>>) semaphore(%run_scoped3A_174 : memref<!tpu.dma_semaphore, #tpu.memory_space<semaphore_mem>>) {add = true}
      %dma_wait3A = arith.constant 512 : i32
      %dma_wait3A_183 = arith.constant 0 : i32
      %dma_wait3A_184 = tpu.memref_slice %arg6[%dma_wait3A, %dma_wait3A_183] : memref<3840x8xf32, #tpu.memory_space<vmem>> -> memref<128x8xf32, #tpu.memory_space<vmem>>
      %dma_wait3A_185 = arith.constant 0 : i32
      %dma_wait3A_186 = tpu.memref_slice %arg11[%run_scoped3A_67, %dma_wait3A_185] : memref<30x128xi32, #tpu.memory_space<vmem>> -> memref<1x128xi32, #tpu.memory_space<vmem>>
      %dma_wait3A_187 = tpu.memref_squeeze %dma_wait3A_186 : memref<1x128xi32, #tpu.memory_space<vmem>> -> memref<128xi32, #tpu.memory_space<vmem>>
      %dma_wait3A_188 = arith.constant 0 : i32
      %dma_wait3A_189 = arith.constant 0 : i32
      %dma_wait3A_190 = tpu.memref_slice %arg5[%dma_wait3A_188, %dma_wait3A_189] : memref<65664x8xf32, #tpu.memory_space<vmem_shared>> -> memref<65664x8xf32, #tpu.memory_space<vmem_shared>>
      tpu.wait_indirect_dma semaphore(%run_scoped3A_174 : memref<!tpu.dma_semaphore, #tpu.memory_space<semaphore_mem>>) src(%dma_wait3A_184 : memref<128x8xf32, #tpu.memory_space<vmem>>) dst(%dma_wait3A_190 : memref<65664x8xf32, #tpu.memory_space<vmem_shared>>)
      tpu.yield
    }) : () -> ()
    %run_scoped3A_68 = arith.constant 5 : i32
    "tpu.region"() ({
      %run_scoped3A_174 = tpu.sem_alloc : memref<!tpu.dma_semaphore, #tpu.memory_space<semaphore_mem>>
      %dma_start3A = arith.constant 640 : i32
      %dma_start3A_175 = arith.constant 0 : i32
      %dma_start3A_176 = tpu.memref_slice %arg6[%dma_start3A, %dma_start3A_175] : memref<3840x8xf32, #tpu.memory_space<vmem>> -> memref<128x8xf32, #tpu.memory_space<vmem>>
      %dma_start3A_177 = arith.constant 0 : i32
      %dma_start3A_178 = tpu.memref_slice %arg11[%run_scoped3A_68, %dma_start3A_177] : memref<30x128xi32, #tpu.memory_space<vmem>> -> memref<1x128xi32, #tpu.memory_space<vmem>>
      %dma_start3A_179 = tpu.memref_squeeze %dma_start3A_178 : memref<1x128xi32, #tpu.memory_space<vmem>> -> memref<128xi32, #tpu.memory_space<vmem>>
      %dma_start3A_180 = arith.constant 0 : i32
      %dma_start3A_181 = arith.constant 0 : i32
      %dma_start3A_182 = tpu.memref_slice %arg5[%dma_start3A_180, %dma_start3A_181] : memref<65664x8xf32, #tpu.memory_space<vmem_shared>> -> memref<65664x8xf32, #tpu.memory_space<vmem_shared>>
      tpu.enqueue_indirect_dma source(%dma_start3A_176 : memref<128x8xf32, #tpu.memory_space<vmem>>) target(%dma_start3A_182 : memref<65664x8xf32, #tpu.memory_space<vmem_shared>>) offsets(%dma_start3A_179 : memref<128xi32, #tpu.memory_space<vmem>>) semaphore(%run_scoped3A_174 : memref<!tpu.dma_semaphore, #tpu.memory_space<semaphore_mem>>) {add = true}
      %dma_wait3A = arith.constant 640 : i32
      %dma_wait3A_183 = arith.constant 0 : i32
      %dma_wait3A_184 = tpu.memref_slice %arg6[%dma_wait3A, %dma_wait3A_183] : memref<3840x8xf32, #tpu.memory_space<vmem>> -> memref<128x8xf32, #tpu.memory_space<vmem>>
      %dma_wait3A_185 = arith.constant 0 : i32
      %dma_wait3A_186 = tpu.memref_slice %arg11[%run_scoped3A_68, %dma_wait3A_185] : memref<30x128xi32, #tpu.memory_space<vmem>> -> memref<1x128xi32, #tpu.memory_space<vmem>>
      %dma_wait3A_187 = tpu.memref_squeeze %dma_wait3A_186 : memref<1x128xi32, #tpu.memory_space<vmem>> -> memref<128xi32, #tpu.memory_space<vmem>>
      %dma_wait3A_188 = arith.constant 0 : i32
      %dma_wait3A_189 = arith.constant 0 : i32
      %dma_wait3A_190 = tpu.memref_slice %arg5[%dma_wait3A_188, %dma_wait3A_189] : memref<65664x8xf32, #tpu.memory_space<vmem_shared>> -> memref<65664x8xf32, #tpu.memory_space<vmem_shared>>
      tpu.wait_indirect_dma semaphore(%run_scoped3A_174 : memref<!tpu.dma_semaphore, #tpu.memory_space<semaphore_mem>>) src(%dma_wait3A_184 : memref<128x8xf32, #tpu.memory_space<vmem>>) dst(%dma_wait3A_190 : memref<65664x8xf32, #tpu.memory_space<vmem_shared>>)
      tpu.yield
    }) : () -> ()
    %run_scoped3A_69 = arith.constant 6 : i32
    "tpu.region"() ({
      %run_scoped3A_174 = tpu.sem_alloc : memref<!tpu.dma_semaphore, #tpu.memory_space<semaphore_mem>>
      %dma_start3A = arith.constant 768 : i32
      %dma_start3A_175 = arith.constant 0 : i32
      %dma_start3A_176 = tpu.memref_slice %arg6[%dma_start3A, %dma_start3A_175] : memref<3840x8xf32, #tpu.memory_space<vmem>> -> memref<128x8xf32, #tpu.memory_space<vmem>>
      %dma_start3A_177 = arith.constant 0 : i32
      %dma_start3A_178 = tpu.memref_slice %arg11[%run_scoped3A_69, %dma_start3A_177] : memref<30x128xi32, #tpu.memory_space<vmem>> -> memref<1x128xi32, #tpu.memory_space<vmem>>
      %dma_start3A_179 = tpu.memref_squeeze %dma_start3A_178 : memref<1x128xi32, #tpu.memory_space<vmem>> -> memref<128xi32, #tpu.memory_space<vmem>>
      %dma_start3A_180 = arith.constant 0 : i32
      %dma_start3A_181 = arith.constant 0 : i32
      %dma_start3A_182 = tpu.memref_slice %arg5[%dma_start3A_180, %dma_start3A_181] : memref<65664x8xf32, #tpu.memory_space<vmem_shared>> -> memref<65664x8xf32, #tpu.memory_space<vmem_shared>>
      tpu.enqueue_indirect_dma source(%dma_start3A_176 : memref<128x8xf32, #tpu.memory_space<vmem>>) target(%dma_start3A_182 : memref<65664x8xf32, #tpu.memory_space<vmem_shared>>) offsets(%dma_start3A_179 : memref<128xi32, #tpu.memory_space<vmem>>) semaphore(%run_scoped3A_174 : memref<!tpu.dma_semaphore, #tpu.memory_space<semaphore_mem>>) {add = true}
      %dma_wait3A = arith.constant 768 : i32
      %dma_wait3A_183 = arith.constant 0 : i32
      %dma_wait3A_184 = tpu.memref_slice %arg6[%dma_wait3A, %dma_wait3A_183] : memref<3840x8xf32, #tpu.memory_space<vmem>> -> memref<128x8xf32, #tpu.memory_space<vmem>>
      %dma_wait3A_185 = arith.constant 0 : i32
      %dma_wait3A_186 = tpu.memref_slice %arg11[%run_scoped3A_69, %dma_wait3A_185] : memref<30x128xi32, #tpu.memory_space<vmem>> -> memref<1x128xi32, #tpu.memory_space<vmem>>
      %dma_wait3A_187 = tpu.memref_squeeze %dma_wait3A_186 : memref<1x128xi32, #tpu.memory_space<vmem>> -> memref<128xi32, #tpu.memory_space<vmem>>
      %dma_wait3A_188 = arith.constant 0 : i32
      %dma_wait3A_189 = arith.constant 0 : i32
      %dma_wait3A_190 = tpu.memref_slice %arg5[%dma_wait3A_188, %dma_wait3A_189] : memref<65664x8xf32, #tpu.memory_space<vmem_shared>> -> memref<65664x8xf32, #tpu.memory_space<vmem_shared>>
      tpu.wait_indirect_dma semaphore(%run_scoped3A_174 : memref<!tpu.dma_semaphore, #tpu.memory_space<semaphore_mem>>) src(%dma_wait3A_184 : memref<128x8xf32, #tpu.memory_space<vmem>>) dst(%dma_wait3A_190 : memref<65664x8xf32, #tpu.memory_space<vmem_shared>>)
      tpu.yield
    }) : () -> ()
    %run_scoped3A_70 = arith.constant 7 : i32
    "tpu.region"() ({
      %run_scoped3A_174 = tpu.sem_alloc : memref<!tpu.dma_semaphore, #tpu.memory_space<semaphore_mem>>
      %dma_start3A = arith.constant 896 : i32
      %dma_start3A_175 = arith.constant 0 : i32
      %dma_start3A_176 = tpu.memref_slice %arg6[%dma_start3A, %dma_start3A_175] : memref<3840x8xf32, #tpu.memory_space<vmem>> -> memref<128x8xf32, #tpu.memory_space<vmem>>
      %dma_start3A_177 = arith.constant 0 : i32
      %dma_start3A_178 = tpu.memref_slice %arg11[%run_scoped3A_70, %dma_start3A_177] : memref<30x128xi32, #tpu.memory_space<vmem>> -> memref<1x128xi32, #tpu.memory_space<vmem>>
      %dma_start3A_179 = tpu.memref_squeeze %dma_start3A_178 : memref<1x128xi32, #tpu.memory_space<vmem>> -> memref<128xi32, #tpu.memory_space<vmem>>
      %dma_start3A_180 = arith.constant 0 : i32
      %dma_start3A_181 = arith.constant 0 : i32
      %dma_start3A_182 = tpu.memref_slice %arg5[%dma_start3A_180, %dma_start3A_181] : memref<65664x8xf32, #tpu.memory_space<vmem_shared>> -> memref<65664x8xf32, #tpu.memory_space<vmem_shared>>
      tpu.enqueue_indirect_dma source(%dma_start3A_176 : memref<128x8xf32, #tpu.memory_space<vmem>>) target(%dma_start3A_182 : memref<65664x8xf32, #tpu.memory_space<vmem_shared>>) offsets(%dma_start3A_179 : memref<128xi32, #tpu.memory_space<vmem>>) semaphore(%run_scoped3A_174 : memref<!tpu.dma_semaphore, #tpu.memory_space<semaphore_mem>>) {add = true}
      %dma_wait3A = arith.constant 896 : i32
      %dma_wait3A_183 = arith.constant 0 : i32
      %dma_wait3A_184 = tpu.memref_slice %arg6[%dma_wait3A, %dma_wait3A_183] : memref<3840x8xf32, #tpu.memory_space<vmem>> -> memref<128x8xf32, #tpu.memory_space<vmem>>
      %dma_wait3A_185 = arith.constant 0 : i32
      %dma_wait3A_186 = tpu.memref_slice %arg11[%run_scoped3A_70, %dma_wait3A_185] : memref<30x128xi32, #tpu.memory_space<vmem>> -> memref<1x128xi32, #tpu.memory_space<vmem>>
      %dma_wait3A_187 = tpu.memref_squeeze %dma_wait3A_186 : memref<1x128xi32, #tpu.memory_space<vmem>> -> memref<128xi32, #tpu.memory_space<vmem>>
      %dma_wait3A_188 = arith.constant 0 : i32
      %dma_wait3A_189 = arith.constant 0 : i32
      %dma_wait3A_190 = tpu.memref_slice %arg5[%dma_wait3A_188, %dma_wait3A_189] : memref<65664x8xf32, #tpu.memory_space<vmem_shared>> -> memref<65664x8xf32, #tpu.memory_space<vmem_shared>>
      tpu.wait_indirect_dma semaphore(%run_scoped3A_174 : memref<!tpu.dma_semaphore, #tpu.memory_space<semaphore_mem>>) src(%dma_wait3A_184 : memref<128x8xf32, #tpu.memory_space<vmem>>) dst(%dma_wait3A_190 : memref<65664x8xf32, #tpu.memory_space<vmem_shared>>)
      tpu.yield
    }) : () -> ()
    %run_scoped3A_71 = arith.constant 8 : i32
    "tpu.region"() ({
      %run_scoped3A_174 = tpu.sem_alloc : memref<!tpu.dma_semaphore, #tpu.memory_space<semaphore_mem>>
      %dma_start3A = arith.constant 1024 : i32
      %dma_start3A_175 = arith.constant 0 : i32
      %dma_start3A_176 = tpu.memref_slice %arg6[%dma_start3A, %dma_start3A_175] : memref<3840x8xf32, #tpu.memory_space<vmem>> -> memref<128x8xf32, #tpu.memory_space<vmem>>
      %dma_start3A_177 = arith.constant 0 : i32
      %dma_start3A_178 = tpu.memref_slice %arg11[%run_scoped3A_71, %dma_start3A_177] : memref<30x128xi32, #tpu.memory_space<vmem>> -> memref<1x128xi32, #tpu.memory_space<vmem>>
      %dma_start3A_179 = tpu.memref_squeeze %dma_start3A_178 : memref<1x128xi32, #tpu.memory_space<vmem>> -> memref<128xi32, #tpu.memory_space<vmem>>
      %dma_start3A_180 = arith.constant 0 : i32
      %dma_start3A_181 = arith.constant 0 : i32
      %dma_start3A_182 = tpu.memref_slice %arg5[%dma_start3A_180, %dma_start3A_181] : memref<65664x8xf32, #tpu.memory_space<vmem_shared>> -> memref<65664x8xf32, #tpu.memory_space<vmem_shared>>
      tpu.enqueue_indirect_dma source(%dma_start3A_176 : memref<128x8xf32, #tpu.memory_space<vmem>>) target(%dma_start3A_182 : memref<65664x8xf32, #tpu.memory_space<vmem_shared>>) offsets(%dma_start3A_179 : memref<128xi32, #tpu.memory_space<vmem>>) semaphore(%run_scoped3A_174 : memref<!tpu.dma_semaphore, #tpu.memory_space<semaphore_mem>>) {add = true}
      %dma_wait3A = arith.constant 1024 : i32
      %dma_wait3A_183 = arith.constant 0 : i32
      %dma_wait3A_184 = tpu.memref_slice %arg6[%dma_wait3A, %dma_wait3A_183] : memref<3840x8xf32, #tpu.memory_space<vmem>> -> memref<128x8xf32, #tpu.memory_space<vmem>>
      %dma_wait3A_185 = arith.constant 0 : i32
      %dma_wait3A_186 = tpu.memref_slice %arg11[%run_scoped3A_71, %dma_wait3A_185] : memref<30x128xi32, #tpu.memory_space<vmem>> -> memref<1x128xi32, #tpu.memory_space<vmem>>
      %dma_wait3A_187 = tpu.memref_squeeze %dma_wait3A_186 : memref<1x128xi32, #tpu.memory_space<vmem>> -> memref<128xi32, #tpu.memory_space<vmem>>
      %dma_wait3A_188 = arith.constant 0 : i32
      %dma_wait3A_189 = arith.constant 0 : i32
      %dma_wait3A_190 = tpu.memref_slice %arg5[%dma_wait3A_188, %dma_wait3A_189] : memref<65664x8xf32, #tpu.memory_space<vmem_shared>> -> memref<65664x8xf32, #tpu.memory_space<vmem_shared>>
      tpu.wait_indirect_dma semaphore(%run_scoped3A_174 : memref<!tpu.dma_semaphore, #tpu.memory_space<semaphore_mem>>) src(%dma_wait3A_184 : memref<128x8xf32, #tpu.memory_space<vmem>>) dst(%dma_wait3A_190 : memref<65664x8xf32, #tpu.memory_space<vmem_shared>>)
      tpu.yield
    }) : () -> ()
    %run_scoped3A_72 = arith.constant 9 : i32
    "tpu.region"() ({
      %run_scoped3A_174 = tpu.sem_alloc : memref<!tpu.dma_semaphore, #tpu.memory_space<semaphore_mem>>
      %dma_start3A = arith.constant 1152 : i32
      %dma_start3A_175 = arith.constant 0 : i32
      %dma_start3A_176 = tpu.memref_slice %arg6[%dma_start3A, %dma_start3A_175] : memref<3840x8xf32, #tpu.memory_space<vmem>> -> memref<128x8xf32, #tpu.memory_space<vmem>>
      %dma_start3A_177 = arith.constant 0 : i32
      %dma_start3A_178 = tpu.memref_slice %arg11[%run_scoped3A_72, %dma_start3A_177] : memref<30x128xi32, #tpu.memory_space<vmem>> -> memref<1x128xi32, #tpu.memory_space<vmem>>
      %dma_start3A_179 = tpu.memref_squeeze %dma_start3A_178 : memref<1x128xi32, #tpu.memory_space<vmem>> -> memref<128xi32, #tpu.memory_space<vmem>>
      %dma_start3A_180 = arith.constant 0 : i32
      %dma_start3A_181 = arith.constant 0 : i32
      %dma_start3A_182 = tpu.memref_slice %arg5[%dma_start3A_180, %dma_start3A_181] : memref<65664x8xf32, #tpu.memory_space<vmem_shared>> -> memref<65664x8xf32, #tpu.memory_space<vmem_shared>>
      tpu.enqueue_indirect_dma source(%dma_start3A_176 : memref<128x8xf32, #tpu.memory_space<vmem>>) target(%dma_start3A_182 : memref<65664x8xf32, #tpu.memory_space<vmem_shared>>) offsets(%dma_start3A_179 : memref<128xi32, #tpu.memory_space<vmem>>) semaphore(%run_scoped3A_174 : memref<!tpu.dma_semaphore, #tpu.memory_space<semaphore_mem>>) {add = true}
      %dma_wait3A = arith.constant 1152 : i32
      %dma_wait3A_183 = arith.constant 0 : i32
      %dma_wait3A_184 = tpu.memref_slice %arg6[%dma_wait3A, %dma_wait3A_183] : memref<3840x8xf32, #tpu.memory_space<vmem>> -> memref<128x8xf32, #tpu.memory_space<vmem>>
      %dma_wait3A_185 = arith.constant 0 : i32
      %dma_wait3A_186 = tpu.memref_slice %arg11[%run_scoped3A_72, %dma_wait3A_185] : memref<30x128xi32, #tpu.memory_space<vmem>> -> memref<1x128xi32, #tpu.memory_space<vmem>>
      %dma_wait3A_187 = tpu.memref_squeeze %dma_wait3A_186 : memref<1x128xi32, #tpu.memory_space<vmem>> -> memref<128xi32, #tpu.memory_space<vmem>>
      %dma_wait3A_188 = arith.constant 0 : i32
      %dma_wait3A_189 = arith.constant 0 : i32
      %dma_wait3A_190 = tpu.memref_slice %arg5[%dma_wait3A_188, %dma_wait3A_189] : memref<65664x8xf32, #tpu.memory_space<vmem_shared>> -> memref<65664x8xf32, #tpu.memory_space<vmem_shared>>
      tpu.wait_indirect_dma semaphore(%run_scoped3A_174 : memref<!tpu.dma_semaphore, #tpu.memory_space<semaphore_mem>>) src(%dma_wait3A_184 : memref<128x8xf32, #tpu.memory_space<vmem>>) dst(%dma_wait3A_190 : memref<65664x8xf32, #tpu.memory_space<vmem_shared>>)
      tpu.yield
    }) : () -> ()
    %run_scoped3A_73 = arith.constant 10 : i32
    "tpu.region"() ({
      %run_scoped3A_174 = tpu.sem_alloc : memref<!tpu.dma_semaphore, #tpu.memory_space<semaphore_mem>>
      %dma_start3A = arith.constant 1280 : i32
      %dma_start3A_175 = arith.constant 0 : i32
      %dma_start3A_176 = tpu.memref_slice %arg6[%dma_start3A, %dma_start3A_175] : memref<3840x8xf32, #tpu.memory_space<vmem>> -> memref<128x8xf32, #tpu.memory_space<vmem>>
      %dma_start3A_177 = arith.constant 0 : i32
      %dma_start3A_178 = tpu.memref_slice %arg11[%run_scoped3A_73, %dma_start3A_177] : memref<30x128xi32, #tpu.memory_space<vmem>> -> memref<1x128xi32, #tpu.memory_space<vmem>>
      %dma_start3A_179 = tpu.memref_squeeze %dma_start3A_178 : memref<1x128xi32, #tpu.memory_space<vmem>> -> memref<128xi32, #tpu.memory_space<vmem>>
      %dma_start3A_180 = arith.constant 0 : i32
      %dma_start3A_181 = arith.constant 0 : i32
      %dma_start3A_182 = tpu.memref_slice %arg5[%dma_start3A_180, %dma_start3A_181] : memref<65664x8xf32, #tpu.memory_space<vmem_shared>> -> memref<65664x8xf32, #tpu.memory_space<vmem_shared>>
      tpu.enqueue_indirect_dma source(%dma_start3A_176 : memref<128x8xf32, #tpu.memory_space<vmem>>) target(%dma_start3A_182 : memref<65664x8xf32, #tpu.memory_space<vmem_shared>>) offsets(%dma_start3A_179 : memref<128xi32, #tpu.memory_space<vmem>>) semaphore(%run_scoped3A_174 : memref<!tpu.dma_semaphore, #tpu.memory_space<semaphore_mem>>) {add = true}
      %dma_wait3A = arith.constant 1280 : i32
      %dma_wait3A_183 = arith.constant 0 : i32
      %dma_wait3A_184 = tpu.memref_slice %arg6[%dma_wait3A, %dma_wait3A_183] : memref<3840x8xf32, #tpu.memory_space<vmem>> -> memref<128x8xf32, #tpu.memory_space<vmem>>
      %dma_wait3A_185 = arith.constant 0 : i32
      %dma_wait3A_186 = tpu.memref_slice %arg11[%run_scoped3A_73, %dma_wait3A_185] : memref<30x128xi32, #tpu.memory_space<vmem>> -> memref<1x128xi32, #tpu.memory_space<vmem>>
      %dma_wait3A_187 = tpu.memref_squeeze %dma_wait3A_186 : memref<1x128xi32, #tpu.memory_space<vmem>> -> memref<128xi32, #tpu.memory_space<vmem>>
      %dma_wait3A_188 = arith.constant 0 : i32
      %dma_wait3A_189 = arith.constant 0 : i32
      %dma_wait3A_190 = tpu.memref_slice %arg5[%dma_wait3A_188, %dma_wait3A_189] : memref<65664x8xf32, #tpu.memory_space<vmem_shared>> -> memref<65664x8xf32, #tpu.memory_space<vmem_shared>>
      tpu.wait_indirect_dma semaphore(%run_scoped3A_174 : memref<!tpu.dma_semaphore, #tpu.memory_space<semaphore_mem>>) src(%dma_wait3A_184 : memref<128x8xf32, #tpu.memory_space<vmem>>) dst(%dma_wait3A_190 : memref<65664x8xf32, #tpu.memory_space<vmem_shared>>)
      tpu.yield
    }) : () -> ()
    %run_scoped3A_74 = arith.constant 11 : i32
    "tpu.region"() ({
      %run_scoped3A_174 = tpu.sem_alloc : memref<!tpu.dma_semaphore, #tpu.memory_space<semaphore_mem>>
      %dma_start3A = arith.constant 1408 : i32
      %dma_start3A_175 = arith.constant 0 : i32
      %dma_start3A_176 = tpu.memref_slice %arg6[%dma_start3A, %dma_start3A_175] : memref<3840x8xf32, #tpu.memory_space<vmem>> -> memref<128x8xf32, #tpu.memory_space<vmem>>
      %dma_start3A_177 = arith.constant 0 : i32
      %dma_start3A_178 = tpu.memref_slice %arg11[%run_scoped3A_74, %dma_start3A_177] : memref<30x128xi32, #tpu.memory_space<vmem>> -> memref<1x128xi32, #tpu.memory_space<vmem>>
      %dma_start3A_179 = tpu.memref_squeeze %dma_start3A_178 : memref<1x128xi32, #tpu.memory_space<vmem>> -> memref<128xi32, #tpu.memory_space<vmem>>
      %dma_start3A_180 = arith.constant 0 : i32
      %dma_start3A_181 = arith.constant 0 : i32
      %dma_start3A_182 = tpu.memref_slice %arg5[%dma_start3A_180, %dma_start3A_181] : memref<65664x8xf32, #tpu.memory_space<vmem_shared>> -> memref<65664x8xf32, #tpu.memory_space<vmem_shared>>
      tpu.enqueue_indirect_dma source(%dma_start3A_176 : memref<128x8xf32, #tpu.memory_space<vmem>>) target(%dma_start3A_182 : memref<65664x8xf32, #tpu.memory_space<vmem_shared>>) offsets(%dma_start3A_179 : memref<128xi32, #tpu.memory_space<vmem>>) semaphore(%run_scoped3A_174 : memref<!tpu.dma_semaphore, #tpu.memory_space<semaphore_mem>>) {add = true}
      %dma_wait3A = arith.constant 1408 : i32
      %dma_wait3A_183 = arith.constant 0 : i32
      %dma_wait3A_184 = tpu.memref_slice %arg6[%dma_wait3A, %dma_wait3A_183] : memref<3840x8xf32, #tpu.memory_space<vmem>> -> memref<128x8xf32, #tpu.memory_space<vmem>>
      %dma_wait3A_185 = arith.constant 0 : i32
      %dma_wait3A_186 = tpu.memref_slice %arg11[%run_scoped3A_74, %dma_wait3A_185] : memref<30x128xi32, #tpu.memory_space<vmem>> -> memref<1x128xi32, #tpu.memory_space<vmem>>
      %dma_wait3A_187 = tpu.memref_squeeze %dma_wait3A_186 : memref<1x128xi32, #tpu.memory_space<vmem>> -> memref<128xi32, #tpu.memory_space<vmem>>
      %dma_wait3A_188 = arith.constant 0 : i32
      %dma_wait3A_189 = arith.constant 0 : i32
      %dma_wait3A_190 = tpu.memref_slice %arg5[%dma_wait3A_188, %dma_wait3A_189] : memref<65664x8xf32, #tpu.memory_space<vmem_shared>> -> memref<65664x8xf32, #tpu.memory_space<vmem_shared>>
      tpu.wait_indirect_dma semaphore(%run_scoped3A_174 : memref<!tpu.dma_semaphore, #tpu.memory_space<semaphore_mem>>) src(%dma_wait3A_184 : memref<128x8xf32, #tpu.memory_space<vmem>>) dst(%dma_wait3A_190 : memref<65664x8xf32, #tpu.memory_space<vmem_shared>>)
      tpu.yield
    }) : () -> ()
    %run_scoped3A_75 = arith.constant 12 : i32
    "tpu.region"() ({
      %run_scoped3A_174 = tpu.sem_alloc : memref<!tpu.dma_semaphore, #tpu.memory_space<semaphore_mem>>
      %dma_start3A = arith.constant 1536 : i32
      %dma_start3A_175 = arith.constant 0 : i32
      %dma_start3A_176 = tpu.memref_slice %arg6[%dma_start3A, %dma_start3A_175] : memref<3840x8xf32, #tpu.memory_space<vmem>> -> memref<128x8xf32, #tpu.memory_space<vmem>>
      %dma_start3A_177 = arith.constant 0 : i32
      %dma_start3A_178 = tpu.memref_slice %arg11[%run_scoped3A_75, %dma_start3A_177] : memref<30x128xi32, #tpu.memory_space<vmem>> -> memref<1x128xi32, #tpu.memory_space<vmem>>
      %dma_start3A_179 = tpu.memref_squeeze %dma_start3A_178 : memref<1x128xi32, #tpu.memory_space<vmem>> -> memref<128xi32, #tpu.memory_space<vmem>>
      %dma_start3A_180 = arith.constant 0 : i32
      %dma_start3A_181 = arith.constant 0 : i32
      %dma_start3A_182 = tpu.memref_slice %arg5[%dma_start3A_180, %dma_start3A_181] : memref<65664x8xf32, #tpu.memory_space<vmem_shared>> -> memref<65664x8xf32, #tpu.memory_space<vmem_shared>>
      tpu.enqueue_indirect_dma source(%dma_start3A_176 : memref<128x8xf32, #tpu.memory_space<vmem>>) target(%dma_start3A_182 : memref<65664x8xf32, #tpu.memory_space<vmem_shared>>) offsets(%dma_start3A_179 : memref<128xi32, #tpu.memory_space<vmem>>) semaphore(%run_scoped3A_174 : memref<!tpu.dma_semaphore, #tpu.memory_space<semaphore_mem>>) {add = true}
      %dma_wait3A = arith.constant 1536 : i32
      %dma_wait3A_183 = arith.constant 0 : i32
      %dma_wait3A_184 = tpu.memref_slice %arg6[%dma_wait3A, %dma_wait3A_183] : memref<3840x8xf32, #tpu.memory_space<vmem>> -> memref<128x8xf32, #tpu.memory_space<vmem>>
      %dma_wait3A_185 = arith.constant 0 : i32
      %dma_wait3A_186 = tpu.memref_slice %arg11[%run_scoped3A_75, %dma_wait3A_185] : memref<30x128xi32, #tpu.memory_space<vmem>> -> memref<1x128xi32, #tpu.memory_space<vmem>>
      %dma_wait3A_187 = tpu.memref_squeeze %dma_wait3A_186 : memref<1x128xi32, #tpu.memory_space<vmem>> -> memref<128xi32, #tpu.memory_space<vmem>>
      %dma_wait3A_188 = arith.constant 0 : i32
      %dma_wait3A_189 = arith.constant 0 : i32
      %dma_wait3A_190 = tpu.memref_slice %arg5[%dma_wait3A_188, %dma_wait3A_189] : memref<65664x8xf32, #tpu.memory_space<vmem_shared>> -> memref<65664x8xf32, #tpu.memory_space<vmem_shared>>
      tpu.wait_indirect_dma semaphore(%run_scoped3A_174 : memref<!tpu.dma_semaphore, #tpu.memory_space<semaphore_mem>>) src(%dma_wait3A_184 : memref<128x8xf32, #tpu.memory_space<vmem>>) dst(%dma_wait3A_190 : memref<65664x8xf32, #tpu.memory_space<vmem_shared>>)
      tpu.yield
    }) : () -> ()
    %run_scoped3A_76 = arith.constant 13 : i32
    "tpu.region"() ({
      %run_scoped3A_174 = tpu.sem_alloc : memref<!tpu.dma_semaphore, #tpu.memory_space<semaphore_mem>>
      %dma_start3A = arith.constant 1664 : i32
      %dma_start3A_175 = arith.constant 0 : i32
      %dma_start3A_176 = tpu.memref_slice %arg6[%dma_start3A, %dma_start3A_175] : memref<3840x8xf32, #tpu.memory_space<vmem>> -> memref<128x8xf32, #tpu.memory_space<vmem>>
      %dma_start3A_177 = arith.constant 0 : i32
      %dma_start3A_178 = tpu.memref_slice %arg11[%run_scoped3A_76, %dma_start3A_177] : memref<30x128xi32, #tpu.memory_space<vmem>> -> memref<1x128xi32, #tpu.memory_space<vmem>>
      %dma_start3A_179 = tpu.memref_squeeze %dma_start3A_178 : memref<1x128xi32, #tpu.memory_space<vmem>> -> memref<128xi32, #tpu.memory_space<vmem>>
      %dma_start3A_180 = arith.constant 0 : i32
      %dma_start3A_181 = arith.constant 0 : i32
      %dma_start3A_182 = tpu.memref_slice %arg5[%dma_start3A_180, %dma_start3A_181] : memref<65664x8xf32, #tpu.memory_space<vmem_shared>> -> memref<65664x8xf32, #tpu.memory_space<vmem_shared>>
      tpu.enqueue_indirect_dma source(%dma_start3A_176 : memref<128x8xf32, #tpu.memory_space<vmem>>) target(%dma_start3A_182 : memref<65664x8xf32, #tpu.memory_space<vmem_shared>>) offsets(%dma_start3A_179 : memref<128xi32, #tpu.memory_space<vmem>>) semaphore(%run_scoped3A_174 : memref<!tpu.dma_semaphore, #tpu.memory_space<semaphore_mem>>) {add = true}
      %dma_wait3A = arith.constant 1664 : i32
      %dma_wait3A_183 = arith.constant 0 : i32
      %dma_wait3A_184 = tpu.memref_slice %arg6[%dma_wait3A, %dma_wait3A_183] : memref<3840x8xf32, #tpu.memory_space<vmem>> -> memref<128x8xf32, #tpu.memory_space<vmem>>
      %dma_wait3A_185 = arith.constant 0 : i32
      %dma_wait3A_186 = tpu.memref_slice %arg11[%run_scoped3A_76, %dma_wait3A_185] : memref<30x128xi32, #tpu.memory_space<vmem>> -> memref<1x128xi32, #tpu.memory_space<vmem>>
      %dma_wait3A_187 = tpu.memref_squeeze %dma_wait3A_186 : memref<1x128xi32, #tpu.memory_space<vmem>> -> memref<128xi32, #tpu.memory_space<vmem>>
      %dma_wait3A_188 = arith.constant 0 : i32
      %dma_wait3A_189 = arith.constant 0 : i32
      %dma_wait3A_190 = tpu.memref_slice %arg5[%dma_wait3A_188, %dma_wait3A_189] : memref<65664x8xf32, #tpu.memory_space<vmem_shared>> -> memref<65664x8xf32, #tpu.memory_space<vmem_shared>>
      tpu.wait_indirect_dma semaphore(%run_scoped3A_174 : memref<!tpu.dma_semaphore, #tpu.memory_space<semaphore_mem>>) src(%dma_wait3A_184 : memref<128x8xf32, #tpu.memory_space<vmem>>) dst(%dma_wait3A_190 : memref<65664x8xf32, #tpu.memory_space<vmem_shared>>)
      tpu.yield
    }) : () -> ()
    %run_scoped3A_77 = arith.constant 14 : i32
    "tpu.region"() ({
      %run_scoped3A_174 = tpu.sem_alloc : memref<!tpu.dma_semaphore, #tpu.memory_space<semaphore_mem>>
      %dma_start3A = arith.constant 1792 : i32
      %dma_start3A_175 = arith.constant 0 : i32
      %dma_start3A_176 = tpu.memref_slice %arg6[%dma_start3A, %dma_start3A_175] : memref<3840x8xf32, #tpu.memory_space<vmem>> -> memref<128x8xf32, #tpu.memory_space<vmem>>
      %dma_start3A_177 = arith.constant 0 : i32
      %dma_start3A_178 = tpu.memref_slice %arg11[%run_scoped3A_77, %dma_start3A_177] : memref<30x128xi32, #tpu.memory_space<vmem>> -> memref<1x128xi32, #tpu.memory_space<vmem>>
      %dma_start3A_179 = tpu.memref_squeeze %dma_start3A_178 : memref<1x128xi32, #tpu.memory_space<vmem>> -> memref<128xi32, #tpu.memory_space<vmem>>
      %dma_start3A_180 = arith.constant 0 : i32
      %dma_start3A_181 = arith.constant 0 : i32
      %dma_start3A_182 = tpu.memref_slice %arg5[%dma_start3A_180, %dma_start3A_181] : memref<65664x8xf32, #tpu.memory_space<vmem_shared>> -> memref<65664x8xf32, #tpu.memory_space<vmem_shared>>
      tpu.enqueue_indirect_dma source(%dma_start3A_176 : memref<128x8xf32, #tpu.memory_space<vmem>>) target(%dma_start3A_182 : memref<65664x8xf32, #tpu.memory_space<vmem_shared>>) offsets(%dma_start3A_179 : memref<128xi32, #tpu.memory_space<vmem>>) semaphore(%run_scoped3A_174 : memref<!tpu.dma_semaphore, #tpu.memory_space<semaphore_mem>>) {add = true}
      %dma_wait3A = arith.constant 1792 : i32
      %dma_wait3A_183 = arith.constant 0 : i32
      %dma_wait3A_184 = tpu.memref_slice %arg6[%dma_wait3A, %dma_wait3A_183] : memref<3840x8xf32, #tpu.memory_space<vmem>> -> memref<128x8xf32, #tpu.memory_space<vmem>>
      %dma_wait3A_185 = arith.constant 0 : i32
      %dma_wait3A_186 = tpu.memref_slice %arg11[%run_scoped3A_77, %dma_wait3A_185] : memref<30x128xi32, #tpu.memory_space<vmem>> -> memref<1x128xi32, #tpu.memory_space<vmem>>
      %dma_wait3A_187 = tpu.memref_squeeze %dma_wait3A_186 : memref<1x128xi32, #tpu.memory_space<vmem>> -> memref<128xi32, #tpu.memory_space<vmem>>
      %dma_wait3A_188 = arith.constant 0 : i32
      %dma_wait3A_189 = arith.constant 0 : i32
      %dma_wait3A_190 = tpu.memref_slice %arg5[%dma_wait3A_188, %dma_wait3A_189] : memref<65664x8xf32, #tpu.memory_space<vmem_shared>> -> memref<65664x8xf32, #tpu.memory_space<vmem_shared>>
      tpu.wait_indirect_dma semaphore(%run_scoped3A_174 : memref<!tpu.dma_semaphore, #tpu.memory_space<semaphore_mem>>) src(%dma_wait3A_184 : memref<128x8xf32, #tpu.memory_space<vmem>>) dst(%dma_wait3A_190 : memref<65664x8xf32, #tpu.memory_space<vmem_shared>>)
      tpu.yield
    }) : () -> ()
    %run_scoped3A_78 = arith.constant 15 : i32
    "tpu.region"() ({
      %run_scoped3A_174 = tpu.sem_alloc : memref<!tpu.dma_semaphore, #tpu.memory_space<semaphore_mem>>
      %dma_start3A = arith.constant 1920 : i32
      %dma_start3A_175 = arith.constant 0 : i32
      %dma_start3A_176 = tpu.memref_slice %arg6[%dma_start3A, %dma_start3A_175] : memref<3840x8xf32, #tpu.memory_space<vmem>> -> memref<128x8xf32, #tpu.memory_space<vmem>>
      %dma_start3A_177 = arith.constant 0 : i32
      %dma_start3A_178 = tpu.memref_slice %arg11[%run_scoped3A_78, %dma_start3A_177] : memref<30x128xi32, #tpu.memory_space<vmem>> -> memref<1x128xi32, #tpu.memory_space<vmem>>
      %dma_start3A_179 = tpu.memref_squeeze %dma_start3A_178 : memref<1x128xi32, #tpu.memory_space<vmem>> -> memref<128xi32, #tpu.memory_space<vmem>>
      %dma_start3A_180 = arith.constant 0 : i32
      %dma_start3A_181 = arith.constant 0 : i32
      %dma_start3A_182 = tpu.memref_slice %arg5[%dma_start3A_180, %dma_start3A_181] : memref<65664x8xf32, #tpu.memory_space<vmem_shared>> -> memref<65664x8xf32, #tpu.memory_space<vmem_shared>>
      tpu.enqueue_indirect_dma source(%dma_start3A_176 : memref<128x8xf32, #tpu.memory_space<vmem>>) target(%dma_start3A_182 : memref<65664x8xf32, #tpu.memory_space<vmem_shared>>) offsets(%dma_start3A_179 : memref<128xi32, #tpu.memory_space<vmem>>) semaphore(%run_scoped3A_174 : memref<!tpu.dma_semaphore, #tpu.memory_space<semaphore_mem>>) {add = true}
      %dma_wait3A = arith.constant 1920 : i32
      %dma_wait3A_183 = arith.constant 0 : i32
      %dma_wait3A_184 = tpu.memref_slice %arg6[%dma_wait3A, %dma_wait3A_183] : memref<3840x8xf32, #tpu.memory_space<vmem>> -> memref<128x8xf32, #tpu.memory_space<vmem>>
      %dma_wait3A_185 = arith.constant 0 : i32
      %dma_wait3A_186 = tpu.memref_slice %arg11[%run_scoped3A_78, %dma_wait3A_185] : memref<30x128xi32, #tpu.memory_space<vmem>> -> memref<1x128xi32, #tpu.memory_space<vmem>>
      %dma_wait3A_187 = tpu.memref_squeeze %dma_wait3A_186 : memref<1x128xi32, #tpu.memory_space<vmem>> -> memref<128xi32, #tpu.memory_space<vmem>>
      %dma_wait3A_188 = arith.constant 0 : i32
      %dma_wait3A_189 = arith.constant 0 : i32
      %dma_wait3A_190 = tpu.memref_slice %arg5[%dma_wait3A_188, %dma_wait3A_189] : memref<65664x8xf32, #tpu.memory_space<vmem_shared>> -> memref<65664x8xf32, #tpu.memory_space<vmem_shared>>
      tpu.wait_indirect_dma semaphore(%run_scoped3A_174 : memref<!tpu.dma_semaphore, #tpu.memory_space<semaphore_mem>>) src(%dma_wait3A_184 : memref<128x8xf32, #tpu.memory_space<vmem>>) dst(%dma_wait3A_190 : memref<65664x8xf32, #tpu.memory_space<vmem_shared>>)
      tpu.yield
    }) : () -> ()
    %run_scoped3A_79 = arith.constant 16 : i32
    "tpu.region"() ({
      %run_scoped3A_174 = tpu.sem_alloc : memref<!tpu.dma_semaphore, #tpu.memory_space<semaphore_mem>>
      %dma_start3A = arith.constant 2048 : i32
      %dma_start3A_175 = arith.constant 0 : i32
      %dma_start3A_176 = tpu.memref_slice %arg6[%dma_start3A, %dma_start3A_175] : memref<3840x8xf32, #tpu.memory_space<vmem>> -> memref<128x8xf32, #tpu.memory_space<vmem>>
      %dma_start3A_177 = arith.constant 0 : i32
      %dma_start3A_178 = tpu.memref_slice %arg11[%run_scoped3A_79, %dma_start3A_177] : memref<30x128xi32, #tpu.memory_space<vmem>> -> memref<1x128xi32, #tpu.memory_space<vmem>>
      %dma_start3A_179 = tpu.memref_squeeze %dma_start3A_178 : memref<1x128xi32, #tpu.memory_space<vmem>> -> memref<128xi32, #tpu.memory_space<vmem>>
      %dma_start3A_180 = arith.constant 0 : i32
      %dma_start3A_181 = arith.constant 0 : i32
      %dma_start3A_182 = tpu.memref_slice %arg5[%dma_start3A_180, %dma_start3A_181] : memref<65664x8xf32, #tpu.memory_space<vmem_shared>> -> memref<65664x8xf32, #tpu.memory_space<vmem_shared>>
      tpu.enqueue_indirect_dma source(%dma_start3A_176 : memref<128x8xf32, #tpu.memory_space<vmem>>) target(%dma_start3A_182 : memref<65664x8xf32, #tpu.memory_space<vmem_shared>>) offsets(%dma_start3A_179 : memref<128xi32, #tpu.memory_space<vmem>>) semaphore(%run_scoped3A_174 : memref<!tpu.dma_semaphore, #tpu.memory_space<semaphore_mem>>) {add = true}
      %dma_wait3A = arith.constant 2048 : i32
      %dma_wait3A_183 = arith.constant 0 : i32
      %dma_wait3A_184 = tpu.memref_slice %arg6[%dma_wait3A, %dma_wait3A_183] : memref<3840x8xf32, #tpu.memory_space<vmem>> -> memref<128x8xf32, #tpu.memory_space<vmem>>
      %dma_wait3A_185 = arith.constant 0 : i32
      %dma_wait3A_186 = tpu.memref_slice %arg11[%run_scoped3A_79, %dma_wait3A_185] : memref<30x128xi32, #tpu.memory_space<vmem>> -> memref<1x128xi32, #tpu.memory_space<vmem>>
      %dma_wait3A_187 = tpu.memref_squeeze %dma_wait3A_186 : memref<1x128xi32, #tpu.memory_space<vmem>> -> memref<128xi32, #tpu.memory_space<vmem>>
      %dma_wait3A_188 = arith.constant 0 : i32
      %dma_wait3A_189 = arith.constant 0 : i32
      %dma_wait3A_190 = tpu.memref_slice %arg5[%dma_wait3A_188, %dma_wait3A_189] : memref<65664x8xf32, #tpu.memory_space<vmem_shared>> -> memref<65664x8xf32, #tpu.memory_space<vmem_shared>>
      tpu.wait_indirect_dma semaphore(%run_scoped3A_174 : memref<!tpu.dma_semaphore, #tpu.memory_space<semaphore_mem>>) src(%dma_wait3A_184 : memref<128x8xf32, #tpu.memory_space<vmem>>) dst(%dma_wait3A_190 : memref<65664x8xf32, #tpu.memory_space<vmem_shared>>)
      tpu.yield
    }) : () -> ()
    %run_scoped3A_80 = arith.constant 17 : i32
    "tpu.region"() ({
      %run_scoped3A_174 = tpu.sem_alloc : memref<!tpu.dma_semaphore, #tpu.memory_space<semaphore_mem>>
      %dma_start3A = arith.constant 2176 : i32
      %dma_start3A_175 = arith.constant 0 : i32
      %dma_start3A_176 = tpu.memref_slice %arg6[%dma_start3A, %dma_start3A_175] : memref<3840x8xf32, #tpu.memory_space<vmem>> -> memref<128x8xf32, #tpu.memory_space<vmem>>
      %dma_start3A_177 = arith.constant 0 : i32
      %dma_start3A_178 = tpu.memref_slice %arg11[%run_scoped3A_80, %dma_start3A_177] : memref<30x128xi32, #tpu.memory_space<vmem>> -> memref<1x128xi32, #tpu.memory_space<vmem>>
      %dma_start3A_179 = tpu.memref_squeeze %dma_start3A_178 : memref<1x128xi32, #tpu.memory_space<vmem>> -> memref<128xi32, #tpu.memory_space<vmem>>
      %dma_start3A_180 = arith.constant 0 : i32
      %dma_start3A_181 = arith.constant 0 : i32
      %dma_start3A_182 = tpu.memref_slice %arg5[%dma_start3A_180, %dma_start3A_181] : memref<65664x8xf32, #tpu.memory_space<vmem_shared>> -> memref<65664x8xf32, #tpu.memory_space<vmem_shared>>
      tpu.enqueue_indirect_dma source(%dma_start3A_176 : memref<128x8xf32, #tpu.memory_space<vmem>>) target(%dma_start3A_182 : memref<65664x8xf32, #tpu.memory_space<vmem_shared>>) offsets(%dma_start3A_179 : memref<128xi32, #tpu.memory_space<vmem>>) semaphore(%run_scoped3A_174 : memref<!tpu.dma_semaphore, #tpu.memory_space<semaphore_mem>>) {add = true}
      %dma_wait3A = arith.constant 2176 : i32
      %dma_wait3A_183 = arith.constant 0 : i32
      %dma_wait3A_184 = tpu.memref_slice %arg6[%dma_wait3A, %dma_wait3A_183] : memref<3840x8xf32, #tpu.memory_space<vmem>> -> memref<128x8xf32, #tpu.memory_space<vmem>>
      %dma_wait3A_185 = arith.constant 0 : i32
      %dma_wait3A_186 = tpu.memref_slice %arg11[%run_scoped3A_80, %dma_wait3A_185] : memref<30x128xi32, #tpu.memory_space<vmem>> -> memref<1x128xi32, #tpu.memory_space<vmem>>
      %dma_wait3A_187 = tpu.memref_squeeze %dma_wait3A_186 : memref<1x128xi32, #tpu.memory_space<vmem>> -> memref<128xi32, #tpu.memory_space<vmem>>
      %dma_wait3A_188 = arith.constant 0 : i32
      %dma_wait3A_189 = arith.constant 0 : i32
      %dma_wait3A_190 = tpu.memref_slice %arg5[%dma_wait3A_188, %dma_wait3A_189] : memref<65664x8xf32, #tpu.memory_space<vmem_shared>> -> memref<65664x8xf32, #tpu.memory_space<vmem_shared>>
      tpu.wait_indirect_dma semaphore(%run_scoped3A_174 : memref<!tpu.dma_semaphore, #tpu.memory_space<semaphore_mem>>) src(%dma_wait3A_184 : memref<128x8xf32, #tpu.memory_space<vmem>>) dst(%dma_wait3A_190 : memref<65664x8xf32, #tpu.memory_space<vmem_shared>>)
      tpu.yield
    }) : () -> ()
    %run_scoped3A_81 = arith.constant 18 : i32
    "tpu.region"() ({
      %run_scoped3A_174 = tpu.sem_alloc : memref<!tpu.dma_semaphore, #tpu.memory_space<semaphore_mem>>
      %dma_start3A = arith.constant 2304 : i32
      %dma_start3A_175 = arith.constant 0 : i32
      %dma_start3A_176 = tpu.memref_slice %arg6[%dma_start3A, %dma_start3A_175] : memref<3840x8xf32, #tpu.memory_space<vmem>> -> memref<128x8xf32, #tpu.memory_space<vmem>>
      %dma_start3A_177 = arith.constant 0 : i32
      %dma_start3A_178 = tpu.memref_slice %arg11[%run_scoped3A_81, %dma_start3A_177] : memref<30x128xi32, #tpu.memory_space<vmem>> -> memref<1x128xi32, #tpu.memory_space<vmem>>
      %dma_start3A_179 = tpu.memref_squeeze %dma_start3A_178 : memref<1x128xi32, #tpu.memory_space<vmem>> -> memref<128xi32, #tpu.memory_space<vmem>>
      %dma_start3A_180 = arith.constant 0 : i32
      %dma_start3A_181 = arith.constant 0 : i32
      %dma_start3A_182 = tpu.memref_slice %arg5[%dma_start3A_180, %dma_start3A_181] : memref<65664x8xf32, #tpu.memory_space<vmem_shared>> -> memref<65664x8xf32, #tpu.memory_space<vmem_shared>>
      tpu.enqueue_indirect_dma source(%dma_start3A_176 : memref<128x8xf32, #tpu.memory_space<vmem>>) target(%dma_start3A_182 : memref<65664x8xf32, #tpu.memory_space<vmem_shared>>) offsets(%dma_start3A_179 : memref<128xi32, #tpu.memory_space<vmem>>) semaphore(%run_scoped3A_174 : memref<!tpu.dma_semaphore, #tpu.memory_space<semaphore_mem>>) {add = true}
      %dma_wait3A = arith.constant 2304 : i32
      %dma_wait3A_183 = arith.constant 0 : i32
      %dma_wait3A_184 = tpu.memref_slice %arg6[%dma_wait3A, %dma_wait3A_183] : memref<3840x8xf32, #tpu.memory_space<vmem>> -> memref<128x8xf32, #tpu.memory_space<vmem>>
      %dma_wait3A_185 = arith.constant 0 : i32
      %dma_wait3A_186 = tpu.memref_slice %arg11[%run_scoped3A_81, %dma_wait3A_185] : memref<30x128xi32, #tpu.memory_space<vmem>> -> memref<1x128xi32, #tpu.memory_space<vmem>>
      %dma_wait3A_187 = tpu.memref_squeeze %dma_wait3A_186 : memref<1x128xi32, #tpu.memory_space<vmem>> -> memref<128xi32, #tpu.memory_space<vmem>>
      %dma_wait3A_188 = arith.constant 0 : i32
      %dma_wait3A_189 = arith.constant 0 : i32
      %dma_wait3A_190 = tpu.memref_slice %arg5[%dma_wait3A_188, %dma_wait3A_189] : memref<65664x8xf32, #tpu.memory_space<vmem_shared>> -> memref<65664x8xf32, #tpu.memory_space<vmem_shared>>
      tpu.wait_indirect_dma semaphore(%run_scoped3A_174 : memref<!tpu.dma_semaphore, #tpu.memory_space<semaphore_mem>>) src(%dma_wait3A_184 : memref<128x8xf32, #tpu.memory_space<vmem>>) dst(%dma_wait3A_190 : memref<65664x8xf32, #tpu.memory_space<vmem_shared>>)
      tpu.yield
    }) : () -> ()
    %run_scoped3A_82 = arith.constant 19 : i32
    "tpu.region"() ({
      %run_scoped3A_174 = tpu.sem_alloc : memref<!tpu.dma_semaphore, #tpu.memory_space<semaphore_mem>>
      %dma_start3A = arith.constant 2432 : i32
      %dma_start3A_175 = arith.constant 0 : i32
      %dma_start3A_176 = tpu.memref_slice %arg6[%dma_start3A, %dma_start3A_175] : memref<3840x8xf32, #tpu.memory_space<vmem>> -> memref<128x8xf32, #tpu.memory_space<vmem>>
      %dma_start3A_177 = arith.constant 0 : i32
      %dma_start3A_178 = tpu.memref_slice %arg11[%run_scoped3A_82, %dma_start3A_177] : memref<30x128xi32, #tpu.memory_space<vmem>> -> memref<1x128xi32, #tpu.memory_space<vmem>>
      %dma_start3A_179 = tpu.memref_squeeze %dma_start3A_178 : memref<1x128xi32, #tpu.memory_space<vmem>> -> memref<128xi32, #tpu.memory_space<vmem>>
      %dma_start3A_180 = arith.constant 0 : i32
      %dma_start3A_181 = arith.constant 0 : i32
      %dma_start3A_182 = tpu.memref_slice %arg5[%dma_start3A_180, %dma_start3A_181] : memref<65664x8xf32, #tpu.memory_space<vmem_shared>> -> memref<65664x8xf32, #tpu.memory_space<vmem_shared>>
      tpu.enqueue_indirect_dma source(%dma_start3A_176 : memref<128x8xf32, #tpu.memory_space<vmem>>) target(%dma_start3A_182 : memref<65664x8xf32, #tpu.memory_space<vmem_shared>>) offsets(%dma_start3A_179 : memref<128xi32, #tpu.memory_space<vmem>>) semaphore(%run_scoped3A_174 : memref<!tpu.dma_semaphore, #tpu.memory_space<semaphore_mem>>) {add = true}
      %dma_wait3A = arith.constant 2432 : i32
      %dma_wait3A_183 = arith.constant 0 : i32
      %dma_wait3A_184 = tpu.memref_slice %arg6[%dma_wait3A, %dma_wait3A_183] : memref<3840x8xf32, #tpu.memory_space<vmem>> -> memref<128x8xf32, #tpu.memory_space<vmem>>
      %dma_wait3A_185 = arith.constant 0 : i32
      %dma_wait3A_186 = tpu.memref_slice %arg11[%run_scoped3A_82, %dma_wait3A_185] : memref<30x128xi32, #tpu.memory_space<vmem>> -> memref<1x128xi32, #tpu.memory_space<vmem>>
      %dma_wait3A_187 = tpu.memref_squeeze %dma_wait3A_186 : memref<1x128xi32, #tpu.memory_space<vmem>> -> memref<128xi32, #tpu.memory_space<vmem>>
      %dma_wait3A_188 = arith.constant 0 : i32
      %dma_wait3A_189 = arith.constant 0 : i32
      %dma_wait3A_190 = tpu.memref_slice %arg5[%dma_wait3A_188, %dma_wait3A_189] : memref<65664x8xf32, #tpu.memory_space<vmem_shared>> -> memref<65664x8xf32, #tpu.memory_space<vmem_shared>>
      tpu.wait_indirect_dma semaphore(%run_scoped3A_174 : memref<!tpu.dma_semaphore, #tpu.memory_space<semaphore_mem>>) src(%dma_wait3A_184 : memref<128x8xf32, #tpu.memory_space<vmem>>) dst(%dma_wait3A_190 : memref<65664x8xf32, #tpu.memory_space<vmem_shared>>)
      tpu.yield
    }) : () -> ()
    %run_scoped3A_83 = arith.constant 20 : i32
    "tpu.region"() ({
      %run_scoped3A_174 = tpu.sem_alloc : memref<!tpu.dma_semaphore, #tpu.memory_space<semaphore_mem>>
      %dma_start3A = arith.constant 2560 : i32
      %dma_start3A_175 = arith.constant 0 : i32
      %dma_start3A_176 = tpu.memref_slice %arg6[%dma_start3A, %dma_start3A_175] : memref<3840x8xf32, #tpu.memory_space<vmem>> -> memref<128x8xf32, #tpu.memory_space<vmem>>
      %dma_start3A_177 = arith.constant 0 : i32
      %dma_start3A_178 = tpu.memref_slice %arg11[%run_scoped3A_83, %dma_start3A_177] : memref<30x128xi32, #tpu.memory_space<vmem>> -> memref<1x128xi32, #tpu.memory_space<vmem>>
      %dma_start3A_179 = tpu.memref_squeeze %dma_start3A_178 : memref<1x128xi32, #tpu.memory_space<vmem>> -> memref<128xi32, #tpu.memory_space<vmem>>
      %dma_start3A_180 = arith.constant 0 : i32
      %dma_start3A_181 = arith.constant 0 : i32
      %dma_start3A_182 = tpu.memref_slice %arg5[%dma_start3A_180, %dma_start3A_181] : memref<65664x8xf32, #tpu.memory_space<vmem_shared>> -> memref<65664x8xf32, #tpu.memory_space<vmem_shared>>
      tpu.enqueue_indirect_dma source(%dma_start3A_176 : memref<128x8xf32, #tpu.memory_space<vmem>>) target(%dma_start3A_182 : memref<65664x8xf32, #tpu.memory_space<vmem_shared>>) offsets(%dma_start3A_179 : memref<128xi32, #tpu.memory_space<vmem>>) semaphore(%run_scoped3A_174 : memref<!tpu.dma_semaphore, #tpu.memory_space<semaphore_mem>>) {add = true}
      %dma_wait3A = arith.constant 2560 : i32
      %dma_wait3A_183 = arith.constant 0 : i32
      %dma_wait3A_184 = tpu.memref_slice %arg6[%dma_wait3A, %dma_wait3A_183] : memref<3840x8xf32, #tpu.memory_space<vmem>> -> memref<128x8xf32, #tpu.memory_space<vmem>>
      %dma_wait3A_185 = arith.constant 0 : i32
      %dma_wait3A_186 = tpu.memref_slice %arg11[%run_scoped3A_83, %dma_wait3A_185] : memref<30x128xi32, #tpu.memory_space<vmem>> -> memref<1x128xi32, #tpu.memory_space<vmem>>
      %dma_wait3A_187 = tpu.memref_squeeze %dma_wait3A_186 : memref<1x128xi32, #tpu.memory_space<vmem>> -> memref<128xi32, #tpu.memory_space<vmem>>
      %dma_wait3A_188 = arith.constant 0 : i32
      %dma_wait3A_189 = arith.constant 0 : i32
      %dma_wait3A_190 = tpu.memref_slice %arg5[%dma_wait3A_188, %dma_wait3A_189] : memref<65664x8xf32, #tpu.memory_space<vmem_shared>> -> memref<65664x8xf32, #tpu.memory_space<vmem_shared>>
      tpu.wait_indirect_dma semaphore(%run_scoped3A_174 : memref<!tpu.dma_semaphore, #tpu.memory_space<semaphore_mem>>) src(%dma_wait3A_184 : memref<128x8xf32, #tpu.memory_space<vmem>>) dst(%dma_wait3A_190 : memref<65664x8xf32, #tpu.memory_space<vmem_shared>>)
      tpu.yield
    }) : () -> ()
    %run_scoped3A_84 = arith.constant 21 : i32
    "tpu.region"() ({
      %run_scoped3A_174 = tpu.sem_alloc : memref<!tpu.dma_semaphore, #tpu.memory_space<semaphore_mem>>
      %dma_start3A = arith.constant 2688 : i32
      %dma_start3A_175 = arith.constant 0 : i32
      %dma_start3A_176 = tpu.memref_slice %arg6[%dma_start3A, %dma_start3A_175] : memref<3840x8xf32, #tpu.memory_space<vmem>> -> memref<128x8xf32, #tpu.memory_space<vmem>>
      %dma_start3A_177 = arith.constant 0 : i32
      %dma_start3A_178 = tpu.memref_slice %arg11[%run_scoped3A_84, %dma_start3A_177] : memref<30x128xi32, #tpu.memory_space<vmem>> -> memref<1x128xi32, #tpu.memory_space<vmem>>
      %dma_start3A_179 = tpu.memref_squeeze %dma_start3A_178 : memref<1x128xi32, #tpu.memory_space<vmem>> -> memref<128xi32, #tpu.memory_space<vmem>>
      %dma_start3A_180 = arith.constant 0 : i32
      %dma_start3A_181 = arith.constant 0 : i32
      %dma_start3A_182 = tpu.memref_slice %arg5[%dma_start3A_180, %dma_start3A_181] : memref<65664x8xf32, #tpu.memory_space<vmem_shared>> -> memref<65664x8xf32, #tpu.memory_space<vmem_shared>>
      tpu.enqueue_indirect_dma source(%dma_start3A_176 : memref<128x8xf32, #tpu.memory_space<vmem>>) target(%dma_start3A_182 : memref<65664x8xf32, #tpu.memory_space<vmem_shared>>) offsets(%dma_start3A_179 : memref<128xi32, #tpu.memory_space<vmem>>) semaphore(%run_scoped3A_174 : memref<!tpu.dma_semaphore, #tpu.memory_space<semaphore_mem>>) {add = true}
      %dma_wait3A = arith.constant 2688 : i32
      %dma_wait3A_183 = arith.constant 0 : i32
      %dma_wait3A_184 = tpu.memref_slice %arg6[%dma_wait3A, %dma_wait3A_183] : memref<3840x8xf32, #tpu.memory_space<vmem>> -> memref<128x8xf32, #tpu.memory_space<vmem>>
      %dma_wait3A_185 = arith.constant 0 : i32
      %dma_wait3A_186 = tpu.memref_slice %arg11[%run_scoped3A_84, %dma_wait3A_185] : memref<30x128xi32, #tpu.memory_space<vmem>> -> memref<1x128xi32, #tpu.memory_space<vmem>>
      %dma_wait3A_187 = tpu.memref_squeeze %dma_wait3A_186 : memref<1x128xi32, #tpu.memory_space<vmem>> -> memref<128xi32, #tpu.memory_space<vmem>>
      %dma_wait3A_188 = arith.constant 0 : i32
      %dma_wait3A_189 = arith.constant 0 : i32
      %dma_wait3A_190 = tpu.memref_slice %arg5[%dma_wait3A_188, %dma_wait3A_189] : memref<65664x8xf32, #tpu.memory_space<vmem_shared>> -> memref<65664x8xf32, #tpu.memory_space<vmem_shared>>
      tpu.wait_indirect_dma semaphore(%run_scoped3A_174 : memref<!tpu.dma_semaphore, #tpu.memory_space<semaphore_mem>>) src(%dma_wait3A_184 : memref<128x8xf32, #tpu.memory_space<vmem>>) dst(%dma_wait3A_190 : memref<65664x8xf32, #tpu.memory_space<vmem_shared>>)
      tpu.yield
    }) : () -> ()
    %run_scoped3A_85 = arith.constant 22 : i32
    "tpu.region"() ({
      %run_scoped3A_174 = tpu.sem_alloc : memref<!tpu.dma_semaphore, #tpu.memory_space<semaphore_mem>>
      %dma_start3A = arith.constant 2816 : i32
      %dma_start3A_175 = arith.constant 0 : i32
      %dma_start3A_176 = tpu.memref_slice %arg6[%dma_start3A, %dma_start3A_175] : memref<3840x8xf32, #tpu.memory_space<vmem>> -> memref<128x8xf32, #tpu.memory_space<vmem>>
      %dma_start3A_177 = arith.constant 0 : i32
      %dma_start3A_178 = tpu.memref_slice %arg11[%run_scoped3A_85, %dma_start3A_177] : memref<30x128xi32, #tpu.memory_space<vmem>> -> memref<1x128xi32, #tpu.memory_space<vmem>>
      %dma_start3A_179 = tpu.memref_squeeze %dma_start3A_178 : memref<1x128xi32, #tpu.memory_space<vmem>> -> memref<128xi32, #tpu.memory_space<vmem>>
      %dma_start3A_180 = arith.constant 0 : i32
      %dma_start3A_181 = arith.constant 0 : i32
      %dma_start3A_182 = tpu.memref_slice %arg5[%dma_start3A_180, %dma_start3A_181] : memref<65664x8xf32, #tpu.memory_space<vmem_shared>> -> memref<65664x8xf32, #tpu.memory_space<vmem_shared>>
      tpu.enqueue_indirect_dma source(%dma_start3A_176 : memref<128x8xf32, #tpu.memory_space<vmem>>) target(%dma_start3A_182 : memref<65664x8xf32, #tpu.memory_space<vmem_shared>>) offsets(%dma_start3A_179 : memref<128xi32, #tpu.memory_space<vmem>>) semaphore(%run_scoped3A_174 : memref<!tpu.dma_semaphore, #tpu.memory_space<semaphore_mem>>) {add = true}
      %dma_wait3A = arith.constant 2816 : i32
      %dma_wait3A_183 = arith.constant 0 : i32
      %dma_wait3A_184 = tpu.memref_slice %arg6[%dma_wait3A, %dma_wait3A_183] : memref<3840x8xf32, #tpu.memory_space<vmem>> -> memref<128x8xf32, #tpu.memory_space<vmem>>
      %dma_wait3A_185 = arith.constant 0 : i32
      %dma_wait3A_186 = tpu.memref_slice %arg11[%run_scoped3A_85, %dma_wait3A_185] : memref<30x128xi32, #tpu.memory_space<vmem>> -> memref<1x128xi32, #tpu.memory_space<vmem>>
      %dma_wait3A_187 = tpu.memref_squeeze %dma_wait3A_186 : memref<1x128xi32, #tpu.memory_space<vmem>> -> memref<128xi32, #tpu.memory_space<vmem>>
      %dma_wait3A_188 = arith.constant 0 : i32
      %dma_wait3A_189 = arith.constant 0 : i32
      %dma_wait3A_190 = tpu.memref_slice %arg5[%dma_wait3A_188, %dma_wait3A_189] : memref<65664x8xf32, #tpu.memory_space<vmem_shared>> -> memref<65664x8xf32, #tpu.memory_space<vmem_shared>>
      tpu.wait_indirect_dma semaphore(%run_scoped3A_174 : memref<!tpu.dma_semaphore, #tpu.memory_space<semaphore_mem>>) src(%dma_wait3A_184 : memref<128x8xf32, #tpu.memory_space<vmem>>) dst(%dma_wait3A_190 : memref<65664x8xf32, #tpu.memory_space<vmem_shared>>)
      tpu.yield
    }) : () -> ()
    %run_scoped3A_86 = arith.constant 23 : i32
    "tpu.region"() ({
      %run_scoped3A_174 = tpu.sem_alloc : memref<!tpu.dma_semaphore, #tpu.memory_space<semaphore_mem>>
      %dma_start3A = arith.constant 2944 : i32
      %dma_start3A_175 = arith.constant 0 : i32
      %dma_start3A_176 = tpu.memref_slice %arg6[%dma_start3A, %dma_start3A_175] : memref<3840x8xf32, #tpu.memory_space<vmem>> -> memref<128x8xf32, #tpu.memory_space<vmem>>
      %dma_start3A_177 = arith.constant 0 : i32
      %dma_start3A_178 = tpu.memref_slice %arg11[%run_scoped3A_86, %dma_start3A_177] : memref<30x128xi32, #tpu.memory_space<vmem>> -> memref<1x128xi32, #tpu.memory_space<vmem>>
      %dma_start3A_179 = tpu.memref_squeeze %dma_start3A_178 : memref<1x128xi32, #tpu.memory_space<vmem>> -> memref<128xi32, #tpu.memory_space<vmem>>
      %dma_start3A_180 = arith.constant 0 : i32
      %dma_start3A_181 = arith.constant 0 : i32
      %dma_start3A_182 = tpu.memref_slice %arg5[%dma_start3A_180, %dma_start3A_181] : memref<65664x8xf32, #tpu.memory_space<vmem_shared>> -> memref<65664x8xf32, #tpu.memory_space<vmem_shared>>
      tpu.enqueue_indirect_dma source(%dma_start3A_176 : memref<128x8xf32, #tpu.memory_space<vmem>>) target(%dma_start3A_182 : memref<65664x8xf32, #tpu.memory_space<vmem_shared>>) offsets(%dma_start3A_179 : memref<128xi32, #tpu.memory_space<vmem>>) semaphore(%run_scoped3A_174 : memref<!tpu.dma_semaphore, #tpu.memory_space<semaphore_mem>>) {add = true}
      %dma_wait3A = arith.constant 2944 : i32
      %dma_wait3A_183 = arith.constant 0 : i32
      %dma_wait3A_184 = tpu.memref_slice %arg6[%dma_wait3A, %dma_wait3A_183] : memref<3840x8xf32, #tpu.memory_space<vmem>> -> memref<128x8xf32, #tpu.memory_space<vmem>>
      %dma_wait3A_185 = arith.constant 0 : i32
      %dma_wait3A_186 = tpu.memref_slice %arg11[%run_scoped3A_86, %dma_wait3A_185] : memref<30x128xi32, #tpu.memory_space<vmem>> -> memref<1x128xi32, #tpu.memory_space<vmem>>
      %dma_wait3A_187 = tpu.memref_squeeze %dma_wait3A_186 : memref<1x128xi32, #tpu.memory_space<vmem>> -> memref<128xi32, #tpu.memory_space<vmem>>
      %dma_wait3A_188 = arith.constant 0 : i32
      %dma_wait3A_189 = arith.constant 0 : i32
      %dma_wait3A_190 = tpu.memref_slice %arg5[%dma_wait3A_188, %dma_wait3A_189] : memref<65664x8xf32, #tpu.memory_space<vmem_shared>> -> memref<65664x8xf32, #tpu.memory_space<vmem_shared>>
      tpu.wait_indirect_dma semaphore(%run_scoped3A_174 : memref<!tpu.dma_semaphore, #tpu.memory_space<semaphore_mem>>) src(%dma_wait3A_184 : memref<128x8xf32, #tpu.memory_space<vmem>>) dst(%dma_wait3A_190 : memref<65664x8xf32, #tpu.memory_space<vmem_shared>>)
      tpu.yield
    }) : () -> ()
    %run_scoped3A_87 = arith.constant 24 : i32
    "tpu.region"() ({
      %run_scoped3A_174 = tpu.sem_alloc : memref<!tpu.dma_semaphore, #tpu.memory_space<semaphore_mem>>
      %dma_start3A = arith.constant 3072 : i32
      %dma_start3A_175 = arith.constant 0 : i32
      %dma_start3A_176 = tpu.memref_slice %arg6[%dma_start3A, %dma_start3A_175] : memref<3840x8xf32, #tpu.memory_space<vmem>> -> memref<128x8xf32, #tpu.memory_space<vmem>>
      %dma_start3A_177 = arith.constant 0 : i32
      %dma_start3A_178 = tpu.memref_slice %arg11[%run_scoped3A_87, %dma_start3A_177] : memref<30x128xi32, #tpu.memory_space<vmem>> -> memref<1x128xi32, #tpu.memory_space<vmem>>
      %dma_start3A_179 = tpu.memref_squeeze %dma_start3A_178 : memref<1x128xi32, #tpu.memory_space<vmem>> -> memref<128xi32, #tpu.memory_space<vmem>>
      %dma_start3A_180 = arith.constant 0 : i32
      %dma_start3A_181 = arith.constant 0 : i32
      %dma_start3A_182 = tpu.memref_slice %arg5[%dma_start3A_180, %dma_start3A_181] : memref<65664x8xf32, #tpu.memory_space<vmem_shared>> -> memref<65664x8xf32, #tpu.memory_space<vmem_shared>>
      tpu.enqueue_indirect_dma source(%dma_start3A_176 : memref<128x8xf32, #tpu.memory_space<vmem>>) target(%dma_start3A_182 : memref<65664x8xf32, #tpu.memory_space<vmem_shared>>) offsets(%dma_start3A_179 : memref<128xi32, #tpu.memory_space<vmem>>) semaphore(%run_scoped3A_174 : memref<!tpu.dma_semaphore, #tpu.memory_space<semaphore_mem>>) {add = true}
      %dma_wait3A = arith.constant 3072 : i32
      %dma_wait3A_183 = arith.constant 0 : i32
      %dma_wait3A_184 = tpu.memref_slice %arg6[%dma_wait3A, %dma_wait3A_183] : memref<3840x8xf32, #tpu.memory_space<vmem>> -> memref<128x8xf32, #tpu.memory_space<vmem>>
      %dma_wait3A_185 = arith.constant 0 : i32
      %dma_wait3A_186 = tpu.memref_slice %arg11[%run_scoped3A_87, %dma_wait3A_185] : memref<30x128xi32, #tpu.memory_space<vmem>> -> memref<1x128xi32, #tpu.memory_space<vmem>>
      %dma_wait3A_187 = tpu.memref_squeeze %dma_wait3A_186 : memref<1x128xi32, #tpu.memory_space<vmem>> -> memref<128xi32, #tpu.memory_space<vmem>>
      %dma_wait3A_188 = arith.constant 0 : i32
      %dma_wait3A_189 = arith.constant 0 : i32
      %dma_wait3A_190 = tpu.memref_slice %arg5[%dma_wait3A_188, %dma_wait3A_189] : memref<65664x8xf32, #tpu.memory_space<vmem_shared>> -> memref<65664x8xf32, #tpu.memory_space<vmem_shared>>
      tpu.wait_indirect_dma semaphore(%run_scoped3A_174 : memref<!tpu.dma_semaphore, #tpu.memory_space<semaphore_mem>>) src(%dma_wait3A_184 : memref<128x8xf32, #tpu.memory_space<vmem>>) dst(%dma_wait3A_190 : memref<65664x8xf32, #tpu.memory_space<vmem_shared>>)
      tpu.yield
    }) : () -> ()
    %run_scoped3A_88 = arith.constant 25 : i32
    "tpu.region"() ({
      %run_scoped3A_174 = tpu.sem_alloc : memref<!tpu.dma_semaphore, #tpu.memory_space<semaphore_mem>>
      %dma_start3A = arith.constant 3200 : i32
      %dma_start3A_175 = arith.constant 0 : i32
      %dma_start3A_176 = tpu.memref_slice %arg6[%dma_start3A, %dma_start3A_175] : memref<3840x8xf32, #tpu.memory_space<vmem>> -> memref<128x8xf32, #tpu.memory_space<vmem>>
      %dma_start3A_177 = arith.constant 0 : i32
      %dma_start3A_178 = tpu.memref_slice %arg11[%run_scoped3A_88, %dma_start3A_177] : memref<30x128xi32, #tpu.memory_space<vmem>> -> memref<1x128xi32, #tpu.memory_space<vmem>>
      %dma_start3A_179 = tpu.memref_squeeze %dma_start3A_178 : memref<1x128xi32, #tpu.memory_space<vmem>> -> memref<128xi32, #tpu.memory_space<vmem>>
      %dma_start3A_180 = arith.constant 0 : i32
      %dma_start3A_181 = arith.constant 0 : i32
      %dma_start3A_182 = tpu.memref_slice %arg5[%dma_start3A_180, %dma_start3A_181] : memref<65664x8xf32, #tpu.memory_space<vmem_shared>> -> memref<65664x8xf32, #tpu.memory_space<vmem_shared>>
      tpu.enqueue_indirect_dma source(%dma_start3A_176 : memref<128x8xf32, #tpu.memory_space<vmem>>) target(%dma_start3A_182 : memref<65664x8xf32, #tpu.memory_space<vmem_shared>>) offsets(%dma_start3A_179 : memref<128xi32, #tpu.memory_space<vmem>>) semaphore(%run_scoped3A_174 : memref<!tpu.dma_semaphore, #tpu.memory_space<semaphore_mem>>) {add = true}
      %dma_wait3A = arith.constant 3200 : i32
      %dma_wait3A_183 = arith.constant 0 : i32
      %dma_wait3A_184 = tpu.memref_slice %arg6[%dma_wait3A, %dma_wait3A_183] : memref<3840x8xf32, #tpu.memory_space<vmem>> -> memref<128x8xf32, #tpu.memory_space<vmem>>
      %dma_wait3A_185 = arith.constant 0 : i32
      %dma_wait3A_186 = tpu.memref_slice %arg11[%run_scoped3A_88, %dma_wait3A_185] : memref<30x128xi32, #tpu.memory_space<vmem>> -> memref<1x128xi32, #tpu.memory_space<vmem>>
      %dma_wait3A_187 = tpu.memref_squeeze %dma_wait3A_186 : memref<1x128xi32, #tpu.memory_space<vmem>> -> memref<128xi32, #tpu.memory_space<vmem>>
      %dma_wait3A_188 = arith.constant 0 : i32
      %dma_wait3A_189 = arith.constant 0 : i32
      %dma_wait3A_190 = tpu.memref_slice %arg5[%dma_wait3A_188, %dma_wait3A_189] : memref<65664x8xf32, #tpu.memory_space<vmem_shared>> -> memref<65664x8xf32, #tpu.memory_space<vmem_shared>>
      tpu.wait_indirect_dma semaphore(%run_scoped3A_174 : memref<!tpu.dma_semaphore, #tpu.memory_space<semaphore_mem>>) src(%dma_wait3A_184 : memref<128x8xf32, #tpu.memory_space<vmem>>) dst(%dma_wait3A_190 : memref<65664x8xf32, #tpu.memory_space<vmem_shared>>)
      tpu.yield
    }) : () -> ()
    %run_scoped3A_89 = arith.constant 26 : i32
    "tpu.region"() ({
      %run_scoped3A_174 = tpu.sem_alloc : memref<!tpu.dma_semaphore, #tpu.memory_space<semaphore_mem>>
      %dma_start3A = arith.constant 3328 : i32
      %dma_start3A_175 = arith.constant 0 : i32
      %dma_start3A_176 = tpu.memref_slice %arg6[%dma_start3A, %dma_start3A_175] : memref<3840x8xf32, #tpu.memory_space<vmem>> -> memref<128x8xf32, #tpu.memory_space<vmem>>
      %dma_start3A_177 = arith.constant 0 : i32
      %dma_start3A_178 = tpu.memref_slice %arg11[%run_scoped3A_89, %dma_start3A_177] : memref<30x128xi32, #tpu.memory_space<vmem>> -> memref<1x128xi32, #tpu.memory_space<vmem>>
      %dma_start3A_179 = tpu.memref_squeeze %dma_start3A_178 : memref<1x128xi32, #tpu.memory_space<vmem>> -> memref<128xi32, #tpu.memory_space<vmem>>
      %dma_start3A_180 = arith.constant 0 : i32
      %dma_start3A_181 = arith.constant 0 : i32
      %dma_start3A_182 = tpu.memref_slice %arg5[%dma_start3A_180, %dma_start3A_181] : memref<65664x8xf32, #tpu.memory_space<vmem_shared>> -> memref<65664x8xf32, #tpu.memory_space<vmem_shared>>
      tpu.enqueue_indirect_dma source(%dma_start3A_176 : memref<128x8xf32, #tpu.memory_space<vmem>>) target(%dma_start3A_182 : memref<65664x8xf32, #tpu.memory_space<vmem_shared>>) offsets(%dma_start3A_179 : memref<128xi32, #tpu.memory_space<vmem>>) semaphore(%run_scoped3A_174 : memref<!tpu.dma_semaphore, #tpu.memory_space<semaphore_mem>>) {add = true}
      %dma_wait3A = arith.constant 3328 : i32
      %dma_wait3A_183 = arith.constant 0 : i32
      %dma_wait3A_184 = tpu.memref_slice %arg6[%dma_wait3A, %dma_wait3A_183] : memref<3840x8xf32, #tpu.memory_space<vmem>> -> memref<128x8xf32, #tpu.memory_space<vmem>>
      %dma_wait3A_185 = arith.constant 0 : i32
      %dma_wait3A_186 = tpu.memref_slice %arg11[%run_scoped3A_89, %dma_wait3A_185] : memref<30x128xi32, #tpu.memory_space<vmem>> -> memref<1x128xi32, #tpu.memory_space<vmem>>
      %dma_wait3A_187 = tpu.memref_squeeze %dma_wait3A_186 : memref<1x128xi32, #tpu.memory_space<vmem>> -> memref<128xi32, #tpu.memory_space<vmem>>
      %dma_wait3A_188 = arith.constant 0 : i32
      %dma_wait3A_189 = arith.constant 0 : i32
      %dma_wait3A_190 = tpu.memref_slice %arg5[%dma_wait3A_188, %dma_wait3A_189] : memref<65664x8xf32, #tpu.memory_space<vmem_shared>> -> memref<65664x8xf32, #tpu.memory_space<vmem_shared>>
      tpu.wait_indirect_dma semaphore(%run_scoped3A_174 : memref<!tpu.dma_semaphore, #tpu.memory_space<semaphore_mem>>) src(%dma_wait3A_184 : memref<128x8xf32, #tpu.memory_space<vmem>>) dst(%dma_wait3A_190 : memref<65664x8xf32, #tpu.memory_space<vmem_shared>>)
      tpu.yield
    }) : () -> ()
    %run_scoped3A_90 = arith.constant 27 : i32
    "tpu.region"() ({
      %run_scoped3A_174 = tpu.sem_alloc : memref<!tpu.dma_semaphore, #tpu.memory_space<semaphore_mem>>
      %dma_start3A = arith.constant 3456 : i32
      %dma_start3A_175 = arith.constant 0 : i32
      %dma_start3A_176 = tpu.memref_slice %arg6[%dma_start3A, %dma_start3A_175] : memref<3840x8xf32, #tpu.memory_space<vmem>> -> memref<128x8xf32, #tpu.memory_space<vmem>>
      %dma_start3A_177 = arith.constant 0 : i32
      %dma_start3A_178 = tpu.memref_slice %arg11[%run_scoped3A_90, %dma_start3A_177] : memref<30x128xi32, #tpu.memory_space<vmem>> -> memref<1x128xi32, #tpu.memory_space<vmem>>
      %dma_start3A_179 = tpu.memref_squeeze %dma_start3A_178 : memref<1x128xi32, #tpu.memory_space<vmem>> -> memref<128xi32, #tpu.memory_space<vmem>>
      %dma_start3A_180 = arith.constant 0 : i32
      %dma_start3A_181 = arith.constant 0 : i32
      %dma_start3A_182 = tpu.memref_slice %arg5[%dma_start3A_180, %dma_start3A_181] : memref<65664x8xf32, #tpu.memory_space<vmem_shared>> -> memref<65664x8xf32, #tpu.memory_space<vmem_shared>>
      tpu.enqueue_indirect_dma source(%dma_start3A_176 : memref<128x8xf32, #tpu.memory_space<vmem>>) target(%dma_start3A_182 : memref<65664x8xf32, #tpu.memory_space<vmem_shared>>) offsets(%dma_start3A_179 : memref<128xi32, #tpu.memory_space<vmem>>) semaphore(%run_scoped3A_174 : memref<!tpu.dma_semaphore, #tpu.memory_space<semaphore_mem>>) {add = true}
      %dma_wait3A = arith.constant 3456 : i32
      %dma_wait3A_183 = arith.constant 0 : i32
      %dma_wait3A_184 = tpu.memref_slice %arg6[%dma_wait3A, %dma_wait3A_183] : memref<3840x8xf32, #tpu.memory_space<vmem>> -> memref<128x8xf32, #tpu.memory_space<vmem>>
      %dma_wait3A_185 = arith.constant 0 : i32
      %dma_wait3A_186 = tpu.memref_slice %arg11[%run_scoped3A_90, %dma_wait3A_185] : memref<30x128xi32, #tpu.memory_space<vmem>> -> memref<1x128xi32, #tpu.memory_space<vmem>>
      %dma_wait3A_187 = tpu.memref_squeeze %dma_wait3A_186 : memref<1x128xi32, #tpu.memory_space<vmem>> -> memref<128xi32, #tpu.memory_space<vmem>>
      %dma_wait3A_188 = arith.constant 0 : i32
      %dma_wait3A_189 = arith.constant 0 : i32
      %dma_wait3A_190 = tpu.memref_slice %arg5[%dma_wait3A_188, %dma_wait3A_189] : memref<65664x8xf32, #tpu.memory_space<vmem_shared>> -> memref<65664x8xf32, #tpu.memory_space<vmem_shared>>
      tpu.wait_indirect_dma semaphore(%run_scoped3A_174 : memref<!tpu.dma_semaphore, #tpu.memory_space<semaphore_mem>>) src(%dma_wait3A_184 : memref<128x8xf32, #tpu.memory_space<vmem>>) dst(%dma_wait3A_190 : memref<65664x8xf32, #tpu.memory_space<vmem_shared>>)
      tpu.yield
    }) : () -> ()
    %run_scoped3A_91 = arith.constant 28 : i32
    "tpu.region"() ({
      %run_scoped3A_174 = tpu.sem_alloc : memref<!tpu.dma_semaphore, #tpu.memory_space<semaphore_mem>>
      %dma_start3A = arith.constant 3584 : i32
      %dma_start3A_175 = arith.constant 0 : i32
      %dma_start3A_176 = tpu.memref_slice %arg6[%dma_start3A, %dma_start3A_175] : memref<3840x8xf32, #tpu.memory_space<vmem>> -> memref<128x8xf32, #tpu.memory_space<vmem>>
      %dma_start3A_177 = arith.constant 0 : i32
      %dma_start3A_178 = tpu.memref_slice %arg11[%run_scoped3A_91, %dma_start3A_177] : memref<30x128xi32, #tpu.memory_space<vmem>> -> memref<1x128xi32, #tpu.memory_space<vmem>>
      %dma_start3A_179 = tpu.memref_squeeze %dma_start3A_178 : memref<1x128xi32, #tpu.memory_space<vmem>> -> memref<128xi32, #tpu.memory_space<vmem>>
      %dma_start3A_180 = arith.constant 0 : i32
      %dma_start3A_181 = arith.constant 0 : i32
      %dma_start3A_182 = tpu.memref_slice %arg5[%dma_start3A_180, %dma_start3A_181] : memref<65664x8xf32, #tpu.memory_space<vmem_shared>> -> memref<65664x8xf32, #tpu.memory_space<vmem_shared>>
      tpu.enqueue_indirect_dma source(%dma_start3A_176 : memref<128x8xf32, #tpu.memory_space<vmem>>) target(%dma_start3A_182 : memref<65664x8xf32, #tpu.memory_space<vmem_shared>>) offsets(%dma_start3A_179 : memref<128xi32, #tpu.memory_space<vmem>>) semaphore(%run_scoped3A_174 : memref<!tpu.dma_semaphore, #tpu.memory_space<semaphore_mem>>) {add = true}
      %dma_wait3A = arith.constant 3584 : i32
      %dma_wait3A_183 = arith.constant 0 : i32
      %dma_wait3A_184 = tpu.memref_slice %arg6[%dma_wait3A, %dma_wait3A_183] : memref<3840x8xf32, #tpu.memory_space<vmem>> -> memref<128x8xf32, #tpu.memory_space<vmem>>
      %dma_wait3A_185 = arith.constant 0 : i32
      %dma_wait3A_186 = tpu.memref_slice %arg11[%run_scoped3A_91, %dma_wait3A_185] : memref<30x128xi32, #tpu.memory_space<vmem>> -> memref<1x128xi32, #tpu.memory_space<vmem>>
      %dma_wait3A_187 = tpu.memref_squeeze %dma_wait3A_186 : memref<1x128xi32, #tpu.memory_space<vmem>> -> memref<128xi32, #tpu.memory_space<vmem>>
      %dma_wait3A_188 = arith.constant 0 : i32
      %dma_wait3A_189 = arith.constant 0 : i32
      %dma_wait3A_190 = tpu.memref_slice %arg5[%dma_wait3A_188, %dma_wait3A_189] : memref<65664x8xf32, #tpu.memory_space<vmem_shared>> -> memref<65664x8xf32, #tpu.memory_space<vmem_shared>>
      tpu.wait_indirect_dma semaphore(%run_scoped3A_174 : memref<!tpu.dma_semaphore, #tpu.memory_space<semaphore_mem>>) src(%dma_wait3A_184 : memref<128x8xf32, #tpu.memory_space<vmem>>) dst(%dma_wait3A_190 : memref<65664x8xf32, #tpu.memory_space<vmem_shared>>)
      tpu.yield
    }) : () -> ()
    %run_scoped3A_92 = arith.constant 29 : i32
    "tpu.region"() ({
      %run_scoped3A_174 = tpu.sem_alloc : memref<!tpu.dma_semaphore, #tpu.memory_space<semaphore_mem>>
      %dma_start3A = arith.constant 3712 : i32
      %dma_start3A_175 = arith.constant 0 : i32
      %dma_start3A_176 = tpu.memref_slice %arg6[%dma_start3A, %dma_start3A_175] : memref<3840x8xf32, #tpu.memory_space<vmem>> -> memref<128x8xf32, #tpu.memory_space<vmem>>
      %dma_start3A_177 = arith.constant 0 : i32
      %dma_start3A_178 = tpu.memref_slice %arg11[%run_scoped3A_92, %dma_start3A_177] : memref<30x128xi32, #tpu.memory_space<vmem>> -> memref<1x128xi32, #tpu.memory_space<vmem>>
      %dma_start3A_179 = tpu.memref_squeeze %dma_start3A_178 : memref<1x128xi32, #tpu.memory_space<vmem>> -> memref<128xi32, #tpu.memory_space<vmem>>
      %dma_start3A_180 = arith.constant 0 : i32
      %dma_start3A_181 = arith.constant 0 : i32
      %dma_start3A_182 = tpu.memref_slice %arg5[%dma_start3A_180, %dma_start3A_181] : memref<65664x8xf32, #tpu.memory_space<vmem_shared>> -> memref<65664x8xf32, #tpu.memory_space<vmem_shared>>
      tpu.enqueue_indirect_dma source(%dma_start3A_176 : memref<128x8xf32, #tpu.memory_space<vmem>>) target(%dma_start3A_182 : memref<65664x8xf32, #tpu.memory_space<vmem_shared>>) offsets(%dma_start3A_179 : memref<128xi32, #tpu.memory_space<vmem>>) semaphore(%run_scoped3A_174 : memref<!tpu.dma_semaphore, #tpu.memory_space<semaphore_mem>>) {add = true}
      %dma_wait3A = arith.constant 3712 : i32
      %dma_wait3A_183 = arith.constant 0 : i32
      %dma_wait3A_184 = tpu.memref_slice %arg6[%dma_wait3A, %dma_wait3A_183] : memref<3840x8xf32, #tpu.memory_space<vmem>> -> memref<128x8xf32, #tpu.memory_space<vmem>>
      %dma_wait3A_185 = arith.constant 0 : i32
      %dma_wait3A_186 = tpu.memref_slice %arg11[%run_scoped3A_92, %dma_wait3A_185] : memref<30x128xi32, #tpu.memory_space<vmem>> -> memref<1x128xi32, #tpu.memory_space<vmem>>
      %dma_wait3A_187 = tpu.memref_squeeze %dma_wait3A_186 : memref<1x128xi32, #tpu.memory_space<vmem>> -> memref<128xi32, #tpu.memory_space<vmem>>
      %dma_wait3A_188 = arith.constant 0 : i32
      %dma_wait3A_189 = arith.constant 0 : i32
      %dma_wait3A_190 = tpu.memref_slice %arg5[%dma_wait3A_188, %dma_wait3A_189] : memref<65664x8xf32, #tpu.memory_space<vmem_shared>> -> memref<65664x8xf32, #tpu.memory_space<vmem_shared>>
      tpu.wait_indirect_dma semaphore(%run_scoped3A_174 : memref<!tpu.dma_semaphore, #tpu.memory_space<semaphore_mem>>) src(%dma_wait3A_184 : memref<128x8xf32, #tpu.memory_space<vmem>>) dst(%dma_wait3A_190 : memref<65664x8xf32, #tpu.memory_space<vmem_shared>>)
      tpu.yield
    }) : () -> ()
    %run_scoped3A_93 = arith.constant 8 : i32
    "tpu.region"() ({
      %run_scoped3A_174 = tpu.sem_alloc : memref<!tpu.dma_semaphore, #tpu.memory_space<semaphore_mem>>
      %dma_start3A = tpu.memref_slice %arg2[%run_scoped3A_93, %multiple_of3A_14] : memref<16x122880xf32, #tpu.memory_space<hbm>> -> memref<1x3840xf32, #tpu.memory_space<hbm>>
      %dma_start3A_175 = tpu.memref_squeeze %dma_start3A : memref<1x3840xf32, #tpu.memory_space<hbm>> -> memref<3840xf32, #tpu.memory_space<hbm>>
      %dma_start3A_176 = tpu.memref_slice %arg2[%run_scoped3A_93, %multiple_of3A_14] : memref<16x122880xf32, #tpu.memory_space<hbm>> -> memref<1x3840xf32, #tpu.memory_space<hbm>>
      %dma_start3A_177 = tpu.memref_squeeze %dma_start3A_176 : memref<1x3840xf32, #tpu.memory_space<hbm>> -> memref<3840xf32, #tpu.memory_space<hbm>>
      tpu.enqueue_dma source(%dma_start3A_177 : memref<3840xf32, #tpu.memory_space<hbm>>) target(%arg7 : memref<3840xf32, #tpu.memory_space<vmem>>) target_semaphore(%run_scoped3A_174 : memref<!tpu.dma_semaphore, #tpu.memory_space<semaphore_mem>>)
      %dma_wait3A = tpu.memref_slice %arg2[%run_scoped3A_93, %multiple_of3A_14] : memref<16x122880xf32, #tpu.memory_space<hbm>> -> memref<1x3840xf32, #tpu.memory_space<hbm>>
      %dma_wait3A_178 = tpu.memref_squeeze %dma_wait3A : memref<1x3840xf32, #tpu.memory_space<hbm>> -> memref<3840xf32, #tpu.memory_space<hbm>>
      %dma_wait3A_179 = tpu.memref_slice %arg2[%run_scoped3A_93, %multiple_of3A_14] : memref<16x122880xf32, #tpu.memory_space<hbm>> -> memref<1x3840xf32, #tpu.memory_space<hbm>>
      %dma_wait3A_180 = tpu.memref_squeeze %dma_wait3A_179 : memref<1x3840xf32, #tpu.memory_space<hbm>> -> memref<3840xf32, #tpu.memory_space<hbm>>
      tpu.wait_dma2 semaphore(%run_scoped3A_174 : memref<!tpu.dma_semaphore, #tpu.memory_space<semaphore_mem>>) src(%dma_wait3A_180 : memref<3840xf32, #tpu.memory_space<hbm>>) dst(%arg7 : memref<3840xf32, #tpu.memory_space<vmem>>)
      tpu.yield
    }) : () -> ()
    %run_scoped3A_94 = arith.constant 9 : i32
    "tpu.region"() ({
      %run_scoped3A_174 = tpu.sem_alloc : memref<!tpu.dma_semaphore, #tpu.memory_space<semaphore_mem>>
      %dma_start3A = tpu.memref_slice %arg2[%run_scoped3A_94, %multiple_of3A_14] : memref<16x122880xf32, #tpu.memory_space<hbm>> -> memref<1x3840xf32, #tpu.memory_space<hbm>>
      %dma_start3A_175 = tpu.memref_squeeze %dma_start3A : memref<1x3840xf32, #tpu.memory_space<hbm>> -> memref<3840xf32, #tpu.memory_space<hbm>>
      %dma_start3A_176 = tpu.memref_slice %arg2[%run_scoped3A_94, %multiple_of3A_14] : memref<16x122880xf32, #tpu.memory_space<hbm>> -> memref<1x3840xf32, #tpu.memory_space<hbm>>
      %dma_start3A_177 = tpu.memref_squeeze %dma_start3A_176 : memref<1x3840xf32, #tpu.memory_space<hbm>> -> memref<3840xf32, #tpu.memory_space<hbm>>
      tpu.enqueue_dma source(%dma_start3A_177 : memref<3840xf32, #tpu.memory_space<hbm>>) target(%arg8 : memref<3840xf32, #tpu.memory_space<vmem>>) target_semaphore(%run_scoped3A_174 : memref<!tpu.dma_semaphore, #tpu.memory_space<semaphore_mem>>)
      %dma_wait3A = tpu.memref_slice %arg2[%run_scoped3A_94, %multiple_of3A_14] : memref<16x122880xf32, #tpu.memory_space<hbm>> -> memref<1x3840xf32, #tpu.memory_space<hbm>>
      %dma_wait3A_178 = tpu.memref_squeeze %dma_wait3A : memref<1x3840xf32, #tpu.memory_space<hbm>> -> memref<3840xf32, #tpu.memory_space<hbm>>
      %dma_wait3A_179 = tpu.memref_slice %arg2[%run_scoped3A_94, %multiple_of3A_14] : memref<16x122880xf32, #tpu.memory_space<hbm>> -> memref<1x3840xf32, #tpu.memory_space<hbm>>
      %dma_wait3A_180 = tpu.memref_squeeze %dma_wait3A_179 : memref<1x3840xf32, #tpu.memory_space<hbm>> -> memref<3840xf32, #tpu.memory_space<hbm>>
      tpu.wait_dma2 semaphore(%run_scoped3A_174 : memref<!tpu.dma_semaphore, #tpu.memory_space<semaphore_mem>>) src(%dma_wait3A_180 : memref<3840xf32, #tpu.memory_space<hbm>>) dst(%arg8 : memref<3840xf32, #tpu.memory_space<vmem>>)
      tpu.yield
    }) : () -> ()
    %run_scoped3A_95 = arith.constant 10 : i32
    "tpu.region"() ({
      %run_scoped3A_174 = tpu.sem_alloc : memref<!tpu.dma_semaphore, #tpu.memory_space<semaphore_mem>>
      %dma_start3A = tpu.memref_slice %arg2[%run_scoped3A_95, %multiple_of3A_14] : memref<16x122880xf32, #tpu.memory_space<hbm>> -> memref<1x3840xf32, #tpu.memory_space<hbm>>
      %dma_start3A_175 = tpu.memref_squeeze %dma_start3A : memref<1x3840xf32, #tpu.memory_space<hbm>> -> memref<3840xf32, #tpu.memory_space<hbm>>
      %dma_start3A_176 = tpu.memref_slice %arg2[%run_scoped3A_95, %multiple_of3A_14] : memref<16x122880xf32, #tpu.memory_space<hbm>> -> memref<1x3840xf32, #tpu.memory_space<hbm>>
      %dma_start3A_177 = tpu.memref_squeeze %dma_start3A_176 : memref<1x3840xf32, #tpu.memory_space<hbm>> -> memref<3840xf32, #tpu.memory_space<hbm>>
      tpu.enqueue_dma source(%dma_start3A_177 : memref<3840xf32, #tpu.memory_space<hbm>>) target(%arg9 : memref<3840xf32, #tpu.memory_space<vmem>>) target_semaphore(%run_scoped3A_174 : memref<!tpu.dma_semaphore, #tpu.memory_space<semaphore_mem>>)
      %dma_wait3A = tpu.memref_slice %arg2[%run_scoped3A_95, %multiple_of3A_14] : memref<16x122880xf32, #tpu.memory_space<hbm>> -> memref<1x3840xf32, #tpu.memory_space<hbm>>
      %dma_wait3A_178 = tpu.memref_squeeze %dma_wait3A : memref<1x3840xf32, #tpu.memory_space<hbm>> -> memref<3840xf32, #tpu.memory_space<hbm>>
      %dma_wait3A_179 = tpu.memref_slice %arg2[%run_scoped3A_95, %multiple_of3A_14] : memref<16x122880xf32, #tpu.memory_space<hbm>> -> memref<1x3840xf32, #tpu.memory_space<hbm>>
      %dma_wait3A_180 = tpu.memref_squeeze %dma_wait3A_179 : memref<1x3840xf32, #tpu.memory_space<hbm>> -> memref<3840xf32, #tpu.memory_space<hbm>>
      tpu.wait_dma2 semaphore(%run_scoped3A_174 : memref<!tpu.dma_semaphore, #tpu.memory_space<semaphore_mem>>) src(%dma_wait3A_180 : memref<3840xf32, #tpu.memory_space<hbm>>) dst(%arg9 : memref<3840xf32, #tpu.memory_space<vmem>>)
      tpu.yield
    }) : () -> ()
    %run_scoped3A_96 = arith.constant 11 : i32
    "tpu.region"() ({
      %run_scoped3A_174 = tpu.sem_alloc : memref<!tpu.dma_semaphore, #tpu.memory_space<semaphore_mem>>
      %dma_start3A = tpu.memref_slice %arg2[%run_scoped3A_96, %multiple_of3A_14] : memref<16x122880xf32, #tpu.memory_space<hbm>> -> memref<1x3840xf32, #tpu.memory_space<hbm>>
      %dma_start3A_175 = tpu.memref_squeeze %dma_start3A : memref<1x3840xf32, #tpu.memory_space<hbm>> -> memref<3840xf32, #tpu.memory_space<hbm>>
      %dma_start3A_176 = tpu.memref_slice %arg2[%run_scoped3A_96, %multiple_of3A_14] : memref<16x122880xf32, #tpu.memory_space<hbm>> -> memref<1x3840xf32, #tpu.memory_space<hbm>>
      %dma_start3A_177 = tpu.memref_squeeze %dma_start3A_176 : memref<1x3840xf32, #tpu.memory_space<hbm>> -> memref<3840xf32, #tpu.memory_space<hbm>>
      tpu.enqueue_dma source(%dma_start3A_177 : memref<3840xf32, #tpu.memory_space<hbm>>) target(%arg10 : memref<3840xf32, #tpu.memory_space<vmem>>) target_semaphore(%run_scoped3A_174 : memref<!tpu.dma_semaphore, #tpu.memory_space<semaphore_mem>>)
      %dma_wait3A = tpu.memref_slice %arg2[%run_scoped3A_96, %multiple_of3A_14] : memref<16x122880xf32, #tpu.memory_space<hbm>> -> memref<1x3840xf32, #tpu.memory_space<hbm>>
      %dma_wait3A_178 = tpu.memref_squeeze %dma_wait3A : memref<1x3840xf32, #tpu.memory_space<hbm>> -> memref<3840xf32, #tpu.memory_space<hbm>>
      %dma_wait3A_179 = tpu.memref_slice %arg2[%run_scoped3A_96, %multiple_of3A_14] : memref<16x122880xf32, #tpu.memory_space<hbm>> -> memref<1x3840xf32, #tpu.memory_space<hbm>>
      %dma_wait3A_180 = tpu.memref_squeeze %dma_wait3A_179 : memref<1x3840xf32, #tpu.memory_space<hbm>> -> memref<3840xf32, #tpu.memory_space<hbm>>
      tpu.wait_dma2 semaphore(%run_scoped3A_174 : memref<!tpu.dma_semaphore, #tpu.memory_space<semaphore_mem>>) src(%dma_wait3A_180 : memref<3840xf32, #tpu.memory_space<hbm>>) dst(%arg10 : memref<3840xf32, #tpu.memory_space<vmem>>)
      tpu.yield
    }) : () -> ()
    %scan3A_97 = arith.constant 0 : i32
    %scan3A_98 = arith.constant 0 : i32
    %scan3A_99 = arith.constant 240 : i32
    %scan3A_100 = arith.addi %scan3A_98, %scan3A_99 : i32
    %scan3A_101 = arith.constant 1 : i32
    scf.for %scan3A_174 = %scan3A_98 to %scan3A_100 step %scan3A_101  : i32 {
      %mul3A_175 = arith.constant 16 : i32
      %mul3A_176 = arith.muli %scan3A_174, %mul3A_175 : i32
      %get3A = arith.index_cast %mul3A_176 : i32 to index
      %get3A_177 = tpu.vector_load %arg7[%get3A] {strides = array<i32>} : memref<3840xf32, #tpu.memory_space<vmem>>, vector<16xf32>,
      %mul3A_178 = arith.constant 16 : i32
      %mul3A_179 = arith.muli %scan3A_174, %mul3A_178 : i32
      %get3A_180 = arith.index_cast %mul3A_179 : i32 to index
      %get3A_181 = tpu.vector_load %arg8[%get3A_180] {strides = array<i32>} : memref<3840xf32, #tpu.memory_space<vmem>>, vector<16xf32>,
      %mul3A_182 = arith.constant 16 : i32
      %mul3A_183 = arith.muli %scan3A_174, %mul3A_182 : i32
      %get3A_184 = arith.index_cast %mul3A_183 : i32 to index
      %get3A_185 = tpu.vector_load %arg9[%get3A_184] {strides = array<i32>} : memref<3840xf32, #tpu.memory_space<vmem>>, vector<16xf32>,
      %mul3A_186 = arith.constant 16 : i32
      %mul3A_187 = arith.muli %scan3A_174, %mul3A_186 : i32
      %get3A_188 = arith.index_cast %mul3A_187 : i32 to index
      %get3A_189 = tpu.vector_load %arg10[%get3A_188] {strides = array<i32>} : memref<3840xf32, #tpu.memory_space<vmem>>, vector<16xf32>,
      %add3A_190 = arith.constant 5.120000e+01 : f32
      %add3A_191 = vector.broadcast %add3A_190 : f32 to vector<16xf32>
      %add3A_192 = arith.addf %get3A_177, %add3A_191 : vector<16xf32>
      %div3A = arith.constant 4.000000e-01 : f32
      %div3A_193 = vector.broadcast %div3A : f32 to vector<16xf32>
      %div3A_194 = arith.divf %add3A_192, %div3A_193 : vector<16xf32>
      %add3A_195 = arith.constant 5.120000e+01 : f32
      %add3A_196 = vector.broadcast %add3A_195 : f32 to vector<16xf32>
      %add3A_197 = arith.addf %get3A_181, %add3A_196 : vector<16xf32>
      %div3A_198 = arith.constant 4.000000e-01 : f32
      %div3A_199 = vector.broadcast %div3A_198 : f32 to vector<16xf32>
      %div3A_200 = arith.divf %add3A_197, %div3A_199 : vector<16xf32>
      %add3A_201 = arith.constant 5.000000e+00 : f32
      %add3A_202 = vector.broadcast %add3A_201 : f32 to vector<16xf32>
      %add3A_203 = arith.addf %get3A_185, %add3A_202 : vector<16xf32>
      %div3A_204 = arith.constant 8.000000e+00 : f32
      %div3A_205 = vector.broadcast %div3A_204 : f32 to vector<16xf32>
      %div3A_206 = arith.divf %add3A_203, %div3A_205 : vector<16xf32>
      %ge3A = arith.constant 0.000000e+00 : f32
      %ge3A_207 = vector.broadcast %ge3A : f32 to vector<16xf32>
      %ge3A_208 = arith.cmpf oge, %div3A_194, %ge3A_207 : vector<16xf32>
      %lt3A = arith.constant 2.560000e+02 : f32
      %lt3A_209 = vector.broadcast %lt3A : f32 to vector<16xf32>
      %lt3A_210 = arith.cmpf olt, %div3A_194, %lt3A_209 : vector<16xf32>
      %and3A = arith.andi %ge3A_208, %lt3A_210 : vector<16xi1>
      %ge3A_211 = arith.constant 0.000000e+00 : f32
      %ge3A_212 = vector.broadcast %ge3A_211 : f32 to vector<16xf32>
      %ge3A_213 = arith.cmpf oge, %div3A_200, %ge3A_212 : vector<16xf32>
      %and3A_214 = arith.andi %and3A, %ge3A_213 : vector<16xi1>
      %lt3A_215 = arith.constant 2.560000e+02 : f32
      %lt3A_216 = vector.broadcast %lt3A_215 : f32 to vector<16xf32>
      %lt3A_217 = arith.cmpf olt, %div3A_200, %lt3A_216 : vector<16xf32>
      %and3A_218 = arith.andi %and3A_214, %lt3A_217 : vector<16xi1>
      %ge3A_219 = arith.constant 0.000000e+00 : f32
      %ge3A_220 = vector.broadcast %ge3A_219 : f32 to vector<16xf32>
      %ge3A_221 = arith.cmpf oge, %div3A_206, %ge3A_220 : vector<16xf32>
      %and3A_222 = arith.andi %and3A_218, %ge3A_221 : vector<16xi1>
      %lt3A_223 = arith.constant 1.000000e+00 : f32
      %lt3A_224 = vector.broadcast %lt3A_223 : f32 to vector<16xf32>
      %lt3A_225 = arith.cmpf olt, %div3A_206, %lt3A_224 : vector<16xf32>
      %and3A_226 = arith.andi %and3A_222, %lt3A_225 : vector<16xi1>
      %convert_element_type3A = arith.fptosi %div3A_194 : vector<16xf32> to vector<16xi32>
      %convert_element_type3A_227 = arith.fptosi %div3A_200 : vector<16xf32> to vector<16xi32>
      %mul3A_228 = arith.constant 256 : i32
      %mul3A_229 = vector.broadcast %mul3A_228 : i32 to vector<16xi32>
      %mul3A_230 = arith.muli %convert_element_type3A_227, %mul3A_229 : vector<16xi32>
      %add3A_231 = arith.addi %mul3A_230, %convert_element_type3A : vector<16xi32>
      %jit3A = arith.constant 65536 : i32
      %broadcast_in_dim3A_232 = vector.broadcast %jit3A : i32 to vector<16xi32>
      %select_n3A = arith.select %and3A_226, %add3A_231, %broadcast_in_dim3A_232 : vector<16xi1>, vector<16xi32>
      %mul3A_233 = arith.constant 16 : i32
      %mul3A_234 = arith.muli %scan3A_174, %mul3A_233 : i32
      %broadcast_in_dim3A_235 = vector.broadcast %mul3A_234 : i32 to vector<16xi32>
      %add3A_236 = arith.addi %broadcast_in_dim3A_235, %iota3A : vector<16xi32>
      %jit3A_237 = arith.constant 0.000000e+00 : f32
      %broadcast_in_dim3A_238 = vector.broadcast %jit3A_237 : f32 to vector<16xf32>
      %select_n3A_239 = arith.select %and3A_226, %get3A_177, %broadcast_in_dim3A_238 : vector<16xi1>, vector<16xf32>
      tpu.vector_store_idx %arg6[%add3A_236, %broadcast_in_dim3A_3], %select_n3A_239 : memref<3840x8xf32, #tpu.memory_space<vmem>>[vector<16xi32>, vector<16xi32>], vector<16xf32>,
      %jit3A_240 = arith.constant 0.000000e+00 : f32
      %broadcast_in_dim3A_241 = vector.broadcast %jit3A_240 : f32 to vector<16xf32>
      %select_n3A_242 = arith.select %and3A_226, %get3A_181, %broadcast_in_dim3A_241 : vector<16xi1>, vector<16xf32>
      tpu.vector_store_idx %arg6[%add3A_236, %broadcast_in_dim3A_5], %select_n3A_242 : memref<3840x8xf32, #tpu.memory_space<vmem>>[vector<16xi32>, vector<16xi32>], vector<16xf32>,
      %jit3A_243 = arith.constant 0.000000e+00 : f32
      %broadcast_in_dim3A_244 = vector.broadcast %jit3A_243 : f32 to vector<16xf32>
      %select_n3A_245 = arith.select %and3A_226, %get3A_185, %broadcast_in_dim3A_244 : vector<16xi1>, vector<16xf32>
      tpu.vector_store_idx %arg6[%add3A_236, %broadcast_in_dim3A_7], %select_n3A_245 : memref<3840x8xf32, #tpu.memory_space<vmem>>[vector<16xi32>, vector<16xi32>], vector<16xf32>,
      %jit3A_246 = arith.constant 0.000000e+00 : f32
      %broadcast_in_dim3A_247 = vector.broadcast %jit3A_246 : f32 to vector<16xf32>
      %select_n3A_248 = arith.select %and3A_226, %get3A_189, %broadcast_in_dim3A_247 : vector<16xi1>, vector<16xf32>
      tpu.vector_store_idx %arg6[%add3A_236, %broadcast_in_dim3A_9], %select_n3A_248 : memref<3840x8xf32, #tpu.memory_space<vmem>>[vector<16xi32>, vector<16xi32>], vector<16xf32>,
      %jit3A_249 = arith.constant 1.000000e+00 : f32
      %jit3A_250 = arith.constant 0.000000e+00 : f32
      %broadcast_in_dim3A_251 = vector.broadcast %jit3A_249 : f32 to vector<16xf32>
      %broadcast_in_dim3A_252 = vector.broadcast %jit3A_250 : f32 to vector<16xf32>
      %select_n3A_253 = arith.select %and3A_226, %broadcast_in_dim3A_251, %broadcast_in_dim3A_252 : vector<16xi1>, vector<16xf32>
      tpu.vector_store_idx %arg6[%add3A_236, %broadcast_in_dim3A_11], %select_n3A_253 : memref<3840x8xf32, #tpu.memory_space<vmem>>[vector<16xi32>, vector<16xi32>], vector<16xf32>,
      %jit3A_254 = arith.constant 8 : i32
      %div3A_255 = arith.divsi %scan3A_174, %jit3A_254 : i32
      %sign3A = arith.constant 0 : i32
      %sign3A_256 = arith.cmpi sgt, %scan3A_174, %sign3A : i32
      %sign3A_257 = arith.extui %sign3A_256 : i1 to i32
      %sign3A_258 = arith.constant 0 : i32
      %sign3A_259 = arith.cmpi slt, %scan3A_174, %sign3A_258 : i32
      %sign3A_260 = arith.extui %sign3A_259 : i1 to i32
      %sign3A_261 = arith.subi %sign3A_257, %sign3A_260 : i32
      %sign3A_262 = arith.constant 0 : i32
      %sign3A_263 = arith.cmpi sgt, %jit3A_254, %sign3A_262 : i32
      %sign3A_264 = arith.extui %sign3A_263 : i1 to i32
      %sign3A_265 = arith.constant 0 : i32
      %sign3A_266 = arith.cmpi slt, %jit3A_254, %sign3A_265 : i32
      %sign3A_267 = arith.extui %sign3A_266 : i1 to i32
      %sign3A_268 = arith.subi %sign3A_264, %sign3A_267 : i32
      %ne3A = arith.cmpi ne, %sign3A_261, %sign3A_268 : i32
      %rem3A = arith.remsi %scan3A_174, %jit3A_254 : i32
      %ne3A_269 = arith.constant 0 : i32
      %ne3A_270 = arith.cmpi ne, %rem3A, %ne3A_269 : i32
      %and3A_271 = arith.andi %ne3A, %ne3A_270 : i1
      %sub3A = arith.constant 1 : i32
      %sub3A_272 = arith.subi %div3A_255, %sub3A : i32
      %select_n3A_273 = arith.select %and3A_271, %sub3A_272, %div3A_255 : i32
      %broadcast_in_dim3A_274 = vector.broadcast %select_n3A_273 : i32 to vector<16xi32>
      %jit3A_275 = arith.constant 8 : i32
      %eq3A = arith.constant 0 : i32
      %eq3A_276 = arith.cmpi eq, %jit3A_275, %eq3A : i32
      %jit3A_277 = arith.constant 1 : i32
      %select_n3A_278 = arith.select %eq3A_276, %jit3A_277, %jit3A_275 : i32
      %rem3A_279 = arith.remsi %scan3A_174, %select_n3A_278 : i32
      %ne3A_280 = arith.constant 0 : i32
      %ne3A_281 = arith.cmpi ne, %rem3A_279, %ne3A_280 : i32
      %lt3A_282 = arith.constant 0 : i32
      %lt3A_283 = arith.cmpi slt, %rem3A_279, %lt3A_282 : i32
      %lt3A_284 = arith.constant 0 : i32
      %lt3A_285 = arith.cmpi slt, %select_n3A_278, %lt3A_284 : i32
      %ne3A_286 = arith.xori %lt3A_283, %lt3A_285 : i1
      %and3A_287 = arith.andi %ne3A_286, %ne3A_281 : i1
      %add3A_288 = arith.addi %rem3A_279, %select_n3A_278 : i32
      %select_n3A_289 = arith.select %and3A_287, %add3A_288, %rem3A_279 : i32
      %mul3A_290 = arith.constant 16 : i32
      %mul3A_291 = arith.muli %select_n3A_289, %mul3A_290 : i32
      %broadcast_in_dim3A_292 = vector.broadcast %mul3A_291 : i32 to vector<16xi32>
      %add3A_293 = arith.addi %broadcast_in_dim3A_292, %iota3A : vector<16xi32>
      tpu.vector_store_idx %arg11[%broadcast_in_dim3A_274, %add3A_293], %select_n3A : memref<30x128xi32, #tpu.memory_space<vmem>>[vector<16xi32>, vector<16xi32>], vector<16xi32>,
    }
    %scan3A_102 = arith.constant 240 : i32
    %run_scoped3A_103 = arith.constant 0 : i32
    "tpu.region"() ({
      %run_scoped3A_174 = tpu.sem_alloc : memref<!tpu.dma_semaphore, #tpu.memory_space<semaphore_mem>>
      %dma_start3A = arith.constant 0 : i32
      %dma_start3A_175 = arith.constant 0 : i32
      %dma_start3A_176 = tpu.memref_slice %arg6[%dma_start3A, %dma_start3A_175] : memref<3840x8xf32, #tpu.memory_space<vmem>> -> memref<128x8xf32, #tpu.memory_space<vmem>>
      %dma_start3A_177 = arith.constant 0 : i32
      %dma_start3A_178 = tpu.memref_slice %arg11[%run_scoped3A_103, %dma_start3A_177] : memref<30x128xi32, #tpu.memory_space<vmem>> -> memref<1x128xi32, #tpu.memory_space<vmem>>
      %dma_start3A_179 = tpu.memref_squeeze %dma_start3A_178 : memref<1x128xi32, #tpu.memory_space<vmem>> -> memref<128xi32, #tpu.memory_space<vmem>>
      %dma_start3A_180 = arith.constant 0 : i32
      %dma_start3A_181 = arith.constant 0 : i32
      %dma_start3A_182 = tpu.memref_slice %arg5[%dma_start3A_180, %dma_start3A_181] : memref<65664x8xf32, #tpu.memory_space<vmem_shared>> -> memref<65664x8xf32, #tpu.memory_space<vmem_shared>>
      tpu.enqueue_indirect_dma source(%dma_start3A_176 : memref<128x8xf32, #tpu.memory_space<vmem>>) target(%dma_start3A_182 : memref<65664x8xf32, #tpu.memory_space<vmem_shared>>) offsets(%dma_start3A_179 : memref<128xi32, #tpu.memory_space<vmem>>) semaphore(%run_scoped3A_174 : memref<!tpu.dma_semaphore, #tpu.memory_space<semaphore_mem>>) {add = true}
      %dma_wait3A = arith.constant 0 : i32
      %dma_wait3A_183 = arith.constant 0 : i32
      %dma_wait3A_184 = tpu.memref_slice %arg6[%dma_wait3A, %dma_wait3A_183] : memref<3840x8xf32, #tpu.memory_space<vmem>> -> memref<128x8xf32, #tpu.memory_space<vmem>>
      %dma_wait3A_185 = arith.constant 0 : i32
      %dma_wait3A_186 = tpu.memref_slice %arg11[%run_scoped3A_103, %dma_wait3A_185] : memref<30x128xi32, #tpu.memory_space<vmem>> -> memref<1x128xi32, #tpu.memory_space<vmem>>
      %dma_wait3A_187 = tpu.memref_squeeze %dma_wait3A_186 : memref<1x128xi32, #tpu.memory_space<vmem>> -> memref<128xi32, #tpu.memory_space<vmem>>
      %dma_wait3A_188 = arith.constant 0 : i32
      %dma_wait3A_189 = arith.constant 0 : i32
      %dma_wait3A_190 = tpu.memref_slice %arg5[%dma_wait3A_188, %dma_wait3A_189] : memref<65664x8xf32, #tpu.memory_space<vmem_shared>> -> memref<65664x8xf32, #tpu.memory_space<vmem_shared>>
      tpu.wait_indirect_dma semaphore(%run_scoped3A_174 : memref<!tpu.dma_semaphore, #tpu.memory_space<semaphore_mem>>) src(%dma_wait3A_184 : memref<128x8xf32, #tpu.memory_space<vmem>>) dst(%dma_wait3A_190 : memref<65664x8xf32, #tpu.memory_space<vmem_shared>>)
      tpu.yield
    }) : () -> ()
    %run_scoped3A_104 = arith.constant 1 : i32
    "tpu.region"() ({
      %run_scoped3A_174 = tpu.sem_alloc : memref<!tpu.dma_semaphore, #tpu.memory_space<semaphore_mem>>
      %dma_start3A = arith.constant 128 : i32
      %dma_start3A_175 = arith.constant 0 : i32
      %dma_start3A_176 = tpu.memref_slice %arg6[%dma_start3A, %dma_start3A_175] : memref<3840x8xf32, #tpu.memory_space<vmem>> -> memref<128x8xf32, #tpu.memory_space<vmem>>
      %dma_start3A_177 = arith.constant 0 : i32
      %dma_start3A_178 = tpu.memref_slice %arg11[%run_scoped3A_104, %dma_start3A_177] : memref<30x128xi32, #tpu.memory_space<vmem>> -> memref<1x128xi32, #tpu.memory_space<vmem>>
      %dma_start3A_179 = tpu.memref_squeeze %dma_start3A_178 : memref<1x128xi32, #tpu.memory_space<vmem>> -> memref<128xi32, #tpu.memory_space<vmem>>
      %dma_start3A_180 = arith.constant 0 : i32
      %dma_start3A_181 = arith.constant 0 : i32
      %dma_start3A_182 = tpu.memref_slice %arg5[%dma_start3A_180, %dma_start3A_181] : memref<65664x8xf32, #tpu.memory_space<vmem_shared>> -> memref<65664x8xf32, #tpu.memory_space<vmem_shared>>
      tpu.enqueue_indirect_dma source(%dma_start3A_176 : memref<128x8xf32, #tpu.memory_space<vmem>>) target(%dma_start3A_182 : memref<65664x8xf32, #tpu.memory_space<vmem_shared>>) offsets(%dma_start3A_179 : memref<128xi32, #tpu.memory_space<vmem>>) semaphore(%run_scoped3A_174 : memref<!tpu.dma_semaphore, #tpu.memory_space<semaphore_mem>>) {add = true}
      %dma_wait3A = arith.constant 128 : i32
      %dma_wait3A_183 = arith.constant 0 : i32
      %dma_wait3A_184 = tpu.memref_slice %arg6[%dma_wait3A, %dma_wait3A_183] : memref<3840x8xf32, #tpu.memory_space<vmem>> -> memref<128x8xf32, #tpu.memory_space<vmem>>
      %dma_wait3A_185 = arith.constant 0 : i32
      %dma_wait3A_186 = tpu.memref_slice %arg11[%run_scoped3A_104, %dma_wait3A_185] : memref<30x128xi32, #tpu.memory_space<vmem>> -> memref<1x128xi32, #tpu.memory_space<vmem>>
      %dma_wait3A_187 = tpu.memref_squeeze %dma_wait3A_186 : memref<1x128xi32, #tpu.memory_space<vmem>> -> memref<128xi32, #tpu.memory_space<vmem>>
      %dma_wait3A_188 = arith.constant 0 : i32
      %dma_wait3A_189 = arith.constant 0 : i32
      %dma_wait3A_190 = tpu.memref_slice %arg5[%dma_wait3A_188, %dma_wait3A_189] : memref<65664x8xf32, #tpu.memory_space<vmem_shared>> -> memref<65664x8xf32, #tpu.memory_space<vmem_shared>>
      tpu.wait_indirect_dma semaphore(%run_scoped3A_174 : memref<!tpu.dma_semaphore, #tpu.memory_space<semaphore_mem>>) src(%dma_wait3A_184 : memref<128x8xf32, #tpu.memory_space<vmem>>) dst(%dma_wait3A_190 : memref<65664x8xf32, #tpu.memory_space<vmem_shared>>)
      tpu.yield
    }) : () -> ()
    %run_scoped3A_105 = arith.constant 2 : i32
    "tpu.region"() ({
      %run_scoped3A_174 = tpu.sem_alloc : memref<!tpu.dma_semaphore, #tpu.memory_space<semaphore_mem>>
      %dma_start3A = arith.constant 256 : i32
      %dma_start3A_175 = arith.constant 0 : i32
      %dma_start3A_176 = tpu.memref_slice %arg6[%dma_start3A, %dma_start3A_175] : memref<3840x8xf32, #tpu.memory_space<vmem>> -> memref<128x8xf32, #tpu.memory_space<vmem>>
      %dma_start3A_177 = arith.constant 0 : i32
      %dma_start3A_178 = tpu.memref_slice %arg11[%run_scoped3A_105, %dma_start3A_177] : memref<30x128xi32, #tpu.memory_space<vmem>> -> memref<1x128xi32, #tpu.memory_space<vmem>>
      %dma_start3A_179 = tpu.memref_squeeze %dma_start3A_178 : memref<1x128xi32, #tpu.memory_space<vmem>> -> memref<128xi32, #tpu.memory_space<vmem>>
      %dma_start3A_180 = arith.constant 0 : i32
      %dma_start3A_181 = arith.constant 0 : i32
      %dma_start3A_182 = tpu.memref_slice %arg5[%dma_start3A_180, %dma_start3A_181] : memref<65664x8xf32, #tpu.memory_space<vmem_shared>> -> memref<65664x8xf32, #tpu.memory_space<vmem_shared>>
      tpu.enqueue_indirect_dma source(%dma_start3A_176 : memref<128x8xf32, #tpu.memory_space<vmem>>) target(%dma_start3A_182 : memref<65664x8xf32, #tpu.memory_space<vmem_shared>>) offsets(%dma_start3A_179 : memref<128xi32, #tpu.memory_space<vmem>>) semaphore(%run_scoped3A_174 : memref<!tpu.dma_semaphore, #tpu.memory_space<semaphore_mem>>) {add = true}
      %dma_wait3A = arith.constant 256 : i32
      %dma_wait3A_183 = arith.constant 0 : i32
      %dma_wait3A_184 = tpu.memref_slice %arg6[%dma_wait3A, %dma_wait3A_183] : memref<3840x8xf32, #tpu.memory_space<vmem>> -> memref<128x8xf32, #tpu.memory_space<vmem>>
      %dma_wait3A_185 = arith.constant 0 : i32
      %dma_wait3A_186 = tpu.memref_slice %arg11[%run_scoped3A_105, %dma_wait3A_185] : memref<30x128xi32, #tpu.memory_space<vmem>> -> memref<1x128xi32, #tpu.memory_space<vmem>>
      %dma_wait3A_187 = tpu.memref_squeeze %dma_wait3A_186 : memref<1x128xi32, #tpu.memory_space<vmem>> -> memref<128xi32, #tpu.memory_space<vmem>>
      %dma_wait3A_188 = arith.constant 0 : i32
      %dma_wait3A_189 = arith.constant 0 : i32
      %dma_wait3A_190 = tpu.memref_slice %arg5[%dma_wait3A_188, %dma_wait3A_189] : memref<65664x8xf32, #tpu.memory_space<vmem_shared>> -> memref<65664x8xf32, #tpu.memory_space<vmem_shared>>
      tpu.wait_indirect_dma semaphore(%run_scoped3A_174 : memref<!tpu.dma_semaphore, #tpu.memory_space<semaphore_mem>>) src(%dma_wait3A_184 : memref<128x8xf32, #tpu.memory_space<vmem>>) dst(%dma_wait3A_190 : memref<65664x8xf32, #tpu.memory_space<vmem_shared>>)
      tpu.yield
    }) : () -> ()
    %run_scoped3A_106 = arith.constant 3 : i32
    "tpu.region"() ({
      %run_scoped3A_174 = tpu.sem_alloc : memref<!tpu.dma_semaphore, #tpu.memory_space<semaphore_mem>>
      %dma_start3A = arith.constant 384 : i32
      %dma_start3A_175 = arith.constant 0 : i32
      %dma_start3A_176 = tpu.memref_slice %arg6[%dma_start3A, %dma_start3A_175] : memref<3840x8xf32, #tpu.memory_space<vmem>> -> memref<128x8xf32, #tpu.memory_space<vmem>>
      %dma_start3A_177 = arith.constant 0 : i32
      %dma_start3A_178 = tpu.memref_slice %arg11[%run_scoped3A_106, %dma_start3A_177] : memref<30x128xi32, #tpu.memory_space<vmem>> -> memref<1x128xi32, #tpu.memory_space<vmem>>
      %dma_start3A_179 = tpu.memref_squeeze %dma_start3A_178 : memref<1x128xi32, #tpu.memory_space<vmem>> -> memref<128xi32, #tpu.memory_space<vmem>>
      %dma_start3A_180 = arith.constant 0 : i32
      %dma_start3A_181 = arith.constant 0 : i32
      %dma_start3A_182 = tpu.memref_slice %arg5[%dma_start3A_180, %dma_start3A_181] : memref<65664x8xf32, #tpu.memory_space<vmem_shared>> -> memref<65664x8xf32, #tpu.memory_space<vmem_shared>>
      tpu.enqueue_indirect_dma source(%dma_start3A_176 : memref<128x8xf32, #tpu.memory_space<vmem>>) target(%dma_start3A_182 : memref<65664x8xf32, #tpu.memory_space<vmem_shared>>) offsets(%dma_start3A_179 : memref<128xi32, #tpu.memory_space<vmem>>) semaphore(%run_scoped3A_174 : memref<!tpu.dma_semaphore, #tpu.memory_space<semaphore_mem>>) {add = true}
      %dma_wait3A = arith.constant 384 : i32
      %dma_wait3A_183 = arith.constant 0 : i32
      %dma_wait3A_184 = tpu.memref_slice %arg6[%dma_wait3A, %dma_wait3A_183] : memref<3840x8xf32, #tpu.memory_space<vmem>> -> memref<128x8xf32, #tpu.memory_space<vmem>>
      %dma_wait3A_185 = arith.constant 0 : i32
      %dma_wait3A_186 = tpu.memref_slice %arg11[%run_scoped3A_106, %dma_wait3A_185] : memref<30x128xi32, #tpu.memory_space<vmem>> -> memref<1x128xi32, #tpu.memory_space<vmem>>
      %dma_wait3A_187 = tpu.memref_squeeze %dma_wait3A_186 : memref<1x128xi32, #tpu.memory_space<vmem>> -> memref<128xi32, #tpu.memory_space<vmem>>
      %dma_wait3A_188 = arith.constant 0 : i32
      %dma_wait3A_189 = arith.constant 0 : i32
      %dma_wait3A_190 = tpu.memref_slice %arg5[%dma_wait3A_188, %dma_wait3A_189] : memref<65664x8xf32, #tpu.memory_space<vmem_shared>> -> memref<65664x8xf32, #tpu.memory_space<vmem_shared>>
      tpu.wait_indirect_dma semaphore(%run_scoped3A_174 : memref<!tpu.dma_semaphore, #tpu.memory_space<semaphore_mem>>) src(%dma_wait3A_184 : memref<128x8xf32, #tpu.memory_space<vmem>>) dst(%dma_wait3A_190 : memref<65664x8xf32, #tpu.memory_space<vmem_shared>>)
      tpu.yield
    }) : () -> ()
    %run_scoped3A_107 = arith.constant 4 : i32
    "tpu.region"() ({
      %run_scoped3A_174 = tpu.sem_alloc : memref<!tpu.dma_semaphore, #tpu.memory_space<semaphore_mem>>
      %dma_start3A = arith.constant 512 : i32
      %dma_start3A_175 = arith.constant 0 : i32
      %dma_start3A_176 = tpu.memref_slice %arg6[%dma_start3A, %dma_start3A_175] : memref<3840x8xf32, #tpu.memory_space<vmem>> -> memref<128x8xf32, #tpu.memory_space<vmem>>
      %dma_start3A_177 = arith.constant 0 : i32
      %dma_start3A_178 = tpu.memref_slice %arg11[%run_scoped3A_107, %dma_start3A_177] : memref<30x128xi32, #tpu.memory_space<vmem>> -> memref<1x128xi32, #tpu.memory_space<vmem>>
      %dma_start3A_179 = tpu.memref_squeeze %dma_start3A_178 : memref<1x128xi32, #tpu.memory_space<vmem>> -> memref<128xi32, #tpu.memory_space<vmem>>
      %dma_start3A_180 = arith.constant 0 : i32
      %dma_start3A_181 = arith.constant 0 : i32
      %dma_start3A_182 = tpu.memref_slice %arg5[%dma_start3A_180, %dma_start3A_181] : memref<65664x8xf32, #tpu.memory_space<vmem_shared>> -> memref<65664x8xf32, #tpu.memory_space<vmem_shared>>
      tpu.enqueue_indirect_dma source(%dma_start3A_176 : memref<128x8xf32, #tpu.memory_space<vmem>>) target(%dma_start3A_182 : memref<65664x8xf32, #tpu.memory_space<vmem_shared>>) offsets(%dma_start3A_179 : memref<128xi32, #tpu.memory_space<vmem>>) semaphore(%run_scoped3A_174 : memref<!tpu.dma_semaphore, #tpu.memory_space<semaphore_mem>>) {add = true}
      %dma_wait3A = arith.constant 512 : i32
      %dma_wait3A_183 = arith.constant 0 : i32
      %dma_wait3A_184 = tpu.memref_slice %arg6[%dma_wait3A, %dma_wait3A_183] : memref<3840x8xf32, #tpu.memory_space<vmem>> -> memref<128x8xf32, #tpu.memory_space<vmem>>
      %dma_wait3A_185 = arith.constant 0 : i32
      %dma_wait3A_186 = tpu.memref_slice %arg11[%run_scoped3A_107, %dma_wait3A_185] : memref<30x128xi32, #tpu.memory_space<vmem>> -> memref<1x128xi32, #tpu.memory_space<vmem>>
      %dma_wait3A_187 = tpu.memref_squeeze %dma_wait3A_186 : memref<1x128xi32, #tpu.memory_space<vmem>> -> memref<128xi32, #tpu.memory_space<vmem>>
      %dma_wait3A_188 = arith.constant 0 : i32
      %dma_wait3A_189 = arith.constant 0 : i32
      %dma_wait3A_190 = tpu.memref_slice %arg5[%dma_wait3A_188, %dma_wait3A_189] : memref<65664x8xf32, #tpu.memory_space<vmem_shared>> -> memref<65664x8xf32, #tpu.memory_space<vmem_shared>>
      tpu.wait_indirect_dma semaphore(%run_scoped3A_174 : memref<!tpu.dma_semaphore, #tpu.memory_space<semaphore_mem>>) src(%dma_wait3A_184 : memref<128x8xf32, #tpu.memory_space<vmem>>) dst(%dma_wait3A_190 : memref<65664x8xf32, #tpu.memory_space<vmem_shared>>)
      tpu.yield
    }) : () -> ()
    %run_scoped3A_108 = arith.constant 5 : i32
    "tpu.region"() ({
      %run_scoped3A_174 = tpu.sem_alloc : memref<!tpu.dma_semaphore, #tpu.memory_space<semaphore_mem>>
      %dma_start3A = arith.constant 640 : i32
      %dma_start3A_175 = arith.constant 0 : i32
      %dma_start3A_176 = tpu.memref_slice %arg6[%dma_start3A, %dma_start3A_175] : memref<3840x8xf32, #tpu.memory_space<vmem>> -> memref<128x8xf32, #tpu.memory_space<vmem>>
      %dma_start3A_177 = arith.constant 0 : i32
      %dma_start3A_178 = tpu.memref_slice %arg11[%run_scoped3A_108, %dma_start3A_177] : memref<30x128xi32, #tpu.memory_space<vmem>> -> memref<1x128xi32, #tpu.memory_space<vmem>>
      %dma_start3A_179 = tpu.memref_squeeze %dma_start3A_178 : memref<1x128xi32, #tpu.memory_space<vmem>> -> memref<128xi32, #tpu.memory_space<vmem>>
      %dma_start3A_180 = arith.constant 0 : i32
      %dma_start3A_181 = arith.constant 0 : i32
      %dma_start3A_182 = tpu.memref_slice %arg5[%dma_start3A_180, %dma_start3A_181] : memref<65664x8xf32, #tpu.memory_space<vmem_shared>> -> memref<65664x8xf32, #tpu.memory_space<vmem_shared>>
      tpu.enqueue_indirect_dma source(%dma_start3A_176 : memref<128x8xf32, #tpu.memory_space<vmem>>) target(%dma_start3A_182 : memref<65664x8xf32, #tpu.memory_space<vmem_shared>>) offsets(%dma_start3A_179 : memref<128xi32, #tpu.memory_space<vmem>>) semaphore(%run_scoped3A_174 : memref<!tpu.dma_semaphore, #tpu.memory_space<semaphore_mem>>) {add = true}
      %dma_wait3A = arith.constant 640 : i32
      %dma_wait3A_183 = arith.constant 0 : i32
      %dma_wait3A_184 = tpu.memref_slice %arg6[%dma_wait3A, %dma_wait3A_183] : memref<3840x8xf32, #tpu.memory_space<vmem>> -> memref<128x8xf32, #tpu.memory_space<vmem>>
      %dma_wait3A_185 = arith.constant 0 : i32
      %dma_wait3A_186 = tpu.memref_slice %arg11[%run_scoped3A_108, %dma_wait3A_185] : memref<30x128xi32, #tpu.memory_space<vmem>> -> memref<1x128xi32, #tpu.memory_space<vmem>>
      %dma_wait3A_187 = tpu.memref_squeeze %dma_wait3A_186 : memref<1x128xi32, #tpu.memory_space<vmem>> -> memref<128xi32, #tpu.memory_space<vmem>>
      %dma_wait3A_188 = arith.constant 0 : i32
      %dma_wait3A_189 = arith.constant 0 : i32
      %dma_wait3A_190 = tpu.memref_slice %arg5[%dma_wait3A_188, %dma_wait3A_189] : memref<65664x8xf32, #tpu.memory_space<vmem_shared>> -> memref<65664x8xf32, #tpu.memory_space<vmem_shared>>
      tpu.wait_indirect_dma semaphore(%run_scoped3A_174 : memref<!tpu.dma_semaphore, #tpu.memory_space<semaphore_mem>>) src(%dma_wait3A_184 : memref<128x8xf32, #tpu.memory_space<vmem>>) dst(%dma_wait3A_190 : memref<65664x8xf32, #tpu.memory_space<vmem_shared>>)
      tpu.yield
    }) : () -> ()
    %run_scoped3A_109 = arith.constant 6 : i32
    "tpu.region"() ({
      %run_scoped3A_174 = tpu.sem_alloc : memref<!tpu.dma_semaphore, #tpu.memory_space<semaphore_mem>>
      %dma_start3A = arith.constant 768 : i32
      %dma_start3A_175 = arith.constant 0 : i32
      %dma_start3A_176 = tpu.memref_slice %arg6[%dma_start3A, %dma_start3A_175] : memref<3840x8xf32, #tpu.memory_space<vmem>> -> memref<128x8xf32, #tpu.memory_space<vmem>>
      %dma_start3A_177 = arith.constant 0 : i32
      %dma_start3A_178 = tpu.memref_slice %arg11[%run_scoped3A_109, %dma_start3A_177] : memref<30x128xi32, #tpu.memory_space<vmem>> -> memref<1x128xi32, #tpu.memory_space<vmem>>
      %dma_start3A_179 = tpu.memref_squeeze %dma_start3A_178 : memref<1x128xi32, #tpu.memory_space<vmem>> -> memref<128xi32, #tpu.memory_space<vmem>>
      %dma_start3A_180 = arith.constant 0 : i32
      %dma_start3A_181 = arith.constant 0 : i32
      %dma_start3A_182 = tpu.memref_slice %arg5[%dma_start3A_180, %dma_start3A_181] : memref<65664x8xf32, #tpu.memory_space<vmem_shared>> -> memref<65664x8xf32, #tpu.memory_space<vmem_shared>>
      tpu.enqueue_indirect_dma source(%dma_start3A_176 : memref<128x8xf32, #tpu.memory_space<vmem>>) target(%dma_start3A_182 : memref<65664x8xf32, #tpu.memory_space<vmem_shared>>) offsets(%dma_start3A_179 : memref<128xi32, #tpu.memory_space<vmem>>) semaphore(%run_scoped3A_174 : memref<!tpu.dma_semaphore, #tpu.memory_space<semaphore_mem>>) {add = true}
      %dma_wait3A = arith.constant 768 : i32
      %dma_wait3A_183 = arith.constant 0 : i32
      %dma_wait3A_184 = tpu.memref_slice %arg6[%dma_wait3A, %dma_wait3A_183] : memref<3840x8xf32, #tpu.memory_space<vmem>> -> memref<128x8xf32, #tpu.memory_space<vmem>>
      %dma_wait3A_185 = arith.constant 0 : i32
      %dma_wait3A_186 = tpu.memref_slice %arg11[%run_scoped3A_109, %dma_wait3A_185] : memref<30x128xi32, #tpu.memory_space<vmem>> -> memref<1x128xi32, #tpu.memory_space<vmem>>
      %dma_wait3A_187 = tpu.memref_squeeze %dma_wait3A_186 : memref<1x128xi32, #tpu.memory_space<vmem>> -> memref<128xi32, #tpu.memory_space<vmem>>
      %dma_wait3A_188 = arith.constant 0 : i32
      %dma_wait3A_189 = arith.constant 0 : i32
      %dma_wait3A_190 = tpu.memref_slice %arg5[%dma_wait3A_188, %dma_wait3A_189] : memref<65664x8xf32, #tpu.memory_space<vmem_shared>> -> memref<65664x8xf32, #tpu.memory_space<vmem_shared>>
      tpu.wait_indirect_dma semaphore(%run_scoped3A_174 : memref<!tpu.dma_semaphore, #tpu.memory_space<semaphore_mem>>) src(%dma_wait3A_184 : memref<128x8xf32, #tpu.memory_space<vmem>>) dst(%dma_wait3A_190 : memref<65664x8xf32, #tpu.memory_space<vmem_shared>>)
      tpu.yield
    }) : () -> ()
    %run_scoped3A_110 = arith.constant 7 : i32
    "tpu.region"() ({
      %run_scoped3A_174 = tpu.sem_alloc : memref<!tpu.dma_semaphore, #tpu.memory_space<semaphore_mem>>
      %dma_start3A = arith.constant 896 : i32
      %dma_start3A_175 = arith.constant 0 : i32
      %dma_start3A_176 = tpu.memref_slice %arg6[%dma_start3A, %dma_start3A_175] : memref<3840x8xf32, #tpu.memory_space<vmem>> -> memref<128x8xf32, #tpu.memory_space<vmem>>
      %dma_start3A_177 = arith.constant 0 : i32
      %dma_start3A_178 = tpu.memref_slice %arg11[%run_scoped3A_110, %dma_start3A_177] : memref<30x128xi32, #tpu.memory_space<vmem>> -> memref<1x128xi32, #tpu.memory_space<vmem>>
      %dma_start3A_179 = tpu.memref_squeeze %dma_start3A_178 : memref<1x128xi32, #tpu.memory_space<vmem>> -> memref<128xi32, #tpu.memory_space<vmem>>
      %dma_start3A_180 = arith.constant 0 : i32
      %dma_start3A_181 = arith.constant 0 : i32
      %dma_start3A_182 = tpu.memref_slice %arg5[%dma_start3A_180, %dma_start3A_181] : memref<65664x8xf32, #tpu.memory_space<vmem_shared>> -> memref<65664x8xf32, #tpu.memory_space<vmem_shared>>
      tpu.enqueue_indirect_dma source(%dma_start3A_176 : memref<128x8xf32, #tpu.memory_space<vmem>>) target(%dma_start3A_182 : memref<65664x8xf32, #tpu.memory_space<vmem_shared>>) offsets(%dma_start3A_179 : memref<128xi32, #tpu.memory_space<vmem>>) semaphore(%run_scoped3A_174 : memref<!tpu.dma_semaphore, #tpu.memory_space<semaphore_mem>>) {add = true}
      %dma_wait3A = arith.constant 896 : i32
      %dma_wait3A_183 = arith.constant 0 : i32
      %dma_wait3A_184 = tpu.memref_slice %arg6[%dma_wait3A, %dma_wait3A_183] : memref<3840x8xf32, #tpu.memory_space<vmem>> -> memref<128x8xf32, #tpu.memory_space<vmem>>
      %dma_wait3A_185 = arith.constant 0 : i32
      %dma_wait3A_186 = tpu.memref_slice %arg11[%run_scoped3A_110, %dma_wait3A_185] : memref<30x128xi32, #tpu.memory_space<vmem>> -> memref<1x128xi32, #tpu.memory_space<vmem>>
      %dma_wait3A_187 = tpu.memref_squeeze %dma_wait3A_186 : memref<1x128xi32, #tpu.memory_space<vmem>> -> memref<128xi32, #tpu.memory_space<vmem>>
      %dma_wait3A_188 = arith.constant 0 : i32
      %dma_wait3A_189 = arith.constant 0 : i32
      %dma_wait3A_190 = tpu.memref_slice %arg5[%dma_wait3A_188, %dma_wait3A_189] : memref<65664x8xf32, #tpu.memory_space<vmem_shared>> -> memref<65664x8xf32, #tpu.memory_space<vmem_shared>>
      tpu.wait_indirect_dma semaphore(%run_scoped3A_174 : memref<!tpu.dma_semaphore, #tpu.memory_space<semaphore_mem>>) src(%dma_wait3A_184 : memref<128x8xf32, #tpu.memory_space<vmem>>) dst(%dma_wait3A_190 : memref<65664x8xf32, #tpu.memory_space<vmem_shared>>)
      tpu.yield
    }) : () -> ()
    %run_scoped3A_111 = arith.constant 8 : i32
    "tpu.region"() ({
      %run_scoped3A_174 = tpu.sem_alloc : memref<!tpu.dma_semaphore, #tpu.memory_space<semaphore_mem>>
      %dma_start3A = arith.constant 1024 : i32
      %dma_start3A_175 = arith.constant 0 : i32
      %dma_start3A_176 = tpu.memref_slice %arg6[%dma_start3A, %dma_start3A_175] : memref<3840x8xf32, #tpu.memory_space<vmem>> -> memref<128x8xf32, #tpu.memory_space<vmem>>
      %dma_start3A_177 = arith.constant 0 : i32
      %dma_start3A_178 = tpu.memref_slice %arg11[%run_scoped3A_111, %dma_start3A_177] : memref<30x128xi32, #tpu.memory_space<vmem>> -> memref<1x128xi32, #tpu.memory_space<vmem>>
      %dma_start3A_179 = tpu.memref_squeeze %dma_start3A_178 : memref<1x128xi32, #tpu.memory_space<vmem>> -> memref<128xi32, #tpu.memory_space<vmem>>
      %dma_start3A_180 = arith.constant 0 : i32
      %dma_start3A_181 = arith.constant 0 : i32
      %dma_start3A_182 = tpu.memref_slice %arg5[%dma_start3A_180, %dma_start3A_181] : memref<65664x8xf32, #tpu.memory_space<vmem_shared>> -> memref<65664x8xf32, #tpu.memory_space<vmem_shared>>
      tpu.enqueue_indirect_dma source(%dma_start3A_176 : memref<128x8xf32, #tpu.memory_space<vmem>>) target(%dma_start3A_182 : memref<65664x8xf32, #tpu.memory_space<vmem_shared>>) offsets(%dma_start3A_179 : memref<128xi32, #tpu.memory_space<vmem>>) semaphore(%run_scoped3A_174 : memref<!tpu.dma_semaphore, #tpu.memory_space<semaphore_mem>>) {add = true}
      %dma_wait3A = arith.constant 1024 : i32
      %dma_wait3A_183 = arith.constant 0 : i32
      %dma_wait3A_184 = tpu.memref_slice %arg6[%dma_wait3A, %dma_wait3A_183] : memref<3840x8xf32, #tpu.memory_space<vmem>> -> memref<128x8xf32, #tpu.memory_space<vmem>>
      %dma_wait3A_185 = arith.constant 0 : i32
      %dma_wait3A_186 = tpu.memref_slice %arg11[%run_scoped3A_111, %dma_wait3A_185] : memref<30x128xi32, #tpu.memory_space<vmem>> -> memref<1x128xi32, #tpu.memory_space<vmem>>
      %dma_wait3A_187 = tpu.memref_squeeze %dma_wait3A_186 : memref<1x128xi32, #tpu.memory_space<vmem>> -> memref<128xi32, #tpu.memory_space<vmem>>
      %dma_wait3A_188 = arith.constant 0 : i32
      %dma_wait3A_189 = arith.constant 0 : i32
      %dma_wait3A_190 = tpu.memref_slice %arg5[%dma_wait3A_188, %dma_wait3A_189] : memref<65664x8xf32, #tpu.memory_space<vmem_shared>> -> memref<65664x8xf32, #tpu.memory_space<vmem_shared>>
      tpu.wait_indirect_dma semaphore(%run_scoped3A_174 : memref<!tpu.dma_semaphore, #tpu.memory_space<semaphore_mem>>) src(%dma_wait3A_184 : memref<128x8xf32, #tpu.memory_space<vmem>>) dst(%dma_wait3A_190 : memref<65664x8xf32, #tpu.memory_space<vmem_shared>>)
      tpu.yield
    }) : () -> ()
    %run_scoped3A_112 = arith.constant 9 : i32
    "tpu.region"() ({
      %run_scoped3A_174 = tpu.sem_alloc : memref<!tpu.dma_semaphore, #tpu.memory_space<semaphore_mem>>
      %dma_start3A = arith.constant 1152 : i32
      %dma_start3A_175 = arith.constant 0 : i32
      %dma_start3A_176 = tpu.memref_slice %arg6[%dma_start3A, %dma_start3A_175] : memref<3840x8xf32, #tpu.memory_space<vmem>> -> memref<128x8xf32, #tpu.memory_space<vmem>>
      %dma_start3A_177 = arith.constant 0 : i32
      %dma_start3A_178 = tpu.memref_slice %arg11[%run_scoped3A_112, %dma_start3A_177] : memref<30x128xi32, #tpu.memory_space<vmem>> -> memref<1x128xi32, #tpu.memory_space<vmem>>
      %dma_start3A_179 = tpu.memref_squeeze %dma_start3A_178 : memref<1x128xi32, #tpu.memory_space<vmem>> -> memref<128xi32, #tpu.memory_space<vmem>>
      %dma_start3A_180 = arith.constant 0 : i32
      %dma_start3A_181 = arith.constant 0 : i32
      %dma_start3A_182 = tpu.memref_slice %arg5[%dma_start3A_180, %dma_start3A_181] : memref<65664x8xf32, #tpu.memory_space<vmem_shared>> -> memref<65664x8xf32, #tpu.memory_space<vmem_shared>>
      tpu.enqueue_indirect_dma source(%dma_start3A_176 : memref<128x8xf32, #tpu.memory_space<vmem>>) target(%dma_start3A_182 : memref<65664x8xf32, #tpu.memory_space<vmem_shared>>) offsets(%dma_start3A_179 : memref<128xi32, #tpu.memory_space<vmem>>) semaphore(%run_scoped3A_174 : memref<!tpu.dma_semaphore, #tpu.memory_space<semaphore_mem>>) {add = true}
      %dma_wait3A = arith.constant 1152 : i32
      %dma_wait3A_183 = arith.constant 0 : i32
      %dma_wait3A_184 = tpu.memref_slice %arg6[%dma_wait3A, %dma_wait3A_183] : memref<3840x8xf32, #tpu.memory_space<vmem>> -> memref<128x8xf32, #tpu.memory_space<vmem>>
      %dma_wait3A_185 = arith.constant 0 : i32
      %dma_wait3A_186 = tpu.memref_slice %arg11[%run_scoped3A_112, %dma_wait3A_185] : memref<30x128xi32, #tpu.memory_space<vmem>> -> memref<1x128xi32, #tpu.memory_space<vmem>>
      %dma_wait3A_187 = tpu.memref_squeeze %dma_wait3A_186 : memref<1x128xi32, #tpu.memory_space<vmem>> -> memref<128xi32, #tpu.memory_space<vmem>>
      %dma_wait3A_188 = arith.constant 0 : i32
      %dma_wait3A_189 = arith.constant 0 : i32
      %dma_wait3A_190 = tpu.memref_slice %arg5[%dma_wait3A_188, %dma_wait3A_189] : memref<65664x8xf32, #tpu.memory_space<vmem_shared>> -> memref<65664x8xf32, #tpu.memory_space<vmem_shared>>
      tpu.wait_indirect_dma semaphore(%run_scoped3A_174 : memref<!tpu.dma_semaphore, #tpu.memory_space<semaphore_mem>>) src(%dma_wait3A_184 : memref<128x8xf32, #tpu.memory_space<vmem>>) dst(%dma_wait3A_190 : memref<65664x8xf32, #tpu.memory_space<vmem_shared>>)
      tpu.yield
    }) : () -> ()
    %run_scoped3A_113 = arith.constant 10 : i32
    "tpu.region"() ({
      %run_scoped3A_174 = tpu.sem_alloc : memref<!tpu.dma_semaphore, #tpu.memory_space<semaphore_mem>>
      %dma_start3A = arith.constant 1280 : i32
      %dma_start3A_175 = arith.constant 0 : i32
      %dma_start3A_176 = tpu.memref_slice %arg6[%dma_start3A, %dma_start3A_175] : memref<3840x8xf32, #tpu.memory_space<vmem>> -> memref<128x8xf32, #tpu.memory_space<vmem>>
      %dma_start3A_177 = arith.constant 0 : i32
      %dma_start3A_178 = tpu.memref_slice %arg11[%run_scoped3A_113, %dma_start3A_177] : memref<30x128xi32, #tpu.memory_space<vmem>> -> memref<1x128xi32, #tpu.memory_space<vmem>>
      %dma_start3A_179 = tpu.memref_squeeze %dma_start3A_178 : memref<1x128xi32, #tpu.memory_space<vmem>> -> memref<128xi32, #tpu.memory_space<vmem>>
      %dma_start3A_180 = arith.constant 0 : i32
      %dma_start3A_181 = arith.constant 0 : i32
      %dma_start3A_182 = tpu.memref_slice %arg5[%dma_start3A_180, %dma_start3A_181] : memref<65664x8xf32, #tpu.memory_space<vmem_shared>> -> memref<65664x8xf32, #tpu.memory_space<vmem_shared>>
      tpu.enqueue_indirect_dma source(%dma_start3A_176 : memref<128x8xf32, #tpu.memory_space<vmem>>) target(%dma_start3A_182 : memref<65664x8xf32, #tpu.memory_space<vmem_shared>>) offsets(%dma_start3A_179 : memref<128xi32, #tpu.memory_space<vmem>>) semaphore(%run_scoped3A_174 : memref<!tpu.dma_semaphore, #tpu.memory_space<semaphore_mem>>) {add = true}
      %dma_wait3A = arith.constant 1280 : i32
      %dma_wait3A_183 = arith.constant 0 : i32
      %dma_wait3A_184 = tpu.memref_slice %arg6[%dma_wait3A, %dma_wait3A_183] : memref<3840x8xf32, #tpu.memory_space<vmem>> -> memref<128x8xf32, #tpu.memory_space<vmem>>
      %dma_wait3A_185 = arith.constant 0 : i32
      %dma_wait3A_186 = tpu.memref_slice %arg11[%run_scoped3A_113, %dma_wait3A_185] : memref<30x128xi32, #tpu.memory_space<vmem>> -> memref<1x128xi32, #tpu.memory_space<vmem>>
      %dma_wait3A_187 = tpu.memref_squeeze %dma_wait3A_186 : memref<1x128xi32, #tpu.memory_space<vmem>> -> memref<128xi32, #tpu.memory_space<vmem>>
      %dma_wait3A_188 = arith.constant 0 : i32
      %dma_wait3A_189 = arith.constant 0 : i32
      %dma_wait3A_190 = tpu.memref_slice %arg5[%dma_wait3A_188, %dma_wait3A_189] : memref<65664x8xf32, #tpu.memory_space<vmem_shared>> -> memref<65664x8xf32, #tpu.memory_space<vmem_shared>>
      tpu.wait_indirect_dma semaphore(%run_scoped3A_174 : memref<!tpu.dma_semaphore, #tpu.memory_space<semaphore_mem>>) src(%dma_wait3A_184 : memref<128x8xf32, #tpu.memory_space<vmem>>) dst(%dma_wait3A_190 : memref<65664x8xf32, #tpu.memory_space<vmem_shared>>)
      tpu.yield
    }) : () -> ()
    %run_scoped3A_114 = arith.constant 11 : i32
    "tpu.region"() ({
      %run_scoped3A_174 = tpu.sem_alloc : memref<!tpu.dma_semaphore, #tpu.memory_space<semaphore_mem>>
      %dma_start3A = arith.constant 1408 : i32
      %dma_start3A_175 = arith.constant 0 : i32
      %dma_start3A_176 = tpu.memref_slice %arg6[%dma_start3A, %dma_start3A_175] : memref<3840x8xf32, #tpu.memory_space<vmem>> -> memref<128x8xf32, #tpu.memory_space<vmem>>
      %dma_start3A_177 = arith.constant 0 : i32
      %dma_start3A_178 = tpu.memref_slice %arg11[%run_scoped3A_114, %dma_start3A_177] : memref<30x128xi32, #tpu.memory_space<vmem>> -> memref<1x128xi32, #tpu.memory_space<vmem>>
      %dma_start3A_179 = tpu.memref_squeeze %dma_start3A_178 : memref<1x128xi32, #tpu.memory_space<vmem>> -> memref<128xi32, #tpu.memory_space<vmem>>
      %dma_start3A_180 = arith.constant 0 : i32
      %dma_start3A_181 = arith.constant 0 : i32
      %dma_start3A_182 = tpu.memref_slice %arg5[%dma_start3A_180, %dma_start3A_181] : memref<65664x8xf32, #tpu.memory_space<vmem_shared>> -> memref<65664x8xf32, #tpu.memory_space<vmem_shared>>
      tpu.enqueue_indirect_dma source(%dma_start3A_176 : memref<128x8xf32, #tpu.memory_space<vmem>>) target(%dma_start3A_182 : memref<65664x8xf32, #tpu.memory_space<vmem_shared>>) offsets(%dma_start3A_179 : memref<128xi32, #tpu.memory_space<vmem>>) semaphore(%run_scoped3A_174 : memref<!tpu.dma_semaphore, #tpu.memory_space<semaphore_mem>>) {add = true}
      %dma_wait3A = arith.constant 1408 : i32
      %dma_wait3A_183 = arith.constant 0 : i32
      %dma_wait3A_184 = tpu.memref_slice %arg6[%dma_wait3A, %dma_wait3A_183] : memref<3840x8xf32, #tpu.memory_space<vmem>> -> memref<128x8xf32, #tpu.memory_space<vmem>>
      %dma_wait3A_185 = arith.constant 0 : i32
      %dma_wait3A_186 = tpu.memref_slice %arg11[%run_scoped3A_114, %dma_wait3A_185] : memref<30x128xi32, #tpu.memory_space<vmem>> -> memref<1x128xi32, #tpu.memory_space<vmem>>
      %dma_wait3A_187 = tpu.memref_squeeze %dma_wait3A_186 : memref<1x128xi32, #tpu.memory_space<vmem>> -> memref<128xi32, #tpu.memory_space<vmem>>
      %dma_wait3A_188 = arith.constant 0 : i32
      %dma_wait3A_189 = arith.constant 0 : i32
      %dma_wait3A_190 = tpu.memref_slice %arg5[%dma_wait3A_188, %dma_wait3A_189] : memref<65664x8xf32, #tpu.memory_space<vmem_shared>> -> memref<65664x8xf32, #tpu.memory_space<vmem_shared>>
      tpu.wait_indirect_dma semaphore(%run_scoped3A_174 : memref<!tpu.dma_semaphore, #tpu.memory_space<semaphore_mem>>) src(%dma_wait3A_184 : memref<128x8xf32, #tpu.memory_space<vmem>>) dst(%dma_wait3A_190 : memref<65664x8xf32, #tpu.memory_space<vmem_shared>>)
      tpu.yield
    }) : () -> ()
    %run_scoped3A_115 = arith.constant 12 : i32
    "tpu.region"() ({
      %run_scoped3A_174 = tpu.sem_alloc : memref<!tpu.dma_semaphore, #tpu.memory_space<semaphore_mem>>
      %dma_start3A = arith.constant 1536 : i32
      %dma_start3A_175 = arith.constant 0 : i32
      %dma_start3A_176 = tpu.memref_slice %arg6[%dma_start3A, %dma_start3A_175] : memref<3840x8xf32, #tpu.memory_space<vmem>> -> memref<128x8xf32, #tpu.memory_space<vmem>>
      %dma_start3A_177 = arith.constant 0 : i32
      %dma_start3A_178 = tpu.memref_slice %arg11[%run_scoped3A_115, %dma_start3A_177] : memref<30x128xi32, #tpu.memory_space<vmem>> -> memref<1x128xi32, #tpu.memory_space<vmem>>
      %dma_start3A_179 = tpu.memref_squeeze %dma_start3A_178 : memref<1x128xi32, #tpu.memory_space<vmem>> -> memref<128xi32, #tpu.memory_space<vmem>>
      %dma_start3A_180 = arith.constant 0 : i32
      %dma_start3A_181 = arith.constant 0 : i32
      %dma_start3A_182 = tpu.memref_slice %arg5[%dma_start3A_180, %dma_start3A_181] : memref<65664x8xf32, #tpu.memory_space<vmem_shared>> -> memref<65664x8xf32, #tpu.memory_space<vmem_shared>>
      tpu.enqueue_indirect_dma source(%dma_start3A_176 : memref<128x8xf32, #tpu.memory_space<vmem>>) target(%dma_start3A_182 : memref<65664x8xf32, #tpu.memory_space<vmem_shared>>) offsets(%dma_start3A_179 : memref<128xi32, #tpu.memory_space<vmem>>) semaphore(%run_scoped3A_174 : memref<!tpu.dma_semaphore, #tpu.memory_space<semaphore_mem>>) {add = true}
      %dma_wait3A = arith.constant 1536 : i32
      %dma_wait3A_183 = arith.constant 0 : i32
      %dma_wait3A_184 = tpu.memref_slice %arg6[%dma_wait3A, %dma_wait3A_183] : memref<3840x8xf32, #tpu.memory_space<vmem>> -> memref<128x8xf32, #tpu.memory_space<vmem>>
      %dma_wait3A_185 = arith.constant 0 : i32
      %dma_wait3A_186 = tpu.memref_slice %arg11[%run_scoped3A_115, %dma_wait3A_185] : memref<30x128xi32, #tpu.memory_space<vmem>> -> memref<1x128xi32, #tpu.memory_space<vmem>>
      %dma_wait3A_187 = tpu.memref_squeeze %dma_wait3A_186 : memref<1x128xi32, #tpu.memory_space<vmem>> -> memref<128xi32, #tpu.memory_space<vmem>>
      %dma_wait3A_188 = arith.constant 0 : i32
      %dma_wait3A_189 = arith.constant 0 : i32
      %dma_wait3A_190 = tpu.memref_slice %arg5[%dma_wait3A_188, %dma_wait3A_189] : memref<65664x8xf32, #tpu.memory_space<vmem_shared>> -> memref<65664x8xf32, #tpu.memory_space<vmem_shared>>
      tpu.wait_indirect_dma semaphore(%run_scoped3A_174 : memref<!tpu.dma_semaphore, #tpu.memory_space<semaphore_mem>>) src(%dma_wait3A_184 : memref<128x8xf32, #tpu.memory_space<vmem>>) dst(%dma_wait3A_190 : memref<65664x8xf32, #tpu.memory_space<vmem_shared>>)
      tpu.yield
    }) : () -> ()
    %run_scoped3A_116 = arith.constant 13 : i32
    "tpu.region"() ({
      %run_scoped3A_174 = tpu.sem_alloc : memref<!tpu.dma_semaphore, #tpu.memory_space<semaphore_mem>>
      %dma_start3A = arith.constant 1664 : i32
      %dma_start3A_175 = arith.constant 0 : i32
      %dma_start3A_176 = tpu.memref_slice %arg6[%dma_start3A, %dma_start3A_175] : memref<3840x8xf32, #tpu.memory_space<vmem>> -> memref<128x8xf32, #tpu.memory_space<vmem>>
      %dma_start3A_177 = arith.constant 0 : i32
      %dma_start3A_178 = tpu.memref_slice %arg11[%run_scoped3A_116, %dma_start3A_177] : memref<30x128xi32, #tpu.memory_space<vmem>> -> memref<1x128xi32, #tpu.memory_space<vmem>>
      %dma_start3A_179 = tpu.memref_squeeze %dma_start3A_178 : memref<1x128xi32, #tpu.memory_space<vmem>> -> memref<128xi32, #tpu.memory_space<vmem>>
      %dma_start3A_180 = arith.constant 0 : i32
      %dma_start3A_181 = arith.constant 0 : i32
      %dma_start3A_182 = tpu.memref_slice %arg5[%dma_start3A_180, %dma_start3A_181] : memref<65664x8xf32, #tpu.memory_space<vmem_shared>> -> memref<65664x8xf32, #tpu.memory_space<vmem_shared>>
      tpu.enqueue_indirect_dma source(%dma_start3A_176 : memref<128x8xf32, #tpu.memory_space<vmem>>) target(%dma_start3A_182 : memref<65664x8xf32, #tpu.memory_space<vmem_shared>>) offsets(%dma_start3A_179 : memref<128xi32, #tpu.memory_space<vmem>>) semaphore(%run_scoped3A_174 : memref<!tpu.dma_semaphore, #tpu.memory_space<semaphore_mem>>) {add = true}
      %dma_wait3A = arith.constant 1664 : i32
      %dma_wait3A_183 = arith.constant 0 : i32
      %dma_wait3A_184 = tpu.memref_slice %arg6[%dma_wait3A, %dma_wait3A_183] : memref<3840x8xf32, #tpu.memory_space<vmem>> -> memref<128x8xf32, #tpu.memory_space<vmem>>
      %dma_wait3A_185 = arith.constant 0 : i32
      %dma_wait3A_186 = tpu.memref_slice %arg11[%run_scoped3A_116, %dma_wait3A_185] : memref<30x128xi32, #tpu.memory_space<vmem>> -> memref<1x128xi32, #tpu.memory_space<vmem>>
      %dma_wait3A_187 = tpu.memref_squeeze %dma_wait3A_186 : memref<1x128xi32, #tpu.memory_space<vmem>> -> memref<128xi32, #tpu.memory_space<vmem>>
      %dma_wait3A_188 = arith.constant 0 : i32
      %dma_wait3A_189 = arith.constant 0 : i32
      %dma_wait3A_190 = tpu.memref_slice %arg5[%dma_wait3A_188, %dma_wait3A_189] : memref<65664x8xf32, #tpu.memory_space<vmem_shared>> -> memref<65664x8xf32, #tpu.memory_space<vmem_shared>>
      tpu.wait_indirect_dma semaphore(%run_scoped3A_174 : memref<!tpu.dma_semaphore, #tpu.memory_space<semaphore_mem>>) src(%dma_wait3A_184 : memref<128x8xf32, #tpu.memory_space<vmem>>) dst(%dma_wait3A_190 : memref<65664x8xf32, #tpu.memory_space<vmem_shared>>)
      tpu.yield
    }) : () -> ()
    %run_scoped3A_117 = arith.constant 14 : i32
    "tpu.region"() ({
      %run_scoped3A_174 = tpu.sem_alloc : memref<!tpu.dma_semaphore, #tpu.memory_space<semaphore_mem>>
      %dma_start3A = arith.constant 1792 : i32
      %dma_start3A_175 = arith.constant 0 : i32
      %dma_start3A_176 = tpu.memref_slice %arg6[%dma_start3A, %dma_start3A_175] : memref<3840x8xf32, #tpu.memory_space<vmem>> -> memref<128x8xf32, #tpu.memory_space<vmem>>
      %dma_start3A_177 = arith.constant 0 : i32
      %dma_start3A_178 = tpu.memref_slice %arg11[%run_scoped3A_117, %dma_start3A_177] : memref<30x128xi32, #tpu.memory_space<vmem>> -> memref<1x128xi32, #tpu.memory_space<vmem>>
      %dma_start3A_179 = tpu.memref_squeeze %dma_start3A_178 : memref<1x128xi32, #tpu.memory_space<vmem>> -> memref<128xi32, #tpu.memory_space<vmem>>
      %dma_start3A_180 = arith.constant 0 : i32
      %dma_start3A_181 = arith.constant 0 : i32
      %dma_start3A_182 = tpu.memref_slice %arg5[%dma_start3A_180, %dma_start3A_181] : memref<65664x8xf32, #tpu.memory_space<vmem_shared>> -> memref<65664x8xf32, #tpu.memory_space<vmem_shared>>
      tpu.enqueue_indirect_dma source(%dma_start3A_176 : memref<128x8xf32, #tpu.memory_space<vmem>>) target(%dma_start3A_182 : memref<65664x8xf32, #tpu.memory_space<vmem_shared>>) offsets(%dma_start3A_179 : memref<128xi32, #tpu.memory_space<vmem>>) semaphore(%run_scoped3A_174 : memref<!tpu.dma_semaphore, #tpu.memory_space<semaphore_mem>>) {add = true}
      %dma_wait3A = arith.constant 1792 : i32
      %dma_wait3A_183 = arith.constant 0 : i32
      %dma_wait3A_184 = tpu.memref_slice %arg6[%dma_wait3A, %dma_wait3A_183] : memref<3840x8xf32, #tpu.memory_space<vmem>> -> memref<128x8xf32, #tpu.memory_space<vmem>>
      %dma_wait3A_185 = arith.constant 0 : i32
      %dma_wait3A_186 = tpu.memref_slice %arg11[%run_scoped3A_117, %dma_wait3A_185] : memref<30x128xi32, #tpu.memory_space<vmem>> -> memref<1x128xi32, #tpu.memory_space<vmem>>
      %dma_wait3A_187 = tpu.memref_squeeze %dma_wait3A_186 : memref<1x128xi32, #tpu.memory_space<vmem>> -> memref<128xi32, #tpu.memory_space<vmem>>
      %dma_wait3A_188 = arith.constant 0 : i32
      %dma_wait3A_189 = arith.constant 0 : i32
      %dma_wait3A_190 = tpu.memref_slice %arg5[%dma_wait3A_188, %dma_wait3A_189] : memref<65664x8xf32, #tpu.memory_space<vmem_shared>> -> memref<65664x8xf32, #tpu.memory_space<vmem_shared>>
      tpu.wait_indirect_dma semaphore(%run_scoped3A_174 : memref<!tpu.dma_semaphore, #tpu.memory_space<semaphore_mem>>) src(%dma_wait3A_184 : memref<128x8xf32, #tpu.memory_space<vmem>>) dst(%dma_wait3A_190 : memref<65664x8xf32, #tpu.memory_space<vmem_shared>>)
      tpu.yield
    }) : () -> ()
    %run_scoped3A_118 = arith.constant 15 : i32
    "tpu.region"() ({
      %run_scoped3A_174 = tpu.sem_alloc : memref<!tpu.dma_semaphore, #tpu.memory_space<semaphore_mem>>
      %dma_start3A = arith.constant 1920 : i32
      %dma_start3A_175 = arith.constant 0 : i32
      %dma_start3A_176 = tpu.memref_slice %arg6[%dma_start3A, %dma_start3A_175] : memref<3840x8xf32, #tpu.memory_space<vmem>> -> memref<128x8xf32, #tpu.memory_space<vmem>>
      %dma_start3A_177 = arith.constant 0 : i32
      %dma_start3A_178 = tpu.memref_slice %arg11[%run_scoped3A_118, %dma_start3A_177] : memref<30x128xi32, #tpu.memory_space<vmem>> -> memref<1x128xi32, #tpu.memory_space<vmem>>
      %dma_start3A_179 = tpu.memref_squeeze %dma_start3A_178 : memref<1x128xi32, #tpu.memory_space<vmem>> -> memref<128xi32, #tpu.memory_space<vmem>>
      %dma_start3A_180 = arith.constant 0 : i32
      %dma_start3A_181 = arith.constant 0 : i32
      %dma_start3A_182 = tpu.memref_slice %arg5[%dma_start3A_180, %dma_start3A_181] : memref<65664x8xf32, #tpu.memory_space<vmem_shared>> -> memref<65664x8xf32, #tpu.memory_space<vmem_shared>>
      tpu.enqueue_indirect_dma source(%dma_start3A_176 : memref<128x8xf32, #tpu.memory_space<vmem>>) target(%dma_start3A_182 : memref<65664x8xf32, #tpu.memory_space<vmem_shared>>) offsets(%dma_start3A_179 : memref<128xi32, #tpu.memory_space<vmem>>) semaphore(%run_scoped3A_174 : memref<!tpu.dma_semaphore, #tpu.memory_space<semaphore_mem>>) {add = true}
      %dma_wait3A = arith.constant 1920 : i32
      %dma_wait3A_183 = arith.constant 0 : i32
      %dma_wait3A_184 = tpu.memref_slice %arg6[%dma_wait3A, %dma_wait3A_183] : memref<3840x8xf32, #tpu.memory_space<vmem>> -> memref<128x8xf32, #tpu.memory_space<vmem>>
      %dma_wait3A_185 = arith.constant 0 : i32
      %dma_wait3A_186 = tpu.memref_slice %arg11[%run_scoped3A_118, %dma_wait3A_185] : memref<30x128xi32, #tpu.memory_space<vmem>> -> memref<1x128xi32, #tpu.memory_space<vmem>>
      %dma_wait3A_187 = tpu.memref_squeeze %dma_wait3A_186 : memref<1x128xi32, #tpu.memory_space<vmem>> -> memref<128xi32, #tpu.memory_space<vmem>>
      %dma_wait3A_188 = arith.constant 0 : i32
      %dma_wait3A_189 = arith.constant 0 : i32
      %dma_wait3A_190 = tpu.memref_slice %arg5[%dma_wait3A_188, %dma_wait3A_189] : memref<65664x8xf32, #tpu.memory_space<vmem_shared>> -> memref<65664x8xf32, #tpu.memory_space<vmem_shared>>
      tpu.wait_indirect_dma semaphore(%run_scoped3A_174 : memref<!tpu.dma_semaphore, #tpu.memory_space<semaphore_mem>>) src(%dma_wait3A_184 : memref<128x8xf32, #tpu.memory_space<vmem>>) dst(%dma_wait3A_190 : memref<65664x8xf32, #tpu.memory_space<vmem_shared>>)
      tpu.yield
    }) : () -> ()
    %run_scoped3A_119 = arith.constant 16 : i32
    "tpu.region"() ({
      %run_scoped3A_174 = tpu.sem_alloc : memref<!tpu.dma_semaphore, #tpu.memory_space<semaphore_mem>>
      %dma_start3A = arith.constant 2048 : i32
      %dma_start3A_175 = arith.constant 0 : i32
      %dma_start3A_176 = tpu.memref_slice %arg6[%dma_start3A, %dma_start3A_175] : memref<3840x8xf32, #tpu.memory_space<vmem>> -> memref<128x8xf32, #tpu.memory_space<vmem>>
      %dma_start3A_177 = arith.constant 0 : i32
      %dma_start3A_178 = tpu.memref_slice %arg11[%run_scoped3A_119, %dma_start3A_177] : memref<30x128xi32, #tpu.memory_space<vmem>> -> memref<1x128xi32, #tpu.memory_space<vmem>>
      %dma_start3A_179 = tpu.memref_squeeze %dma_start3A_178 : memref<1x128xi32, #tpu.memory_space<vmem>> -> memref<128xi32, #tpu.memory_space<vmem>>
      %dma_start3A_180 = arith.constant 0 : i32
      %dma_start3A_181 = arith.constant 0 : i32
      %dma_start3A_182 = tpu.memref_slice %arg5[%dma_start3A_180, %dma_start3A_181] : memref<65664x8xf32, #tpu.memory_space<vmem_shared>> -> memref<65664x8xf32, #tpu.memory_space<vmem_shared>>
      tpu.enqueue_indirect_dma source(%dma_start3A_176 : memref<128x8xf32, #tpu.memory_space<vmem>>) target(%dma_start3A_182 : memref<65664x8xf32, #tpu.memory_space<vmem_shared>>) offsets(%dma_start3A_179 : memref<128xi32, #tpu.memory_space<vmem>>) semaphore(%run_scoped3A_174 : memref<!tpu.dma_semaphore, #tpu.memory_space<semaphore_mem>>) {add = true}
      %dma_wait3A = arith.constant 2048 : i32
      %dma_wait3A_183 = arith.constant 0 : i32
      %dma_wait3A_184 = tpu.memref_slice %arg6[%dma_wait3A, %dma_wait3A_183] : memref<3840x8xf32, #tpu.memory_space<vmem>> -> memref<128x8xf32, #tpu.memory_space<vmem>>
      %dma_wait3A_185 = arith.constant 0 : i32
      %dma_wait3A_186 = tpu.memref_slice %arg11[%run_scoped3A_119, %dma_wait3A_185] : memref<30x128xi32, #tpu.memory_space<vmem>> -> memref<1x128xi32, #tpu.memory_space<vmem>>
      %dma_wait3A_187 = tpu.memref_squeeze %dma_wait3A_186 : memref<1x128xi32, #tpu.memory_space<vmem>> -> memref<128xi32, #tpu.memory_space<vmem>>
      %dma_wait3A_188 = arith.constant 0 : i32
      %dma_wait3A_189 = arith.constant 0 : i32
      %dma_wait3A_190 = tpu.memref_slice %arg5[%dma_wait3A_188, %dma_wait3A_189] : memref<65664x8xf32, #tpu.memory_space<vmem_shared>> -> memref<65664x8xf32, #tpu.memory_space<vmem_shared>>
      tpu.wait_indirect_dma semaphore(%run_scoped3A_174 : memref<!tpu.dma_semaphore, #tpu.memory_space<semaphore_mem>>) src(%dma_wait3A_184 : memref<128x8xf32, #tpu.memory_space<vmem>>) dst(%dma_wait3A_190 : memref<65664x8xf32, #tpu.memory_space<vmem_shared>>)
      tpu.yield
    }) : () -> ()
    %run_scoped3A_120 = arith.constant 17 : i32
    "tpu.region"() ({
      %run_scoped3A_174 = tpu.sem_alloc : memref<!tpu.dma_semaphore, #tpu.memory_space<semaphore_mem>>
      %dma_start3A = arith.constant 2176 : i32
      %dma_start3A_175 = arith.constant 0 : i32
      %dma_start3A_176 = tpu.memref_slice %arg6[%dma_start3A, %dma_start3A_175] : memref<3840x8xf32, #tpu.memory_space<vmem>> -> memref<128x8xf32, #tpu.memory_space<vmem>>
      %dma_start3A_177 = arith.constant 0 : i32
      %dma_start3A_178 = tpu.memref_slice %arg11[%run_scoped3A_120, %dma_start3A_177] : memref<30x128xi32, #tpu.memory_space<vmem>> -> memref<1x128xi32, #tpu.memory_space<vmem>>
      %dma_start3A_179 = tpu.memref_squeeze %dma_start3A_178 : memref<1x128xi32, #tpu.memory_space<vmem>> -> memref<128xi32, #tpu.memory_space<vmem>>
      %dma_start3A_180 = arith.constant 0 : i32
      %dma_start3A_181 = arith.constant 0 : i32
      %dma_start3A_182 = tpu.memref_slice %arg5[%dma_start3A_180, %dma_start3A_181] : memref<65664x8xf32, #tpu.memory_space<vmem_shared>> -> memref<65664x8xf32, #tpu.memory_space<vmem_shared>>
      tpu.enqueue_indirect_dma source(%dma_start3A_176 : memref<128x8xf32, #tpu.memory_space<vmem>>) target(%dma_start3A_182 : memref<65664x8xf32, #tpu.memory_space<vmem_shared>>) offsets(%dma_start3A_179 : memref<128xi32, #tpu.memory_space<vmem>>) semaphore(%run_scoped3A_174 : memref<!tpu.dma_semaphore, #tpu.memory_space<semaphore_mem>>) {add = true}
      %dma_wait3A = arith.constant 2176 : i32
      %dma_wait3A_183 = arith.constant 0 : i32
      %dma_wait3A_184 = tpu.memref_slice %arg6[%dma_wait3A, %dma_wait3A_183] : memref<3840x8xf32, #tpu.memory_space<vmem>> -> memref<128x8xf32, #tpu.memory_space<vmem>>
      %dma_wait3A_185 = arith.constant 0 : i32
      %dma_wait3A_186 = tpu.memref_slice %arg11[%run_scoped3A_120, %dma_wait3A_185] : memref<30x128xi32, #tpu.memory_space<vmem>> -> memref<1x128xi32, #tpu.memory_space<vmem>>
      %dma_wait3A_187 = tpu.memref_squeeze %dma_wait3A_186 : memref<1x128xi32, #tpu.memory_space<vmem>> -> memref<128xi32, #tpu.memory_space<vmem>>
      %dma_wait3A_188 = arith.constant 0 : i32
      %dma_wait3A_189 = arith.constant 0 : i32
      %dma_wait3A_190 = tpu.memref_slice %arg5[%dma_wait3A_188, %dma_wait3A_189] : memref<65664x8xf32, #tpu.memory_space<vmem_shared>> -> memref<65664x8xf32, #tpu.memory_space<vmem_shared>>
      tpu.wait_indirect_dma semaphore(%run_scoped3A_174 : memref<!tpu.dma_semaphore, #tpu.memory_space<semaphore_mem>>) src(%dma_wait3A_184 : memref<128x8xf32, #tpu.memory_space<vmem>>) dst(%dma_wait3A_190 : memref<65664x8xf32, #tpu.memory_space<vmem_shared>>)
      tpu.yield
    }) : () -> ()
    %run_scoped3A_121 = arith.constant 18 : i32
    "tpu.region"() ({
      %run_scoped3A_174 = tpu.sem_alloc : memref<!tpu.dma_semaphore, #tpu.memory_space<semaphore_mem>>
      %dma_start3A = arith.constant 2304 : i32
      %dma_start3A_175 = arith.constant 0 : i32
      %dma_start3A_176 = tpu.memref_slice %arg6[%dma_start3A, %dma_start3A_175] : memref<3840x8xf32, #tpu.memory_space<vmem>> -> memref<128x8xf32, #tpu.memory_space<vmem>>
      %dma_start3A_177 = arith.constant 0 : i32
      %dma_start3A_178 = tpu.memref_slice %arg11[%run_scoped3A_121, %dma_start3A_177] : memref<30x128xi32, #tpu.memory_space<vmem>> -> memref<1x128xi32, #tpu.memory_space<vmem>>
      %dma_start3A_179 = tpu.memref_squeeze %dma_start3A_178 : memref<1x128xi32, #tpu.memory_space<vmem>> -> memref<128xi32, #tpu.memory_space<vmem>>
      %dma_start3A_180 = arith.constant 0 : i32
      %dma_start3A_181 = arith.constant 0 : i32
      %dma_start3A_182 = tpu.memref_slice %arg5[%dma_start3A_180, %dma_start3A_181] : memref<65664x8xf32, #tpu.memory_space<vmem_shared>> -> memref<65664x8xf32, #tpu.memory_space<vmem_shared>>
      tpu.enqueue_indirect_dma source(%dma_start3A_176 : memref<128x8xf32, #tpu.memory_space<vmem>>) target(%dma_start3A_182 : memref<65664x8xf32, #tpu.memory_space<vmem_shared>>) offsets(%dma_start3A_179 : memref<128xi32, #tpu.memory_space<vmem>>) semaphore(%run_scoped3A_174 : memref<!tpu.dma_semaphore, #tpu.memory_space<semaphore_mem>>) {add = true}
      %dma_wait3A = arith.constant 2304 : i32
      %dma_wait3A_183 = arith.constant 0 : i32
      %dma_wait3A_184 = tpu.memref_slice %arg6[%dma_wait3A, %dma_wait3A_183] : memref<3840x8xf32, #tpu.memory_space<vmem>> -> memref<128x8xf32, #tpu.memory_space<vmem>>
      %dma_wait3A_185 = arith.constant 0 : i32
      %dma_wait3A_186 = tpu.memref_slice %arg11[%run_scoped3A_121, %dma_wait3A_185] : memref<30x128xi32, #tpu.memory_space<vmem>> -> memref<1x128xi32, #tpu.memory_space<vmem>>
      %dma_wait3A_187 = tpu.memref_squeeze %dma_wait3A_186 : memref<1x128xi32, #tpu.memory_space<vmem>> -> memref<128xi32, #tpu.memory_space<vmem>>
      %dma_wait3A_188 = arith.constant 0 : i32
      %dma_wait3A_189 = arith.constant 0 : i32
      %dma_wait3A_190 = tpu.memref_slice %arg5[%dma_wait3A_188, %dma_wait3A_189] : memref<65664x8xf32, #tpu.memory_space<vmem_shared>> -> memref<65664x8xf32, #tpu.memory_space<vmem_shared>>
      tpu.wait_indirect_dma semaphore(%run_scoped3A_174 : memref<!tpu.dma_semaphore, #tpu.memory_space<semaphore_mem>>) src(%dma_wait3A_184 : memref<128x8xf32, #tpu.memory_space<vmem>>) dst(%dma_wait3A_190 : memref<65664x8xf32, #tpu.memory_space<vmem_shared>>)
      tpu.yield
    }) : () -> ()
    %run_scoped3A_122 = arith.constant 19 : i32
    "tpu.region"() ({
      %run_scoped3A_174 = tpu.sem_alloc : memref<!tpu.dma_semaphore, #tpu.memory_space<semaphore_mem>>
      %dma_start3A = arith.constant 2432 : i32
      %dma_start3A_175 = arith.constant 0 : i32
      %dma_start3A_176 = tpu.memref_slice %arg6[%dma_start3A, %dma_start3A_175] : memref<3840x8xf32, #tpu.memory_space<vmem>> -> memref<128x8xf32, #tpu.memory_space<vmem>>
      %dma_start3A_177 = arith.constant 0 : i32
      %dma_start3A_178 = tpu.memref_slice %arg11[%run_scoped3A_122, %dma_start3A_177] : memref<30x128xi32, #tpu.memory_space<vmem>> -> memref<1x128xi32, #tpu.memory_space<vmem>>
      %dma_start3A_179 = tpu.memref_squeeze %dma_start3A_178 : memref<1x128xi32, #tpu.memory_space<vmem>> -> memref<128xi32, #tpu.memory_space<vmem>>
      %dma_start3A_180 = arith.constant 0 : i32
      %dma_start3A_181 = arith.constant 0 : i32
      %dma_start3A_182 = tpu.memref_slice %arg5[%dma_start3A_180, %dma_start3A_181] : memref<65664x8xf32, #tpu.memory_space<vmem_shared>> -> memref<65664x8xf32, #tpu.memory_space<vmem_shared>>
      tpu.enqueue_indirect_dma source(%dma_start3A_176 : memref<128x8xf32, #tpu.memory_space<vmem>>) target(%dma_start3A_182 : memref<65664x8xf32, #tpu.memory_space<vmem_shared>>) offsets(%dma_start3A_179 : memref<128xi32, #tpu.memory_space<vmem>>) semaphore(%run_scoped3A_174 : memref<!tpu.dma_semaphore, #tpu.memory_space<semaphore_mem>>) {add = true}
      %dma_wait3A = arith.constant 2432 : i32
      %dma_wait3A_183 = arith.constant 0 : i32
      %dma_wait3A_184 = tpu.memref_slice %arg6[%dma_wait3A, %dma_wait3A_183] : memref<3840x8xf32, #tpu.memory_space<vmem>> -> memref<128x8xf32, #tpu.memory_space<vmem>>
      %dma_wait3A_185 = arith.constant 0 : i32
      %dma_wait3A_186 = tpu.memref_slice %arg11[%run_scoped3A_122, %dma_wait3A_185] : memref<30x128xi32, #tpu.memory_space<vmem>> -> memref<1x128xi32, #tpu.memory_space<vmem>>
      %dma_wait3A_187 = tpu.memref_squeeze %dma_wait3A_186 : memref<1x128xi32, #tpu.memory_space<vmem>> -> memref<128xi32, #tpu.memory_space<vmem>>
      %dma_wait3A_188 = arith.constant 0 : i32
      %dma_wait3A_189 = arith.constant 0 : i32
      %dma_wait3A_190 = tpu.memref_slice %arg5[%dma_wait3A_188, %dma_wait3A_189] : memref<65664x8xf32, #tpu.memory_space<vmem_shared>> -> memref<65664x8xf32, #tpu.memory_space<vmem_shared>>
      tpu.wait_indirect_dma semaphore(%run_scoped3A_174 : memref<!tpu.dma_semaphore, #tpu.memory_space<semaphore_mem>>) src(%dma_wait3A_184 : memref<128x8xf32, #tpu.memory_space<vmem>>) dst(%dma_wait3A_190 : memref<65664x8xf32, #tpu.memory_space<vmem_shared>>)
      tpu.yield
    }) : () -> ()
    %run_scoped3A_123 = arith.constant 20 : i32
    "tpu.region"() ({
      %run_scoped3A_174 = tpu.sem_alloc : memref<!tpu.dma_semaphore, #tpu.memory_space<semaphore_mem>>
      %dma_start3A = arith.constant 2560 : i32
      %dma_start3A_175 = arith.constant 0 : i32
      %dma_start3A_176 = tpu.memref_slice %arg6[%dma_start3A, %dma_start3A_175] : memref<3840x8xf32, #tpu.memory_space<vmem>> -> memref<128x8xf32, #tpu.memory_space<vmem>>
      %dma_start3A_177 = arith.constant 0 : i32
      %dma_start3A_178 = tpu.memref_slice %arg11[%run_scoped3A_123, %dma_start3A_177] : memref<30x128xi32, #tpu.memory_space<vmem>> -> memref<1x128xi32, #tpu.memory_space<vmem>>
      %dma_start3A_179 = tpu.memref_squeeze %dma_start3A_178 : memref<1x128xi32, #tpu.memory_space<vmem>> -> memref<128xi32, #tpu.memory_space<vmem>>
      %dma_start3A_180 = arith.constant 0 : i32
      %dma_start3A_181 = arith.constant 0 : i32
      %dma_start3A_182 = tpu.memref_slice %arg5[%dma_start3A_180, %dma_start3A_181] : memref<65664x8xf32, #tpu.memory_space<vmem_shared>> -> memref<65664x8xf32, #tpu.memory_space<vmem_shared>>
      tpu.enqueue_indirect_dma source(%dma_start3A_176 : memref<128x8xf32, #tpu.memory_space<vmem>>) target(%dma_start3A_182 : memref<65664x8xf32, #tpu.memory_space<vmem_shared>>) offsets(%dma_start3A_179 : memref<128xi32, #tpu.memory_space<vmem>>) semaphore(%run_scoped3A_174 : memref<!tpu.dma_semaphore, #tpu.memory_space<semaphore_mem>>) {add = true}
      %dma_wait3A = arith.constant 2560 : i32
      %dma_wait3A_183 = arith.constant 0 : i32
      %dma_wait3A_184 = tpu.memref_slice %arg6[%dma_wait3A, %dma_wait3A_183] : memref<3840x8xf32, #tpu.memory_space<vmem>> -> memref<128x8xf32, #tpu.memory_space<vmem>>
      %dma_wait3A_185 = arith.constant 0 : i32
      %dma_wait3A_186 = tpu.memref_slice %arg11[%run_scoped3A_123, %dma_wait3A_185] : memref<30x128xi32, #tpu.memory_space<vmem>> -> memref<1x128xi32, #tpu.memory_space<vmem>>
      %dma_wait3A_187 = tpu.memref_squeeze %dma_wait3A_186 : memref<1x128xi32, #tpu.memory_space<vmem>> -> memref<128xi32, #tpu.memory_space<vmem>>
      %dma_wait3A_188 = arith.constant 0 : i32
      %dma_wait3A_189 = arith.constant 0 : i32
      %dma_wait3A_190 = tpu.memref_slice %arg5[%dma_wait3A_188, %dma_wait3A_189] : memref<65664x8xf32, #tpu.memory_space<vmem_shared>> -> memref<65664x8xf32, #tpu.memory_space<vmem_shared>>
      tpu.wait_indirect_dma semaphore(%run_scoped3A_174 : memref<!tpu.dma_semaphore, #tpu.memory_space<semaphore_mem>>) src(%dma_wait3A_184 : memref<128x8xf32, #tpu.memory_space<vmem>>) dst(%dma_wait3A_190 : memref<65664x8xf32, #tpu.memory_space<vmem_shared>>)
      tpu.yield
    }) : () -> ()
    %run_scoped3A_124 = arith.constant 21 : i32
    "tpu.region"() ({
      %run_scoped3A_174 = tpu.sem_alloc : memref<!tpu.dma_semaphore, #tpu.memory_space<semaphore_mem>>
      %dma_start3A = arith.constant 2688 : i32
      %dma_start3A_175 = arith.constant 0 : i32
      %dma_start3A_176 = tpu.memref_slice %arg6[%dma_start3A, %dma_start3A_175] : memref<3840x8xf32, #tpu.memory_space<vmem>> -> memref<128x8xf32, #tpu.memory_space<vmem>>
      %dma_start3A_177 = arith.constant 0 : i32
      %dma_start3A_178 = tpu.memref_slice %arg11[%run_scoped3A_124, %dma_start3A_177] : memref<30x128xi32, #tpu.memory_space<vmem>> -> memref<1x128xi32, #tpu.memory_space<vmem>>
      %dma_start3A_179 = tpu.memref_squeeze %dma_start3A_178 : memref<1x128xi32, #tpu.memory_space<vmem>> -> memref<128xi32, #tpu.memory_space<vmem>>
      %dma_start3A_180 = arith.constant 0 : i32
      %dma_start3A_181 = arith.constant 0 : i32
      %dma_start3A_182 = tpu.memref_slice %arg5[%dma_start3A_180, %dma_start3A_181] : memref<65664x8xf32, #tpu.memory_space<vmem_shared>> -> memref<65664x8xf32, #tpu.memory_space<vmem_shared>>
      tpu.enqueue_indirect_dma source(%dma_start3A_176 : memref<128x8xf32, #tpu.memory_space<vmem>>) target(%dma_start3A_182 : memref<65664x8xf32, #tpu.memory_space<vmem_shared>>) offsets(%dma_start3A_179 : memref<128xi32, #tpu.memory_space<vmem>>) semaphore(%run_scoped3A_174 : memref<!tpu.dma_semaphore, #tpu.memory_space<semaphore_mem>>) {add = true}
      %dma_wait3A = arith.constant 2688 : i32
      %dma_wait3A_183 = arith.constant 0 : i32
      %dma_wait3A_184 = tpu.memref_slice %arg6[%dma_wait3A, %dma_wait3A_183] : memref<3840x8xf32, #tpu.memory_space<vmem>> -> memref<128x8xf32, #tpu.memory_space<vmem>>
      %dma_wait3A_185 = arith.constant 0 : i32
      %dma_wait3A_186 = tpu.memref_slice %arg11[%run_scoped3A_124, %dma_wait3A_185] : memref<30x128xi32, #tpu.memory_space<vmem>> -> memref<1x128xi32, #tpu.memory_space<vmem>>
      %dma_wait3A_187 = tpu.memref_squeeze %dma_wait3A_186 : memref<1x128xi32, #tpu.memory_space<vmem>> -> memref<128xi32, #tpu.memory_space<vmem>>
      %dma_wait3A_188 = arith.constant 0 : i32
      %dma_wait3A_189 = arith.constant 0 : i32
      %dma_wait3A_190 = tpu.memref_slice %arg5[%dma_wait3A_188, %dma_wait3A_189] : memref<65664x8xf32, #tpu.memory_space<vmem_shared>> -> memref<65664x8xf32, #tpu.memory_space<vmem_shared>>
      tpu.wait_indirect_dma semaphore(%run_scoped3A_174 : memref<!tpu.dma_semaphore, #tpu.memory_space<semaphore_mem>>) src(%dma_wait3A_184 : memref<128x8xf32, #tpu.memory_space<vmem>>) dst(%dma_wait3A_190 : memref<65664x8xf32, #tpu.memory_space<vmem_shared>>)
      tpu.yield
    }) : () -> ()
    %run_scoped3A_125 = arith.constant 22 : i32
    "tpu.region"() ({
      %run_scoped3A_174 = tpu.sem_alloc : memref<!tpu.dma_semaphore, #tpu.memory_space<semaphore_mem>>
      %dma_start3A = arith.constant 2816 : i32
      %dma_start3A_175 = arith.constant 0 : i32
      %dma_start3A_176 = tpu.memref_slice %arg6[%dma_start3A, %dma_start3A_175] : memref<3840x8xf32, #tpu.memory_space<vmem>> -> memref<128x8xf32, #tpu.memory_space<vmem>>
      %dma_start3A_177 = arith.constant 0 : i32
      %dma_start3A_178 = tpu.memref_slice %arg11[%run_scoped3A_125, %dma_start3A_177] : memref<30x128xi32, #tpu.memory_space<vmem>> -> memref<1x128xi32, #tpu.memory_space<vmem>>
      %dma_start3A_179 = tpu.memref_squeeze %dma_start3A_178 : memref<1x128xi32, #tpu.memory_space<vmem>> -> memref<128xi32, #tpu.memory_space<vmem>>
      %dma_start3A_180 = arith.constant 0 : i32
      %dma_start3A_181 = arith.constant 0 : i32
      %dma_start3A_182 = tpu.memref_slice %arg5[%dma_start3A_180, %dma_start3A_181] : memref<65664x8xf32, #tpu.memory_space<vmem_shared>> -> memref<65664x8xf32, #tpu.memory_space<vmem_shared>>
      tpu.enqueue_indirect_dma source(%dma_start3A_176 : memref<128x8xf32, #tpu.memory_space<vmem>>) target(%dma_start3A_182 : memref<65664x8xf32, #tpu.memory_space<vmem_shared>>) offsets(%dma_start3A_179 : memref<128xi32, #tpu.memory_space<vmem>>) semaphore(%run_scoped3A_174 : memref<!tpu.dma_semaphore, #tpu.memory_space<semaphore_mem>>) {add = true}
      %dma_wait3A = arith.constant 2816 : i32
      %dma_wait3A_183 = arith.constant 0 : i32
      %dma_wait3A_184 = tpu.memref_slice %arg6[%dma_wait3A, %dma_wait3A_183] : memref<3840x8xf32, #tpu.memory_space<vmem>> -> memref<128x8xf32, #tpu.memory_space<vmem>>
      %dma_wait3A_185 = arith.constant 0 : i32
      %dma_wait3A_186 = tpu.memref_slice %arg11[%run_scoped3A_125, %dma_wait3A_185] : memref<30x128xi32, #tpu.memory_space<vmem>> -> memref<1x128xi32, #tpu.memory_space<vmem>>
      %dma_wait3A_187 = tpu.memref_squeeze %dma_wait3A_186 : memref<1x128xi32, #tpu.memory_space<vmem>> -> memref<128xi32, #tpu.memory_space<vmem>>
      %dma_wait3A_188 = arith.constant 0 : i32
      %dma_wait3A_189 = arith.constant 0 : i32
      %dma_wait3A_190 = tpu.memref_slice %arg5[%dma_wait3A_188, %dma_wait3A_189] : memref<65664x8xf32, #tpu.memory_space<vmem_shared>> -> memref<65664x8xf32, #tpu.memory_space<vmem_shared>>
      tpu.wait_indirect_dma semaphore(%run_scoped3A_174 : memref<!tpu.dma_semaphore, #tpu.memory_space<semaphore_mem>>) src(%dma_wait3A_184 : memref<128x8xf32, #tpu.memory_space<vmem>>) dst(%dma_wait3A_190 : memref<65664x8xf32, #tpu.memory_space<vmem_shared>>)
      tpu.yield
    }) : () -> ()
    %run_scoped3A_126 = arith.constant 23 : i32
    "tpu.region"() ({
      %run_scoped3A_174 = tpu.sem_alloc : memref<!tpu.dma_semaphore, #tpu.memory_space<semaphore_mem>>
      %dma_start3A = arith.constant 2944 : i32
      %dma_start3A_175 = arith.constant 0 : i32
      %dma_start3A_176 = tpu.memref_slice %arg6[%dma_start3A, %dma_start3A_175] : memref<3840x8xf32, #tpu.memory_space<vmem>> -> memref<128x8xf32, #tpu.memory_space<vmem>>
      %dma_start3A_177 = arith.constant 0 : i32
      %dma_start3A_178 = tpu.memref_slice %arg11[%run_scoped3A_126, %dma_start3A_177] : memref<30x128xi32, #tpu.memory_space<vmem>> -> memref<1x128xi32, #tpu.memory_space<vmem>>
      %dma_start3A_179 = tpu.memref_squeeze %dma_start3A_178 : memref<1x128xi32, #tpu.memory_space<vmem>> -> memref<128xi32, #tpu.memory_space<vmem>>
      %dma_start3A_180 = arith.constant 0 : i32
      %dma_start3A_181 = arith.constant 0 : i32
      %dma_start3A_182 = tpu.memref_slice %arg5[%dma_start3A_180, %dma_start3A_181] : memref<65664x8xf32, #tpu.memory_space<vmem_shared>> -> memref<65664x8xf32, #tpu.memory_space<vmem_shared>>
      tpu.enqueue_indirect_dma source(%dma_start3A_176 : memref<128x8xf32, #tpu.memory_space<vmem>>) target(%dma_start3A_182 : memref<65664x8xf32, #tpu.memory_space<vmem_shared>>) offsets(%dma_start3A_179 : memref<128xi32, #tpu.memory_space<vmem>>) semaphore(%run_scoped3A_174 : memref<!tpu.dma_semaphore, #tpu.memory_space<semaphore_mem>>) {add = true}
      %dma_wait3A = arith.constant 2944 : i32
      %dma_wait3A_183 = arith.constant 0 : i32
      %dma_wait3A_184 = tpu.memref_slice %arg6[%dma_wait3A, %dma_wait3A_183] : memref<3840x8xf32, #tpu.memory_space<vmem>> -> memref<128x8xf32, #tpu.memory_space<vmem>>
      %dma_wait3A_185 = arith.constant 0 : i32
      %dma_wait3A_186 = tpu.memref_slice %arg11[%run_scoped3A_126, %dma_wait3A_185] : memref<30x128xi32, #tpu.memory_space<vmem>> -> memref<1x128xi32, #tpu.memory_space<vmem>>
      %dma_wait3A_187 = tpu.memref_squeeze %dma_wait3A_186 : memref<1x128xi32, #tpu.memory_space<vmem>> -> memref<128xi32, #tpu.memory_space<vmem>>
      %dma_wait3A_188 = arith.constant 0 : i32
      %dma_wait3A_189 = arith.constant 0 : i32
      %dma_wait3A_190 = tpu.memref_slice %arg5[%dma_wait3A_188, %dma_wait3A_189] : memref<65664x8xf32, #tpu.memory_space<vmem_shared>> -> memref<65664x8xf32, #tpu.memory_space<vmem_shared>>
      tpu.wait_indirect_dma semaphore(%run_scoped3A_174 : memref<!tpu.dma_semaphore, #tpu.memory_space<semaphore_mem>>) src(%dma_wait3A_184 : memref<128x8xf32, #tpu.memory_space<vmem>>) dst(%dma_wait3A_190 : memref<65664x8xf32, #tpu.memory_space<vmem_shared>>)
      tpu.yield
    }) : () -> ()
    %run_scoped3A_127 = arith.constant 24 : i32
    "tpu.region"() ({
      %run_scoped3A_174 = tpu.sem_alloc : memref<!tpu.dma_semaphore, #tpu.memory_space<semaphore_mem>>
      %dma_start3A = arith.constant 3072 : i32
      %dma_start3A_175 = arith.constant 0 : i32
      %dma_start3A_176 = tpu.memref_slice %arg6[%dma_start3A, %dma_start3A_175] : memref<3840x8xf32, #tpu.memory_space<vmem>> -> memref<128x8xf32, #tpu.memory_space<vmem>>
      %dma_start3A_177 = arith.constant 0 : i32
      %dma_start3A_178 = tpu.memref_slice %arg11[%run_scoped3A_127, %dma_start3A_177] : memref<30x128xi32, #tpu.memory_space<vmem>> -> memref<1x128xi32, #tpu.memory_space<vmem>>
      %dma_start3A_179 = tpu.memref_squeeze %dma_start3A_178 : memref<1x128xi32, #tpu.memory_space<vmem>> -> memref<128xi32, #tpu.memory_space<vmem>>
      %dma_start3A_180 = arith.constant 0 : i32
      %dma_start3A_181 = arith.constant 0 : i32
      %dma_start3A_182 = tpu.memref_slice %arg5[%dma_start3A_180, %dma_start3A_181] : memref<65664x8xf32, #tpu.memory_space<vmem_shared>> -> memref<65664x8xf32, #tpu.memory_space<vmem_shared>>
      tpu.enqueue_indirect_dma source(%dma_start3A_176 : memref<128x8xf32, #tpu.memory_space<vmem>>) target(%dma_start3A_182 : memref<65664x8xf32, #tpu.memory_space<vmem_shared>>) offsets(%dma_start3A_179 : memref<128xi32, #tpu.memory_space<vmem>>) semaphore(%run_scoped3A_174 : memref<!tpu.dma_semaphore, #tpu.memory_space<semaphore_mem>>) {add = true}
      %dma_wait3A = arith.constant 3072 : i32
      %dma_wait3A_183 = arith.constant 0 : i32
      %dma_wait3A_184 = tpu.memref_slice %arg6[%dma_wait3A, %dma_wait3A_183] : memref<3840x8xf32, #tpu.memory_space<vmem>> -> memref<128x8xf32, #tpu.memory_space<vmem>>
      %dma_wait3A_185 = arith.constant 0 : i32
      %dma_wait3A_186 = tpu.memref_slice %arg11[%run_scoped3A_127, %dma_wait3A_185] : memref<30x128xi32, #tpu.memory_space<vmem>> -> memref<1x128xi32, #tpu.memory_space<vmem>>
      %dma_wait3A_187 = tpu.memref_squeeze %dma_wait3A_186 : memref<1x128xi32, #tpu.memory_space<vmem>> -> memref<128xi32, #tpu.memory_space<vmem>>
      %dma_wait3A_188 = arith.constant 0 : i32
      %dma_wait3A_189 = arith.constant 0 : i32
      %dma_wait3A_190 = tpu.memref_slice %arg5[%dma_wait3A_188, %dma_wait3A_189] : memref<65664x8xf32, #tpu.memory_space<vmem_shared>> -> memref<65664x8xf32, #tpu.memory_space<vmem_shared>>
      tpu.wait_indirect_dma semaphore(%run_scoped3A_174 : memref<!tpu.dma_semaphore, #tpu.memory_space<semaphore_mem>>) src(%dma_wait3A_184 : memref<128x8xf32, #tpu.memory_space<vmem>>) dst(%dma_wait3A_190 : memref<65664x8xf32, #tpu.memory_space<vmem_shared>>)
      tpu.yield
    }) : () -> ()
    %run_scoped3A_128 = arith.constant 25 : i32
    "tpu.region"() ({
      %run_scoped3A_174 = tpu.sem_alloc : memref<!tpu.dma_semaphore, #tpu.memory_space<semaphore_mem>>
      %dma_start3A = arith.constant 3200 : i32
      %dma_start3A_175 = arith.constant 0 : i32
      %dma_start3A_176 = tpu.memref_slice %arg6[%dma_start3A, %dma_start3A_175] : memref<3840x8xf32, #tpu.memory_space<vmem>> -> memref<128x8xf32, #tpu.memory_space<vmem>>
      %dma_start3A_177 = arith.constant 0 : i32
      %dma_start3A_178 = tpu.memref_slice %arg11[%run_scoped3A_128, %dma_start3A_177] : memref<30x128xi32, #tpu.memory_space<vmem>> -> memref<1x128xi32, #tpu.memory_space<vmem>>
      %dma_start3A_179 = tpu.memref_squeeze %dma_start3A_178 : memref<1x128xi32, #tpu.memory_space<vmem>> -> memref<128xi32, #tpu.memory_space<vmem>>
      %dma_start3A_180 = arith.constant 0 : i32
      %dma_start3A_181 = arith.constant 0 : i32
      %dma_start3A_182 = tpu.memref_slice %arg5[%dma_start3A_180, %dma_start3A_181] : memref<65664x8xf32, #tpu.memory_space<vmem_shared>> -> memref<65664x8xf32, #tpu.memory_space<vmem_shared>>
      tpu.enqueue_indirect_dma source(%dma_start3A_176 : memref<128x8xf32, #tpu.memory_space<vmem>>) target(%dma_start3A_182 : memref<65664x8xf32, #tpu.memory_space<vmem_shared>>) offsets(%dma_start3A_179 : memref<128xi32, #tpu.memory_space<vmem>>) semaphore(%run_scoped3A_174 : memref<!tpu.dma_semaphore, #tpu.memory_space<semaphore_mem>>) {add = true}
      %dma_wait3A = arith.constant 3200 : i32
      %dma_wait3A_183 = arith.constant 0 : i32
      %dma_wait3A_184 = tpu.memref_slice %arg6[%dma_wait3A, %dma_wait3A_183] : memref<3840x8xf32, #tpu.memory_space<vmem>> -> memref<128x8xf32, #tpu.memory_space<vmem>>
      %dma_wait3A_185 = arith.constant 0 : i32
      %dma_wait3A_186 = tpu.memref_slice %arg11[%run_scoped3A_128, %dma_wait3A_185] : memref<30x128xi32, #tpu.memory_space<vmem>> -> memref<1x128xi32, #tpu.memory_space<vmem>>
      %dma_wait3A_187 = tpu.memref_squeeze %dma_wait3A_186 : memref<1x128xi32, #tpu.memory_space<vmem>> -> memref<128xi32, #tpu.memory_space<vmem>>
      %dma_wait3A_188 = arith.constant 0 : i32
      %dma_wait3A_189 = arith.constant 0 : i32
      %dma_wait3A_190 = tpu.memref_slice %arg5[%dma_wait3A_188, %dma_wait3A_189] : memref<65664x8xf32, #tpu.memory_space<vmem_shared>> -> memref<65664x8xf32, #tpu.memory_space<vmem_shared>>
      tpu.wait_indirect_dma semaphore(%run_scoped3A_174 : memref<!tpu.dma_semaphore, #tpu.memory_space<semaphore_mem>>) src(%dma_wait3A_184 : memref<128x8xf32, #tpu.memory_space<vmem>>) dst(%dma_wait3A_190 : memref<65664x8xf32, #tpu.memory_space<vmem_shared>>)
      tpu.yield
    }) : () -> ()
    %run_scoped3A_129 = arith.constant 26 : i32
    "tpu.region"() ({
      %run_scoped3A_174 = tpu.sem_alloc : memref<!tpu.dma_semaphore, #tpu.memory_space<semaphore_mem>>
      %dma_start3A = arith.constant 3328 : i32
      %dma_start3A_175 = arith.constant 0 : i32
      %dma_start3A_176 = tpu.memref_slice %arg6[%dma_start3A, %dma_start3A_175] : memref<3840x8xf32, #tpu.memory_space<vmem>> -> memref<128x8xf32, #tpu.memory_space<vmem>>
      %dma_start3A_177 = arith.constant 0 : i32
      %dma_start3A_178 = tpu.memref_slice %arg11[%run_scoped3A_129, %dma_start3A_177] : memref<30x128xi32, #tpu.memory_space<vmem>> -> memref<1x128xi32, #tpu.memory_space<vmem>>
      %dma_start3A_179 = tpu.memref_squeeze %dma_start3A_178 : memref<1x128xi32, #tpu.memory_space<vmem>> -> memref<128xi32, #tpu.memory_space<vmem>>
      %dma_start3A_180 = arith.constant 0 : i32
      %dma_start3A_181 = arith.constant 0 : i32
      %dma_start3A_182 = tpu.memref_slice %arg5[%dma_start3A_180, %dma_start3A_181] : memref<65664x8xf32, #tpu.memory_space<vmem_shared>> -> memref<65664x8xf32, #tpu.memory_space<vmem_shared>>
      tpu.enqueue_indirect_dma source(%dma_start3A_176 : memref<128x8xf32, #tpu.memory_space<vmem>>) target(%dma_start3A_182 : memref<65664x8xf32, #tpu.memory_space<vmem_shared>>) offsets(%dma_start3A_179 : memref<128xi32, #tpu.memory_space<vmem>>) semaphore(%run_scoped3A_174 : memref<!tpu.dma_semaphore, #tpu.memory_space<semaphore_mem>>) {add = true}
      %dma_wait3A = arith.constant 3328 : i32
      %dma_wait3A_183 = arith.constant 0 : i32
      %dma_wait3A_184 = tpu.memref_slice %arg6[%dma_wait3A, %dma_wait3A_183] : memref<3840x8xf32, #tpu.memory_space<vmem>> -> memref<128x8xf32, #tpu.memory_space<vmem>>
      %dma_wait3A_185 = arith.constant 0 : i32
      %dma_wait3A_186 = tpu.memref_slice %arg11[%run_scoped3A_129, %dma_wait3A_185] : memref<30x128xi32, #tpu.memory_space<vmem>> -> memref<1x128xi32, #tpu.memory_space<vmem>>
      %dma_wait3A_187 = tpu.memref_squeeze %dma_wait3A_186 : memref<1x128xi32, #tpu.memory_space<vmem>> -> memref<128xi32, #tpu.memory_space<vmem>>
      %dma_wait3A_188 = arith.constant 0 : i32
      %dma_wait3A_189 = arith.constant 0 : i32
      %dma_wait3A_190 = tpu.memref_slice %arg5[%dma_wait3A_188, %dma_wait3A_189] : memref<65664x8xf32, #tpu.memory_space<vmem_shared>> -> memref<65664x8xf32, #tpu.memory_space<vmem_shared>>
      tpu.wait_indirect_dma semaphore(%run_scoped3A_174 : memref<!tpu.dma_semaphore, #tpu.memory_space<semaphore_mem>>) src(%dma_wait3A_184 : memref<128x8xf32, #tpu.memory_space<vmem>>) dst(%dma_wait3A_190 : memref<65664x8xf32, #tpu.memory_space<vmem_shared>>)
      tpu.yield
    }) : () -> ()
    %run_scoped3A_130 = arith.constant 27 : i32
    "tpu.region"() ({
      %run_scoped3A_174 = tpu.sem_alloc : memref<!tpu.dma_semaphore, #tpu.memory_space<semaphore_mem>>
      %dma_start3A = arith.constant 3456 : i32
      %dma_start3A_175 = arith.constant 0 : i32
      %dma_start3A_176 = tpu.memref_slice %arg6[%dma_start3A, %dma_start3A_175] : memref<3840x8xf32, #tpu.memory_space<vmem>> -> memref<128x8xf32, #tpu.memory_space<vmem>>
      %dma_start3A_177 = arith.constant 0 : i32
      %dma_start3A_178 = tpu.memref_slice %arg11[%run_scoped3A_130, %dma_start3A_177] : memref<30x128xi32, #tpu.memory_space<vmem>> -> memref<1x128xi32, #tpu.memory_space<vmem>>
      %dma_start3A_179 = tpu.memref_squeeze %dma_start3A_178 : memref<1x128xi32, #tpu.memory_space<vmem>> -> memref<128xi32, #tpu.memory_space<vmem>>
      %dma_start3A_180 = arith.constant 0 : i32
      %dma_start3A_181 = arith.constant 0 : i32
      %dma_start3A_182 = tpu.memref_slice %arg5[%dma_start3A_180, %dma_start3A_181] : memref<65664x8xf32, #tpu.memory_space<vmem_shared>> -> memref<65664x8xf32, #tpu.memory_space<vmem_shared>>
      tpu.enqueue_indirect_dma source(%dma_start3A_176 : memref<128x8xf32, #tpu.memory_space<vmem>>) target(%dma_start3A_182 : memref<65664x8xf32, #tpu.memory_space<vmem_shared>>) offsets(%dma_start3A_179 : memref<128xi32, #tpu.memory_space<vmem>>) semaphore(%run_scoped3A_174 : memref<!tpu.dma_semaphore, #tpu.memory_space<semaphore_mem>>) {add = true}
      %dma_wait3A = arith.constant 3456 : i32
      %dma_wait3A_183 = arith.constant 0 : i32
      %dma_wait3A_184 = tpu.memref_slice %arg6[%dma_wait3A, %dma_wait3A_183] : memref<3840x8xf32, #tpu.memory_space<vmem>> -> memref<128x8xf32, #tpu.memory_space<vmem>>
      %dma_wait3A_185 = arith.constant 0 : i32
      %dma_wait3A_186 = tpu.memref_slice %arg11[%run_scoped3A_130, %dma_wait3A_185] : memref<30x128xi32, #tpu.memory_space<vmem>> -> memref<1x128xi32, #tpu.memory_space<vmem>>
      %dma_wait3A_187 = tpu.memref_squeeze %dma_wait3A_186 : memref<1x128xi32, #tpu.memory_space<vmem>> -> memref<128xi32, #tpu.memory_space<vmem>>
      %dma_wait3A_188 = arith.constant 0 : i32
      %dma_wait3A_189 = arith.constant 0 : i32
      %dma_wait3A_190 = tpu.memref_slice %arg5[%dma_wait3A_188, %dma_wait3A_189] : memref<65664x8xf32, #tpu.memory_space<vmem_shared>> -> memref<65664x8xf32, #tpu.memory_space<vmem_shared>>
      tpu.wait_indirect_dma semaphore(%run_scoped3A_174 : memref<!tpu.dma_semaphore, #tpu.memory_space<semaphore_mem>>) src(%dma_wait3A_184 : memref<128x8xf32, #tpu.memory_space<vmem>>) dst(%dma_wait3A_190 : memref<65664x8xf32, #tpu.memory_space<vmem_shared>>)
      tpu.yield
    }) : () -> ()
    %run_scoped3A_131 = arith.constant 28 : i32
    "tpu.region"() ({
      %run_scoped3A_174 = tpu.sem_alloc : memref<!tpu.dma_semaphore, #tpu.memory_space<semaphore_mem>>
      %dma_start3A = arith.constant 3584 : i32
      %dma_start3A_175 = arith.constant 0 : i32
      %dma_start3A_176 = tpu.memref_slice %arg6[%dma_start3A, %dma_start3A_175] : memref<3840x8xf32, #tpu.memory_space<vmem>> -> memref<128x8xf32, #tpu.memory_space<vmem>>
      %dma_start3A_177 = arith.constant 0 : i32
      %dma_start3A_178 = tpu.memref_slice %arg11[%run_scoped3A_131, %dma_start3A_177] : memref<30x128xi32, #tpu.memory_space<vmem>> -> memref<1x128xi32, #tpu.memory_space<vmem>>
      %dma_start3A_179 = tpu.memref_squeeze %dma_start3A_178 : memref<1x128xi32, #tpu.memory_space<vmem>> -> memref<128xi32, #tpu.memory_space<vmem>>
      %dma_start3A_180 = arith.constant 0 : i32
      %dma_start3A_181 = arith.constant 0 : i32
      %dma_start3A_182 = tpu.memref_slice %arg5[%dma_start3A_180, %dma_start3A_181] : memref<65664x8xf32, #tpu.memory_space<vmem_shared>> -> memref<65664x8xf32, #tpu.memory_space<vmem_shared>>
      tpu.enqueue_indirect_dma source(%dma_start3A_176 : memref<128x8xf32, #tpu.memory_space<vmem>>) target(%dma_start3A_182 : memref<65664x8xf32, #tpu.memory_space<vmem_shared>>) offsets(%dma_start3A_179 : memref<128xi32, #tpu.memory_space<vmem>>) semaphore(%run_scoped3A_174 : memref<!tpu.dma_semaphore, #tpu.memory_space<semaphore_mem>>) {add = true}
      %dma_wait3A = arith.constant 3584 : i32
      %dma_wait3A_183 = arith.constant 0 : i32
      %dma_wait3A_184 = tpu.memref_slice %arg6[%dma_wait3A, %dma_wait3A_183] : memref<3840x8xf32, #tpu.memory_space<vmem>> -> memref<128x8xf32, #tpu.memory_space<vmem>>
      %dma_wait3A_185 = arith.constant 0 : i32
      %dma_wait3A_186 = tpu.memref_slice %arg11[%run_scoped3A_131, %dma_wait3A_185] : memref<30x128xi32, #tpu.memory_space<vmem>> -> memref<1x128xi32, #tpu.memory_space<vmem>>
      %dma_wait3A_187 = tpu.memref_squeeze %dma_wait3A_186 : memref<1x128xi32, #tpu.memory_space<vmem>> -> memref<128xi32, #tpu.memory_space<vmem>>
      %dma_wait3A_188 = arith.constant 0 : i32
      %dma_wait3A_189 = arith.constant 0 : i32
      %dma_wait3A_190 = tpu.memref_slice %arg5[%dma_wait3A_188, %dma_wait3A_189] : memref<65664x8xf32, #tpu.memory_space<vmem_shared>> -> memref<65664x8xf32, #tpu.memory_space<vmem_shared>>
      tpu.wait_indirect_dma semaphore(%run_scoped3A_174 : memref<!tpu.dma_semaphore, #tpu.memory_space<semaphore_mem>>) src(%dma_wait3A_184 : memref<128x8xf32, #tpu.memory_space<vmem>>) dst(%dma_wait3A_190 : memref<65664x8xf32, #tpu.memory_space<vmem_shared>>)
      tpu.yield
    }) : () -> ()
    %run_scoped3A_132 = arith.constant 29 : i32
    "tpu.region"() ({
      %run_scoped3A_174 = tpu.sem_alloc : memref<!tpu.dma_semaphore, #tpu.memory_space<semaphore_mem>>
      %dma_start3A = arith.constant 3712 : i32
      %dma_start3A_175 = arith.constant 0 : i32
      %dma_start3A_176 = tpu.memref_slice %arg6[%dma_start3A, %dma_start3A_175] : memref<3840x8xf32, #tpu.memory_space<vmem>> -> memref<128x8xf32, #tpu.memory_space<vmem>>
      %dma_start3A_177 = arith.constant 0 : i32
      %dma_start3A_178 = tpu.memref_slice %arg11[%run_scoped3A_132, %dma_start3A_177] : memref<30x128xi32, #tpu.memory_space<vmem>> -> memref<1x128xi32, #tpu.memory_space<vmem>>
      %dma_start3A_179 = tpu.memref_squeeze %dma_start3A_178 : memref<1x128xi32, #tpu.memory_space<vmem>> -> memref<128xi32, #tpu.memory_space<vmem>>
      %dma_start3A_180 = arith.constant 0 : i32
      %dma_start3A_181 = arith.constant 0 : i32
      %dma_start3A_182 = tpu.memref_slice %arg5[%dma_start3A_180, %dma_start3A_181] : memref<65664x8xf32, #tpu.memory_space<vmem_shared>> -> memref<65664x8xf32, #tpu.memory_space<vmem_shared>>
      tpu.enqueue_indirect_dma source(%dma_start3A_176 : memref<128x8xf32, #tpu.memory_space<vmem>>) target(%dma_start3A_182 : memref<65664x8xf32, #tpu.memory_space<vmem_shared>>) offsets(%dma_start3A_179 : memref<128xi32, #tpu.memory_space<vmem>>) semaphore(%run_scoped3A_174 : memref<!tpu.dma_semaphore, #tpu.memory_space<semaphore_mem>>) {add = true}
      %dma_wait3A = arith.constant 3712 : i32
      %dma_wait3A_183 = arith.constant 0 : i32
      %dma_wait3A_184 = tpu.memref_slice %arg6[%dma_wait3A, %dma_wait3A_183] : memref<3840x8xf32, #tpu.memory_space<vmem>> -> memref<128x8xf32, #tpu.memory_space<vmem>>
      %dma_wait3A_185 = arith.constant 0 : i32
      %dma_wait3A_186 = tpu.memref_slice %arg11[%run_scoped3A_132, %dma_wait3A_185] : memref<30x128xi32, #tpu.memory_space<vmem>> -> memref<1x128xi32, #tpu.memory_space<vmem>>
      %dma_wait3A_187 = tpu.memref_squeeze %dma_wait3A_186 : memref<1x128xi32, #tpu.memory_space<vmem>> -> memref<128xi32, #tpu.memory_space<vmem>>
      %dma_wait3A_188 = arith.constant 0 : i32
      %dma_wait3A_189 = arith.constant 0 : i32
      %dma_wait3A_190 = tpu.memref_slice %arg5[%dma_wait3A_188, %dma_wait3A_189] : memref<65664x8xf32, #tpu.memory_space<vmem_shared>> -> memref<65664x8xf32, #tpu.memory_space<vmem_shared>>
      tpu.wait_indirect_dma semaphore(%run_scoped3A_174 : memref<!tpu.dma_semaphore, #tpu.memory_space<semaphore_mem>>) src(%dma_wait3A_184 : memref<128x8xf32, #tpu.memory_space<vmem>>) dst(%dma_wait3A_190 : memref<65664x8xf32, #tpu.memory_space<vmem_shared>>)
      tpu.yield
    }) : () -> ()
    %run_scoped3A_133 = arith.constant 12 : i32
    "tpu.region"() ({
      %run_scoped3A_174 = tpu.sem_alloc : memref<!tpu.dma_semaphore, #tpu.memory_space<semaphore_mem>>
      %dma_start3A = tpu.memref_slice %arg2[%run_scoped3A_133, %multiple_of3A_14] : memref<16x122880xf32, #tpu.memory_space<hbm>> -> memref<1x3840xf32, #tpu.memory_space<hbm>>
      %dma_start3A_175 = tpu.memref_squeeze %dma_start3A : memref<1x3840xf32, #tpu.memory_space<hbm>> -> memref<3840xf32, #tpu.memory_space<hbm>>
      %dma_start3A_176 = tpu.memref_slice %arg2[%run_scoped3A_133, %multiple_of3A_14] : memref<16x122880xf32, #tpu.memory_space<hbm>> -> memref<1x3840xf32, #tpu.memory_space<hbm>>
      %dma_start3A_177 = tpu.memref_squeeze %dma_start3A_176 : memref<1x3840xf32, #tpu.memory_space<hbm>> -> memref<3840xf32, #tpu.memory_space<hbm>>
      tpu.enqueue_dma source(%dma_start3A_177 : memref<3840xf32, #tpu.memory_space<hbm>>) target(%arg7 : memref<3840xf32, #tpu.memory_space<vmem>>) target_semaphore(%run_scoped3A_174 : memref<!tpu.dma_semaphore, #tpu.memory_space<semaphore_mem>>)
      %dma_wait3A = tpu.memref_slice %arg2[%run_scoped3A_133, %multiple_of3A_14] : memref<16x122880xf32, #tpu.memory_space<hbm>> -> memref<1x3840xf32, #tpu.memory_space<hbm>>
      %dma_wait3A_178 = tpu.memref_squeeze %dma_wait3A : memref<1x3840xf32, #tpu.memory_space<hbm>> -> memref<3840xf32, #tpu.memory_space<hbm>>
      %dma_wait3A_179 = tpu.memref_slice %arg2[%run_scoped3A_133, %multiple_of3A_14] : memref<16x122880xf32, #tpu.memory_space<hbm>> -> memref<1x3840xf32, #tpu.memory_space<hbm>>
      %dma_wait3A_180 = tpu.memref_squeeze %dma_wait3A_179 : memref<1x3840xf32, #tpu.memory_space<hbm>> -> memref<3840xf32, #tpu.memory_space<hbm>>
      tpu.wait_dma2 semaphore(%run_scoped3A_174 : memref<!tpu.dma_semaphore, #tpu.memory_space<semaphore_mem>>) src(%dma_wait3A_180 : memref<3840xf32, #tpu.memory_space<hbm>>) dst(%arg7 : memref<3840xf32, #tpu.memory_space<vmem>>)
      tpu.yield
    }) : () -> ()
    %run_scoped3A_134 = arith.constant 13 : i32
    "tpu.region"() ({
      %run_scoped3A_174 = tpu.sem_alloc : memref<!tpu.dma_semaphore, #tpu.memory_space<semaphore_mem>>
      %dma_start3A = tpu.memref_slice %arg2[%run_scoped3A_134, %multiple_of3A_14] : memref<16x122880xf32, #tpu.memory_space<hbm>> -> memref<1x3840xf32, #tpu.memory_space<hbm>>
      %dma_start3A_175 = tpu.memref_squeeze %dma_start3A : memref<1x3840xf32, #tpu.memory_space<hbm>> -> memref<3840xf32, #tpu.memory_space<hbm>>
      %dma_start3A_176 = tpu.memref_slice %arg2[%run_scoped3A_134, %multiple_of3A_14] : memref<16x122880xf32, #tpu.memory_space<hbm>> -> memref<1x3840xf32, #tpu.memory_space<hbm>>
      %dma_start3A_177 = tpu.memref_squeeze %dma_start3A_176 : memref<1x3840xf32, #tpu.memory_space<hbm>> -> memref<3840xf32, #tpu.memory_space<hbm>>
      tpu.enqueue_dma source(%dma_start3A_177 : memref<3840xf32, #tpu.memory_space<hbm>>) target(%arg8 : memref<3840xf32, #tpu.memory_space<vmem>>) target_semaphore(%run_scoped3A_174 : memref<!tpu.dma_semaphore, #tpu.memory_space<semaphore_mem>>)
      %dma_wait3A = tpu.memref_slice %arg2[%run_scoped3A_134, %multiple_of3A_14] : memref<16x122880xf32, #tpu.memory_space<hbm>> -> memref<1x3840xf32, #tpu.memory_space<hbm>>
      %dma_wait3A_178 = tpu.memref_squeeze %dma_wait3A : memref<1x3840xf32, #tpu.memory_space<hbm>> -> memref<3840xf32, #tpu.memory_space<hbm>>
      %dma_wait3A_179 = tpu.memref_slice %arg2[%run_scoped3A_134, %multiple_of3A_14] : memref<16x122880xf32, #tpu.memory_space<hbm>> -> memref<1x3840xf32, #tpu.memory_space<hbm>>
      %dma_wait3A_180 = tpu.memref_squeeze %dma_wait3A_179 : memref<1x3840xf32, #tpu.memory_space<hbm>> -> memref<3840xf32, #tpu.memory_space<hbm>>
      tpu.wait_dma2 semaphore(%run_scoped3A_174 : memref<!tpu.dma_semaphore, #tpu.memory_space<semaphore_mem>>) src(%dma_wait3A_180 : memref<3840xf32, #tpu.memory_space<hbm>>) dst(%arg8 : memref<3840xf32, #tpu.memory_space<vmem>>)
      tpu.yield
    }) : () -> ()
    %run_scoped3A_135 = arith.constant 14 : i32
    "tpu.region"() ({
      %run_scoped3A_174 = tpu.sem_alloc : memref<!tpu.dma_semaphore, #tpu.memory_space<semaphore_mem>>
      %dma_start3A = tpu.memref_slice %arg2[%run_scoped3A_135, %multiple_of3A_14] : memref<16x122880xf32, #tpu.memory_space<hbm>> -> memref<1x3840xf32, #tpu.memory_space<hbm>>
      %dma_start3A_175 = tpu.memref_squeeze %dma_start3A : memref<1x3840xf32, #tpu.memory_space<hbm>> -> memref<3840xf32, #tpu.memory_space<hbm>>
      %dma_start3A_176 = tpu.memref_slice %arg2[%run_scoped3A_135, %multiple_of3A_14] : memref<16x122880xf32, #tpu.memory_space<hbm>> -> memref<1x3840xf32, #tpu.memory_space<hbm>>
      %dma_start3A_177 = tpu.memref_squeeze %dma_start3A_176 : memref<1x3840xf32, #tpu.memory_space<hbm>> -> memref<3840xf32, #tpu.memory_space<hbm>>
      tpu.enqueue_dma source(%dma_start3A_177 : memref<3840xf32, #tpu.memory_space<hbm>>) target(%arg9 : memref<3840xf32, #tpu.memory_space<vmem>>) target_semaphore(%run_scoped3A_174 : memref<!tpu.dma_semaphore, #tpu.memory_space<semaphore_mem>>)
      %dma_wait3A = tpu.memref_slice %arg2[%run_scoped3A_135, %multiple_of3A_14] : memref<16x122880xf32, #tpu.memory_space<hbm>> -> memref<1x3840xf32, #tpu.memory_space<hbm>>
      %dma_wait3A_178 = tpu.memref_squeeze %dma_wait3A : memref<1x3840xf32, #tpu.memory_space<hbm>> -> memref<3840xf32, #tpu.memory_space<hbm>>
      %dma_wait3A_179 = tpu.memref_slice %arg2[%run_scoped3A_135, %multiple_of3A_14] : memref<16x122880xf32, #tpu.memory_space<hbm>> -> memref<1x3840xf32, #tpu.memory_space<hbm>>
      %dma_wait3A_180 = tpu.memref_squeeze %dma_wait3A_179 : memref<1x3840xf32, #tpu.memory_space<hbm>> -> memref<3840xf32, #tpu.memory_space<hbm>>
      tpu.wait_dma2 semaphore(%run_scoped3A_174 : memref<!tpu.dma_semaphore, #tpu.memory_space<semaphore_mem>>) src(%dma_wait3A_180 : memref<3840xf32, #tpu.memory_space<hbm>>) dst(%arg9 : memref<3840xf32, #tpu.memory_space<vmem>>)
      tpu.yield
    }) : () -> ()
    %run_scoped3A_136 = arith.constant 15 : i32
    "tpu.region"() ({
      %run_scoped3A_174 = tpu.sem_alloc : memref<!tpu.dma_semaphore, #tpu.memory_space<semaphore_mem>>
      %dma_start3A = tpu.memref_slice %arg2[%run_scoped3A_136, %multiple_of3A_14] : memref<16x122880xf32, #tpu.memory_space<hbm>> -> memref<1x3840xf32, #tpu.memory_space<hbm>>
      %dma_start3A_175 = tpu.memref_squeeze %dma_start3A : memref<1x3840xf32, #tpu.memory_space<hbm>> -> memref<3840xf32, #tpu.memory_space<hbm>>
      %dma_start3A_176 = tpu.memref_slice %arg2[%run_scoped3A_136, %multiple_of3A_14] : memref<16x122880xf32, #tpu.memory_space<hbm>> -> memref<1x3840xf32, #tpu.memory_space<hbm>>
      %dma_start3A_177 = tpu.memref_squeeze %dma_start3A_176 : memref<1x3840xf32, #tpu.memory_space<hbm>> -> memref<3840xf32, #tpu.memory_space<hbm>>
      tpu.enqueue_dma source(%dma_start3A_177 : memref<3840xf32, #tpu.memory_space<hbm>>) target(%arg10 : memref<3840xf32, #tpu.memory_space<vmem>>) target_semaphore(%run_scoped3A_174 : memref<!tpu.dma_semaphore, #tpu.memory_space<semaphore_mem>>)
      %dma_wait3A = tpu.memref_slice %arg2[%run_scoped3A_136, %multiple_of3A_14] : memref<16x122880xf32, #tpu.memory_space<hbm>> -> memref<1x3840xf32, #tpu.memory_space<hbm>>
      %dma_wait3A_178 = tpu.memref_squeeze %dma_wait3A : memref<1x3840xf32, #tpu.memory_space<hbm>> -> memref<3840xf32, #tpu.memory_space<hbm>>
      %dma_wait3A_179 = tpu.memref_slice %arg2[%run_scoped3A_136, %multiple_of3A_14] : memref<16x122880xf32, #tpu.memory_space<hbm>> -> memref<1x3840xf32, #tpu.memory_space<hbm>>
      %dma_wait3A_180 = tpu.memref_squeeze %dma_wait3A_179 : memref<1x3840xf32, #tpu.memory_space<hbm>> -> memref<3840xf32, #tpu.memory_space<hbm>>
      tpu.wait_dma2 semaphore(%run_scoped3A_174 : memref<!tpu.dma_semaphore, #tpu.memory_space<semaphore_mem>>) src(%dma_wait3A_180 : memref<3840xf32, #tpu.memory_space<hbm>>) dst(%arg10 : memref<3840xf32, #tpu.memory_space<vmem>>)
      tpu.yield
    }) : () -> ()
    %scan3A_137 = arith.constant 0 : i32
    %scan3A_138 = arith.constant 0 : i32
    %scan3A_139 = arith.constant 240 : i32
    %scan3A_140 = arith.addi %scan3A_138, %scan3A_139 : i32
    %scan3A_141 = arith.constant 1 : i32
    scf.for %scan3A_174 = %scan3A_138 to %scan3A_140 step %scan3A_141  : i32 {
      %mul3A_175 = arith.constant 16 : i32
      %mul3A_176 = arith.muli %scan3A_174, %mul3A_175 : i32
      %get3A = arith.index_cast %mul3A_176 : i32 to index
      %get3A_177 = tpu.vector_load %arg7[%get3A] {strides = array<i32>} : memref<3840xf32, #tpu.memory_space<vmem>>, vector<16xf32>,
      %mul3A_178 = arith.constant 16 : i32
      %mul3A_179 = arith.muli %scan3A_174, %mul3A_178 : i32
      %get3A_180 = arith.index_cast %mul3A_179 : i32 to index
      %get3A_181 = tpu.vector_load %arg8[%get3A_180] {strides = array<i32>} : memref<3840xf32, #tpu.memory_space<vmem>>, vector<16xf32>,
      %mul3A_182 = arith.constant 16 : i32
      %mul3A_183 = arith.muli %scan3A_174, %mul3A_182 : i32
      %get3A_184 = arith.index_cast %mul3A_183 : i32 to index
      %get3A_185 = tpu.vector_load %arg9[%get3A_184] {strides = array<i32>} : memref<3840xf32, #tpu.memory_space<vmem>>, vector<16xf32>,
      %mul3A_186 = arith.constant 16 : i32
      %mul3A_187 = arith.muli %scan3A_174, %mul3A_186 : i32
      %get3A_188 = arith.index_cast %mul3A_187 : i32 to index
      %get3A_189 = tpu.vector_load %arg10[%get3A_188] {strides = array<i32>} : memref<3840xf32, #tpu.memory_space<vmem>>, vector<16xf32>,
      %add3A_190 = arith.constant 5.120000e+01 : f32
      %add3A_191 = vector.broadcast %add3A_190 : f32 to vector<16xf32>
      %add3A_192 = arith.addf %get3A_177, %add3A_191 : vector<16xf32>
      %div3A = arith.constant 4.000000e-01 : f32
      %div3A_193 = vector.broadcast %div3A : f32 to vector<16xf32>
      %div3A_194 = arith.divf %add3A_192, %div3A_193 : vector<16xf32>
      %add3A_195 = arith.constant 5.120000e+01 : f32
      %add3A_196 = vector.broadcast %add3A_195 : f32 to vector<16xf32>
      %add3A_197 = arith.addf %get3A_181, %add3A_196 : vector<16xf32>
      %div3A_198 = arith.constant 4.000000e-01 : f32
      %div3A_199 = vector.broadcast %div3A_198 : f32 to vector<16xf32>
      %div3A_200 = arith.divf %add3A_197, %div3A_199 : vector<16xf32>
      %add3A_201 = arith.constant 5.000000e+00 : f32
      %add3A_202 = vector.broadcast %add3A_201 : f32 to vector<16xf32>
      %add3A_203 = arith.addf %get3A_185, %add3A_202 : vector<16xf32>
      %div3A_204 = arith.constant 8.000000e+00 : f32
      %div3A_205 = vector.broadcast %div3A_204 : f32 to vector<16xf32>
      %div3A_206 = arith.divf %add3A_203, %div3A_205 : vector<16xf32>
      %ge3A = arith.constant 0.000000e+00 : f32
      %ge3A_207 = vector.broadcast %ge3A : f32 to vector<16xf32>
      %ge3A_208 = arith.cmpf oge, %div3A_194, %ge3A_207 : vector<16xf32>
      %lt3A = arith.constant 2.560000e+02 : f32
      %lt3A_209 = vector.broadcast %lt3A : f32 to vector<16xf32>
      %lt3A_210 = arith.cmpf olt, %div3A_194, %lt3A_209 : vector<16xf32>
      %and3A = arith.andi %ge3A_208, %lt3A_210 : vector<16xi1>
      %ge3A_211 = arith.constant 0.000000e+00 : f32
      %ge3A_212 = vector.broadcast %ge3A_211 : f32 to vector<16xf32>
      %ge3A_213 = arith.cmpf oge, %div3A_200, %ge3A_212 : vector<16xf32>
      %and3A_214 = arith.andi %and3A, %ge3A_213 : vector<16xi1>
      %lt3A_215 = arith.constant 2.560000e+02 : f32
      %lt3A_216 = vector.broadcast %lt3A_215 : f32 to vector<16xf32>
      %lt3A_217 = arith.cmpf olt, %div3A_200, %lt3A_216 : vector<16xf32>
      %and3A_218 = arith.andi %and3A_214, %lt3A_217 : vector<16xi1>
      %ge3A_219 = arith.constant 0.000000e+00 : f32
      %ge3A_220 = vector.broadcast %ge3A_219 : f32 to vector<16xf32>
      %ge3A_221 = arith.cmpf oge, %div3A_206, %ge3A_220 : vector<16xf32>
      %and3A_222 = arith.andi %and3A_218, %ge3A_221 : vector<16xi1>
      %lt3A_223 = arith.constant 1.000000e+00 : f32
      %lt3A_224 = vector.broadcast %lt3A_223 : f32 to vector<16xf32>
      %lt3A_225 = arith.cmpf olt, %div3A_206, %lt3A_224 : vector<16xf32>
      %and3A_226 = arith.andi %and3A_222, %lt3A_225 : vector<16xi1>
      %convert_element_type3A = arith.fptosi %div3A_194 : vector<16xf32> to vector<16xi32>
      %convert_element_type3A_227 = arith.fptosi %div3A_200 : vector<16xf32> to vector<16xi32>
      %mul3A_228 = arith.constant 256 : i32
      %mul3A_229 = vector.broadcast %mul3A_228 : i32 to vector<16xi32>
      %mul3A_230 = arith.muli %convert_element_type3A_227, %mul3A_229 : vector<16xi32>
      %add3A_231 = arith.addi %mul3A_230, %convert_element_type3A : vector<16xi32>
      %jit3A = arith.constant 65536 : i32
      %broadcast_in_dim3A_232 = vector.broadcast %jit3A : i32 to vector<16xi32>
      %select_n3A = arith.select %and3A_226, %add3A_231, %broadcast_in_dim3A_232 : vector<16xi1>, vector<16xi32>
      %mul3A_233 = arith.constant 16 : i32
      %mul3A_234 = arith.muli %scan3A_174, %mul3A_233 : i32
      %broadcast_in_dim3A_235 = vector.broadcast %mul3A_234 : i32 to vector<16xi32>
      %add3A_236 = arith.addi %broadcast_in_dim3A_235, %iota3A : vector<16xi32>
      %jit3A_237 = arith.constant 0.000000e+00 : f32
      %broadcast_in_dim3A_238 = vector.broadcast %jit3A_237 : f32 to vector<16xf32>
      %select_n3A_239 = arith.select %and3A_226, %get3A_177, %broadcast_in_dim3A_238 : vector<16xi1>, vector<16xf32>
      tpu.vector_store_idx %arg6[%add3A_236, %broadcast_in_dim3A_3], %select_n3A_239 : memref<3840x8xf32, #tpu.memory_space<vmem>>[vector<16xi32>, vector<16xi32>], vector<16xf32>,
      %jit3A_240 = arith.constant 0.000000e+00 : f32
      %broadcast_in_dim3A_241 = vector.broadcast %jit3A_240 : f32 to vector<16xf32>
      %select_n3A_242 = arith.select %and3A_226, %get3A_181, %broadcast_in_dim3A_241 : vector<16xi1>, vector<16xf32>
      tpu.vector_store_idx %arg6[%add3A_236, %broadcast_in_dim3A_5], %select_n3A_242 : memref<3840x8xf32, #tpu.memory_space<vmem>>[vector<16xi32>, vector<16xi32>], vector<16xf32>,
      %jit3A_243 = arith.constant 0.000000e+00 : f32
      %broadcast_in_dim3A_244 = vector.broadcast %jit3A_243 : f32 to vector<16xf32>
      %select_n3A_245 = arith.select %and3A_226, %get3A_185, %broadcast_in_dim3A_244 : vector<16xi1>, vector<16xf32>
      tpu.vector_store_idx %arg6[%add3A_236, %broadcast_in_dim3A_7], %select_n3A_245 : memref<3840x8xf32, #tpu.memory_space<vmem>>[vector<16xi32>, vector<16xi32>], vector<16xf32>,
      %jit3A_246 = arith.constant 0.000000e+00 : f32
      %broadcast_in_dim3A_247 = vector.broadcast %jit3A_246 : f32 to vector<16xf32>
      %select_n3A_248 = arith.select %and3A_226, %get3A_189, %broadcast_in_dim3A_247 : vector<16xi1>, vector<16xf32>
      tpu.vector_store_idx %arg6[%add3A_236, %broadcast_in_dim3A_9], %select_n3A_248 : memref<3840x8xf32, #tpu.memory_space<vmem>>[vector<16xi32>, vector<16xi32>], vector<16xf32>,
      %jit3A_249 = arith.constant 1.000000e+00 : f32
      %jit3A_250 = arith.constant 0.000000e+00 : f32
      %broadcast_in_dim3A_251 = vector.broadcast %jit3A_249 : f32 to vector<16xf32>
      %broadcast_in_dim3A_252 = vector.broadcast %jit3A_250 : f32 to vector<16xf32>
      %select_n3A_253 = arith.select %and3A_226, %broadcast_in_dim3A_251, %broadcast_in_dim3A_252 : vector<16xi1>, vector<16xf32>
      tpu.vector_store_idx %arg6[%add3A_236, %broadcast_in_dim3A_11], %select_n3A_253 : memref<3840x8xf32, #tpu.memory_space<vmem>>[vector<16xi32>, vector<16xi32>], vector<16xf32>,
      %jit3A_254 = arith.constant 8 : i32
      %div3A_255 = arith.divsi %scan3A_174, %jit3A_254 : i32
      %sign3A = arith.constant 0 : i32
      %sign3A_256 = arith.cmpi sgt, %scan3A_174, %sign3A : i32
      %sign3A_257 = arith.extui %sign3A_256 : i1 to i32
      %sign3A_258 = arith.constant 0 : i32
      %sign3A_259 = arith.cmpi slt, %scan3A_174, %sign3A_258 : i32
      %sign3A_260 = arith.extui %sign3A_259 : i1 to i32
      %sign3A_261 = arith.subi %sign3A_257, %sign3A_260 : i32
      %sign3A_262 = arith.constant 0 : i32
      %sign3A_263 = arith.cmpi sgt, %jit3A_254, %sign3A_262 : i32
      %sign3A_264 = arith.extui %sign3A_263 : i1 to i32
      %sign3A_265 = arith.constant 0 : i32
      %sign3A_266 = arith.cmpi slt, %jit3A_254, %sign3A_265 : i32
      %sign3A_267 = arith.extui %sign3A_266 : i1 to i32
      %sign3A_268 = arith.subi %sign3A_264, %sign3A_267 : i32
      %ne3A = arith.cmpi ne, %sign3A_261, %sign3A_268 : i32
      %rem3A = arith.remsi %scan3A_174, %jit3A_254 : i32
      %ne3A_269 = arith.constant 0 : i32
      %ne3A_270 = arith.cmpi ne, %rem3A, %ne3A_269 : i32
      %and3A_271 = arith.andi %ne3A, %ne3A_270 : i1
      %sub3A = arith.constant 1 : i32
      %sub3A_272 = arith.subi %div3A_255, %sub3A : i32
      %select_n3A_273 = arith.select %and3A_271, %sub3A_272, %div3A_255 : i32
      %broadcast_in_dim3A_274 = vector.broadcast %select_n3A_273 : i32 to vector<16xi32>
      %jit3A_275 = arith.constant 8 : i32
      %eq3A = arith.constant 0 : i32
      %eq3A_276 = arith.cmpi eq, %jit3A_275, %eq3A : i32
      %jit3A_277 = arith.constant 1 : i32
      %select_n3A_278 = arith.select %eq3A_276, %jit3A_277, %jit3A_275 : i32
      %rem3A_279 = arith.remsi %scan3A_174, %select_n3A_278 : i32
      %ne3A_280 = arith.constant 0 : i32
      %ne3A_281 = arith.cmpi ne, %rem3A_279, %ne3A_280 : i32
      %lt3A_282 = arith.constant 0 : i32
      %lt3A_283 = arith.cmpi slt, %rem3A_279, %lt3A_282 : i32
      %lt3A_284 = arith.constant 0 : i32
      %lt3A_285 = arith.cmpi slt, %select_n3A_278, %lt3A_284 : i32
      %ne3A_286 = arith.xori %lt3A_283, %lt3A_285 : i1
      %and3A_287 = arith.andi %ne3A_286, %ne3A_281 : i1
      %add3A_288 = arith.addi %rem3A_279, %select_n3A_278 : i32
      %select_n3A_289 = arith.select %and3A_287, %add3A_288, %rem3A_279 : i32
      %mul3A_290 = arith.constant 16 : i32
      %mul3A_291 = arith.muli %select_n3A_289, %mul3A_290 : i32
      %broadcast_in_dim3A_292 = vector.broadcast %mul3A_291 : i32 to vector<16xi32>
      %add3A_293 = arith.addi %broadcast_in_dim3A_292, %iota3A : vector<16xi32>
      tpu.vector_store_idx %arg11[%broadcast_in_dim3A_274, %add3A_293], %select_n3A : memref<30x128xi32, #tpu.memory_space<vmem>>[vector<16xi32>, vector<16xi32>], vector<16xi32>,
    }
    %scan3A_142 = arith.constant 240 : i32
    %run_scoped3A_143 = arith.constant 0 : i32
    "tpu.region"() ({
      %run_scoped3A_174 = tpu.sem_alloc : memref<!tpu.dma_semaphore, #tpu.memory_space<semaphore_mem>>
      %dma_start3A = arith.constant 0 : i32
      %dma_start3A_175 = arith.constant 0 : i32
      %dma_start3A_176 = tpu.memref_slice %arg6[%dma_start3A, %dma_start3A_175] : memref<3840x8xf32, #tpu.memory_space<vmem>> -> memref<128x8xf32, #tpu.memory_space<vmem>>
      %dma_start3A_177 = arith.constant 0 : i32
      %dma_start3A_178 = tpu.memref_slice %arg11[%run_scoped3A_143, %dma_start3A_177] : memref<30x128xi32, #tpu.memory_space<vmem>> -> memref<1x128xi32, #tpu.memory_space<vmem>>
      %dma_start3A_179 = tpu.memref_squeeze %dma_start3A_178 : memref<1x128xi32, #tpu.memory_space<vmem>> -> memref<128xi32, #tpu.memory_space<vmem>>
      %dma_start3A_180 = arith.constant 0 : i32
      %dma_start3A_181 = arith.constant 0 : i32
      %dma_start3A_182 = tpu.memref_slice %arg5[%dma_start3A_180, %dma_start3A_181] : memref<65664x8xf32, #tpu.memory_space<vmem_shared>> -> memref<65664x8xf32, #tpu.memory_space<vmem_shared>>
      tpu.enqueue_indirect_dma source(%dma_start3A_176 : memref<128x8xf32, #tpu.memory_space<vmem>>) target(%dma_start3A_182 : memref<65664x8xf32, #tpu.memory_space<vmem_shared>>) offsets(%dma_start3A_179 : memref<128xi32, #tpu.memory_space<vmem>>) semaphore(%run_scoped3A_174 : memref<!tpu.dma_semaphore, #tpu.memory_space<semaphore_mem>>) {add = true}
      %dma_wait3A = arith.constant 0 : i32
      %dma_wait3A_183 = arith.constant 0 : i32
      %dma_wait3A_184 = tpu.memref_slice %arg6[%dma_wait3A, %dma_wait3A_183] : memref<3840x8xf32, #tpu.memory_space<vmem>> -> memref<128x8xf32, #tpu.memory_space<vmem>>
      %dma_wait3A_185 = arith.constant 0 : i32
      %dma_wait3A_186 = tpu.memref_slice %arg11[%run_scoped3A_143, %dma_wait3A_185] : memref<30x128xi32, #tpu.memory_space<vmem>> -> memref<1x128xi32, #tpu.memory_space<vmem>>
      %dma_wait3A_187 = tpu.memref_squeeze %dma_wait3A_186 : memref<1x128xi32, #tpu.memory_space<vmem>> -> memref<128xi32, #tpu.memory_space<vmem>>
      %dma_wait3A_188 = arith.constant 0 : i32
      %dma_wait3A_189 = arith.constant 0 : i32
      %dma_wait3A_190 = tpu.memref_slice %arg5[%dma_wait3A_188, %dma_wait3A_189] : memref<65664x8xf32, #tpu.memory_space<vmem_shared>> -> memref<65664x8xf32, #tpu.memory_space<vmem_shared>>
      tpu.wait_indirect_dma semaphore(%run_scoped3A_174 : memref<!tpu.dma_semaphore, #tpu.memory_space<semaphore_mem>>) src(%dma_wait3A_184 : memref<128x8xf32, #tpu.memory_space<vmem>>) dst(%dma_wait3A_190 : memref<65664x8xf32, #tpu.memory_space<vmem_shared>>)
      tpu.yield
    }) : () -> ()
    %run_scoped3A_144 = arith.constant 1 : i32
    "tpu.region"() ({
      %run_scoped3A_174 = tpu.sem_alloc : memref<!tpu.dma_semaphore, #tpu.memory_space<semaphore_mem>>
      %dma_start3A = arith.constant 128 : i32
      %dma_start3A_175 = arith.constant 0 : i32
      %dma_start3A_176 = tpu.memref_slice %arg6[%dma_start3A, %dma_start3A_175] : memref<3840x8xf32, #tpu.memory_space<vmem>> -> memref<128x8xf32, #tpu.memory_space<vmem>>
      %dma_start3A_177 = arith.constant 0 : i32
      %dma_start3A_178 = tpu.memref_slice %arg11[%run_scoped3A_144, %dma_start3A_177] : memref<30x128xi32, #tpu.memory_space<vmem>> -> memref<1x128xi32, #tpu.memory_space<vmem>>
      %dma_start3A_179 = tpu.memref_squeeze %dma_start3A_178 : memref<1x128xi32, #tpu.memory_space<vmem>> -> memref<128xi32, #tpu.memory_space<vmem>>
      %dma_start3A_180 = arith.constant 0 : i32
      %dma_start3A_181 = arith.constant 0 : i32
      %dma_start3A_182 = tpu.memref_slice %arg5[%dma_start3A_180, %dma_start3A_181] : memref<65664x8xf32, #tpu.memory_space<vmem_shared>> -> memref<65664x8xf32, #tpu.memory_space<vmem_shared>>
      tpu.enqueue_indirect_dma source(%dma_start3A_176 : memref<128x8xf32, #tpu.memory_space<vmem>>) target(%dma_start3A_182 : memref<65664x8xf32, #tpu.memory_space<vmem_shared>>) offsets(%dma_start3A_179 : memref<128xi32, #tpu.memory_space<vmem>>) semaphore(%run_scoped3A_174 : memref<!tpu.dma_semaphore, #tpu.memory_space<semaphore_mem>>) {add = true}
      %dma_wait3A = arith.constant 128 : i32
      %dma_wait3A_183 = arith.constant 0 : i32
      %dma_wait3A_184 = tpu.memref_slice %arg6[%dma_wait3A, %dma_wait3A_183] : memref<3840x8xf32, #tpu.memory_space<vmem>> -> memref<128x8xf32, #tpu.memory_space<vmem>>
      %dma_wait3A_185 = arith.constant 0 : i32
      %dma_wait3A_186 = tpu.memref_slice %arg11[%run_scoped3A_144, %dma_wait3A_185] : memref<30x128xi32, #tpu.memory_space<vmem>> -> memref<1x128xi32, #tpu.memory_space<vmem>>
      %dma_wait3A_187 = tpu.memref_squeeze %dma_wait3A_186 : memref<1x128xi32, #tpu.memory_space<vmem>> -> memref<128xi32, #tpu.memory_space<vmem>>
      %dma_wait3A_188 = arith.constant 0 : i32
      %dma_wait3A_189 = arith.constant 0 : i32
      %dma_wait3A_190 = tpu.memref_slice %arg5[%dma_wait3A_188, %dma_wait3A_189] : memref<65664x8xf32, #tpu.memory_space<vmem_shared>> -> memref<65664x8xf32, #tpu.memory_space<vmem_shared>>
      tpu.wait_indirect_dma semaphore(%run_scoped3A_174 : memref<!tpu.dma_semaphore, #tpu.memory_space<semaphore_mem>>) src(%dma_wait3A_184 : memref<128x8xf32, #tpu.memory_space<vmem>>) dst(%dma_wait3A_190 : memref<65664x8xf32, #tpu.memory_space<vmem_shared>>)
      tpu.yield
    }) : () -> ()
    %run_scoped3A_145 = arith.constant 2 : i32
    "tpu.region"() ({
      %run_scoped3A_174 = tpu.sem_alloc : memref<!tpu.dma_semaphore, #tpu.memory_space<semaphore_mem>>
      %dma_start3A = arith.constant 256 : i32
      %dma_start3A_175 = arith.constant 0 : i32
      %dma_start3A_176 = tpu.memref_slice %arg6[%dma_start3A, %dma_start3A_175] : memref<3840x8xf32, #tpu.memory_space<vmem>> -> memref<128x8xf32, #tpu.memory_space<vmem>>
      %dma_start3A_177 = arith.constant 0 : i32
      %dma_start3A_178 = tpu.memref_slice %arg11[%run_scoped3A_145, %dma_start3A_177] : memref<30x128xi32, #tpu.memory_space<vmem>> -> memref<1x128xi32, #tpu.memory_space<vmem>>
      %dma_start3A_179 = tpu.memref_squeeze %dma_start3A_178 : memref<1x128xi32, #tpu.memory_space<vmem>> -> memref<128xi32, #tpu.memory_space<vmem>>
      %dma_start3A_180 = arith.constant 0 : i32
      %dma_start3A_181 = arith.constant 0 : i32
      %dma_start3A_182 = tpu.memref_slice %arg5[%dma_start3A_180, %dma_start3A_181] : memref<65664x8xf32, #tpu.memory_space<vmem_shared>> -> memref<65664x8xf32, #tpu.memory_space<vmem_shared>>
      tpu.enqueue_indirect_dma source(%dma_start3A_176 : memref<128x8xf32, #tpu.memory_space<vmem>>) target(%dma_start3A_182 : memref<65664x8xf32, #tpu.memory_space<vmem_shared>>) offsets(%dma_start3A_179 : memref<128xi32, #tpu.memory_space<vmem>>) semaphore(%run_scoped3A_174 : memref<!tpu.dma_semaphore, #tpu.memory_space<semaphore_mem>>) {add = true}
      %dma_wait3A = arith.constant 256 : i32
      %dma_wait3A_183 = arith.constant 0 : i32
      %dma_wait3A_184 = tpu.memref_slice %arg6[%dma_wait3A, %dma_wait3A_183] : memref<3840x8xf32, #tpu.memory_space<vmem>> -> memref<128x8xf32, #tpu.memory_space<vmem>>
      %dma_wait3A_185 = arith.constant 0 : i32
      %dma_wait3A_186 = tpu.memref_slice %arg11[%run_scoped3A_145, %dma_wait3A_185] : memref<30x128xi32, #tpu.memory_space<vmem>> -> memref<1x128xi32, #tpu.memory_space<vmem>>
      %dma_wait3A_187 = tpu.memref_squeeze %dma_wait3A_186 : memref<1x128xi32, #tpu.memory_space<vmem>> -> memref<128xi32, #tpu.memory_space<vmem>>
      %dma_wait3A_188 = arith.constant 0 : i32
      %dma_wait3A_189 = arith.constant 0 : i32
      %dma_wait3A_190 = tpu.memref_slice %arg5[%dma_wait3A_188, %dma_wait3A_189] : memref<65664x8xf32, #tpu.memory_space<vmem_shared>> -> memref<65664x8xf32, #tpu.memory_space<vmem_shared>>
      tpu.wait_indirect_dma semaphore(%run_scoped3A_174 : memref<!tpu.dma_semaphore, #tpu.memory_space<semaphore_mem>>) src(%dma_wait3A_184 : memref<128x8xf32, #tpu.memory_space<vmem>>) dst(%dma_wait3A_190 : memref<65664x8xf32, #tpu.memory_space<vmem_shared>>)
      tpu.yield
    }) : () -> ()
    %run_scoped3A_146 = arith.constant 3 : i32
    "tpu.region"() ({
      %run_scoped3A_174 = tpu.sem_alloc : memref<!tpu.dma_semaphore, #tpu.memory_space<semaphore_mem>>
      %dma_start3A = arith.constant 384 : i32
      %dma_start3A_175 = arith.constant 0 : i32
      %dma_start3A_176 = tpu.memref_slice %arg6[%dma_start3A, %dma_start3A_175] : memref<3840x8xf32, #tpu.memory_space<vmem>> -> memref<128x8xf32, #tpu.memory_space<vmem>>
      %dma_start3A_177 = arith.constant 0 : i32
      %dma_start3A_178 = tpu.memref_slice %arg11[%run_scoped3A_146, %dma_start3A_177] : memref<30x128xi32, #tpu.memory_space<vmem>> -> memref<1x128xi32, #tpu.memory_space<vmem>>
      %dma_start3A_179 = tpu.memref_squeeze %dma_start3A_178 : memref<1x128xi32, #tpu.memory_space<vmem>> -> memref<128xi32, #tpu.memory_space<vmem>>
      %dma_start3A_180 = arith.constant 0 : i32
      %dma_start3A_181 = arith.constant 0 : i32
      %dma_start3A_182 = tpu.memref_slice %arg5[%dma_start3A_180, %dma_start3A_181] : memref<65664x8xf32, #tpu.memory_space<vmem_shared>> -> memref<65664x8xf32, #tpu.memory_space<vmem_shared>>
      tpu.enqueue_indirect_dma source(%dma_start3A_176 : memref<128x8xf32, #tpu.memory_space<vmem>>) target(%dma_start3A_182 : memref<65664x8xf32, #tpu.memory_space<vmem_shared>>) offsets(%dma_start3A_179 : memref<128xi32, #tpu.memory_space<vmem>>) semaphore(%run_scoped3A_174 : memref<!tpu.dma_semaphore, #tpu.memory_space<semaphore_mem>>) {add = true}
      %dma_wait3A = arith.constant 384 : i32
      %dma_wait3A_183 = arith.constant 0 : i32
      %dma_wait3A_184 = tpu.memref_slice %arg6[%dma_wait3A, %dma_wait3A_183] : memref<3840x8xf32, #tpu.memory_space<vmem>> -> memref<128x8xf32, #tpu.memory_space<vmem>>
      %dma_wait3A_185 = arith.constant 0 : i32
      %dma_wait3A_186 = tpu.memref_slice %arg11[%run_scoped3A_146, %dma_wait3A_185] : memref<30x128xi32, #tpu.memory_space<vmem>> -> memref<1x128xi32, #tpu.memory_space<vmem>>
      %dma_wait3A_187 = tpu.memref_squeeze %dma_wait3A_186 : memref<1x128xi32, #tpu.memory_space<vmem>> -> memref<128xi32, #tpu.memory_space<vmem>>
      %dma_wait3A_188 = arith.constant 0 : i32
      %dma_wait3A_189 = arith.constant 0 : i32
      %dma_wait3A_190 = tpu.memref_slice %arg5[%dma_wait3A_188, %dma_wait3A_189] : memref<65664x8xf32, #tpu.memory_space<vmem_shared>> -> memref<65664x8xf32, #tpu.memory_space<vmem_shared>>
      tpu.wait_indirect_dma semaphore(%run_scoped3A_174 : memref<!tpu.dma_semaphore, #tpu.memory_space<semaphore_mem>>) src(%dma_wait3A_184 : memref<128x8xf32, #tpu.memory_space<vmem>>) dst(%dma_wait3A_190 : memref<65664x8xf32, #tpu.memory_space<vmem_shared>>)
      tpu.yield
    }) : () -> ()
    %run_scoped3A_147 = arith.constant 4 : i32
    "tpu.region"() ({
      %run_scoped3A_174 = tpu.sem_alloc : memref<!tpu.dma_semaphore, #tpu.memory_space<semaphore_mem>>
      %dma_start3A = arith.constant 512 : i32
      %dma_start3A_175 = arith.constant 0 : i32
      %dma_start3A_176 = tpu.memref_slice %arg6[%dma_start3A, %dma_start3A_175] : memref<3840x8xf32, #tpu.memory_space<vmem>> -> memref<128x8xf32, #tpu.memory_space<vmem>>
      %dma_start3A_177 = arith.constant 0 : i32
      %dma_start3A_178 = tpu.memref_slice %arg11[%run_scoped3A_147, %dma_start3A_177] : memref<30x128xi32, #tpu.memory_space<vmem>> -> memref<1x128xi32, #tpu.memory_space<vmem>>
      %dma_start3A_179 = tpu.memref_squeeze %dma_start3A_178 : memref<1x128xi32, #tpu.memory_space<vmem>> -> memref<128xi32, #tpu.memory_space<vmem>>
      %dma_start3A_180 = arith.constant 0 : i32
      %dma_start3A_181 = arith.constant 0 : i32
      %dma_start3A_182 = tpu.memref_slice %arg5[%dma_start3A_180, %dma_start3A_181] : memref<65664x8xf32, #tpu.memory_space<vmem_shared>> -> memref<65664x8xf32, #tpu.memory_space<vmem_shared>>
      tpu.enqueue_indirect_dma source(%dma_start3A_176 : memref<128x8xf32, #tpu.memory_space<vmem>>) target(%dma_start3A_182 : memref<65664x8xf32, #tpu.memory_space<vmem_shared>>) offsets(%dma_start3A_179 : memref<128xi32, #tpu.memory_space<vmem>>) semaphore(%run_scoped3A_174 : memref<!tpu.dma_semaphore, #tpu.memory_space<semaphore_mem>>) {add = true}
      %dma_wait3A = arith.constant 512 : i32
      %dma_wait3A_183 = arith.constant 0 : i32
      %dma_wait3A_184 = tpu.memref_slice %arg6[%dma_wait3A, %dma_wait3A_183] : memref<3840x8xf32, #tpu.memory_space<vmem>> -> memref<128x8xf32, #tpu.memory_space<vmem>>
      %dma_wait3A_185 = arith.constant 0 : i32
      %dma_wait3A_186 = tpu.memref_slice %arg11[%run_scoped3A_147, %dma_wait3A_185] : memref<30x128xi32, #tpu.memory_space<vmem>> -> memref<1x128xi32, #tpu.memory_space<vmem>>
      %dma_wait3A_187 = tpu.memref_squeeze %dma_wait3A_186 : memref<1x128xi32, #tpu.memory_space<vmem>> -> memref<128xi32, #tpu.memory_space<vmem>>
      %dma_wait3A_188 = arith.constant 0 : i32
      %dma_wait3A_189 = arith.constant 0 : i32
      %dma_wait3A_190 = tpu.memref_slice %arg5[%dma_wait3A_188, %dma_wait3A_189] : memref<65664x8xf32, #tpu.memory_space<vmem_shared>> -> memref<65664x8xf32, #tpu.memory_space<vmem_shared>>
      tpu.wait_indirect_dma semaphore(%run_scoped3A_174 : memref<!tpu.dma_semaphore, #tpu.memory_space<semaphore_mem>>) src(%dma_wait3A_184 : memref<128x8xf32, #tpu.memory_space<vmem>>) dst(%dma_wait3A_190 : memref<65664x8xf32, #tpu.memory_space<vmem_shared>>)
      tpu.yield
    }) : () -> ()
    %run_scoped3A_148 = arith.constant 5 : i32
    "tpu.region"() ({
      %run_scoped3A_174 = tpu.sem_alloc : memref<!tpu.dma_semaphore, #tpu.memory_space<semaphore_mem>>
      %dma_start3A = arith.constant 640 : i32
      %dma_start3A_175 = arith.constant 0 : i32
      %dma_start3A_176 = tpu.memref_slice %arg6[%dma_start3A, %dma_start3A_175] : memref<3840x8xf32, #tpu.memory_space<vmem>> -> memref<128x8xf32, #tpu.memory_space<vmem>>
      %dma_start3A_177 = arith.constant 0 : i32
      %dma_start3A_178 = tpu.memref_slice %arg11[%run_scoped3A_148, %dma_start3A_177] : memref<30x128xi32, #tpu.memory_space<vmem>> -> memref<1x128xi32, #tpu.memory_space<vmem>>
      %dma_start3A_179 = tpu.memref_squeeze %dma_start3A_178 : memref<1x128xi32, #tpu.memory_space<vmem>> -> memref<128xi32, #tpu.memory_space<vmem>>
      %dma_start3A_180 = arith.constant 0 : i32
      %dma_start3A_181 = arith.constant 0 : i32
      %dma_start3A_182 = tpu.memref_slice %arg5[%dma_start3A_180, %dma_start3A_181] : memref<65664x8xf32, #tpu.memory_space<vmem_shared>> -> memref<65664x8xf32, #tpu.memory_space<vmem_shared>>
      tpu.enqueue_indirect_dma source(%dma_start3A_176 : memref<128x8xf32, #tpu.memory_space<vmem>>) target(%dma_start3A_182 : memref<65664x8xf32, #tpu.memory_space<vmem_shared>>) offsets(%dma_start3A_179 : memref<128xi32, #tpu.memory_space<vmem>>) semaphore(%run_scoped3A_174 : memref<!tpu.dma_semaphore, #tpu.memory_space<semaphore_mem>>) {add = true}
      %dma_wait3A = arith.constant 640 : i32
      %dma_wait3A_183 = arith.constant 0 : i32
      %dma_wait3A_184 = tpu.memref_slice %arg6[%dma_wait3A, %dma_wait3A_183] : memref<3840x8xf32, #tpu.memory_space<vmem>> -> memref<128x8xf32, #tpu.memory_space<vmem>>
      %dma_wait3A_185 = arith.constant 0 : i32
      %dma_wait3A_186 = tpu.memref_slice %arg11[%run_scoped3A_148, %dma_wait3A_185] : memref<30x128xi32, #tpu.memory_space<vmem>> -> memref<1x128xi32, #tpu.memory_space<vmem>>
      %dma_wait3A_187 = tpu.memref_squeeze %dma_wait3A_186 : memref<1x128xi32, #tpu.memory_space<vmem>> -> memref<128xi32, #tpu.memory_space<vmem>>
      %dma_wait3A_188 = arith.constant 0 : i32
      %dma_wait3A_189 = arith.constant 0 : i32
      %dma_wait3A_190 = tpu.memref_slice %arg5[%dma_wait3A_188, %dma_wait3A_189] : memref<65664x8xf32, #tpu.memory_space<vmem_shared>> -> memref<65664x8xf32, #tpu.memory_space<vmem_shared>>
      tpu.wait_indirect_dma semaphore(%run_scoped3A_174 : memref<!tpu.dma_semaphore, #tpu.memory_space<semaphore_mem>>) src(%dma_wait3A_184 : memref<128x8xf32, #tpu.memory_space<vmem>>) dst(%dma_wait3A_190 : memref<65664x8xf32, #tpu.memory_space<vmem_shared>>)
      tpu.yield
    }) : () -> ()
    %run_scoped3A_149 = arith.constant 6 : i32
    "tpu.region"() ({
      %run_scoped3A_174 = tpu.sem_alloc : memref<!tpu.dma_semaphore, #tpu.memory_space<semaphore_mem>>
      %dma_start3A = arith.constant 768 : i32
      %dma_start3A_175 = arith.constant 0 : i32
      %dma_start3A_176 = tpu.memref_slice %arg6[%dma_start3A, %dma_start3A_175] : memref<3840x8xf32, #tpu.memory_space<vmem>> -> memref<128x8xf32, #tpu.memory_space<vmem>>
      %dma_start3A_177 = arith.constant 0 : i32
      %dma_start3A_178 = tpu.memref_slice %arg11[%run_scoped3A_149, %dma_start3A_177] : memref<30x128xi32, #tpu.memory_space<vmem>> -> memref<1x128xi32, #tpu.memory_space<vmem>>
      %dma_start3A_179 = tpu.memref_squeeze %dma_start3A_178 : memref<1x128xi32, #tpu.memory_space<vmem>> -> memref<128xi32, #tpu.memory_space<vmem>>
      %dma_start3A_180 = arith.constant 0 : i32
      %dma_start3A_181 = arith.constant 0 : i32
      %dma_start3A_182 = tpu.memref_slice %arg5[%dma_start3A_180, %dma_start3A_181] : memref<65664x8xf32, #tpu.memory_space<vmem_shared>> -> memref<65664x8xf32, #tpu.memory_space<vmem_shared>>
      tpu.enqueue_indirect_dma source(%dma_start3A_176 : memref<128x8xf32, #tpu.memory_space<vmem>>) target(%dma_start3A_182 : memref<65664x8xf32, #tpu.memory_space<vmem_shared>>) offsets(%dma_start3A_179 : memref<128xi32, #tpu.memory_space<vmem>>) semaphore(%run_scoped3A_174 : memref<!tpu.dma_semaphore, #tpu.memory_space<semaphore_mem>>) {add = true}
      %dma_wait3A = arith.constant 768 : i32
      %dma_wait3A_183 = arith.constant 0 : i32
      %dma_wait3A_184 = tpu.memref_slice %arg6[%dma_wait3A, %dma_wait3A_183] : memref<3840x8xf32, #tpu.memory_space<vmem>> -> memref<128x8xf32, #tpu.memory_space<vmem>>
      %dma_wait3A_185 = arith.constant 0 : i32
      %dma_wait3A_186 = tpu.memref_slice %arg11[%run_scoped3A_149, %dma_wait3A_185] : memref<30x128xi32, #tpu.memory_space<vmem>> -> memref<1x128xi32, #tpu.memory_space<vmem>>
      %dma_wait3A_187 = tpu.memref_squeeze %dma_wait3A_186 : memref<1x128xi32, #tpu.memory_space<vmem>> -> memref<128xi32, #tpu.memory_space<vmem>>
      %dma_wait3A_188 = arith.constant 0 : i32
      %dma_wait3A_189 = arith.constant 0 : i32
      %dma_wait3A_190 = tpu.memref_slice %arg5[%dma_wait3A_188, %dma_wait3A_189] : memref<65664x8xf32, #tpu.memory_space<vmem_shared>> -> memref<65664x8xf32, #tpu.memory_space<vmem_shared>>
      tpu.wait_indirect_dma semaphore(%run_scoped3A_174 : memref<!tpu.dma_semaphore, #tpu.memory_space<semaphore_mem>>) src(%dma_wait3A_184 : memref<128x8xf32, #tpu.memory_space<vmem>>) dst(%dma_wait3A_190 : memref<65664x8xf32, #tpu.memory_space<vmem_shared>>)
      tpu.yield
    }) : () -> ()
    %run_scoped3A_150 = arith.constant 7 : i32
    "tpu.region"() ({
      %run_scoped3A_174 = tpu.sem_alloc : memref<!tpu.dma_semaphore, #tpu.memory_space<semaphore_mem>>
      %dma_start3A = arith.constant 896 : i32
      %dma_start3A_175 = arith.constant 0 : i32
      %dma_start3A_176 = tpu.memref_slice %arg6[%dma_start3A, %dma_start3A_175] : memref<3840x8xf32, #tpu.memory_space<vmem>> -> memref<128x8xf32, #tpu.memory_space<vmem>>
      %dma_start3A_177 = arith.constant 0 : i32
      %dma_start3A_178 = tpu.memref_slice %arg11[%run_scoped3A_150, %dma_start3A_177] : memref<30x128xi32, #tpu.memory_space<vmem>> -> memref<1x128xi32, #tpu.memory_space<vmem>>
      %dma_start3A_179 = tpu.memref_squeeze %dma_start3A_178 : memref<1x128xi32, #tpu.memory_space<vmem>> -> memref<128xi32, #tpu.memory_space<vmem>>
      %dma_start3A_180 = arith.constant 0 : i32
      %dma_start3A_181 = arith.constant 0 : i32
      %dma_start3A_182 = tpu.memref_slice %arg5[%dma_start3A_180, %dma_start3A_181] : memref<65664x8xf32, #tpu.memory_space<vmem_shared>> -> memref<65664x8xf32, #tpu.memory_space<vmem_shared>>
      tpu.enqueue_indirect_dma source(%dma_start3A_176 : memref<128x8xf32, #tpu.memory_space<vmem>>) target(%dma_start3A_182 : memref<65664x8xf32, #tpu.memory_space<vmem_shared>>) offsets(%dma_start3A_179 : memref<128xi32, #tpu.memory_space<vmem>>) semaphore(%run_scoped3A_174 : memref<!tpu.dma_semaphore, #tpu.memory_space<semaphore_mem>>) {add = true}
      %dma_wait3A = arith.constant 896 : i32
      %dma_wait3A_183 = arith.constant 0 : i32
      %dma_wait3A_184 = tpu.memref_slice %arg6[%dma_wait3A, %dma_wait3A_183] : memref<3840x8xf32, #tpu.memory_space<vmem>> -> memref<128x8xf32, #tpu.memory_space<vmem>>
      %dma_wait3A_185 = arith.constant 0 : i32
      %dma_wait3A_186 = tpu.memref_slice %arg11[%run_scoped3A_150, %dma_wait3A_185] : memref<30x128xi32, #tpu.memory_space<vmem>> -> memref<1x128xi32, #tpu.memory_space<vmem>>
      %dma_wait3A_187 = tpu.memref_squeeze %dma_wait3A_186 : memref<1x128xi32, #tpu.memory_space<vmem>> -> memref<128xi32, #tpu.memory_space<vmem>>
      %dma_wait3A_188 = arith.constant 0 : i32
      %dma_wait3A_189 = arith.constant 0 : i32
      %dma_wait3A_190 = tpu.memref_slice %arg5[%dma_wait3A_188, %dma_wait3A_189] : memref<65664x8xf32, #tpu.memory_space<vmem_shared>> -> memref<65664x8xf32, #tpu.memory_space<vmem_shared>>
      tpu.wait_indirect_dma semaphore(%run_scoped3A_174 : memref<!tpu.dma_semaphore, #tpu.memory_space<semaphore_mem>>) src(%dma_wait3A_184 : memref<128x8xf32, #tpu.memory_space<vmem>>) dst(%dma_wait3A_190 : memref<65664x8xf32, #tpu.memory_space<vmem_shared>>)
      tpu.yield
    }) : () -> ()
    %run_scoped3A_151 = arith.constant 8 : i32
    "tpu.region"() ({
      %run_scoped3A_174 = tpu.sem_alloc : memref<!tpu.dma_semaphore, #tpu.memory_space<semaphore_mem>>
      %dma_start3A = arith.constant 1024 : i32
      %dma_start3A_175 = arith.constant 0 : i32
      %dma_start3A_176 = tpu.memref_slice %arg6[%dma_start3A, %dma_start3A_175] : memref<3840x8xf32, #tpu.memory_space<vmem>> -> memref<128x8xf32, #tpu.memory_space<vmem>>
      %dma_start3A_177 = arith.constant 0 : i32
      %dma_start3A_178 = tpu.memref_slice %arg11[%run_scoped3A_151, %dma_start3A_177] : memref<30x128xi32, #tpu.memory_space<vmem>> -> memref<1x128xi32, #tpu.memory_space<vmem>>
      %dma_start3A_179 = tpu.memref_squeeze %dma_start3A_178 : memref<1x128xi32, #tpu.memory_space<vmem>> -> memref<128xi32, #tpu.memory_space<vmem>>
      %dma_start3A_180 = arith.constant 0 : i32
      %dma_start3A_181 = arith.constant 0 : i32
      %dma_start3A_182 = tpu.memref_slice %arg5[%dma_start3A_180, %dma_start3A_181] : memref<65664x8xf32, #tpu.memory_space<vmem_shared>> -> memref<65664x8xf32, #tpu.memory_space<vmem_shared>>
      tpu.enqueue_indirect_dma source(%dma_start3A_176 : memref<128x8xf32, #tpu.memory_space<vmem>>) target(%dma_start3A_182 : memref<65664x8xf32, #tpu.memory_space<vmem_shared>>) offsets(%dma_start3A_179 : memref<128xi32, #tpu.memory_space<vmem>>) semaphore(%run_scoped3A_174 : memref<!tpu.dma_semaphore, #tpu.memory_space<semaphore_mem>>) {add = true}
      %dma_wait3A = arith.constant 1024 : i32
      %dma_wait3A_183 = arith.constant 0 : i32
      %dma_wait3A_184 = tpu.memref_slice %arg6[%dma_wait3A, %dma_wait3A_183] : memref<3840x8xf32, #tpu.memory_space<vmem>> -> memref<128x8xf32, #tpu.memory_space<vmem>>
      %dma_wait3A_185 = arith.constant 0 : i32
      %dma_wait3A_186 = tpu.memref_slice %arg11[%run_scoped3A_151, %dma_wait3A_185] : memref<30x128xi32, #tpu.memory_space<vmem>> -> memref<1x128xi32, #tpu.memory_space<vmem>>
      %dma_wait3A_187 = tpu.memref_squeeze %dma_wait3A_186 : memref<1x128xi32, #tpu.memory_space<vmem>> -> memref<128xi32, #tpu.memory_space<vmem>>
      %dma_wait3A_188 = arith.constant 0 : i32
      %dma_wait3A_189 = arith.constant 0 : i32
      %dma_wait3A_190 = tpu.memref_slice %arg5[%dma_wait3A_188, %dma_wait3A_189] : memref<65664x8xf32, #tpu.memory_space<vmem_shared>> -> memref<65664x8xf32, #tpu.memory_space<vmem_shared>>
      tpu.wait_indirect_dma semaphore(%run_scoped3A_174 : memref<!tpu.dma_semaphore, #tpu.memory_space<semaphore_mem>>) src(%dma_wait3A_184 : memref<128x8xf32, #tpu.memory_space<vmem>>) dst(%dma_wait3A_190 : memref<65664x8xf32, #tpu.memory_space<vmem_shared>>)
      tpu.yield
    }) : () -> ()
    %run_scoped3A_152 = arith.constant 9 : i32
    "tpu.region"() ({
      %run_scoped3A_174 = tpu.sem_alloc : memref<!tpu.dma_semaphore, #tpu.memory_space<semaphore_mem>>
      %dma_start3A = arith.constant 1152 : i32
      %dma_start3A_175 = arith.constant 0 : i32
      %dma_start3A_176 = tpu.memref_slice %arg6[%dma_start3A, %dma_start3A_175] : memref<3840x8xf32, #tpu.memory_space<vmem>> -> memref<128x8xf32, #tpu.memory_space<vmem>>
      %dma_start3A_177 = arith.constant 0 : i32
      %dma_start3A_178 = tpu.memref_slice %arg11[%run_scoped3A_152, %dma_start3A_177] : memref<30x128xi32, #tpu.memory_space<vmem>> -> memref<1x128xi32, #tpu.memory_space<vmem>>
      %dma_start3A_179 = tpu.memref_squeeze %dma_start3A_178 : memref<1x128xi32, #tpu.memory_space<vmem>> -> memref<128xi32, #tpu.memory_space<vmem>>
      %dma_start3A_180 = arith.constant 0 : i32
      %dma_start3A_181 = arith.constant 0 : i32
      %dma_start3A_182 = tpu.memref_slice %arg5[%dma_start3A_180, %dma_start3A_181] : memref<65664x8xf32, #tpu.memory_space<vmem_shared>> -> memref<65664x8xf32, #tpu.memory_space<vmem_shared>>
      tpu.enqueue_indirect_dma source(%dma_start3A_176 : memref<128x8xf32, #tpu.memory_space<vmem>>) target(%dma_start3A_182 : memref<65664x8xf32, #tpu.memory_space<vmem_shared>>) offsets(%dma_start3A_179 : memref<128xi32, #tpu.memory_space<vmem>>) semaphore(%run_scoped3A_174 : memref<!tpu.dma_semaphore, #tpu.memory_space<semaphore_mem>>) {add = true}
      %dma_wait3A = arith.constant 1152 : i32
      %dma_wait3A_183 = arith.constant 0 : i32
      %dma_wait3A_184 = tpu.memref_slice %arg6[%dma_wait3A, %dma_wait3A_183] : memref<3840x8xf32, #tpu.memory_space<vmem>> -> memref<128x8xf32, #tpu.memory_space<vmem>>
      %dma_wait3A_185 = arith.constant 0 : i32
      %dma_wait3A_186 = tpu.memref_slice %arg11[%run_scoped3A_152, %dma_wait3A_185] : memref<30x128xi32, #tpu.memory_space<vmem>> -> memref<1x128xi32, #tpu.memory_space<vmem>>
      %dma_wait3A_187 = tpu.memref_squeeze %dma_wait3A_186 : memref<1x128xi32, #tpu.memory_space<vmem>> -> memref<128xi32, #tpu.memory_space<vmem>>
      %dma_wait3A_188 = arith.constant 0 : i32
      %dma_wait3A_189 = arith.constant 0 : i32
      %dma_wait3A_190 = tpu.memref_slice %arg5[%dma_wait3A_188, %dma_wait3A_189] : memref<65664x8xf32, #tpu.memory_space<vmem_shared>> -> memref<65664x8xf32, #tpu.memory_space<vmem_shared>>
      tpu.wait_indirect_dma semaphore(%run_scoped3A_174 : memref<!tpu.dma_semaphore, #tpu.memory_space<semaphore_mem>>) src(%dma_wait3A_184 : memref<128x8xf32, #tpu.memory_space<vmem>>) dst(%dma_wait3A_190 : memref<65664x8xf32, #tpu.memory_space<vmem_shared>>)
      tpu.yield
    }) : () -> ()
    %run_scoped3A_153 = arith.constant 10 : i32
    "tpu.region"() ({
      %run_scoped3A_174 = tpu.sem_alloc : memref<!tpu.dma_semaphore, #tpu.memory_space<semaphore_mem>>
      %dma_start3A = arith.constant 1280 : i32
      %dma_start3A_175 = arith.constant 0 : i32
      %dma_start3A_176 = tpu.memref_slice %arg6[%dma_start3A, %dma_start3A_175] : memref<3840x8xf32, #tpu.memory_space<vmem>> -> memref<128x8xf32, #tpu.memory_space<vmem>>
      %dma_start3A_177 = arith.constant 0 : i32
      %dma_start3A_178 = tpu.memref_slice %arg11[%run_scoped3A_153, %dma_start3A_177] : memref<30x128xi32, #tpu.memory_space<vmem>> -> memref<1x128xi32, #tpu.memory_space<vmem>>
      %dma_start3A_179 = tpu.memref_squeeze %dma_start3A_178 : memref<1x128xi32, #tpu.memory_space<vmem>> -> memref<128xi32, #tpu.memory_space<vmem>>
      %dma_start3A_180 = arith.constant 0 : i32
      %dma_start3A_181 = arith.constant 0 : i32
      %dma_start3A_182 = tpu.memref_slice %arg5[%dma_start3A_180, %dma_start3A_181] : memref<65664x8xf32, #tpu.memory_space<vmem_shared>> -> memref<65664x8xf32, #tpu.memory_space<vmem_shared>>
      tpu.enqueue_indirect_dma source(%dma_start3A_176 : memref<128x8xf32, #tpu.memory_space<vmem>>) target(%dma_start3A_182 : memref<65664x8xf32, #tpu.memory_space<vmem_shared>>) offsets(%dma_start3A_179 : memref<128xi32, #tpu.memory_space<vmem>>) semaphore(%run_scoped3A_174 : memref<!tpu.dma_semaphore, #tpu.memory_space<semaphore_mem>>) {add = true}
      %dma_wait3A = arith.constant 1280 : i32
      %dma_wait3A_183 = arith.constant 0 : i32
      %dma_wait3A_184 = tpu.memref_slice %arg6[%dma_wait3A, %dma_wait3A_183] : memref<3840x8xf32, #tpu.memory_space<vmem>> -> memref<128x8xf32, #tpu.memory_space<vmem>>
      %dma_wait3A_185 = arith.constant 0 : i32
      %dma_wait3A_186 = tpu.memref_slice %arg11[%run_scoped3A_153, %dma_wait3A_185] : memref<30x128xi32, #tpu.memory_space<vmem>> -> memref<1x128xi32, #tpu.memory_space<vmem>>
      %dma_wait3A_187 = tpu.memref_squeeze %dma_wait3A_186 : memref<1x128xi32, #tpu.memory_space<vmem>> -> memref<128xi32, #tpu.memory_space<vmem>>
      %dma_wait3A_188 = arith.constant 0 : i32
      %dma_wait3A_189 = arith.constant 0 : i32
      %dma_wait3A_190 = tpu.memref_slice %arg5[%dma_wait3A_188, %dma_wait3A_189] : memref<65664x8xf32, #tpu.memory_space<vmem_shared>> -> memref<65664x8xf32, #tpu.memory_space<vmem_shared>>
      tpu.wait_indirect_dma semaphore(%run_scoped3A_174 : memref<!tpu.dma_semaphore, #tpu.memory_space<semaphore_mem>>) src(%dma_wait3A_184 : memref<128x8xf32, #tpu.memory_space<vmem>>) dst(%dma_wait3A_190 : memref<65664x8xf32, #tpu.memory_space<vmem_shared>>)
      tpu.yield
    }) : () -> ()
    %run_scoped3A_154 = arith.constant 11 : i32
    "tpu.region"() ({
      %run_scoped3A_174 = tpu.sem_alloc : memref<!tpu.dma_semaphore, #tpu.memory_space<semaphore_mem>>
      %dma_start3A = arith.constant 1408 : i32
      %dma_start3A_175 = arith.constant 0 : i32
      %dma_start3A_176 = tpu.memref_slice %arg6[%dma_start3A, %dma_start3A_175] : memref<3840x8xf32, #tpu.memory_space<vmem>> -> memref<128x8xf32, #tpu.memory_space<vmem>>
      %dma_start3A_177 = arith.constant 0 : i32
      %dma_start3A_178 = tpu.memref_slice %arg11[%run_scoped3A_154, %dma_start3A_177] : memref<30x128xi32, #tpu.memory_space<vmem>> -> memref<1x128xi32, #tpu.memory_space<vmem>>
      %dma_start3A_179 = tpu.memref_squeeze %dma_start3A_178 : memref<1x128xi32, #tpu.memory_space<vmem>> -> memref<128xi32, #tpu.memory_space<vmem>>
      %dma_start3A_180 = arith.constant 0 : i32
      %dma_start3A_181 = arith.constant 0 : i32
      %dma_start3A_182 = tpu.memref_slice %arg5[%dma_start3A_180, %dma_start3A_181] : memref<65664x8xf32, #tpu.memory_space<vmem_shared>> -> memref<65664x8xf32, #tpu.memory_space<vmem_shared>>
      tpu.enqueue_indirect_dma source(%dma_start3A_176 : memref<128x8xf32, #tpu.memory_space<vmem>>) target(%dma_start3A_182 : memref<65664x8xf32, #tpu.memory_space<vmem_shared>>) offsets(%dma_start3A_179 : memref<128xi32, #tpu.memory_space<vmem>>) semaphore(%run_scoped3A_174 : memref<!tpu.dma_semaphore, #tpu.memory_space<semaphore_mem>>) {add = true}
      %dma_wait3A = arith.constant 1408 : i32
      %dma_wait3A_183 = arith.constant 0 : i32
      %dma_wait3A_184 = tpu.memref_slice %arg6[%dma_wait3A, %dma_wait3A_183] : memref<3840x8xf32, #tpu.memory_space<vmem>> -> memref<128x8xf32, #tpu.memory_space<vmem>>
      %dma_wait3A_185 = arith.constant 0 : i32
      %dma_wait3A_186 = tpu.memref_slice %arg11[%run_scoped3A_154, %dma_wait3A_185] : memref<30x128xi32, #tpu.memory_space<vmem>> -> memref<1x128xi32, #tpu.memory_space<vmem>>
      %dma_wait3A_187 = tpu.memref_squeeze %dma_wait3A_186 : memref<1x128xi32, #tpu.memory_space<vmem>> -> memref<128xi32, #tpu.memory_space<vmem>>
      %dma_wait3A_188 = arith.constant 0 : i32
      %dma_wait3A_189 = arith.constant 0 : i32
      %dma_wait3A_190 = tpu.memref_slice %arg5[%dma_wait3A_188, %dma_wait3A_189] : memref<65664x8xf32, #tpu.memory_space<vmem_shared>> -> memref<65664x8xf32, #tpu.memory_space<vmem_shared>>
      tpu.wait_indirect_dma semaphore(%run_scoped3A_174 : memref<!tpu.dma_semaphore, #tpu.memory_space<semaphore_mem>>) src(%dma_wait3A_184 : memref<128x8xf32, #tpu.memory_space<vmem>>) dst(%dma_wait3A_190 : memref<65664x8xf32, #tpu.memory_space<vmem_shared>>)
      tpu.yield
    }) : () -> ()
    %run_scoped3A_155 = arith.constant 12 : i32
    "tpu.region"() ({
      %run_scoped3A_174 = tpu.sem_alloc : memref<!tpu.dma_semaphore, #tpu.memory_space<semaphore_mem>>
      %dma_start3A = arith.constant 1536 : i32
      %dma_start3A_175 = arith.constant 0 : i32
      %dma_start3A_176 = tpu.memref_slice %arg6[%dma_start3A, %dma_start3A_175] : memref<3840x8xf32, #tpu.memory_space<vmem>> -> memref<128x8xf32, #tpu.memory_space<vmem>>
      %dma_start3A_177 = arith.constant 0 : i32
      %dma_start3A_178 = tpu.memref_slice %arg11[%run_scoped3A_155, %dma_start3A_177] : memref<30x128xi32, #tpu.memory_space<vmem>> -> memref<1x128xi32, #tpu.memory_space<vmem>>
      %dma_start3A_179 = tpu.memref_squeeze %dma_start3A_178 : memref<1x128xi32, #tpu.memory_space<vmem>> -> memref<128xi32, #tpu.memory_space<vmem>>
      %dma_start3A_180 = arith.constant 0 : i32
      %dma_start3A_181 = arith.constant 0 : i32
      %dma_start3A_182 = tpu.memref_slice %arg5[%dma_start3A_180, %dma_start3A_181] : memref<65664x8xf32, #tpu.memory_space<vmem_shared>> -> memref<65664x8xf32, #tpu.memory_space<vmem_shared>>
      tpu.enqueue_indirect_dma source(%dma_start3A_176 : memref<128x8xf32, #tpu.memory_space<vmem>>) target(%dma_start3A_182 : memref<65664x8xf32, #tpu.memory_space<vmem_shared>>) offsets(%dma_start3A_179 : memref<128xi32, #tpu.memory_space<vmem>>) semaphore(%run_scoped3A_174 : memref<!tpu.dma_semaphore, #tpu.memory_space<semaphore_mem>>) {add = true}
      %dma_wait3A = arith.constant 1536 : i32
      %dma_wait3A_183 = arith.constant 0 : i32
      %dma_wait3A_184 = tpu.memref_slice %arg6[%dma_wait3A, %dma_wait3A_183] : memref<3840x8xf32, #tpu.memory_space<vmem>> -> memref<128x8xf32, #tpu.memory_space<vmem>>
      %dma_wait3A_185 = arith.constant 0 : i32
      %dma_wait3A_186 = tpu.memref_slice %arg11[%run_scoped3A_155, %dma_wait3A_185] : memref<30x128xi32, #tpu.memory_space<vmem>> -> memref<1x128xi32, #tpu.memory_space<vmem>>
      %dma_wait3A_187 = tpu.memref_squeeze %dma_wait3A_186 : memref<1x128xi32, #tpu.memory_space<vmem>> -> memref<128xi32, #tpu.memory_space<vmem>>
      %dma_wait3A_188 = arith.constant 0 : i32
      %dma_wait3A_189 = arith.constant 0 : i32
      %dma_wait3A_190 = tpu.memref_slice %arg5[%dma_wait3A_188, %dma_wait3A_189] : memref<65664x8xf32, #tpu.memory_space<vmem_shared>> -> memref<65664x8xf32, #tpu.memory_space<vmem_shared>>
      tpu.wait_indirect_dma semaphore(%run_scoped3A_174 : memref<!tpu.dma_semaphore, #tpu.memory_space<semaphore_mem>>) src(%dma_wait3A_184 : memref<128x8xf32, #tpu.memory_space<vmem>>) dst(%dma_wait3A_190 : memref<65664x8xf32, #tpu.memory_space<vmem_shared>>)
      tpu.yield
    }) : () -> ()
    %run_scoped3A_156 = arith.constant 13 : i32
    "tpu.region"() ({
      %run_scoped3A_174 = tpu.sem_alloc : memref<!tpu.dma_semaphore, #tpu.memory_space<semaphore_mem>>
      %dma_start3A = arith.constant 1664 : i32
      %dma_start3A_175 = arith.constant 0 : i32
      %dma_start3A_176 = tpu.memref_slice %arg6[%dma_start3A, %dma_start3A_175] : memref<3840x8xf32, #tpu.memory_space<vmem>> -> memref<128x8xf32, #tpu.memory_space<vmem>>
      %dma_start3A_177 = arith.constant 0 : i32
      %dma_start3A_178 = tpu.memref_slice %arg11[%run_scoped3A_156, %dma_start3A_177] : memref<30x128xi32, #tpu.memory_space<vmem>> -> memref<1x128xi32, #tpu.memory_space<vmem>>
      %dma_start3A_179 = tpu.memref_squeeze %dma_start3A_178 : memref<1x128xi32, #tpu.memory_space<vmem>> -> memref<128xi32, #tpu.memory_space<vmem>>
      %dma_start3A_180 = arith.constant 0 : i32
      %dma_start3A_181 = arith.constant 0 : i32
      %dma_start3A_182 = tpu.memref_slice %arg5[%dma_start3A_180, %dma_start3A_181] : memref<65664x8xf32, #tpu.memory_space<vmem_shared>> -> memref<65664x8xf32, #tpu.memory_space<vmem_shared>>
      tpu.enqueue_indirect_dma source(%dma_start3A_176 : memref<128x8xf32, #tpu.memory_space<vmem>>) target(%dma_start3A_182 : memref<65664x8xf32, #tpu.memory_space<vmem_shared>>) offsets(%dma_start3A_179 : memref<128xi32, #tpu.memory_space<vmem>>) semaphore(%run_scoped3A_174 : memref<!tpu.dma_semaphore, #tpu.memory_space<semaphore_mem>>) {add = true}
      %dma_wait3A = arith.constant 1664 : i32
      %dma_wait3A_183 = arith.constant 0 : i32
      %dma_wait3A_184 = tpu.memref_slice %arg6[%dma_wait3A, %dma_wait3A_183] : memref<3840x8xf32, #tpu.memory_space<vmem>> -> memref<128x8xf32, #tpu.memory_space<vmem>>
      %dma_wait3A_185 = arith.constant 0 : i32
      %dma_wait3A_186 = tpu.memref_slice %arg11[%run_scoped3A_156, %dma_wait3A_185] : memref<30x128xi32, #tpu.memory_space<vmem>> -> memref<1x128xi32, #tpu.memory_space<vmem>>
      %dma_wait3A_187 = tpu.memref_squeeze %dma_wait3A_186 : memref<1x128xi32, #tpu.memory_space<vmem>> -> memref<128xi32, #tpu.memory_space<vmem>>
      %dma_wait3A_188 = arith.constant 0 : i32
      %dma_wait3A_189 = arith.constant 0 : i32
      %dma_wait3A_190 = tpu.memref_slice %arg5[%dma_wait3A_188, %dma_wait3A_189] : memref<65664x8xf32, #tpu.memory_space<vmem_shared>> -> memref<65664x8xf32, #tpu.memory_space<vmem_shared>>
      tpu.wait_indirect_dma semaphore(%run_scoped3A_174 : memref<!tpu.dma_semaphore, #tpu.memory_space<semaphore_mem>>) src(%dma_wait3A_184 : memref<128x8xf32, #tpu.memory_space<vmem>>) dst(%dma_wait3A_190 : memref<65664x8xf32, #tpu.memory_space<vmem_shared>>)
      tpu.yield
    }) : () -> ()
    %run_scoped3A_157 = arith.constant 14 : i32
    "tpu.region"() ({
      %run_scoped3A_174 = tpu.sem_alloc : memref<!tpu.dma_semaphore, #tpu.memory_space<semaphore_mem>>
      %dma_start3A = arith.constant 1792 : i32
      %dma_start3A_175 = arith.constant 0 : i32
      %dma_start3A_176 = tpu.memref_slice %arg6[%dma_start3A, %dma_start3A_175] : memref<3840x8xf32, #tpu.memory_space<vmem>> -> memref<128x8xf32, #tpu.memory_space<vmem>>
      %dma_start3A_177 = arith.constant 0 : i32
      %dma_start3A_178 = tpu.memref_slice %arg11[%run_scoped3A_157, %dma_start3A_177] : memref<30x128xi32, #tpu.memory_space<vmem>> -> memref<1x128xi32, #tpu.memory_space<vmem>>
      %dma_start3A_179 = tpu.memref_squeeze %dma_start3A_178 : memref<1x128xi32, #tpu.memory_space<vmem>> -> memref<128xi32, #tpu.memory_space<vmem>>
      %dma_start3A_180 = arith.constant 0 : i32
      %dma_start3A_181 = arith.constant 0 : i32
      %dma_start3A_182 = tpu.memref_slice %arg5[%dma_start3A_180, %dma_start3A_181] : memref<65664x8xf32, #tpu.memory_space<vmem_shared>> -> memref<65664x8xf32, #tpu.memory_space<vmem_shared>>
      tpu.enqueue_indirect_dma source(%dma_start3A_176 : memref<128x8xf32, #tpu.memory_space<vmem>>) target(%dma_start3A_182 : memref<65664x8xf32, #tpu.memory_space<vmem_shared>>) offsets(%dma_start3A_179 : memref<128xi32, #tpu.memory_space<vmem>>) semaphore(%run_scoped3A_174 : memref<!tpu.dma_semaphore, #tpu.memory_space<semaphore_mem>>) {add = true}
      %dma_wait3A = arith.constant 1792 : i32
      %dma_wait3A_183 = arith.constant 0 : i32
      %dma_wait3A_184 = tpu.memref_slice %arg6[%dma_wait3A, %dma_wait3A_183] : memref<3840x8xf32, #tpu.memory_space<vmem>> -> memref<128x8xf32, #tpu.memory_space<vmem>>
      %dma_wait3A_185 = arith.constant 0 : i32
      %dma_wait3A_186 = tpu.memref_slice %arg11[%run_scoped3A_157, %dma_wait3A_185] : memref<30x128xi32, #tpu.memory_space<vmem>> -> memref<1x128xi32, #tpu.memory_space<vmem>>
      %dma_wait3A_187 = tpu.memref_squeeze %dma_wait3A_186 : memref<1x128xi32, #tpu.memory_space<vmem>> -> memref<128xi32, #tpu.memory_space<vmem>>
      %dma_wait3A_188 = arith.constant 0 : i32
      %dma_wait3A_189 = arith.constant 0 : i32
      %dma_wait3A_190 = tpu.memref_slice %arg5[%dma_wait3A_188, %dma_wait3A_189] : memref<65664x8xf32, #tpu.memory_space<vmem_shared>> -> memref<65664x8xf32, #tpu.memory_space<vmem_shared>>
      tpu.wait_indirect_dma semaphore(%run_scoped3A_174 : memref<!tpu.dma_semaphore, #tpu.memory_space<semaphore_mem>>) src(%dma_wait3A_184 : memref<128x8xf32, #tpu.memory_space<vmem>>) dst(%dma_wait3A_190 : memref<65664x8xf32, #tpu.memory_space<vmem_shared>>)
      tpu.yield
    }) : () -> ()
    %run_scoped3A_158 = arith.constant 15 : i32
    "tpu.region"() ({
      %run_scoped3A_174 = tpu.sem_alloc : memref<!tpu.dma_semaphore, #tpu.memory_space<semaphore_mem>>
      %dma_start3A = arith.constant 1920 : i32
      %dma_start3A_175 = arith.constant 0 : i32
      %dma_start3A_176 = tpu.memref_slice %arg6[%dma_start3A, %dma_start3A_175] : memref<3840x8xf32, #tpu.memory_space<vmem>> -> memref<128x8xf32, #tpu.memory_space<vmem>>
      %dma_start3A_177 = arith.constant 0 : i32
      %dma_start3A_178 = tpu.memref_slice %arg11[%run_scoped3A_158, %dma_start3A_177] : memref<30x128xi32, #tpu.memory_space<vmem>> -> memref<1x128xi32, #tpu.memory_space<vmem>>
      %dma_start3A_179 = tpu.memref_squeeze %dma_start3A_178 : memref<1x128xi32, #tpu.memory_space<vmem>> -> memref<128xi32, #tpu.memory_space<vmem>>
      %dma_start3A_180 = arith.constant 0 : i32
      %dma_start3A_181 = arith.constant 0 : i32
      %dma_start3A_182 = tpu.memref_slice %arg5[%dma_start3A_180, %dma_start3A_181] : memref<65664x8xf32, #tpu.memory_space<vmem_shared>> -> memref<65664x8xf32, #tpu.memory_space<vmem_shared>>
      tpu.enqueue_indirect_dma source(%dma_start3A_176 : memref<128x8xf32, #tpu.memory_space<vmem>>) target(%dma_start3A_182 : memref<65664x8xf32, #tpu.memory_space<vmem_shared>>) offsets(%dma_start3A_179 : memref<128xi32, #tpu.memory_space<vmem>>) semaphore(%run_scoped3A_174 : memref<!tpu.dma_semaphore, #tpu.memory_space<semaphore_mem>>) {add = true}
      %dma_wait3A = arith.constant 1920 : i32
      %dma_wait3A_183 = arith.constant 0 : i32
      %dma_wait3A_184 = tpu.memref_slice %arg6[%dma_wait3A, %dma_wait3A_183] : memref<3840x8xf32, #tpu.memory_space<vmem>> -> memref<128x8xf32, #tpu.memory_space<vmem>>
      %dma_wait3A_185 = arith.constant 0 : i32
      %dma_wait3A_186 = tpu.memref_slice %arg11[%run_scoped3A_158, %dma_wait3A_185] : memref<30x128xi32, #tpu.memory_space<vmem>> -> memref<1x128xi32, #tpu.memory_space<vmem>>
      %dma_wait3A_187 = tpu.memref_squeeze %dma_wait3A_186 : memref<1x128xi32, #tpu.memory_space<vmem>> -> memref<128xi32, #tpu.memory_space<vmem>>
      %dma_wait3A_188 = arith.constant 0 : i32
      %dma_wait3A_189 = arith.constant 0 : i32
      %dma_wait3A_190 = tpu.memref_slice %arg5[%dma_wait3A_188, %dma_wait3A_189] : memref<65664x8xf32, #tpu.memory_space<vmem_shared>> -> memref<65664x8xf32, #tpu.memory_space<vmem_shared>>
      tpu.wait_indirect_dma semaphore(%run_scoped3A_174 : memref<!tpu.dma_semaphore, #tpu.memory_space<semaphore_mem>>) src(%dma_wait3A_184 : memref<128x8xf32, #tpu.memory_space<vmem>>) dst(%dma_wait3A_190 : memref<65664x8xf32, #tpu.memory_space<vmem_shared>>)
      tpu.yield
    }) : () -> ()
    %run_scoped3A_159 = arith.constant 16 : i32
    "tpu.region"() ({
      %run_scoped3A_174 = tpu.sem_alloc : memref<!tpu.dma_semaphore, #tpu.memory_space<semaphore_mem>>
      %dma_start3A = arith.constant 2048 : i32
      %dma_start3A_175 = arith.constant 0 : i32
      %dma_start3A_176 = tpu.memref_slice %arg6[%dma_start3A, %dma_start3A_175] : memref<3840x8xf32, #tpu.memory_space<vmem>> -> memref<128x8xf32, #tpu.memory_space<vmem>>
      %dma_start3A_177 = arith.constant 0 : i32
      %dma_start3A_178 = tpu.memref_slice %arg11[%run_scoped3A_159, %dma_start3A_177] : memref<30x128xi32, #tpu.memory_space<vmem>> -> memref<1x128xi32, #tpu.memory_space<vmem>>
      %dma_start3A_179 = tpu.memref_squeeze %dma_start3A_178 : memref<1x128xi32, #tpu.memory_space<vmem>> -> memref<128xi32, #tpu.memory_space<vmem>>
      %dma_start3A_180 = arith.constant 0 : i32
      %dma_start3A_181 = arith.constant 0 : i32
      %dma_start3A_182 = tpu.memref_slice %arg5[%dma_start3A_180, %dma_start3A_181] : memref<65664x8xf32, #tpu.memory_space<vmem_shared>> -> memref<65664x8xf32, #tpu.memory_space<vmem_shared>>
      tpu.enqueue_indirect_dma source(%dma_start3A_176 : memref<128x8xf32, #tpu.memory_space<vmem>>) target(%dma_start3A_182 : memref<65664x8xf32, #tpu.memory_space<vmem_shared>>) offsets(%dma_start3A_179 : memref<128xi32, #tpu.memory_space<vmem>>) semaphore(%run_scoped3A_174 : memref<!tpu.dma_semaphore, #tpu.memory_space<semaphore_mem>>) {add = true}
      %dma_wait3A = arith.constant 2048 : i32
      %dma_wait3A_183 = arith.constant 0 : i32
      %dma_wait3A_184 = tpu.memref_slice %arg6[%dma_wait3A, %dma_wait3A_183] : memref<3840x8xf32, #tpu.memory_space<vmem>> -> memref<128x8xf32, #tpu.memory_space<vmem>>
      %dma_wait3A_185 = arith.constant 0 : i32
      %dma_wait3A_186 = tpu.memref_slice %arg11[%run_scoped3A_159, %dma_wait3A_185] : memref<30x128xi32, #tpu.memory_space<vmem>> -> memref<1x128xi32, #tpu.memory_space<vmem>>
      %dma_wait3A_187 = tpu.memref_squeeze %dma_wait3A_186 : memref<1x128xi32, #tpu.memory_space<vmem>> -> memref<128xi32, #tpu.memory_space<vmem>>
      %dma_wait3A_188 = arith.constant 0 : i32
      %dma_wait3A_189 = arith.constant 0 : i32
      %dma_wait3A_190 = tpu.memref_slice %arg5[%dma_wait3A_188, %dma_wait3A_189] : memref<65664x8xf32, #tpu.memory_space<vmem_shared>> -> memref<65664x8xf32, #tpu.memory_space<vmem_shared>>
      tpu.wait_indirect_dma semaphore(%run_scoped3A_174 : memref<!tpu.dma_semaphore, #tpu.memory_space<semaphore_mem>>) src(%dma_wait3A_184 : memref<128x8xf32, #tpu.memory_space<vmem>>) dst(%dma_wait3A_190 : memref<65664x8xf32, #tpu.memory_space<vmem_shared>>)
      tpu.yield
    }) : () -> ()
    %run_scoped3A_160 = arith.constant 17 : i32
    "tpu.region"() ({
      %run_scoped3A_174 = tpu.sem_alloc : memref<!tpu.dma_semaphore, #tpu.memory_space<semaphore_mem>>
      %dma_start3A = arith.constant 2176 : i32
      %dma_start3A_175 = arith.constant 0 : i32
      %dma_start3A_176 = tpu.memref_slice %arg6[%dma_start3A, %dma_start3A_175] : memref<3840x8xf32, #tpu.memory_space<vmem>> -> memref<128x8xf32, #tpu.memory_space<vmem>>
      %dma_start3A_177 = arith.constant 0 : i32
      %dma_start3A_178 = tpu.memref_slice %arg11[%run_scoped3A_160, %dma_start3A_177] : memref<30x128xi32, #tpu.memory_space<vmem>> -> memref<1x128xi32, #tpu.memory_space<vmem>>
      %dma_start3A_179 = tpu.memref_squeeze %dma_start3A_178 : memref<1x128xi32, #tpu.memory_space<vmem>> -> memref<128xi32, #tpu.memory_space<vmem>>
      %dma_start3A_180 = arith.constant 0 : i32
      %dma_start3A_181 = arith.constant 0 : i32
      %dma_start3A_182 = tpu.memref_slice %arg5[%dma_start3A_180, %dma_start3A_181] : memref<65664x8xf32, #tpu.memory_space<vmem_shared>> -> memref<65664x8xf32, #tpu.memory_space<vmem_shared>>
      tpu.enqueue_indirect_dma source(%dma_start3A_176 : memref<128x8xf32, #tpu.memory_space<vmem>>) target(%dma_start3A_182 : memref<65664x8xf32, #tpu.memory_space<vmem_shared>>) offsets(%dma_start3A_179 : memref<128xi32, #tpu.memory_space<vmem>>) semaphore(%run_scoped3A_174 : memref<!tpu.dma_semaphore, #tpu.memory_space<semaphore_mem>>) {add = true}
      %dma_wait3A = arith.constant 2176 : i32
      %dma_wait3A_183 = arith.constant 0 : i32
      %dma_wait3A_184 = tpu.memref_slice %arg6[%dma_wait3A, %dma_wait3A_183] : memref<3840x8xf32, #tpu.memory_space<vmem>> -> memref<128x8xf32, #tpu.memory_space<vmem>>
      %dma_wait3A_185 = arith.constant 0 : i32
      %dma_wait3A_186 = tpu.memref_slice %arg11[%run_scoped3A_160, %dma_wait3A_185] : memref<30x128xi32, #tpu.memory_space<vmem>> -> memref<1x128xi32, #tpu.memory_space<vmem>>
      %dma_wait3A_187 = tpu.memref_squeeze %dma_wait3A_186 : memref<1x128xi32, #tpu.memory_space<vmem>> -> memref<128xi32, #tpu.memory_space<vmem>>
      %dma_wait3A_188 = arith.constant 0 : i32
      %dma_wait3A_189 = arith.constant 0 : i32
      %dma_wait3A_190 = tpu.memref_slice %arg5[%dma_wait3A_188, %dma_wait3A_189] : memref<65664x8xf32, #tpu.memory_space<vmem_shared>> -> memref<65664x8xf32, #tpu.memory_space<vmem_shared>>
      tpu.wait_indirect_dma semaphore(%run_scoped3A_174 : memref<!tpu.dma_semaphore, #tpu.memory_space<semaphore_mem>>) src(%dma_wait3A_184 : memref<128x8xf32, #tpu.memory_space<vmem>>) dst(%dma_wait3A_190 : memref<65664x8xf32, #tpu.memory_space<vmem_shared>>)
      tpu.yield
    }) : () -> ()
    %run_scoped3A_161 = arith.constant 18 : i32
    "tpu.region"() ({
      %run_scoped3A_174 = tpu.sem_alloc : memref<!tpu.dma_semaphore, #tpu.memory_space<semaphore_mem>>
      %dma_start3A = arith.constant 2304 : i32
      %dma_start3A_175 = arith.constant 0 : i32
      %dma_start3A_176 = tpu.memref_slice %arg6[%dma_start3A, %dma_start3A_175] : memref<3840x8xf32, #tpu.memory_space<vmem>> -> memref<128x8xf32, #tpu.memory_space<vmem>>
      %dma_start3A_177 = arith.constant 0 : i32
      %dma_start3A_178 = tpu.memref_slice %arg11[%run_scoped3A_161, %dma_start3A_177] : memref<30x128xi32, #tpu.memory_space<vmem>> -> memref<1x128xi32, #tpu.memory_space<vmem>>
      %dma_start3A_179 = tpu.memref_squeeze %dma_start3A_178 : memref<1x128xi32, #tpu.memory_space<vmem>> -> memref<128xi32, #tpu.memory_space<vmem>>
      %dma_start3A_180 = arith.constant 0 : i32
      %dma_start3A_181 = arith.constant 0 : i32
      %dma_start3A_182 = tpu.memref_slice %arg5[%dma_start3A_180, %dma_start3A_181] : memref<65664x8xf32, #tpu.memory_space<vmem_shared>> -> memref<65664x8xf32, #tpu.memory_space<vmem_shared>>
      tpu.enqueue_indirect_dma source(%dma_start3A_176 : memref<128x8xf32, #tpu.memory_space<vmem>>) target(%dma_start3A_182 : memref<65664x8xf32, #tpu.memory_space<vmem_shared>>) offsets(%dma_start3A_179 : memref<128xi32, #tpu.memory_space<vmem>>) semaphore(%run_scoped3A_174 : memref<!tpu.dma_semaphore, #tpu.memory_space<semaphore_mem>>) {add = true}
      %dma_wait3A = arith.constant 2304 : i32
      %dma_wait3A_183 = arith.constant 0 : i32
      %dma_wait3A_184 = tpu.memref_slice %arg6[%dma_wait3A, %dma_wait3A_183] : memref<3840x8xf32, #tpu.memory_space<vmem>> -> memref<128x8xf32, #tpu.memory_space<vmem>>
      %dma_wait3A_185 = arith.constant 0 : i32
      %dma_wait3A_186 = tpu.memref_slice %arg11[%run_scoped3A_161, %dma_wait3A_185] : memref<30x128xi32, #tpu.memory_space<vmem>> -> memref<1x128xi32, #tpu.memory_space<vmem>>
      %dma_wait3A_187 = tpu.memref_squeeze %dma_wait3A_186 : memref<1x128xi32, #tpu.memory_space<vmem>> -> memref<128xi32, #tpu.memory_space<vmem>>
      %dma_wait3A_188 = arith.constant 0 : i32
      %dma_wait3A_189 = arith.constant 0 : i32
      %dma_wait3A_190 = tpu.memref_slice %arg5[%dma_wait3A_188, %dma_wait3A_189] : memref<65664x8xf32, #tpu.memory_space<vmem_shared>> -> memref<65664x8xf32, #tpu.memory_space<vmem_shared>>
      tpu.wait_indirect_dma semaphore(%run_scoped3A_174 : memref<!tpu.dma_semaphore, #tpu.memory_space<semaphore_mem>>) src(%dma_wait3A_184 : memref<128x8xf32, #tpu.memory_space<vmem>>) dst(%dma_wait3A_190 : memref<65664x8xf32, #tpu.memory_space<vmem_shared>>)
      tpu.yield
    }) : () -> ()
    %run_scoped3A_162 = arith.constant 19 : i32
    "tpu.region"() ({
      %run_scoped3A_174 = tpu.sem_alloc : memref<!tpu.dma_semaphore, #tpu.memory_space<semaphore_mem>>
      %dma_start3A = arith.constant 2432 : i32
      %dma_start3A_175 = arith.constant 0 : i32
      %dma_start3A_176 = tpu.memref_slice %arg6[%dma_start3A, %dma_start3A_175] : memref<3840x8xf32, #tpu.memory_space<vmem>> -> memref<128x8xf32, #tpu.memory_space<vmem>>
      %dma_start3A_177 = arith.constant 0 : i32
      %dma_start3A_178 = tpu.memref_slice %arg11[%run_scoped3A_162, %dma_start3A_177] : memref<30x128xi32, #tpu.memory_space<vmem>> -> memref<1x128xi32, #tpu.memory_space<vmem>>
      %dma_start3A_179 = tpu.memref_squeeze %dma_start3A_178 : memref<1x128xi32, #tpu.memory_space<vmem>> -> memref<128xi32, #tpu.memory_space<vmem>>
      %dma_start3A_180 = arith.constant 0 : i32
      %dma_start3A_181 = arith.constant 0 : i32
      %dma_start3A_182 = tpu.memref_slice %arg5[%dma_start3A_180, %dma_start3A_181] : memref<65664x8xf32, #tpu.memory_space<vmem_shared>> -> memref<65664x8xf32, #tpu.memory_space<vmem_shared>>
      tpu.enqueue_indirect_dma source(%dma_start3A_176 : memref<128x8xf32, #tpu.memory_space<vmem>>) target(%dma_start3A_182 : memref<65664x8xf32, #tpu.memory_space<vmem_shared>>) offsets(%dma_start3A_179 : memref<128xi32, #tpu.memory_space<vmem>>) semaphore(%run_scoped3A_174 : memref<!tpu.dma_semaphore, #tpu.memory_space<semaphore_mem>>) {add = true}
      %dma_wait3A = arith.constant 2432 : i32
      %dma_wait3A_183 = arith.constant 0 : i32
      %dma_wait3A_184 = tpu.memref_slice %arg6[%dma_wait3A, %dma_wait3A_183] : memref<3840x8xf32, #tpu.memory_space<vmem>> -> memref<128x8xf32, #tpu.memory_space<vmem>>
      %dma_wait3A_185 = arith.constant 0 : i32
      %dma_wait3A_186 = tpu.memref_slice %arg11[%run_scoped3A_162, %dma_wait3A_185] : memref<30x128xi32, #tpu.memory_space<vmem>> -> memref<1x128xi32, #tpu.memory_space<vmem>>
      %dma_wait3A_187 = tpu.memref_squeeze %dma_wait3A_186 : memref<1x128xi32, #tpu.memory_space<vmem>> -> memref<128xi32, #tpu.memory_space<vmem>>
      %dma_wait3A_188 = arith.constant 0 : i32
      %dma_wait3A_189 = arith.constant 0 : i32
      %dma_wait3A_190 = tpu.memref_slice %arg5[%dma_wait3A_188, %dma_wait3A_189] : memref<65664x8xf32, #tpu.memory_space<vmem_shared>> -> memref<65664x8xf32, #tpu.memory_space<vmem_shared>>
      tpu.wait_indirect_dma semaphore(%run_scoped3A_174 : memref<!tpu.dma_semaphore, #tpu.memory_space<semaphore_mem>>) src(%dma_wait3A_184 : memref<128x8xf32, #tpu.memory_space<vmem>>) dst(%dma_wait3A_190 : memref<65664x8xf32, #tpu.memory_space<vmem_shared>>)
      tpu.yield
    }) : () -> ()
    %run_scoped3A_163 = arith.constant 20 : i32
    "tpu.region"() ({
      %run_scoped3A_174 = tpu.sem_alloc : memref<!tpu.dma_semaphore, #tpu.memory_space<semaphore_mem>>
      %dma_start3A = arith.constant 2560 : i32
      %dma_start3A_175 = arith.constant 0 : i32
      %dma_start3A_176 = tpu.memref_slice %arg6[%dma_start3A, %dma_start3A_175] : memref<3840x8xf32, #tpu.memory_space<vmem>> -> memref<128x8xf32, #tpu.memory_space<vmem>>
      %dma_start3A_177 = arith.constant 0 : i32
      %dma_start3A_178 = tpu.memref_slice %arg11[%run_scoped3A_163, %dma_start3A_177] : memref<30x128xi32, #tpu.memory_space<vmem>> -> memref<1x128xi32, #tpu.memory_space<vmem>>
      %dma_start3A_179 = tpu.memref_squeeze %dma_start3A_178 : memref<1x128xi32, #tpu.memory_space<vmem>> -> memref<128xi32, #tpu.memory_space<vmem>>
      %dma_start3A_180 = arith.constant 0 : i32
      %dma_start3A_181 = arith.constant 0 : i32
      %dma_start3A_182 = tpu.memref_slice %arg5[%dma_start3A_180, %dma_start3A_181] : memref<65664x8xf32, #tpu.memory_space<vmem_shared>> -> memref<65664x8xf32, #tpu.memory_space<vmem_shared>>
      tpu.enqueue_indirect_dma source(%dma_start3A_176 : memref<128x8xf32, #tpu.memory_space<vmem>>) target(%dma_start3A_182 : memref<65664x8xf32, #tpu.memory_space<vmem_shared>>) offsets(%dma_start3A_179 : memref<128xi32, #tpu.memory_space<vmem>>) semaphore(%run_scoped3A_174 : memref<!tpu.dma_semaphore, #tpu.memory_space<semaphore_mem>>) {add = true}
      %dma_wait3A = arith.constant 2560 : i32
      %dma_wait3A_183 = arith.constant 0 : i32
      %dma_wait3A_184 = tpu.memref_slice %arg6[%dma_wait3A, %dma_wait3A_183] : memref<3840x8xf32, #tpu.memory_space<vmem>> -> memref<128x8xf32, #tpu.memory_space<vmem>>
      %dma_wait3A_185 = arith.constant 0 : i32
      %dma_wait3A_186 = tpu.memref_slice %arg11[%run_scoped3A_163, %dma_wait3A_185] : memref<30x128xi32, #tpu.memory_space<vmem>> -> memref<1x128xi32, #tpu.memory_space<vmem>>
      %dma_wait3A_187 = tpu.memref_squeeze %dma_wait3A_186 : memref<1x128xi32, #tpu.memory_space<vmem>> -> memref<128xi32, #tpu.memory_space<vmem>>
      %dma_wait3A_188 = arith.constant 0 : i32
      %dma_wait3A_189 = arith.constant 0 : i32
      %dma_wait3A_190 = tpu.memref_slice %arg5[%dma_wait3A_188, %dma_wait3A_189] : memref<65664x8xf32, #tpu.memory_space<vmem_shared>> -> memref<65664x8xf32, #tpu.memory_space<vmem_shared>>
      tpu.wait_indirect_dma semaphore(%run_scoped3A_174 : memref<!tpu.dma_semaphore, #tpu.memory_space<semaphore_mem>>) src(%dma_wait3A_184 : memref<128x8xf32, #tpu.memory_space<vmem>>) dst(%dma_wait3A_190 : memref<65664x8xf32, #tpu.memory_space<vmem_shared>>)
      tpu.yield
    }) : () -> ()
    %run_scoped3A_164 = arith.constant 21 : i32
    "tpu.region"() ({
      %run_scoped3A_174 = tpu.sem_alloc : memref<!tpu.dma_semaphore, #tpu.memory_space<semaphore_mem>>
      %dma_start3A = arith.constant 2688 : i32
      %dma_start3A_175 = arith.constant 0 : i32
      %dma_start3A_176 = tpu.memref_slice %arg6[%dma_start3A, %dma_start3A_175] : memref<3840x8xf32, #tpu.memory_space<vmem>> -> memref<128x8xf32, #tpu.memory_space<vmem>>
      %dma_start3A_177 = arith.constant 0 : i32
      %dma_start3A_178 = tpu.memref_slice %arg11[%run_scoped3A_164, %dma_start3A_177] : memref<30x128xi32, #tpu.memory_space<vmem>> -> memref<1x128xi32, #tpu.memory_space<vmem>>
      %dma_start3A_179 = tpu.memref_squeeze %dma_start3A_178 : memref<1x128xi32, #tpu.memory_space<vmem>> -> memref<128xi32, #tpu.memory_space<vmem>>
      %dma_start3A_180 = arith.constant 0 : i32
      %dma_start3A_181 = arith.constant 0 : i32
      %dma_start3A_182 = tpu.memref_slice %arg5[%dma_start3A_180, %dma_start3A_181] : memref<65664x8xf32, #tpu.memory_space<vmem_shared>> -> memref<65664x8xf32, #tpu.memory_space<vmem_shared>>
      tpu.enqueue_indirect_dma source(%dma_start3A_176 : memref<128x8xf32, #tpu.memory_space<vmem>>) target(%dma_start3A_182 : memref<65664x8xf32, #tpu.memory_space<vmem_shared>>) offsets(%dma_start3A_179 : memref<128xi32, #tpu.memory_space<vmem>>) semaphore(%run_scoped3A_174 : memref<!tpu.dma_semaphore, #tpu.memory_space<semaphore_mem>>) {add = true}
      %dma_wait3A = arith.constant 2688 : i32
      %dma_wait3A_183 = arith.constant 0 : i32
      %dma_wait3A_184 = tpu.memref_slice %arg6[%dma_wait3A, %dma_wait3A_183] : memref<3840x8xf32, #tpu.memory_space<vmem>> -> memref<128x8xf32, #tpu.memory_space<vmem>>
      %dma_wait3A_185 = arith.constant 0 : i32
      %dma_wait3A_186 = tpu.memref_slice %arg11[%run_scoped3A_164, %dma_wait3A_185] : memref<30x128xi32, #tpu.memory_space<vmem>> -> memref<1x128xi32, #tpu.memory_space<vmem>>
      %dma_wait3A_187 = tpu.memref_squeeze %dma_wait3A_186 : memref<1x128xi32, #tpu.memory_space<vmem>> -> memref<128xi32, #tpu.memory_space<vmem>>
      %dma_wait3A_188 = arith.constant 0 : i32
      %dma_wait3A_189 = arith.constant 0 : i32
      %dma_wait3A_190 = tpu.memref_slice %arg5[%dma_wait3A_188, %dma_wait3A_189] : memref<65664x8xf32, #tpu.memory_space<vmem_shared>> -> memref<65664x8xf32, #tpu.memory_space<vmem_shared>>
      tpu.wait_indirect_dma semaphore(%run_scoped3A_174 : memref<!tpu.dma_semaphore, #tpu.memory_space<semaphore_mem>>) src(%dma_wait3A_184 : memref<128x8xf32, #tpu.memory_space<vmem>>) dst(%dma_wait3A_190 : memref<65664x8xf32, #tpu.memory_space<vmem_shared>>)
      tpu.yield
    }) : () -> ()
    %run_scoped3A_165 = arith.constant 22 : i32
    "tpu.region"() ({
      %run_scoped3A_174 = tpu.sem_alloc : memref<!tpu.dma_semaphore, #tpu.memory_space<semaphore_mem>>
      %dma_start3A = arith.constant 2816 : i32
      %dma_start3A_175 = arith.constant 0 : i32
      %dma_start3A_176 = tpu.memref_slice %arg6[%dma_start3A, %dma_start3A_175] : memref<3840x8xf32, #tpu.memory_space<vmem>> -> memref<128x8xf32, #tpu.memory_space<vmem>>
      %dma_start3A_177 = arith.constant 0 : i32
      %dma_start3A_178 = tpu.memref_slice %arg11[%run_scoped3A_165, %dma_start3A_177] : memref<30x128xi32, #tpu.memory_space<vmem>> -> memref<1x128xi32, #tpu.memory_space<vmem>>
      %dma_start3A_179 = tpu.memref_squeeze %dma_start3A_178 : memref<1x128xi32, #tpu.memory_space<vmem>> -> memref<128xi32, #tpu.memory_space<vmem>>
      %dma_start3A_180 = arith.constant 0 : i32
      %dma_start3A_181 = arith.constant 0 : i32
      %dma_start3A_182 = tpu.memref_slice %arg5[%dma_start3A_180, %dma_start3A_181] : memref<65664x8xf32, #tpu.memory_space<vmem_shared>> -> memref<65664x8xf32, #tpu.memory_space<vmem_shared>>
      tpu.enqueue_indirect_dma source(%dma_start3A_176 : memref<128x8xf32, #tpu.memory_space<vmem>>) target(%dma_start3A_182 : memref<65664x8xf32, #tpu.memory_space<vmem_shared>>) offsets(%dma_start3A_179 : memref<128xi32, #tpu.memory_space<vmem>>) semaphore(%run_scoped3A_174 : memref<!tpu.dma_semaphore, #tpu.memory_space<semaphore_mem>>) {add = true}
      %dma_wait3A = arith.constant 2816 : i32
      %dma_wait3A_183 = arith.constant 0 : i32
      %dma_wait3A_184 = tpu.memref_slice %arg6[%dma_wait3A, %dma_wait3A_183] : memref<3840x8xf32, #tpu.memory_space<vmem>> -> memref<128x8xf32, #tpu.memory_space<vmem>>
      %dma_wait3A_185 = arith.constant 0 : i32
      %dma_wait3A_186 = tpu.memref_slice %arg11[%run_scoped3A_165, %dma_wait3A_185] : memref<30x128xi32, #tpu.memory_space<vmem>> -> memref<1x128xi32, #tpu.memory_space<vmem>>
      %dma_wait3A_187 = tpu.memref_squeeze %dma_wait3A_186 : memref<1x128xi32, #tpu.memory_space<vmem>> -> memref<128xi32, #tpu.memory_space<vmem>>
      %dma_wait3A_188 = arith.constant 0 : i32
      %dma_wait3A_189 = arith.constant 0 : i32
      %dma_wait3A_190 = tpu.memref_slice %arg5[%dma_wait3A_188, %dma_wait3A_189] : memref<65664x8xf32, #tpu.memory_space<vmem_shared>> -> memref<65664x8xf32, #tpu.memory_space<vmem_shared>>
      tpu.wait_indirect_dma semaphore(%run_scoped3A_174 : memref<!tpu.dma_semaphore, #tpu.memory_space<semaphore_mem>>) src(%dma_wait3A_184 : memref<128x8xf32, #tpu.memory_space<vmem>>) dst(%dma_wait3A_190 : memref<65664x8xf32, #tpu.memory_space<vmem_shared>>)
      tpu.yield
    }) : () -> ()
    %run_scoped3A_166 = arith.constant 23 : i32
    "tpu.region"() ({
      %run_scoped3A_174 = tpu.sem_alloc : memref<!tpu.dma_semaphore, #tpu.memory_space<semaphore_mem>>
      %dma_start3A = arith.constant 2944 : i32
      %dma_start3A_175 = arith.constant 0 : i32
      %dma_start3A_176 = tpu.memref_slice %arg6[%dma_start3A, %dma_start3A_175] : memref<3840x8xf32, #tpu.memory_space<vmem>> -> memref<128x8xf32, #tpu.memory_space<vmem>>
      %dma_start3A_177 = arith.constant 0 : i32
      %dma_start3A_178 = tpu.memref_slice %arg11[%run_scoped3A_166, %dma_start3A_177] : memref<30x128xi32, #tpu.memory_space<vmem>> -> memref<1x128xi32, #tpu.memory_space<vmem>>
      %dma_start3A_179 = tpu.memref_squeeze %dma_start3A_178 : memref<1x128xi32, #tpu.memory_space<vmem>> -> memref<128xi32, #tpu.memory_space<vmem>>
      %dma_start3A_180 = arith.constant 0 : i32
      %dma_start3A_181 = arith.constant 0 : i32
      %dma_start3A_182 = tpu.memref_slice %arg5[%dma_start3A_180, %dma_start3A_181] : memref<65664x8xf32, #tpu.memory_space<vmem_shared>> -> memref<65664x8xf32, #tpu.memory_space<vmem_shared>>
      tpu.enqueue_indirect_dma source(%dma_start3A_176 : memref<128x8xf32, #tpu.memory_space<vmem>>) target(%dma_start3A_182 : memref<65664x8xf32, #tpu.memory_space<vmem_shared>>) offsets(%dma_start3A_179 : memref<128xi32, #tpu.memory_space<vmem>>) semaphore(%run_scoped3A_174 : memref<!tpu.dma_semaphore, #tpu.memory_space<semaphore_mem>>) {add = true}
      %dma_wait3A = arith.constant 2944 : i32
      %dma_wait3A_183 = arith.constant 0 : i32
      %dma_wait3A_184 = tpu.memref_slice %arg6[%dma_wait3A, %dma_wait3A_183] : memref<3840x8xf32, #tpu.memory_space<vmem>> -> memref<128x8xf32, #tpu.memory_space<vmem>>
      %dma_wait3A_185 = arith.constant 0 : i32
      %dma_wait3A_186 = tpu.memref_slice %arg11[%run_scoped3A_166, %dma_wait3A_185] : memref<30x128xi32, #tpu.memory_space<vmem>> -> memref<1x128xi32, #tpu.memory_space<vmem>>
      %dma_wait3A_187 = tpu.memref_squeeze %dma_wait3A_186 : memref<1x128xi32, #tpu.memory_space<vmem>> -> memref<128xi32, #tpu.memory_space<vmem>>
      %dma_wait3A_188 = arith.constant 0 : i32
      %dma_wait3A_189 = arith.constant 0 : i32
      %dma_wait3A_190 = tpu.memref_slice %arg5[%dma_wait3A_188, %dma_wait3A_189] : memref<65664x8xf32, #tpu.memory_space<vmem_shared>> -> memref<65664x8xf32, #tpu.memory_space<vmem_shared>>
      tpu.wait_indirect_dma semaphore(%run_scoped3A_174 : memref<!tpu.dma_semaphore, #tpu.memory_space<semaphore_mem>>) src(%dma_wait3A_184 : memref<128x8xf32, #tpu.memory_space<vmem>>) dst(%dma_wait3A_190 : memref<65664x8xf32, #tpu.memory_space<vmem_shared>>)
      tpu.yield
    }) : () -> ()
    %run_scoped3A_167 = arith.constant 24 : i32
    "tpu.region"() ({
      %run_scoped3A_174 = tpu.sem_alloc : memref<!tpu.dma_semaphore, #tpu.memory_space<semaphore_mem>>
      %dma_start3A = arith.constant 3072 : i32
      %dma_start3A_175 = arith.constant 0 : i32
      %dma_start3A_176 = tpu.memref_slice %arg6[%dma_start3A, %dma_start3A_175] : memref<3840x8xf32, #tpu.memory_space<vmem>> -> memref<128x8xf32, #tpu.memory_space<vmem>>
      %dma_start3A_177 = arith.constant 0 : i32
      %dma_start3A_178 = tpu.memref_slice %arg11[%run_scoped3A_167, %dma_start3A_177] : memref<30x128xi32, #tpu.memory_space<vmem>> -> memref<1x128xi32, #tpu.memory_space<vmem>>
      %dma_start3A_179 = tpu.memref_squeeze %dma_start3A_178 : memref<1x128xi32, #tpu.memory_space<vmem>> -> memref<128xi32, #tpu.memory_space<vmem>>
      %dma_start3A_180 = arith.constant 0 : i32
      %dma_start3A_181 = arith.constant 0 : i32
      %dma_start3A_182 = tpu.memref_slice %arg5[%dma_start3A_180, %dma_start3A_181] : memref<65664x8xf32, #tpu.memory_space<vmem_shared>> -> memref<65664x8xf32, #tpu.memory_space<vmem_shared>>
      tpu.enqueue_indirect_dma source(%dma_start3A_176 : memref<128x8xf32, #tpu.memory_space<vmem>>) target(%dma_start3A_182 : memref<65664x8xf32, #tpu.memory_space<vmem_shared>>) offsets(%dma_start3A_179 : memref<128xi32, #tpu.memory_space<vmem>>) semaphore(%run_scoped3A_174 : memref<!tpu.dma_semaphore, #tpu.memory_space<semaphore_mem>>) {add = true}
      %dma_wait3A = arith.constant 3072 : i32
      %dma_wait3A_183 = arith.constant 0 : i32
      %dma_wait3A_184 = tpu.memref_slice %arg6[%dma_wait3A, %dma_wait3A_183] : memref<3840x8xf32, #tpu.memory_space<vmem>> -> memref<128x8xf32, #tpu.memory_space<vmem>>
      %dma_wait3A_185 = arith.constant 0 : i32
      %dma_wait3A_186 = tpu.memref_slice %arg11[%run_scoped3A_167, %dma_wait3A_185] : memref<30x128xi32, #tpu.memory_space<vmem>> -> memref<1x128xi32, #tpu.memory_space<vmem>>
      %dma_wait3A_187 = tpu.memref_squeeze %dma_wait3A_186 : memref<1x128xi32, #tpu.memory_space<vmem>> -> memref<128xi32, #tpu.memory_space<vmem>>
      %dma_wait3A_188 = arith.constant 0 : i32
      %dma_wait3A_189 = arith.constant 0 : i32
      %dma_wait3A_190 = tpu.memref_slice %arg5[%dma_wait3A_188, %dma_wait3A_189] : memref<65664x8xf32, #tpu.memory_space<vmem_shared>> -> memref<65664x8xf32, #tpu.memory_space<vmem_shared>>
      tpu.wait_indirect_dma semaphore(%run_scoped3A_174 : memref<!tpu.dma_semaphore, #tpu.memory_space<semaphore_mem>>) src(%dma_wait3A_184 : memref<128x8xf32, #tpu.memory_space<vmem>>) dst(%dma_wait3A_190 : memref<65664x8xf32, #tpu.memory_space<vmem_shared>>)
      tpu.yield
    }) : () -> ()
    %run_scoped3A_168 = arith.constant 25 : i32
    "tpu.region"() ({
      %run_scoped3A_174 = tpu.sem_alloc : memref<!tpu.dma_semaphore, #tpu.memory_space<semaphore_mem>>
      %dma_start3A = arith.constant 3200 : i32
      %dma_start3A_175 = arith.constant 0 : i32
      %dma_start3A_176 = tpu.memref_slice %arg6[%dma_start3A, %dma_start3A_175] : memref<3840x8xf32, #tpu.memory_space<vmem>> -> memref<128x8xf32, #tpu.memory_space<vmem>>
      %dma_start3A_177 = arith.constant 0 : i32
      %dma_start3A_178 = tpu.memref_slice %arg11[%run_scoped3A_168, %dma_start3A_177] : memref<30x128xi32, #tpu.memory_space<vmem>> -> memref<1x128xi32, #tpu.memory_space<vmem>>
      %dma_start3A_179 = tpu.memref_squeeze %dma_start3A_178 : memref<1x128xi32, #tpu.memory_space<vmem>> -> memref<128xi32, #tpu.memory_space<vmem>>
      %dma_start3A_180 = arith.constant 0 : i32
      %dma_start3A_181 = arith.constant 0 : i32
      %dma_start3A_182 = tpu.memref_slice %arg5[%dma_start3A_180, %dma_start3A_181] : memref<65664x8xf32, #tpu.memory_space<vmem_shared>> -> memref<65664x8xf32, #tpu.memory_space<vmem_shared>>
      tpu.enqueue_indirect_dma source(%dma_start3A_176 : memref<128x8xf32, #tpu.memory_space<vmem>>) target(%dma_start3A_182 : memref<65664x8xf32, #tpu.memory_space<vmem_shared>>) offsets(%dma_start3A_179 : memref<128xi32, #tpu.memory_space<vmem>>) semaphore(%run_scoped3A_174 : memref<!tpu.dma_semaphore, #tpu.memory_space<semaphore_mem>>) {add = true}
      %dma_wait3A = arith.constant 3200 : i32
      %dma_wait3A_183 = arith.constant 0 : i32
      %dma_wait3A_184 = tpu.memref_slice %arg6[%dma_wait3A, %dma_wait3A_183] : memref<3840x8xf32, #tpu.memory_space<vmem>> -> memref<128x8xf32, #tpu.memory_space<vmem>>
      %dma_wait3A_185 = arith.constant 0 : i32
      %dma_wait3A_186 = tpu.memref_slice %arg11[%run_scoped3A_168, %dma_wait3A_185] : memref<30x128xi32, #tpu.memory_space<vmem>> -> memref<1x128xi32, #tpu.memory_space<vmem>>
      %dma_wait3A_187 = tpu.memref_squeeze %dma_wait3A_186 : memref<1x128xi32, #tpu.memory_space<vmem>> -> memref<128xi32, #tpu.memory_space<vmem>>
      %dma_wait3A_188 = arith.constant 0 : i32
      %dma_wait3A_189 = arith.constant 0 : i32
      %dma_wait3A_190 = tpu.memref_slice %arg5[%dma_wait3A_188, %dma_wait3A_189] : memref<65664x8xf32, #tpu.memory_space<vmem_shared>> -> memref<65664x8xf32, #tpu.memory_space<vmem_shared>>
      tpu.wait_indirect_dma semaphore(%run_scoped3A_174 : memref<!tpu.dma_semaphore, #tpu.memory_space<semaphore_mem>>) src(%dma_wait3A_184 : memref<128x8xf32, #tpu.memory_space<vmem>>) dst(%dma_wait3A_190 : memref<65664x8xf32, #tpu.memory_space<vmem_shared>>)
      tpu.yield
    }) : () -> ()
    %run_scoped3A_169 = arith.constant 26 : i32
    "tpu.region"() ({
      %run_scoped3A_174 = tpu.sem_alloc : memref<!tpu.dma_semaphore, #tpu.memory_space<semaphore_mem>>
      %dma_start3A = arith.constant 3328 : i32
      %dma_start3A_175 = arith.constant 0 : i32
      %dma_start3A_176 = tpu.memref_slice %arg6[%dma_start3A, %dma_start3A_175] : memref<3840x8xf32, #tpu.memory_space<vmem>> -> memref<128x8xf32, #tpu.memory_space<vmem>>
      %dma_start3A_177 = arith.constant 0 : i32
      %dma_start3A_178 = tpu.memref_slice %arg11[%run_scoped3A_169, %dma_start3A_177] : memref<30x128xi32, #tpu.memory_space<vmem>> -> memref<1x128xi32, #tpu.memory_space<vmem>>
      %dma_start3A_179 = tpu.memref_squeeze %dma_start3A_178 : memref<1x128xi32, #tpu.memory_space<vmem>> -> memref<128xi32, #tpu.memory_space<vmem>>
      %dma_start3A_180 = arith.constant 0 : i32
      %dma_start3A_181 = arith.constant 0 : i32
      %dma_start3A_182 = tpu.memref_slice %arg5[%dma_start3A_180, %dma_start3A_181] : memref<65664x8xf32, #tpu.memory_space<vmem_shared>> -> memref<65664x8xf32, #tpu.memory_space<vmem_shared>>
      tpu.enqueue_indirect_dma source(%dma_start3A_176 : memref<128x8xf32, #tpu.memory_space<vmem>>) target(%dma_start3A_182 : memref<65664x8xf32, #tpu.memory_space<vmem_shared>>) offsets(%dma_start3A_179 : memref<128xi32, #tpu.memory_space<vmem>>) semaphore(%run_scoped3A_174 : memref<!tpu.dma_semaphore, #tpu.memory_space<semaphore_mem>>) {add = true}
      %dma_wait3A = arith.constant 3328 : i32
      %dma_wait3A_183 = arith.constant 0 : i32
      %dma_wait3A_184 = tpu.memref_slice %arg6[%dma_wait3A, %dma_wait3A_183] : memref<3840x8xf32, #tpu.memory_space<vmem>> -> memref<128x8xf32, #tpu.memory_space<vmem>>
      %dma_wait3A_185 = arith.constant 0 : i32
      %dma_wait3A_186 = tpu.memref_slice %arg11[%run_scoped3A_169, %dma_wait3A_185] : memref<30x128xi32, #tpu.memory_space<vmem>> -> memref<1x128xi32, #tpu.memory_space<vmem>>
      %dma_wait3A_187 = tpu.memref_squeeze %dma_wait3A_186 : memref<1x128xi32, #tpu.memory_space<vmem>> -> memref<128xi32, #tpu.memory_space<vmem>>
      %dma_wait3A_188 = arith.constant 0 : i32
      %dma_wait3A_189 = arith.constant 0 : i32
      %dma_wait3A_190 = tpu.memref_slice %arg5[%dma_wait3A_188, %dma_wait3A_189] : memref<65664x8xf32, #tpu.memory_space<vmem_shared>> -> memref<65664x8xf32, #tpu.memory_space<vmem_shared>>
      tpu.wait_indirect_dma semaphore(%run_scoped3A_174 : memref<!tpu.dma_semaphore, #tpu.memory_space<semaphore_mem>>) src(%dma_wait3A_184 : memref<128x8xf32, #tpu.memory_space<vmem>>) dst(%dma_wait3A_190 : memref<65664x8xf32, #tpu.memory_space<vmem_shared>>)
      tpu.yield
    }) : () -> ()
    %run_scoped3A_170 = arith.constant 27 : i32
    "tpu.region"() ({
      %run_scoped3A_174 = tpu.sem_alloc : memref<!tpu.dma_semaphore, #tpu.memory_space<semaphore_mem>>
      %dma_start3A = arith.constant 3456 : i32
      %dma_start3A_175 = arith.constant 0 : i32
      %dma_start3A_176 = tpu.memref_slice %arg6[%dma_start3A, %dma_start3A_175] : memref<3840x8xf32, #tpu.memory_space<vmem>> -> memref<128x8xf32, #tpu.memory_space<vmem>>
      %dma_start3A_177 = arith.constant 0 : i32
      %dma_start3A_178 = tpu.memref_slice %arg11[%run_scoped3A_170, %dma_start3A_177] : memref<30x128xi32, #tpu.memory_space<vmem>> -> memref<1x128xi32, #tpu.memory_space<vmem>>
      %dma_start3A_179 = tpu.memref_squeeze %dma_start3A_178 : memref<1x128xi32, #tpu.memory_space<vmem>> -> memref<128xi32, #tpu.memory_space<vmem>>
      %dma_start3A_180 = arith.constant 0 : i32
      %dma_start3A_181 = arith.constant 0 : i32
      %dma_start3A_182 = tpu.memref_slice %arg5[%dma_start3A_180, %dma_start3A_181] : memref<65664x8xf32, #tpu.memory_space<vmem_shared>> -> memref<65664x8xf32, #tpu.memory_space<vmem_shared>>
      tpu.enqueue_indirect_dma source(%dma_start3A_176 : memref<128x8xf32, #tpu.memory_space<vmem>>) target(%dma_start3A_182 : memref<65664x8xf32, #tpu.memory_space<vmem_shared>>) offsets(%dma_start3A_179 : memref<128xi32, #tpu.memory_space<vmem>>) semaphore(%run_scoped3A_174 : memref<!tpu.dma_semaphore, #tpu.memory_space<semaphore_mem>>) {add = true}
      %dma_wait3A = arith.constant 3456 : i32
      %dma_wait3A_183 = arith.constant 0 : i32
      %dma_wait3A_184 = tpu.memref_slice %arg6[%dma_wait3A, %dma_wait3A_183] : memref<3840x8xf32, #tpu.memory_space<vmem>> -> memref<128x8xf32, #tpu.memory_space<vmem>>
      %dma_wait3A_185 = arith.constant 0 : i32
      %dma_wait3A_186 = tpu.memref_slice %arg11[%run_scoped3A_170, %dma_wait3A_185] : memref<30x128xi32, #tpu.memory_space<vmem>> -> memref<1x128xi32, #tpu.memory_space<vmem>>
      %dma_wait3A_187 = tpu.memref_squeeze %dma_wait3A_186 : memref<1x128xi32, #tpu.memory_space<vmem>> -> memref<128xi32, #tpu.memory_space<vmem>>
      %dma_wait3A_188 = arith.constant 0 : i32
      %dma_wait3A_189 = arith.constant 0 : i32
      %dma_wait3A_190 = tpu.memref_slice %arg5[%dma_wait3A_188, %dma_wait3A_189] : memref<65664x8xf32, #tpu.memory_space<vmem_shared>> -> memref<65664x8xf32, #tpu.memory_space<vmem_shared>>
      tpu.wait_indirect_dma semaphore(%run_scoped3A_174 : memref<!tpu.dma_semaphore, #tpu.memory_space<semaphore_mem>>) src(%dma_wait3A_184 : memref<128x8xf32, #tpu.memory_space<vmem>>) dst(%dma_wait3A_190 : memref<65664x8xf32, #tpu.memory_space<vmem_shared>>)
      tpu.yield
    }) : () -> ()
    %run_scoped3A_171 = arith.constant 28 : i32
    "tpu.region"() ({
      %run_scoped3A_174 = tpu.sem_alloc : memref<!tpu.dma_semaphore, #tpu.memory_space<semaphore_mem>>
      %dma_start3A = arith.constant 3584 : i32
      %dma_start3A_175 = arith.constant 0 : i32
      %dma_start3A_176 = tpu.memref_slice %arg6[%dma_start3A, %dma_start3A_175] : memref<3840x8xf32, #tpu.memory_space<vmem>> -> memref<128x8xf32, #tpu.memory_space<vmem>>
      %dma_start3A_177 = arith.constant 0 : i32
      %dma_start3A_178 = tpu.memref_slice %arg11[%run_scoped3A_171, %dma_start3A_177] : memref<30x128xi32, #tpu.memory_space<vmem>> -> memref<1x128xi32, #tpu.memory_space<vmem>>
      %dma_start3A_179 = tpu.memref_squeeze %dma_start3A_178 : memref<1x128xi32, #tpu.memory_space<vmem>> -> memref<128xi32, #tpu.memory_space<vmem>>
      %dma_start3A_180 = arith.constant 0 : i32
      %dma_start3A_181 = arith.constant 0 : i32
      %dma_start3A_182 = tpu.memref_slice %arg5[%dma_start3A_180, %dma_start3A_181] : memref<65664x8xf32, #tpu.memory_space<vmem_shared>> -> memref<65664x8xf32, #tpu.memory_space<vmem_shared>>
      tpu.enqueue_indirect_dma source(%dma_start3A_176 : memref<128x8xf32, #tpu.memory_space<vmem>>) target(%dma_start3A_182 : memref<65664x8xf32, #tpu.memory_space<vmem_shared>>) offsets(%dma_start3A_179 : memref<128xi32, #tpu.memory_space<vmem>>) semaphore(%run_scoped3A_174 : memref<!tpu.dma_semaphore, #tpu.memory_space<semaphore_mem>>) {add = true}
      %dma_wait3A = arith.constant 3584 : i32
      %dma_wait3A_183 = arith.constant 0 : i32
      %dma_wait3A_184 = tpu.memref_slice %arg6[%dma_wait3A, %dma_wait3A_183] : memref<3840x8xf32, #tpu.memory_space<vmem>> -> memref<128x8xf32, #tpu.memory_space<vmem>>
      %dma_wait3A_185 = arith.constant 0 : i32
      %dma_wait3A_186 = tpu.memref_slice %arg11[%run_scoped3A_171, %dma_wait3A_185] : memref<30x128xi32, #tpu.memory_space<vmem>> -> memref<1x128xi32, #tpu.memory_space<vmem>>
      %dma_wait3A_187 = tpu.memref_squeeze %dma_wait3A_186 : memref<1x128xi32, #tpu.memory_space<vmem>> -> memref<128xi32, #tpu.memory_space<vmem>>
      %dma_wait3A_188 = arith.constant 0 : i32
      %dma_wait3A_189 = arith.constant 0 : i32
      %dma_wait3A_190 = tpu.memref_slice %arg5[%dma_wait3A_188, %dma_wait3A_189] : memref<65664x8xf32, #tpu.memory_space<vmem_shared>> -> memref<65664x8xf32, #tpu.memory_space<vmem_shared>>
      tpu.wait_indirect_dma semaphore(%run_scoped3A_174 : memref<!tpu.dma_semaphore, #tpu.memory_space<semaphore_mem>>) src(%dma_wait3A_184 : memref<128x8xf32, #tpu.memory_space<vmem>>) dst(%dma_wait3A_190 : memref<65664x8xf32, #tpu.memory_space<vmem_shared>>)
      tpu.yield
    }) : () -> ()
    %run_scoped3A_172 = arith.constant 29 : i32
    "tpu.region"() ({
      %run_scoped3A_174 = tpu.sem_alloc : memref<!tpu.dma_semaphore, #tpu.memory_space<semaphore_mem>>
      %dma_start3A = arith.constant 3712 : i32
      %dma_start3A_175 = arith.constant 0 : i32
      %dma_start3A_176 = tpu.memref_slice %arg6[%dma_start3A, %dma_start3A_175] : memref<3840x8xf32, #tpu.memory_space<vmem>> -> memref<128x8xf32, #tpu.memory_space<vmem>>
      %dma_start3A_177 = arith.constant 0 : i32
      %dma_start3A_178 = tpu.memref_slice %arg11[%run_scoped3A_172, %dma_start3A_177] : memref<30x128xi32, #tpu.memory_space<vmem>> -> memref<1x128xi32, #tpu.memory_space<vmem>>
      %dma_start3A_179 = tpu.memref_squeeze %dma_start3A_178 : memref<1x128xi32, #tpu.memory_space<vmem>> -> memref<128xi32, #tpu.memory_space<vmem>>
      %dma_start3A_180 = arith.constant 0 : i32
      %dma_start3A_181 = arith.constant 0 : i32
      %dma_start3A_182 = tpu.memref_slice %arg5[%dma_start3A_180, %dma_start3A_181] : memref<65664x8xf32, #tpu.memory_space<vmem_shared>> -> memref<65664x8xf32, #tpu.memory_space<vmem_shared>>
      tpu.enqueue_indirect_dma source(%dma_start3A_176 : memref<128x8xf32, #tpu.memory_space<vmem>>) target(%dma_start3A_182 : memref<65664x8xf32, #tpu.memory_space<vmem_shared>>) offsets(%dma_start3A_179 : memref<128xi32, #tpu.memory_space<vmem>>) semaphore(%run_scoped3A_174 : memref<!tpu.dma_semaphore, #tpu.memory_space<semaphore_mem>>) {add = true}
      %dma_wait3A = arith.constant 3712 : i32
      %dma_wait3A_183 = arith.constant 0 : i32
      %dma_wait3A_184 = tpu.memref_slice %arg6[%dma_wait3A, %dma_wait3A_183] : memref<3840x8xf32, #tpu.memory_space<vmem>> -> memref<128x8xf32, #tpu.memory_space<vmem>>
      %dma_wait3A_185 = arith.constant 0 : i32
      %dma_wait3A_186 = tpu.memref_slice %arg11[%run_scoped3A_172, %dma_wait3A_185] : memref<30x128xi32, #tpu.memory_space<vmem>> -> memref<1x128xi32, #tpu.memory_space<vmem>>
      %dma_wait3A_187 = tpu.memref_squeeze %dma_wait3A_186 : memref<1x128xi32, #tpu.memory_space<vmem>> -> memref<128xi32, #tpu.memory_space<vmem>>
      %dma_wait3A_188 = arith.constant 0 : i32
      %dma_wait3A_189 = arith.constant 0 : i32
      %dma_wait3A_190 = tpu.memref_slice %arg5[%dma_wait3A_188, %dma_wait3A_189] : memref<65664x8xf32, #tpu.memory_space<vmem_shared>> -> memref<65664x8xf32, #tpu.memory_space<vmem_shared>>
      tpu.wait_indirect_dma semaphore(%run_scoped3A_174 : memref<!tpu.dma_semaphore, #tpu.memory_space<semaphore_mem>>) src(%dma_wait3A_184 : memref<128x8xf32, #tpu.memory_space<vmem>>) dst(%dma_wait3A_190 : memref<65664x8xf32, #tpu.memory_space<vmem_shared>>)
      tpu.yield
    }) : () -> ()
    %barrier3A_173 = arith.constant 0 : index
    tpu.barrier barrier_id(%barrier3A_173)
    "tpu.region"() ({
      %run_scoped3A_174 = tpu.sem_alloc : memref<!tpu.dma_semaphore, #tpu.memory_space<semaphore_mem>>
      %dma_start3A = arith.constant 0 : i32
      %dma_start3A_175 = tpu.memref_slice %arg4[%arg0, %multiple_of3A, %dma_start3A] : memref<2x65664x8xf32, #tpu.memory_space<hbm>> -> memref<1x4104x8xf32, #tpu.memory_space<hbm>>
      %dma_start3A_176 = tpu.memref_squeeze %dma_start3A_175 : memref<1x4104x8xf32, #tpu.memory_space<hbm>> -> memref<4104x8xf32, #tpu.memory_space<hbm>>
      %dma_start3A_177 = arith.constant 0 : i32
      %dma_start3A_178 = tpu.memref_slice %arg5[%multiple_of3A, %dma_start3A_177] : memref<65664x8xf32, #tpu.memory_space<vmem_shared>> -> memref<4104x8xf32, #tpu.memory_space<vmem_shared>>
      tpu.enqueue_dma source(%dma_start3A_178 : memref<4104x8xf32, #tpu.memory_space<vmem_shared>>) target(%dma_start3A_176 : memref<4104x8xf32, #tpu.memory_space<hbm>>) target_semaphore(%run_scoped3A_174 : memref<!tpu.dma_semaphore, #tpu.memory_space<semaphore_mem>>)
      %dma_wait3A = arith.constant 0 : i32
      %dma_wait3A_179 = tpu.memref_slice %arg4[%arg0, %multiple_of3A, %dma_wait3A] : memref<2x65664x8xf32, #tpu.memory_space<hbm>> -> memref<1x4104x8xf32, #tpu.memory_space<hbm>>
      %dma_wait3A_180 = tpu.memref_squeeze %dma_wait3A_179 : memref<1x4104x8xf32, #tpu.memory_space<hbm>> -> memref<4104x8xf32, #tpu.memory_space<hbm>>
      %dma_wait3A_181 = arith.constant 0 : i32
      %dma_wait3A_182 = tpu.memref_slice %arg5[%multiple_of3A, %dma_wait3A_181] : memref<65664x8xf32, #tpu.memory_space<vmem_shared>> -> memref<4104x8xf32, #tpu.memory_space<vmem_shared>>
      tpu.wait_dma2 semaphore(%run_scoped3A_174 : memref<!tpu.dma_semaphore, #tpu.memory_space<semaphore_mem>>) src(%dma_wait3A_182 : memref<4104x8xf32, #tpu.memory_space<vmem_shared>>) dst(%dma_wait3A_180 : memref<4104x8xf32, #tpu.memory_space<hbm>>)
      tpu.yield
    }) : () -> ()
    return
  }
}

</mosaic_0001>

<sc_bundles>
// kernel: kernel.4.cloned.1.call-start
scs
__scs_entry_jumppad:
0x0: {  	(pc) =	sbr.rel $0x88, $3  }
0x1: {  	(tag) =	ssettag $0x0;
	lr =	simm.s32 $0x1  }
0x2: {  	[smem:$0x3FA0] =	sst lr;
	_ =	strace $0xD0000000  }
0x3: {  	_ = 	snop  }
0x4: {  	_ = 	snop  }
0x5: {  	_ = 	snop  }
0x6: {  	_ = 	snop  }
0x7: {  	_ = 	snop  }
__scs_overlays_trampoline_lowered:
0x8: {  	[smem:$0x3FAF] =	sst s0  }
0x9: {  	[smem:$0x3FB0] =	sst s1  }
0xa: {  	[smem:$0x3FB1] =	sst s2  }
0xb: {  	[smem:$0x3FB2] =	sst s3  }
0xc: {  	[smem:$0x3FB3] =	sst s4  }
0xd: {  	[smem:$0x3FB4] =	sst s5  }
0xe: {  	[smem:$0x3FB5] =	sst s6  }
0xf: {  	[smem:$0x3FB6] =	sst s7  }
0x10: {  	[smem:$0x3FB7] =	sst s8  }
0x11: {  	[smem:$0x3FB8] =	sst s9;
	s0 =	simm.s32 @!p0 $0x0  }
0x12: {  	s1 =	sld [smem:$0x3F9E];
	s0 =	simm.s32 @p0 $0x1  }
0x13: {  	[smem:$0x3FB9] =	sst s0;
	s0 =	simm.s32 @!p1 $0x0  }
0x14: {  	s2 =	sld [smem:$0x3F9D];
	s0 =	simm.s32 @p1 $0x1  }
0x15: {  	[smem:$0x3FBA] =	sst s0;
	s0 =	simm.s32 @!p2 $0x0  }
0x16: {  	s3 =	sld [smem:$0x3FDB];
	s0 =	simm.s32 @p2 $0x1  }
0x17: {  	s4 =	simm.s32 $0x1BF5;
	[smem:$0x3FBC] =	sst s0  }
0x18: {  	s0 =	sld [smem:$0x3F9F];
	_ =	swait.ge [sflag:s4], $0x0  }
0x19: {  	s7 =	sld [smem:$0x3FA0]  }
0x1a: {  	s8 =	sadd.s32 $0xFFFFE003, lr  }
0x1b: {  	s9 =	sadd.s32 $0xFFFFFEF7, lr;
	s5 =	simm.s32 $0xFFFFFFFF;
	p2 =	slt.u32 s8, $0xFFFFF086  }
0x1c: {  	p1 =	slt.u32 s9, $0xF7A;
	s5 =	simm.s32 @!p2 $0x0  }
0x1d: {  	s5 =	simm.s32 @p1 $0x1;
	p0 =	seq.s32 s7, s2  }
0x1e: {  	s7 =	smul.u32 @!p0 $0xF7A, s2;
	p2 =	seq.s32 @!p0 s5, $0x0  }
0x1f: {  	s9 =	smul.u32 $0xF7A, s1;
	s8 =	simm.s32 @!p0 $0x1BF5;
	p2 =	por !p2, p0  }
0x20: {  	[sflag:s8] =	ssyncset.s32 @!p0 $0xFFFFF086;
	s6 =	sadd.s32 @!p0 s3, s7;
	s7 =	simm.s32 @!p0 $0x108  }
0x21: {  	s3 =	sadd.s32 s3, s9;
	s6 =	sadd.s32 @!p0 $0x88, s6;
	s7 =	simm.s32 @p2 $0x1082  }
0x22: {  	[simem:s7], [sflag:s8] =	dma.local @!p0 [hbm:s6], $0xF7A  }
0x23: {  	s9 =	sor.u32 $0xD0000000, s2;
	s6 =	simm.s32 $0x108;
	_ =	swait.ge @!p0 [sflag:s8], $0x0  }
0x24: {  	s3 =	sadd.s32 $0x88, s3;
	s6 =	simm.s32 @!p1 $0x1082;
	[sflag:s4] =	ssyncset.s32 $0xFFFFF086  }
0x25: {  	[simem:s6], [sflag:s4] =	dma.local [hbm:s3], $0xF7A  }
0x26: {  	[smem:$0x3FA0] =	sst s1;
	(tag) =	ssettag s2;
	_ =	strace s9  }
0x27: {  	s1 =	sld [smem:$0x3FB0]  }
0x28: {  	s2 =	sld [smem:$0x3FB1]  }
0x29: {  	s4 =	sld [smem:$0x3FB3]  }
0x2a: {  	p0 =	seq.s32 s5, $0x0;
	s5 =	sld [smem:$0x3FB4]  }
0x2b: {  	s6 =	sld [smem:$0x3FB5]  }
0x2c: {  	s7 =	sld [smem:$0x3FB6]  }
0x2d: {  	s3 =	simm.s32 $0x108;
	s8 =	sld [smem:$0x3FB7]  }
0x2e: {  	s3 =	simm.s32 @!p0 $0x1082;
	s9 =	sld [smem:$0x3FB8]  }
0x2f: {  	lr =	sadd.s32 s0, s3;
	s0 =	sld [smem:$0x3FAF]  }
0x30: {  	s3 =	sld [smem:$0x3FB2]  }
0x31: {  	[smem:$0x3FBB] =	sst s10  }
0x32: {  	s10 =	sld [smem:$0x3FB9];
	_ =	sdelay $0x3  }
0x33: {  	p0 =	seq.s32 s10, $0x1;
	s10 =	sld [smem:$0x3FBB];
	_ =	sdelay $0x3  }
0x34: {  	[smem:$0x3FBB] =	sst s10  }
0x35: {  	s10 =	sld [smem:$0x3FBA];
	_ =	sdelay $0x3  }
0x36: {  	p1 =	seq.s32 s10, $0x1;
	s10 =	sld [smem:$0x3FBB];
	_ =	sdelay $0x3  }
0x37: {  	[smem:$0x3FBB] =	sst s10  }
0x38: {  	s10 =	sld [smem:$0x3FBC]  }
0x39: {  	_ = 	snop;
	(pc) =	sbr.ind lr, $3  }
0x3a: {  	_ = 	snop  }
0x3b: {  	_ = 	snop  }
0x3c: {  	p2 =	seq.s32 s10, $0x1;
	s10 =	sld [smem:$0x3FBB]  }
0x3d: {  	_ =	shalt  }
0x3e: {  	_ =	shalt  }
0x3f: {  	_ =	shalt  }
0x40: {  	_ =	shalt  }
0x41: {  	_ =	shalt  }
0x42: {  	_ =	shalt  }
0x43: {  	_ =	shalt  }
0x44: {  	_ =	shalt  }
0x45: {  	_ =	shalt  }
0x46: {  	_ =	shalt  }
0x47: {  	_ =	shalt  }
0x48: {  	_ =	shalt  }
0x49: {  	_ =	shalt  }
0x4a: {  	_ =	shalt  }
0x4b: {  	_ =	shalt  }
0x4c: {  	_ =	shalt  }
0x4d: {  	_ =	shalt  }
0x4e: {  	_ =	shalt  }
0x4f: {  	_ =	shalt  }
0x50: {  	_ =	shalt  }
0x51: {  	_ =	shalt  }
0x52: {  	_ =	shalt  }
0x53: {  	_ =	shalt  }
0x54: {  	_ =	shalt  }
0x55: {  	_ =	shalt  }
0x56: {  	_ =	shalt  }
0x57: {  	_ =	shalt  }
0x58: {  	_ =	shalt  }
0x59: {  	_ =	shalt  }
0x5a: {  	_ =	shalt  }
0x5b: {  	_ =	shalt  }
0x5c: {  	_ =	shalt  }
0x5d: {  	_ =	shalt  }
0x5e: {  	_ =	shalt  }
0x5f: {  	_ =	shalt  }
0x60: {  	_ =	shalt  }
0x61: {  	_ =	shalt  }
0x62: {  	_ =	shalt  }
0x63: {  	_ =	shalt  }
0x64: {  	_ =	shalt  }
0x65: {  	_ =	shalt  }
0x66: {  	_ =	shalt  }
0x67: {  	_ =	shalt  }
0x68: {  	_ =	shalt  }
0x69: {  	_ =	shalt  }
0x6a: {  	_ =	shalt  }
0x6b: {  	_ =	shalt  }
0x6c: {  	_ =	shalt  }
0x6d: {  	_ =	shalt  }
0x6e: {  	_ =	shalt  }
0x6f: {  	_ =	shalt  }
0x70: {  	_ =	shalt  }
0x71: {  	_ =	shalt  }
0x72: {  	_ =	shalt  }
0x73: {  	_ =	shalt  }
0x74: {  	_ =	shalt  }
0x75: {  	_ =	shalt  }
0x76: {  	_ =	shalt  }
0x77: {  	_ =	shalt  }
0x78: {  	_ =	shalt  }
0x79: {  	_ =	shalt  }
0x7a: {  	_ =	shalt  }
0x7b: {  	_ =	shalt  }
0x7c: {  	_ =	shalt  }
0x7d: {  	_ =	shalt  }
0x7e: {  	_ =	shalt  }
0x7f: {  	_ =	shalt  }
0x80: {  	_ =	shalt  }
0x81: {  	_ =	shalt  }
0x82: {  	_ =	shalt  }
0x83: {  	_ =	shalt  }
0x84: {  	_ =	shalt  }
0x85: {  	_ =	shalt  }
0x86: {  	_ =	shalt  }
0x87: {  	_ =	shalt  }
.Lfunc_end0:
.L_simem_size_0:
called_computation_lowered:
.L_overlay_start_0:
0x88: {  	s2 =	sld [smem:$0x3FD9]  }
0x89: {  	s3 =	sld [smem:$0x3FFE];
	_ =	sdelay $0x1  }
0x8a: {  	s1 =	srdreg.scid  }
0x8b: {  	s0 =	sand.u32 $0x1, s1  }
0x8c: {  	s17 =	sshll.u32 s0, $0xA;
	s2 =	sadd.s32 s3, s2  }
0x8d: {  	s2 =	sadd.s32 s2, s17  }
0x8e: {  	[smem:$0x3FC7] =	sst s2  }
0x8f: {  	_ = 	snop  }
0x90: {  	s2 =	sld [smem:$0x3FD0];
	(tm) =	ssettm $0x1  }
0x91: {  	s18 =	sld [smem:$0x3FFB];
	_ =	sdelay $0x3  }
0x92: {  	_ =	strace s18  }
0x93: {  	s3 =	sld [smem:$0x3FFC];
	_ =	sdelay $0x3  }
0x94: {  	_ =	strace s3  }
0x95: {  	s3 =	sld [smem:$0x3FFD];
	_ =	sdelay $0x3  }
0x96: {  	_ =	strace s3  }
0x97: {  	_ =	strace $0x8FFFFFFF  }
0x98: {  	s19 =	sld [smem:$0x3FDB];
	_ =	sdelay $0x1  }
0x99: {  	s4 =	simm.s32 $_scs_section_size  }
0x9a: {  	s5 =	simm.s32 $_size__tile_overlayer_lowered;
	s6 =	simm.s32 $_tile_overlayer_lowered  }
0x9b: {  	s22 =	simm.s32 $0x1BFF;
	s21 =	sshll.u32 s6, $0x1;
	s3 =	sadd.s32 s4, s19  }
0x9c: {  	s7 =	simm.s32 $0x0;
	s20 =	sshll.u32 s5, $0x1;
	s5 =	sadd.s32 s21, s3  }
0x9d: {  	[timem:s7], [sflag:s22] =	dma.local [hbm:s5], s20  }
0x9e: {  	_ =	swait.ge [sflag:s22], s20  }
0x9f: {  	s4 =	ssub.s32 $0x0, s20;
	[sflag:s22] =	ssyncset.done $0x0  }
0xa0: {  	[sflag:s22] =	ssyncadd.s32 s4;
	_ =	sdelay $0x1  }
0xa1: {  	s23 =	simm.s32 $0x1B8B  }
0xa2: {  	_ =	swait.ge [sflag:s23], $0x1  }
0xa3: {  	[sflag:s23] =	ssyncset.done $0x0  }
0xa4: {  	s25 =	simm.s32 $0x1B8E;
	s24 =	sld [smem:$0x3FFE];
	[sflag:s23] =	ssyncadd.s32 $0xFFFFFFFF  }
0xa5: {  	s26 =	simm.s32 $execute0_lowered;
	[smem:$0x3FD2] =	sst s25  }
0xa6: {  	s5 =	sshll.u32 s26, $0x1;
	_ =	strace $0x80000046;
	[dreg:$0x1] =	wrdreg $0xFFFFFFFF  }
0xa7: {  	s28 =	simm.s32 $_size_execute0_lowered;
	s3 =	sadd.s32 s3, s5;
	[dreg:$0x0] =	wrdreg $0x0  }
0xa8: {  	s5 =	sshll.u32 s28, $0x1;
	[dreg:$0x2] =	wrdreg s3  }
0xa9: {  	[dreg:$0x3] =	wrdreg s5  }
0xaa: {  	[dreg:$0x4] =	wrdreg $0xC0  }
0xab: {  	_ =	task [dreg:s7], $0x5FFFF  }
0xac: {  	[dreg:$0x1] =	wrdreg $0xFFFFFFFF  }
0xad: {  	[dreg:$0x0] =	wrdreg $0x60  }
0xae: {  	[dreg:$0x2] =	wrdreg s24  }
0xaf: {  	[dreg:$0x3] =	wrdreg s2  }
0xb0: {  	[dreg:$0x4] =	wrdreg $0x0  }
0xb1: {  	[dreg:$0x5] =	wrdreg $0x9  }
0xb2: {  	_ =	task.clear_ibuf [dreg:s7], $0x6FFFF;
	_ =	strace $0x90000046  }
0xb3: {  	s29 =	simm.s32 $0x9;
	_ =	strace $0x80000048  }
0xb4: {  	_ =	swait.ge [sflag:s29], $0x1  }
0xb5: {  	[sflag:s29] =	ssyncadd.s32 $0xFFFFFFFF  }
0xb6: {  	_ =	strace $0x90000048  }
0xb7: {  	_ =	sfence  }
0xb8: {  	s30 =	sld [smem:$0x0];
	_ =	sdelay $0x2  }
0xb9: {  	s31 =	sshll.u32 s1, $0xD;
	s1 =	sshrl.u32 s1, $0x2  }
0xba: {  	s3 =	sand.u32 $0x4000, s31;
	s1 =	sadd.s32 s1, s30  }
0xbb: {  	s0 =	sor.u32 s3, s0;
	s1 =	sshll.u32 s1, $0x11  }
0xbc: {  	s0 =	sor.u32 s1, s0  }
0xbd: {  	s0 =	sadd.s32 $0x8F2B, s0  }
0xbe: {  	[sflag:s0] =	ssyncadd.remote.s32 $0x1  }
0xbf: {  	_ =	sfence.sel $0xFFFF  }
0xc0: {  	[dreg:$0x0] =	wrdreg $0xFFFFFFFF;
	(pc) =	sbr.abs _section_cstart, $3  }
0xc1: {  	[dreg:$0x1] =	wrdreg $0xFFFFFFFF  }
0xc2: {  	_ =	task.clear_ibuf [dreg:s7], $0x2FFFF;
	_ =	strace $0x9FFFFFFF  }
0xc3: {  	(tm) =	ssettm $0x7FFFFFFF  }
tec
execute0_lowered:
.L_overlay_start_1:
0x0: {  	(tag) =	ssettag $0x1  }
0x1: {  	s0 =	srdreg.scid;
	s8 =	stileid.u32  }
0x2: {  	s0 =	sand.u32 $0x1, s0;
	s2 =	sshll.u32 s8, $0x1  }
0x3: {  	s2 =	sor.u32 s0, s2;
	s6 =	smul.u32 $0x80400, s0  }
0x4: {  	s1 =	rddreg [dreg:$0x0];
	s0 =	ssub.s32 $0x2, s0;
	s2 =	smul.u32 $0xF00, s2  }
0x5: {  	s3 =	rddreg [dreg:$0x2];
	s7 =	sshrl.u32 s0, $0x1  }
0x6: {  	s4 =	simm.s32 $0x0;
	s0 =	ssub.s32 s0, s7;
	s2 =	sshrl.u32 s2, $0x3  }
0x7: {  	[smem:$0x7FF] =	sst s4;
	s0 =	smax.u32 s0, $0x1;
	s2 =	sadd.s32 s2, s1  }
0x8: {  	_ =	strace $0x80000047;
	[dreg:$0x15] =	wrdreg s0;
	s12 =	sadd.s32 $0x800, s2  }
0x9: {  	s28 =	simm.s32 $0x13440;
	s13 =	sadd.s32 $0x4400, s2;
	[dreg:$0x4] =	wrdreg s12  }
0xa: {  	s29 =	simm.s32 $0x80;
	s14 =	sadd.s32 $0x8000, s2;
	[dreg:$0x5] =	wrdreg s13  }
0xb: {  	s30 =	simm.s32 $0xE440;
	s15 =	sadd.s32 $0xBC00, s2;
	[dreg:$0x6] =	wrdreg s14  }
0xc: {  	s31 =	simm.s32 $0x14140;
	s16 =	sadd.s32 $0xF800, s2;
	[dreg:$0x7] =	wrdreg s15  }
0xd: {  	s9 =	simm.s32 $0x0;
	s17 =	sadd.s32 $0x13400, s2;
	[dreg:$0x8] =	wrdreg s16  }
0xe: {  	s5 =	smul.u32 $0x8040, s8;
	s18 =	sadd.s32 $0x17000, s2;
	[dreg:$0x9] =	wrdreg s17  }
0xf: {  	s11 =	sshll.u32 s8, $0x6;
	s19 =	sadd.s32 $0x1AC00, s2;
	[dreg:$0xa] =	wrdreg s18  }
0x10: {  	s8 =	simm.s32 $0xF440;
	s20 =	sadd.s32 $0x1E800, s2;
	[dreg:$0xb] =	wrdreg s19  }
0x11: {  	v0 =	vimm.f32 $4.000000060e-01;
	s11 =	sor.u32 $0x1C01, s11;
	s21 =	sadd.s32 $0x22400, s2;
	[dreg:$0xc] =	wrdreg s20  }
0x12: {  	(erf) = vrcp.f32 v0;
	v0 =	vimm.f32 $8.000000000e+00;
	s6 =	sadd.s32 s5, s6;
	s22 =	sadd.s32 $0x26000, s2;
	[dreg:$0xd] =	wrdreg s21  }
0x13: {  	s5 =	sadd.s32 s5, s3;
	(erf) = vrcp.f32 v0;
	s23 =	sadd.s32 $0x29C00, s2;
	[dreg:$0xe] =	wrdreg s22  }
0x14: {  	s7 =	simm.s32 $0x142C0;
	s24 =	sadd.s32 $0x2D800, s2;
	[dreg:$0xf] =	wrdreg s23  }
0x15: {  	s6 =	sshrl.u32 s6, $0x3;
	s25 =	sadd.s32 $0x31400, s2;
	[dreg:$0x10] =	wrdreg s24  }
0x16: {  	s1 =	sadd.s32 s6, s1;
	s26 =	sadd.s32 $0x35000, s2;
	[dreg:$0x11] =	wrdreg s25  }
0x17: {  	s0 =	simm.s32 $0x141C0;
	s2 =	sadd.s32 $0x38C00, s2;
	[dreg:$0x12] =	wrdreg s26  }
0x18: {  	s6 =	simm.s32 $0xF040;
	s1 =	sadd.s32 $0x3C800, s1;
	[dreg:$0x13] =	wrdreg s2  }
0x19: {  	[dreg:$0x14] =	wrdreg s1;
	s12 =	sshrl.u32 s5, $0x3;
	s25 =	simm.s32 $0x1  }
0x1a: {  	s26 =	simm.s32 $0x8040;
	s20 =	simm.s32 $0x13FC0;
	s21 =	simm.s32 $0xDC40  }
0x1b: {  	v1 =	vlaneseq.u32;
	s22 =	simm.s32 $0x14040;
	s23 =	simm.s32 $0xE040;
	s5 =	simm.s32 $0x140C0;
	v0 =	vpop (erf)  }
0x1c: {  	v3 =	vimm.f32 $0.0e+00;
	v4 =	vmul.u32 $0x8, v1;
	s1 =	simm.s32 $0xE840;
	s2 =	simm.s32 $0xEC40;
	s24 =	simm.s32 $0x14240;
	v2 =	vpop (erf)  }
.LBB2_1:
0x1d: {  	s10 =	rddreg [dreg:$0x1]  }
0x1e: {  	[spmem:s12], [sflag:s11] =	dma.local [hbm:s10], $0x1008  }
0x1f: {  	_ =	swait.ge [sflag:s25], $0x1008  }
0x20: {  	[sflag:s25] =	ssyncset.done $0x0  }
0x21: {  	[sflag:s25] =	ssyncadd.s32 $0xFFFFEFF8  }
0x22: {  	[bflag:$0x0] =	sbarrier.arrive $0xFFFF  }
0x23: {  	s10 =	simm.s32 $0xF840;
	s13 =	rddreg [dreg:$0x4]  }
0x24: {  	[tilespmem:s10], [sflag:$0x1] =	stream.linear.gather [hbm4b:s13+s4], $0xF00, $0x38;
	[tilespmem:$0x14340] =	vst v63  }
0x25: {  	_ =	swait.ge [sflag:s25], $0xF00  }
0x26: {  	s18 =	smov.u32 s11;
	[sflag:s25] =	ssyncset.done $0x0  }
0x27: {  	s11 =	simm.s32 $0x10740;
	s14 =	rddreg [dreg:$0x5];
	[sflag:s25] =	ssyncadd.s32 $0xFFFFF100  }
0x28: {  	[tilespmem:s11], [sflag:$0x1] =	stream.linear.gather [hbm4b:s14+s4], $0xF00, $0x38;
	[tilespmem:$0x14340] =	vst v63  }
0x29: {  	_ =	swait.ge [sflag:s25], $0xF00  }
0x2a: {  	[sflag:s25] =	ssyncset.done $0x0  }
0x2b: {  	s15 =	simm.s32 $0x11640;
	s13 =	rddreg [dreg:$0x6];
	[sflag:s25] =	ssyncadd.s32 $0xFFFFF100  }
0x2c: {  	[tilespmem:s15], [sflag:$0x1] =	stream.linear.gather [hbm4b:s13+s4], $0xF00, $0x38;
	[tilespmem:$0x14340] =	vst v63  }
0x2d: {  	_ =	swait.ge [sflag:s25], $0xF00  }
0x2e: {  	[sflag:s25] =	ssyncset.done $0x0  }
0x2f: {  	s13 =	simm.s32 $0x12540;
	s14 =	rddreg [dreg:$0x7];
	[sflag:s25] =	ssyncadd.s32 $0xFFFFF100  }
0x30: {  	[tilespmem:s13], [sflag:$0x1] =	stream.linear.gather [hbm4b:s14+s4], $0xF00, $0x38;
	[tilespmem:$0x14340] =	vst v63  }
0x31: {  	_ =	swait.ge [sflag:s25], $0xF00  }
0x32: {  	[sflag:s25] =	ssyncset.done $0x0  }
0x33: {  	[sflag:s25] =	ssyncadd.s32 $0xFFFFF100  }
0x34: {  	v12 =	vld [tilespmem:s11+$0x0]  }
0x35: {  	v15 =	vld [tilespmem:s10+$0x0]  }
0x36: {  	v5 =	vld [tilespmem:s15+$0x0];
	_ =	sdelay $0x3  }
0x37: {  	v7 =	vadd.f32 $5.120000080e+01, v12;
	v8 =	vadd.f32 $5.120000080e+01, v15  }
0x38: {  	v9 =	vadd.f32 $5.000000000e+00, v5  }
0x39: {  	v6 =	vmov s4;
	v11 =	vmul.f32 v7, v0;
	v13 =	vmul.f32 v8, v0  }
0x3a: {  	v6 =	vshll.u32 v6, $0x3;
	v14 =	vmul.f32 v9, v2  }
0x3b: {  	vm0 =	vge.f32 v13, $0.0e+00;
	vm1 =	vge.f32 v11, $0.0e+00;
	vm2 =	vlt.f32 v13, $2.560000000e+02  }
0x3c: {  	vm0 =	vmand vm0, vm1;
	vm1 =	vlt.f32 v11, $2.560000000e+02;
	v11 =	vtrunc.f32 v11  }
0x3d: {  	v10 =	vor.u32 v4, v6;
	vm0 =	vmand vm0, vm2;
	v11 =	vcvt.f32.s32 v11  }
0x3e: {  	v9 =	vor.u32 $0x1, v10;
	vm0 =	vmand vm1, vm0;
	vm1 =	vge.f32 v14, $0.0e+00  }
0x3f: {  	s16 =	simm.s32 $0x0;
	vm0 =	vmand vm1, vm0;
	vm1 =	vlt.f32 v14, $1.000000000e+00;
	v14 =	vshll.u32 v11, $0x8;
	v11 =	vld [tilespmem:s13+$0x0]  }
0x40: {  	s17 =	sand.u32 $0x70, s4;
	v6 =	vor.u32 $0x2, v10;
	s15 =	sand.u32 $0xFFFFFF80, s16;
	v7 =	vor.u32 $0x3, v10;
	v13 =	vtrunc.f32 v13  }
0x41: {  	s19 =	smov.u32 s12;
	s12 =	simm.s32 $0x1;
	s14 =	sor.u32 s17, s15;
	v8 =	vor.u32 $0x4, v10;
	v13 =	vcvt.f32.s32 v13;
	vm0 =	vmand vm1, vm0  }
0x42: {  	s15 =	simm.s32 $0x0;
	s13 =	simm.s32 $0x11650;
	v16 =	vnsel vm0, $0x0, v15;
	v15 =	vnsel vm0, $0x0, v12;
	v12 =	vor.u32 s14, v1;
	s14 =	simm.s32 $0x12550  }
.LBB2_2:
0x43: {  	[tilespmem:v10+s26+$0x0] =	vst.idx.msk $0xffff, v16;
	v5 =	vnsel vm0, $0x0, v5;
	s15 =	sadd.s32 $0x10, s15;
	s10 =	sadd.s32 $0x10, s10;
	s11 =	sadd.s32 $0x10, s11  }
0x44: {  	p0 =	sne.s32 s12, $0xEF;
	s16 =	smov.u32 s12;
	s12 =	sadd.s32 $0x1, s12;
	[tilespmem:v9+s26+$0x0] =	vst.idx.msk $0xffff, v15;
	v9 =	vnsel vm0, $0x0, v11  }
0x45: {  	v10 =	vadd.s32 v13, v14;
	[tilespmem:v6+s26+$0x0] =	vst.idx.msk $0xffff, v5;
	v5 =	vsel vm0, $0x3F800000, v3  }
0x46: {  	v6 =	vnsel vm0, $0x10000, v10;
	[tilespmem:v7+s26+$0x0] =	vst.idx.msk $0xffff, v9  }
0x47: {  	[tilespmem:v8+s26+$0x0] =	vst.idx.msk $0xffff, v5  }
0x48: {  	[tilespmem:v12+s28+$0x0] =	vst.idx.msk $0xffff, v6  }
0x49: {  	v12 =	vld [tilespmem:s11+$0x0]  }
0x4a: {  	v15 =	vld [tilespmem:s10+$0x0]  }
0x4b: {  	v5 =	vld [tilespmem:s13+$0x0];
	_ =	sdelay $0x1  }
0x4c: {  	v6 =	vmov s15  }
0x4d: {  	v7 =	vadd.f32 $5.120000080e+01, v12  }
0x4e: {  	v8 =	vadd.f32 $5.120000080e+01, v15  }
0x4f: {  	v6 =	vshll.u32 v6, $0x3;
	v11 =	vmul.f32 v7, v0;
	v7 =	vadd.f32 $5.000000000e+00, v5  }
0x50: {  	v10 =	vor.u32 v4, v6;
	v13 =	vmul.f32 v8, v0  }
0x51: {  	v9 =	vor.u32 $0x1, v10;
	v6 =	vor.u32 $0x2, v10;
	v14 =	vmul.f32 v7, v2  }
0x52: {  	vm1 =	vge.f32 v11, $0.0e+00;
	v7 =	vor.u32 $0x3, v10;
	vm0 =	vge.f32 v13, $0.0e+00  }
0x53: {  	v8 =	vor.u32 $0x4, v10;
	vm2 =	vlt.f32 v13, $2.560000000e+02;
	vm0 =	vmand vm0, vm1  }
.Ltmp0:
0x54: {  	v16 =	vtrunc.f32 v11;
	vm1 =	vlt.f32 v11, $2.560000000e+02;
	vm0 =	vmand vm0, vm2;
	(pc) =	sbr.rel @p0 .LBB2_2-.Ltmp0, $4  }
0x55: {  	s16 =	sshll.u32 s16, $0x4;
	v16 =	vcvt.f32.s32 v16;
	v11 =	vld [tilespmem:s14+$0x0];
	vm0 =	vmand vm1, vm0;
	vm1 =	vge.f32 v14, $0.0e+00  }
0x56: {  	s17 =	sand.u32 $0x70, s15;
	s16 =	sand.u32 $0xFFFFFF80, s16;
	v13 =	vtrunc.f32 v13;
	vm0 =	vmand vm1, vm0;
	vm1 =	vlt.f32 v14, $1.000000000e+00  }
0x57: {  	s16 =	sor.u32 s17, s16;
	v13 =	vcvt.f32.s32 v13;
	v14 =	vshll.u32 v16, $0x8;
	vm0 =	vmand vm1, vm0  }
0x58: {  	s13 =	sadd.s32 $0x10, s13;
	s14 =	sadd.s32 $0x10, s14;
	v16 =	vnsel vm0, $0x0, v15;
	v15 =	vnsel vm0, $0x0, v12;
	v12 =	vor.u32 s16, v1  }
0x59: {  	_ =	sdelay $0x3  }
0x5a: {  	[tilespmem:v10+s26+$0x0] =	vst.idx.msk $0xffff, v16  }
0x5b: {  	v5 =	vnsel vm0, $0x0, v5;
	[tilespmem:v9+s26+$0x0] =	vst.idx.msk $0xffff, v15  }
0x5c: {  	v9 =	vnsel vm0, $0x0, v11;
	[tilespmem:v6+s26+$0x0] =	vst.idx.msk $0xffff, v5  }
0x5d: {  	v5 =	vadd.s32 v13, v14;
	v6 =	vsel vm0, $0x3F800000, v3;
	[tilespmem:v7+s26+$0x0] =	vst.idx.msk $0xffff, v9  }
0x5e: {  	v5 =	vnsel vm0, $0x10000, v5;
	[tilespmem:v8+s26+$0x0] =	vst.idx.msk $0xffff, v6  }
0x5f: {  	[tilespmem:v12+s28+$0x0] =	vst.idx.msk $0xffff, v5  }
0x60: {  	[spmem:s3] =	stream.indirect.scatter.add.f32 [tilespmem:s26], [sflag:$0x1], $0x8, s28, s29, $0xb8;
	[tilespmem:$0x14340] =	vst v63  }
0x61: {  	_ =	swait.ge [sflag:s25], $0x400  }
0x62: {  	[sflag:s25] =	ssyncset.done $0x0  }
0x63: {  	s10 =	simm.s32 $0x134C0;
	s11 =	simm.s32 $0x8440;
	[sflag:s25] =	ssyncadd.s32 $0xFFFFFC00  }
0x64: {  	[spmem:s3] =	stream.indirect.scatter.add.f32 [tilespmem:s11], [sflag:$0x1], $0x8, s10, s29, $0xb8;
	[tilespmem:$0x14340] =	vst v63  }
0x65: {  	_ =	swait.ge [sflag:s25], $0x400  }
0x66: {  	[sflag:s25] =	ssyncset.done $0x0  }
0x67: {  	s12 =	simm.s32 $0x13540;
	s13 =	simm.s32 $0x8840;
	[sflag:s25] =	ssyncadd.s32 $0xFFFFFC00  }
0x68: {  	[spmem:s3] =	stream.indirect.scatter.add.f32 [tilespmem:s13], [sflag:$0x1], $0x8, s12, s29, $0xb8;
	[tilespmem:$0x14340] =	vst v63  }
0x69: {  	_ =	swait.ge [sflag:s25], $0x400  }
0x6a: {  	[sflag:s25] =	ssyncset.done $0x0  }
0x6b: {  	s14 =	simm.s32 $0x135C0;
	s15 =	simm.s32 $0x8C40;
	[sflag:s25] =	ssyncadd.s32 $0xFFFFFC00  }
0x6c: {  	[spmem:s3] =	stream.indirect.scatter.add.f32 [tilespmem:s15], [sflag:$0x1], $0x8, s14, s29, $0xb8;
	[tilespmem:$0x14340] =	vst v63  }
0x6d: {  	_ =	swait.ge [sflag:s25], $0x400  }
0x6e: {  	[sflag:s25] =	ssyncset.done $0x0  }
0x6f: {  	s16 =	simm.s32 $0x13640;
	s17 =	simm.s32 $0x9040;
	[sflag:s25] =	ssyncadd.s32 $0xFFFFFC00  }
0x70: {  	[spmem:s3] =	stream.indirect.scatter.add.f32 [tilespmem:s17], [sflag:$0x1], $0x8, s16, s29, $0xb8;
	[tilespmem:$0x14340] =	vst v63  }
0x71: {  	_ =	swait.ge [sflag:s25], $0x400  }
0x72: {  	[sflag:s25] =	ssyncset.done $0x0  }
0x73: {  	s12 =	simm.s32 $0x136C0;
	s13 =	simm.s32 $0x9440;
	[sflag:s25] =	ssyncadd.s32 $0xFFFFFC00  }
0x74: {  	[spmem:s3] =	stream.indirect.scatter.add.f32 [tilespmem:s13], [sflag:$0x1], $0x8, s12, s29, $0xb8;
	[tilespmem:$0x14340] =	vst v63  }
0x75: {  	_ =	swait.ge [sflag:s25], $0x400  }
0x76: {  	[sflag:s25] =	ssyncset.done $0x0  }
0x77: {  	s14 =	simm.s32 $0x13740;
	s15 =	simm.s32 $0x9840;
	[sflag:s25] =	ssyncadd.s32 $0xFFFFFC00  }
0x78: {  	[spmem:s3] =	stream.indirect.scatter.add.f32 [tilespmem:s15], [sflag:$0x1], $0x8, s14, s29, $0xb8;
	[tilespmem:$0x14340] =	vst v63  }
0x79: {  	_ =	swait.ge [sflag:s25], $0x400  }
0x7a: {  	[sflag:s25] =	ssyncset.done $0x0  }
0x7b: {  	s16 =	simm.s32 $0x137C0;
	s17 =	simm.s32 $0x9C40;
	[sflag:s25] =	ssyncadd.s32 $0xFFFFFC00  }
0x7c: {  	[spmem:s3] =	stream.indirect.scatter.add.f32 [tilespmem:s17], [sflag:$0x1], $0x8, s16, s29, $0xb8;
	[tilespmem:$0x14340] =	vst v63  }
0x7d: {  	_ =	swait.ge [sflag:s25], $0x400  }
0x7e: {  	[sflag:s25] =	ssyncset.done $0x0  }
0x7f: {  	s12 =	simm.s32 $0x13840;
	s13 =	simm.s32 $0xA040;
	[sflag:s25] =	ssyncadd.s32 $0xFFFFFC00  }
0x80: {  	[spmem:s3] =	stream.indirect.scatter.add.f32 [tilespmem:s13], [sflag:$0x1], $0x8, s12, s29, $0xb8;
	[tilespmem:$0x14340] =	vst v63  }
0x81: {  	_ =	swait.ge [sflag:s25], $0x400  }
0x82: {  	[sflag:s25] =	ssyncset.done $0x0  }
0x83: {  	s14 =	simm.s32 $0x138C0;
	s15 =	simm.s32 $0xA440;
	[sflag:s25] =	ssyncadd.s32 $0xFFFFFC00  }
0x84: {  	[spmem:s3] =	stream.indirect.scatter.add.f32 [tilespmem:s15], [sflag:$0x1], $0x8, s14, s29, $0xb8;
	[tilespmem:$0x14340] =	vst v63  }
0x85: {  	_ =	swait.ge [sflag:s25], $0x400  }
0x86: {  	[sflag:s25] =	ssyncset.done $0x0  }
0x87: {  	s16 =	simm.s32 $0x13940;
	s17 =	simm.s32 $0xA840;
	[sflag:s25] =	ssyncadd.s32 $0xFFFFFC00  }
0x88: {  	[spmem:s3] =	stream.indirect.scatter.add.f32 [tilespmem:s17], [sflag:$0x1], $0x8, s16, s29, $0xb8;
	[tilespmem:$0x14340] =	vst v63  }
0x89: {  	_ =	swait.ge [sflag:s25], $0x400  }
0x8a: {  	[sflag:s25] =	ssyncset.done $0x0  }
0x8b: {  	s12 =	simm.s32 $0x139C0;
	s13 =	simm.s32 $0xAC40;
	[sflag:s25] =	ssyncadd.s32 $0xFFFFFC00  }
0x8c: {  	[spmem:s3] =	stream.indirect.scatter.add.f32 [tilespmem:s13], [sflag:$0x1], $0x8, s12, s29, $0xb8;
	[tilespmem:$0x14340] =	vst v63  }
0x8d: {  	_ =	swait.ge [sflag:s25], $0x400  }
0x8e: {  	[sflag:s25] =	ssyncset.done $0x0  }
0x8f: {  	s14 =	simm.s32 $0x13A40;
	s15 =	simm.s32 $0xB040;
	[sflag:s25] =	ssyncadd.s32 $0xFFFFFC00  }
0x90: {  	[spmem:s3] =	stream.indirect.scatter.add.f32 [tilespmem:s15], [sflag:$0x1], $0x8, s14, s29, $0xb8;
	[tilespmem:$0x14340] =	vst v63  }
0x91: {  	_ =	swait.ge [sflag:s25], $0x400  }
0x92: {  	[sflag:s25] =	ssyncset.done $0x0  }
0x93: {  	s16 =	simm.s32 $0x13AC0;
	s17 =	simm.s32 $0xB440;
	[sflag:s25] =	ssyncadd.s32 $0xFFFFFC00  }
0x94: {  	[spmem:s3] =	stream.indirect.scatter.add.f32 [tilespmem:s17], [sflag:$0x1], $0x8, s16, s29, $0xb8;
	[tilespmem:$0x14340] =	vst v63  }
0x95: {  	_ =	swait.ge [sflag:s25], $0x400  }
0x96: {  	[sflag:s25] =	ssyncset.done $0x0  }
0x97: {  	s12 =	simm.s32 $0x13B40;
	s13 =	simm.s32 $0xB840;
	[sflag:s25] =	ssyncadd.s32 $0xFFFFFC00  }
0x98: {  	[spmem:s3] =	stream.indirect.scatter.add.f32 [tilespmem:s13], [sflag:$0x1], $0x8, s12, s29, $0xb8;
	[tilespmem:$0x14340] =	vst v63  }
0x99: {  	_ =	swait.ge [sflag:s25], $0x400  }
0x9a: {  	[sflag:s25] =	ssyncset.done $0x0  }
0x9b: {  	s14 =	simm.s32 $0x13BC0;
	s15 =	simm.s32 $0xBC40;
	[sflag:s25] =	ssyncadd.s32 $0xFFFFFC00  }
0x9c: {  	[spmem:s3] =	stream.indirect.scatter.add.f32 [tilespmem:s15], [sflag:$0x1], $0x8, s14, s29, $0xb8;
	[tilespmem:$0x14340] =	vst v63  }
0x9d: {  	_ =	swait.ge [sflag:s25], $0x400  }
0x9e: {  	[sflag:s25] =	ssyncset.done $0x0  }
0x9f: {  	s16 =	simm.s32 $0x13C40;
	s17 =	simm.s32 $0xC040;
	[sflag:s25] =	ssyncadd.s32 $0xFFFFFC00  }
0xa0: {  	[spmem:s3] =	stream.indirect.scatter.add.f32 [tilespmem:s17], [sflag:$0x1], $0x8, s16, s29, $0xb8;
	[tilespmem:$0x14340] =	vst v63  }
0xa1: {  	_ =	swait.ge [sflag:s25], $0x400  }
0xa2: {  	[sflag:s25] =	ssyncset.done $0x0  }
0xa3: {  	s12 =	simm.s32 $0x13CC0;
	s13 =	simm.s32 $0xC440;
	[sflag:s25] =	ssyncadd.s32 $0xFFFFFC00  }
0xa4: {  	[spmem:s3] =	stream.indirect.scatter.add.f32 [tilespmem:s13], [sflag:$0x1], $0x8, s12, s29, $0xb8;
	[tilespmem:$0x14340] =	vst v63  }
0xa5: {  	_ =	swait.ge [sflag:s25], $0x400  }
0xa6: {  	[sflag:s25] =	ssyncset.done $0x0  }
0xa7: {  	s14 =	simm.s32 $0x13D40;
	s15 =	simm.s32 $0xC840;
	[sflag:s25] =	ssyncadd.s32 $0xFFFFFC00  }
0xa8: {  	[spmem:s3] =	stream.indirect.scatter.add.f32 [tilespmem:s15], [sflag:$0x1], $0x8, s14, s29, $0xb8;
	[tilespmem:$0x14340] =	vst v63  }
0xa9: {  	_ =	swait.ge [sflag:s25], $0x400  }
0xaa: {  	[sflag:s25] =	ssyncset.done $0x0  }
0xab: {  	s16 =	simm.s32 $0x13DC0;
	s17 =	simm.s32 $0xCC40;
	[sflag:s25] =	ssyncadd.s32 $0xFFFFFC00  }
0xac: {  	[spmem:s3] =	stream.indirect.scatter.add.f32 [tilespmem:s17], [sflag:$0x1], $0x8, s16, s29, $0xb8;
	[tilespmem:$0x14340] =	vst v63  }
0xad: {  	_ =	swait.ge [sflag:s25], $0x400  }
0xae: {  	[sflag:s25] =	ssyncset.done $0x0  }
0xaf: {  	s11 =	simm.s32 $0x13E40;
	s12 =	simm.s32 $0xD040;
	[sflag:s25] =	ssyncadd.s32 $0xFFFFFC00  }
0xb0: {  	[spmem:s3] =	stream.indirect.scatter.add.f32 [tilespmem:s12], [sflag:$0x1], $0x8, s11, s29, $0xb8;
	[tilespmem:$0x14340] =	vst v63  }
0xb1: {  	_ =	swait.ge [sflag:s25], $0x400  }
0xb2: {  	[sflag:s25] =	ssyncset.done $0x0  }
0xb3: {  	s13 =	simm.s32 $0x13EC0;
	s14 =	simm.s32 $0xD440;
	[sflag:s25] =	ssyncadd.s32 $0xFFFFFC00  }
0xb4: {  	[spmem:s3] =	stream.indirect.scatter.add.f32 [tilespmem:s14], [sflag:$0x1], $0x8, s13, s29, $0xb8;
	[tilespmem:$0x14340] =	vst v63  }
0xb5: {  	_ =	swait.ge [sflag:s25], $0x400  }
0xb6: {  	[sflag:s25] =	ssyncset.done $0x0  }
0xb7: {  	s15 =	simm.s32 $0x13F40;
	s16 =	simm.s32 $0xD840;
	[sflag:s25] =	ssyncadd.s32 $0xFFFFFC00  }
0xb8: {  	[spmem:s3] =	stream.indirect.scatter.add.f32 [tilespmem:s16], [sflag:$0x1], $0x8, s15, s29, $0xb8;
	[tilespmem:$0x14340] =	vst v63  }
0xb9: {  	_ =	swait.ge [sflag:s25], $0x400  }
0xba: {  	[sflag:s25] =	ssyncset.done $0x0  }
0xbb: {  	[sflag:s25] =	ssyncadd.s32 $0xFFFFFC00  }
0xbc: {  	[spmem:s3] =	stream.indirect.scatter.add.f32 [tilespmem:s21], [sflag:$0x1], $0x8, s20, s29, $0xb8;
	[tilespmem:$0x14340] =	vst v63  }
0xbd: {  	_ =	swait.ge [sflag:s25], $0x400  }
0xbe: {  	[sflag:s25] =	ssyncset.done $0x0  }
0xbf: {  	[sflag:s25] =	ssyncadd.s32 $0xFFFFFC00  }
0xc0: {  	[spmem:s3] =	stream.indirect.scatter.add.f32 [tilespmem:s23], [sflag:$0x1], $0x8, s22, s29, $0xb8;
	[tilespmem:$0x14340] =	vst v63  }
0xc1: {  	_ =	swait.ge [sflag:s25], $0x400  }
0xc2: {  	[sflag:s25] =	ssyncset.done $0x0  }
0xc3: {  	[sflag:s25] =	ssyncadd.s32 $0xFFFFFC00  }
0xc4: {  	[spmem:s3] =	stream.indirect.scatter.add.f32 [tilespmem:s30], [sflag:$0x1], $0x8, s5, s29, $0xb8;
	[tilespmem:$0x14340] =	vst v63  }
0xc5: {  	_ =	swait.ge [sflag:s25], $0x400  }
0xc6: {  	[sflag:s25] =	ssyncset.done $0x0  }
0xc7: {  	[sflag:s25] =	ssyncadd.s32 $0xFFFFFC00  }
0xc8: {  	[spmem:s3] =	stream.indirect.scatter.add.f32 [tilespmem:s1], [sflag:$0x1], $0x8, s31, s29, $0xb8;
	[tilespmem:$0x14340] =	vst v63  }
0xc9: {  	_ =	swait.ge [sflag:s25], $0x400  }
0xca: {  	[sflag:s25] =	ssyncset.done $0x0  }
0xcb: {  	[sflag:s25] =	ssyncadd.s32 $0xFFFFFC00  }
0xcc: {  	[spmem:s3] =	stream.indirect.scatter.add.f32 [tilespmem:s2], [sflag:$0x1], $0x8, s0, s29, $0xb8;
	[tilespmem:$0x14340] =	vst v63  }
0xcd: {  	_ =	swait.ge [sflag:s25], $0x400  }
0xce: {  	[sflag:s25] =	ssyncset.done $0x0  }
0xcf: {  	[sflag:s25] =	ssyncadd.s32 $0xFFFFFC00  }
0xd0: {  	[spmem:s3] =	stream.indirect.scatter.add.f32 [tilespmem:s6], [sflag:$0x1], $0x8, s24, s29, $0xb8;
	[tilespmem:$0x14340] =	vst v63  }
0xd1: {  	_ =	swait.ge [sflag:s25], $0x400  }
0xd2: {  	[sflag:s25] =	ssyncset.done $0x0  }
0xd3: {  	[sflag:s25] =	ssyncadd.s32 $0xFFFFFC00  }
0xd4: {  	[spmem:s3] =	stream.indirect.scatter.add.f32 [tilespmem:s8], [sflag:$0x1], $0x8, s7, s29, $0xb8;
	[tilespmem:$0x14340] =	vst v63  }
0xd5: {  	_ =	swait.ge [sflag:s25], $0x400  }
0xd6: {  	s10 =	simm.s32 $0x0;
	[sflag:s25] =	ssyncset.done $0x0  }
0xd7: {  	s11 =	simm.s32 $0xF840;
	s12 =	rddreg [dreg:$0x8];
	[sflag:s25] =	ssyncadd.s32 $0xFFFFFC00  }
0xd8: {  	[tilespmem:s11], [sflag:$0x1] =	stream.linear.gather [hbm4b:s12+s10], $0xF00, $0x38;
	[tilespmem:$0x14340] =	vst v63  }
0xd9: {  	_ =	swait.ge [sflag:s25], $0xF00  }
0xda: {  	[sflag:s25] =	ssyncset.done $0x0  }
0xdb: {  	s12 =	simm.s32 $0x10740;
	s13 =	rddreg [dreg:$0x9];
	[sflag:s25] =	ssyncadd.s32 $0xFFFFF100  }
0xdc: {  	[tilespmem:s12], [sflag:$0x1] =	stream.linear.gather [hbm4b:s13+s10], $0xF00, $0x38;
	[tilespmem:$0x14340] =	vst v63  }
0xdd: {  	_ =	swait.ge [sflag:s25], $0xF00  }
0xde: {  	[sflag:s25] =	ssyncset.done $0x0  }
0xdf: {  	s17 =	simm.s32 $0x11640;
	s14 =	rddreg [dreg:$0xa];
	[sflag:s25] =	ssyncadd.s32 $0xFFFFF100  }
0xe0: {  	[tilespmem:s17], [sflag:$0x1] =	stream.linear.gather [hbm4b:s14+s10], $0xF00, $0x38;
	[tilespmem:$0x14340] =	vst v63  }
0xe1: {  	_ =	swait.ge [sflag:s25], $0xF00  }
0xe2: {  	[sflag:s25] =	ssyncset.done $0x0  }
0xe3: {  	s14 =	simm.s32 $0x12540;
	s15 =	rddreg [dreg:$0xb];
	[sflag:s25] =	ssyncadd.s32 $0xFFFFF100  }
0xe4: {  	[tilespmem:s14], [sflag:$0x1] =	stream.linear.gather [hbm4b:s15+s10], $0xF00, $0x38;
	[tilespmem:$0x14340] =	vst v63  }
0xe5: {  	_ =	swait.ge [sflag:s25], $0xF00  }
0xe6: {  	[sflag:s25] =	ssyncset.done $0x0  }
0xe7: {  	[sflag:s25] =	ssyncadd.s32 $0xFFFFF100  }
0xe8: {  	v12 =	vld [tilespmem:s12+$0x0]  }
0xe9: {  	v15 =	vld [tilespmem:s11+$0x0]  }
0xea: {  	v5 =	vld [tilespmem:s17+$0x0];
	_ =	sdelay $0x3  }
0xeb: {  	v7 =	vadd.f32 $5.120000080e+01, v12;
	v8 =	vadd.f32 $5.120000080e+01, v15  }
0xec: {  	v9 =	vadd.f32 $5.000000000e+00, v5  }
0xed: {  	v6 =	vmov s10;
	v11 =	vmul.f32 v7, v0;
	v13 =	vmul.f32 v8, v0  }
0xee: {  	v6 =	vshll.u32 v6, $0x3;
	v14 =	vmul.f32 v9, v2  }
0xef: {  	vm0 =	vge.f32 v13, $0.0e+00;
	vm1 =	vge.f32 v11, $0.0e+00;
	vm2 =	vlt.f32 v13, $2.560000000e+02  }
0xf0: {  	vm0 =	vmand vm0, vm1;
	vm1 =	vlt.f32 v11, $2.560000000e+02;
	v11 =	vtrunc.f32 v11  }
0xf1: {  	v10 =	vor.u32 v4, v6;
	vm0 =	vmand vm0, vm2;
	v11 =	vcvt.f32.s32 v11  }
0xf2: {  	v9 =	vor.u32 $0x1, v10;
	vm0 =	vmand vm1, vm0;
	vm1 =	vge.f32 v14, $0.0e+00  }
0xf3: {  	s16 =	simm.s32 $0x0;
	vm0 =	vmand vm1, vm0;
	vm1 =	vlt.f32 v14, $1.000000000e+00;
	v14 =	vshll.u32 v11, $0x8;
	v11 =	vld [tilespmem:s14+$0x0]  }
0xf4: {  	v6 =	vor.u32 $0x2, v10;
	s13 =	sand.u32 $0xFFFFFF80, s16;
	s17 =	sand.u32 $0x70, s10;
	v7 =	vor.u32 $0x3, v10;
	v13 =	vtrunc.f32 v13  }
0xf5: {  	s15 =	sor.u32 s17, s13;
	v8 =	vor.u32 $0x4, v10;
	v13 =	vcvt.f32.s32 v13;
	vm0 =	vmand vm1, vm0  }
0xf6: {  	s13 =	simm.s32 $0x1;
	s14 =	simm.s32 $0x11650;
	v16 =	vnsel vm0, $0x0, v15;
	v15 =	vnsel vm0, $0x0, v12;
	v12 =	vor.u32 s15, v1;
	s15 =	simm.s32 $0x12550  }
.LBB2_4:
0xf7: {  	[tilespmem:v10+s26+$0x0] =	vst.idx.msk $0xffff, v16;
	v5 =	vnsel vm0, $0x0, v5;
	s10 =	sadd.s32 $0x10, s10;
	s11 =	sadd.s32 $0x10, s11;
	s12 =	sadd.s32 $0x10, s12  }
0xf8: {  	p0 =	sne.s32 s13, $0xEF;
	s16 =	smov.u32 s13;
	s13 =	sadd.s32 $0x1, s13;
	[tilespmem:v9+s26+$0x0] =	vst.idx.msk $0xffff, v15;
	v9 =	vnsel vm0, $0x0, v11  }
0xf9: {  	v10 =	vadd.s32 v13, v14;
	[tilespmem:v6+s26+$0x0] =	vst.idx.msk $0xffff, v5;
	v5 =	vsel vm0, $0x3F800000, v3  }
0xfa: {  	v6 =	vnsel vm0, $0x10000, v10;
	[tilespmem:v7+s26+$0x0] =	vst.idx.msk $0xffff, v9  }
0xfb: {  	[tilespmem:v8+s26+$0x0] =	vst.idx.msk $0xffff, v5  }
0xfc: {  	[tilespmem:v12+s28+$0x0] =	vst.idx.msk $0xffff, v6  }
0xfd: {  	v12 =	vld [tilespmem:s12+$0x0]  }
0xfe: {  	v15 =	vld [tilespmem:s11+$0x0]  }
0xff: {  	v5 =	vld [tilespmem:s14+$0x0];
	_ =	sdelay $0x1  }
0x100: {  	v6 =	vmov s10  }
0x101: {  	v7 =	vadd.f32 $5.120000080e+01, v12  }
0x102: {  	v8 =	vadd.f32 $5.120000080e+01, v15  }
0x103: {  	v6 =	vshll.u32 v6, $0x3;
	v11 =	vmul.f32 v7, v0;
	v7 =	vadd.f32 $5.000000000e+00, v5  }
0x104: {  	v10 =	vor.u32 v4, v6;
	v13 =	vmul.f32 v8, v0  }
0x105: {  	v9 =	vor.u32 $0x1, v10;
	v6 =	vor.u32 $0x2, v10;
	v14 =	vmul.f32 v7, v2  }
0x106: {  	vm1 =	vge.f32 v11, $0.0e+00;
	v7 =	vor.u32 $0x3, v10;
	vm0 =	vge.f32 v13, $0.0e+00  }
0x107: {  	v8 =	vor.u32 $0x4, v10;
	vm2 =	vlt.f32 v13, $2.560000000e+02;
	vm0 =	vmand vm0, vm1  }
.Ltmp1:
0x108: {  	v16 =	vtrunc.f32 v11;
	vm1 =	vlt.f32 v11, $2.560000000e+02;
	vm0 =	vmand vm0, vm2;
	(pc) =	sbr.rel @p0 .LBB2_4-.Ltmp1, $4  }
0x109: {  	s16 =	sshll.u32 s16, $0x4;
	v16 =	vcvt.f32.s32 v16;
	v11 =	vld [tilespmem:s15+$0x0];
	vm0 =	vmand vm1, vm0;
	vm1 =	vge.f32 v14, $0.0e+00  }
0x10a: {  	s17 =	sand.u32 $0x70, s10;
	s16 =	sand.u32 $0xFFFFFF80, s16;
	v13 =	vtrunc.f32 v13;
	vm0 =	vmand vm1, vm0;
	vm1 =	vlt.f32 v14, $1.000000000e+00  }
0x10b: {  	s16 =	sor.u32 s17, s16;
	v13 =	vcvt.f32.s32 v13;
	v14 =	vshll.u32 v16, $0x8;
	vm0 =	vmand vm1, vm0  }
0x10c: {  	s14 =	sadd.s32 $0x10, s14;
	s15 =	sadd.s32 $0x10, s15;
	v16 =	vnsel vm0, $0x0, v15;
	v15 =	vnsel vm0, $0x0, v12;
	v12 =	vor.u32 s16, v1  }
0x10d: {  	_ =	sdelay $0x3  }
0x10e: {  	[tilespmem:v10+s26+$0x0] =	vst.idx.msk $0xffff, v16  }
0x10f: {  	v5 =	vnsel vm0, $0x0, v5;
	[tilespmem:v9+s26+$0x0] =	vst.idx.msk $0xffff, v15  }
0x110: {  	v9 =	vnsel vm0, $0x0, v11;
	[tilespmem:v6+s26+$0x0] =	vst.idx.msk $0xffff, v5  }
0x111: {  	v5 =	vadd.s32 v13, v14;
	v6 =	vsel vm0, $0x3F800000, v3;
	[tilespmem:v7+s26+$0x0] =	vst.idx.msk $0xffff, v9  }
0x112: {  	v5 =	vnsel vm0, $0x10000, v5;
	[tilespmem:v8+s26+$0x0] =	vst.idx.msk $0xffff, v6  }
0x113: {  	[tilespmem:v12+s28+$0x0] =	vst.idx.msk $0xffff, v5  }
0x114: {  	[spmem:s3] =	stream.indirect.scatter.add.f32 [tilespmem:s26], [sflag:$0x1], $0x8, s28, s29, $0xb8;
	[tilespmem:$0x14340] =	vst v63  }
0x115: {  	_ =	swait.ge [sflag:s25], $0x400  }
0x116: {  	[sflag:s25] =	ssyncset.done $0x0  }
0x117: {  	s10 =	simm.s32 $0x134C0;
	s11 =	simm.s32 $0x8440;
	[sflag:s25] =	ssyncadd.s32 $0xFFFFFC00  }
0x118: {  	[spmem:s3] =	stream.indirect.scatter.add.f32 [tilespmem:s11], [sflag:$0x1], $0x8, s10, s29, $0xb8;
	[tilespmem:$0x14340] =	vst v63  }
0x119: {  	_ =	swait.ge [sflag:s25], $0x400  }
0x11a: {  	[sflag:s25] =	ssyncset.done $0x0  }
0x11b: {  	s12 =	simm.s32 $0x13540;
	s13 =	simm.s32 $0x8840;
	[sflag:s25] =	ssyncadd.s32 $0xFFFFFC00  }
0x11c: {  	[spmem:s3] =	stream.indirect.scatter.add.f32 [tilespmem:s13], [sflag:$0x1], $0x8, s12, s29, $0xb8;
	[tilespmem:$0x14340] =	vst v63  }
0x11d: {  	_ =	swait.ge [sflag:s25], $0x400  }
0x11e: {  	[sflag:s25] =	ssyncset.done $0x0  }
0x11f: {  	s14 =	simm.s32 $0x135C0;
	s15 =	simm.s32 $0x8C40;
	[sflag:s25] =	ssyncadd.s32 $0xFFFFFC00  }
0x120: {  	[spmem:s3] =	stream.indirect.scatter.add.f32 [tilespmem:s15], [sflag:$0x1], $0x8, s14, s29, $0xb8;
	[tilespmem:$0x14340] =	vst v63  }
0x121: {  	_ =	swait.ge [sflag:s25], $0x400  }
0x122: {  	[sflag:s25] =	ssyncset.done $0x0  }
0x123: {  	s16 =	simm.s32 $0x13640;
	s17 =	simm.s32 $0x9040;
	[sflag:s25] =	ssyncadd.s32 $0xFFFFFC00  }
0x124: {  	[spmem:s3] =	stream.indirect.scatter.add.f32 [tilespmem:s17], [sflag:$0x1], $0x8, s16, s29, $0xb8;
	[tilespmem:$0x14340] =	vst v63  }
0x125: {  	_ =	swait.ge [sflag:s25], $0x400  }
0x126: {  	[sflag:s25] =	ssyncset.done $0x0  }
0x127: {  	s12 =	simm.s32 $0x136C0;
	s13 =	simm.s32 $0x9440;
	[sflag:s25] =	ssyncadd.s32 $0xFFFFFC00  }
0x128: {  	[spmem:s3] =	stream.indirect.scatter.add.f32 [tilespmem:s13], [sflag:$0x1], $0x8, s12, s29, $0xb8;
	[tilespmem:$0x14340] =	vst v63  }
0x129: {  	_ =	swait.ge [sflag:s25], $0x400  }
0x12a: {  	[sflag:s25] =	ssyncset.done $0x0  }
0x12b: {  	s14 =	simm.s32 $0x13740;
	s15 =	simm.s32 $0x9840;
	[sflag:s25] =	ssyncadd.s32 $0xFFFFFC00  }
0x12c: {  	[spmem:s3] =	stream.indirect.scatter.add.f32 [tilespmem:s15], [sflag:$0x1], $0x8, s14, s29, $0xb8;
	[tilespmem:$0x14340] =	vst v63  }
0x12d: {  	_ =	swait.ge [sflag:s25], $0x400  }
0x12e: {  	[sflag:s25] =	ssyncset.done $0x0  }
0x12f: {  	s16 =	simm.s32 $0x137C0;
	s17 =	simm.s32 $0x9C40;
	[sflag:s25] =	ssyncadd.s32 $0xFFFFFC00  }
0x130: {  	[spmem:s3] =	stream.indirect.scatter.add.f32 [tilespmem:s17], [sflag:$0x1], $0x8, s16, s29, $0xb8;
	[tilespmem:$0x14340] =	vst v63  }
0x131: {  	_ =	swait.ge [sflag:s25], $0x400  }
0x132: {  	[sflag:s25] =	ssyncset.done $0x0  }
0x133: {  	s12 =	simm.s32 $0x13840;
	s13 =	simm.s32 $0xA040;
	[sflag:s25] =	ssyncadd.s32 $0xFFFFFC00  }
0x134: {  	[spmem:s3] =	stream.indirect.scatter.add.f32 [tilespmem:s13], [sflag:$0x1], $0x8, s12, s29, $0xb8;
	[tilespmem:$0x14340] =	vst v63  }
0x135: {  	_ =	swait.ge [sflag:s25], $0x400  }
0x136: {  	[sflag:s25] =	ssyncset.done $0x0  }
0x137: {  	s14 =	simm.s32 $0x138C0;
	s15 =	simm.s32 $0xA440;
	[sflag:s25] =	ssyncadd.s32 $0xFFFFFC00  }
0x138: {  	[spmem:s3] =	stream.indirect.scatter.add.f32 [tilespmem:s15], [sflag:$0x1], $0x8, s14, s29, $0xb8;
	[tilespmem:$0x14340] =	vst v63  }
0x139: {  	_ =	swait.ge [sflag:s25], $0x400  }
0x13a: {  	[sflag:s25] =	ssyncset.done $0x0  }
0x13b: {  	s16 =	simm.s32 $0x13940;
	s17 =	simm.s32 $0xA840;
	[sflag:s25] =	ssyncadd.s32 $0xFFFFFC00  }
0x13c: {  	[spmem:s3] =	stream.indirect.scatter.add.f32 [tilespmem:s17], [sflag:$0x1], $0x8, s16, s29, $0xb8;
	[tilespmem:$0x14340] =	vst v63  }
0x13d: {  	_ =	swait.ge [sflag:s25], $0x400  }
0x13e: {  	[sflag:s25] =	ssyncset.done $0x0  }
0x13f: {  	s12 =	simm.s32 $0x139C0;
	s13 =	simm.s32 $0xAC40;
	[sflag:s25] =	ssyncadd.s32 $0xFFFFFC00  }
0x140: {  	[spmem:s3] =	stream.indirect.scatter.add.f32 [tilespmem:s13], [sflag:$0x1], $0x8, s12, s29, $0xb8;
	[tilespmem:$0x14340] =	vst v63  }
0x141: {  	_ =	swait.ge [sflag:s25], $0x400  }
0x142: {  	[sflag:s25] =	ssyncset.done $0x0  }
0x143: {  	s14 =	simm.s32 $0x13A40;
	s15 =	simm.s32 $0xB040;
	[sflag:s25] =	ssyncadd.s32 $0xFFFFFC00  }
0x144: {  	[spmem:s3] =	stream.indirect.scatter.add.f32 [tilespmem:s15], [sflag:$0x1], $0x8, s14, s29, $0xb8;
	[tilespmem:$0x14340] =	vst v63  }
0x145: {  	_ =	swait.ge [sflag:s25], $0x400  }
0x146: {  	[sflag:s25] =	ssyncset.done $0x0  }
0x147: {  	s16 =	simm.s32 $0x13AC0;
	s17 =	simm.s32 $0xB440;
	[sflag:s25] =	ssyncadd.s32 $0xFFFFFC00  }
0x148: {  	[spmem:s3] =	stream.indirect.scatter.add.f32 [tilespmem:s17], [sflag:$0x1], $0x8, s16, s29, $0xb8;
	[tilespmem:$0x14340] =	vst v63  }
0x149: {  	_ =	swait.ge [sflag:s25], $0x400  }
0x14a: {  	[sflag:s25] =	ssyncset.done $0x0  }
0x14b: {  	s12 =	simm.s32 $0x13B40;
	s13 =	simm.s32 $0xB840;
	[sflag:s25] =	ssyncadd.s32 $0xFFFFFC00  }
0x14c: {  	[spmem:s3] =	stream.indirect.scatter.add.f32 [tilespmem:s13], [sflag:$0x1], $0x8, s12, s29, $0xb8;
	[tilespmem:$0x14340] =	vst v63  }
0x14d: {  	_ =	swait.ge [sflag:s25], $0x400  }
0x14e: {  	[sflag:s25] =	ssyncset.done $0x0  }
0x14f: {  	s14 =	simm.s32 $0x13BC0;
	s15 =	simm.s32 $0xBC40;
	[sflag:s25] =	ssyncadd.s32 $0xFFFFFC00  }
0x150: {  	[spmem:s3] =	stream.indirect.scatter.add.f32 [tilespmem:s15], [sflag:$0x1], $0x8, s14, s29, $0xb8;
	[tilespmem:$0x14340] =	vst v63  }
0x151: {  	_ =	swait.ge [sflag:s25], $0x400  }
0x152: {  	[sflag:s25] =	ssyncset.done $0x0  }
0x153: {  	s16 =	simm.s32 $0x13C40;
	s17 =	simm.s32 $0xC040;
	[sflag:s25] =	ssyncadd.s32 $0xFFFFFC00  }
0x154: {  	[spmem:s3] =	stream.indirect.scatter.add.f32 [tilespmem:s17], [sflag:$0x1], $0x8, s16, s29, $0xb8;
	[tilespmem:$0x14340] =	vst v63  }
0x155: {  	_ =	swait.ge [sflag:s25], $0x400  }
0x156: {  	[sflag:s25] =	ssyncset.done $0x0  }
0x157: {  	s12 =	simm.s32 $0x13CC0;
	s13 =	simm.s32 $0xC440;
	[sflag:s25] =	ssyncadd.s32 $0xFFFFFC00  }
0x158: {  	[spmem:s3] =	stream.indirect.scatter.add.f32 [tilespmem:s13], [sflag:$0x1], $0x8, s12, s29, $0xb8;
	[tilespmem:$0x14340] =	vst v63  }
0x159: {  	_ =	swait.ge [sflag:s25], $0x400  }
0x15a: {  	[sflag:s25] =	ssyncset.done $0x0  }
0x15b: {  	s14 =	simm.s32 $0x13D40;
	s15 =	simm.s32 $0xC840;
	[sflag:s25] =	ssyncadd.s32 $0xFFFFFC00  }
0x15c: {  	[spmem:s3] =	stream.indirect.scatter.add.f32 [tilespmem:s15], [sflag:$0x1], $0x8, s14, s29, $0xb8;
	[tilespmem:$0x14340] =	vst v63  }
0x15d: {  	_ =	swait.ge [sflag:s25], $0x400  }
0x15e: {  	[sflag:s25] =	ssyncset.done $0x0  }
0x15f: {  	s16 =	simm.s32 $0x13DC0;
	s17 =	simm.s32 $0xCC40;
	[sflag:s25] =	ssyncadd.s32 $0xFFFFFC00  }
0x160: {  	[spmem:s3] =	stream.indirect.scatter.add.f32 [tilespmem:s17], [sflag:$0x1], $0x8, s16, s29, $0xb8;
	[tilespmem:$0x14340] =	vst v63  }
0x161: {  	_ =	swait.ge [sflag:s25], $0x400  }
0x162: {  	[sflag:s25] =	ssyncset.done $0x0  }
0x163: {  	s11 =	simm.s32 $0x13E40;
	s12 =	simm.s32 $0xD040;
	[sflag:s25] =	ssyncadd.s32 $0xFFFFFC00  }
0x164: {  	[spmem:s3] =	stream.indirect.scatter.add.f32 [tilespmem:s12], [sflag:$0x1], $0x8, s11, s29, $0xb8;
	[tilespmem:$0x14340] =	vst v63  }
0x165: {  	_ =	swait.ge [sflag:s25], $0x400  }
0x166: {  	[sflag:s25] =	ssyncset.done $0x0  }
0x167: {  	s13 =	simm.s32 $0x13EC0;
	s14 =	simm.s32 $0xD440;
	[sflag:s25] =	ssyncadd.s32 $0xFFFFFC00  }
0x168: {  	[spmem:s3] =	stream.indirect.scatter.add.f32 [tilespmem:s14], [sflag:$0x1], $0x8, s13, s29, $0xb8;
	[tilespmem:$0x14340] =	vst v63  }
0x169: {  	_ =	swait.ge [sflag:s25], $0x400  }
0x16a: {  	[sflag:s25] =	ssyncset.done $0x0  }
0x16b: {  	s15 =	simm.s32 $0x13F40;
	s16 =	simm.s32 $0xD840;
	[sflag:s25] =	ssyncadd.s32 $0xFFFFFC00  }
0x16c: {  	[spmem:s3] =	stream.indirect.scatter.add.f32 [tilespmem:s16], [sflag:$0x1], $0x8, s15, s29, $0xb8;
	[tilespmem:$0x14340] =	vst v63  }
0x16d: {  	_ =	swait.ge [sflag:s25], $0x400  }
0x16e: {  	[sflag:s25] =	ssyncset.done $0x0  }
0x16f: {  	[sflag:s25] =	ssyncadd.s32 $0xFFFFFC00  }
0x170: {  	[spmem:s3] =	stream.indirect.scatter.add.f32 [tilespmem:s21], [sflag:$0x1], $0x8, s20, s29, $0xb8;
	[tilespmem:$0x14340] =	vst v63  }
0x171: {  	_ =	swait.ge [sflag:s25], $0x400  }
0x172: {  	[sflag:s25] =	ssyncset.done $0x0  }
0x173: {  	[sflag:s25] =	ssyncadd.s32 $0xFFFFFC00  }
0x174: {  	[spmem:s3] =	stream.indirect.scatter.add.f32 [tilespmem:s23], [sflag:$0x1], $0x8, s22, s29, $0xb8;
	[tilespmem:$0x14340] =	vst v63  }
0x175: {  	_ =	swait.ge [sflag:s25], $0x400  }
0x176: {  	[sflag:s25] =	ssyncset.done $0x0  }
0x177: {  	[sflag:s25] =	ssyncadd.s32 $0xFFFFFC00  }
0x178: {  	[spmem:s3] =	stream.indirect.scatter.add.f32 [tilespmem:s30], [sflag:$0x1], $0x8, s5, s29, $0xb8;
	[tilespmem:$0x14340] =	vst v63  }
0x179: {  	_ =	swait.ge [sflag:s25], $0x400  }
0x17a: {  	[sflag:s25] =	ssyncset.done $0x0  }
0x17b: {  	[sflag:s25] =	ssyncadd.s32 $0xFFFFFC00  }
0x17c: {  	[spmem:s3] =	stream.indirect.scatter.add.f32 [tilespmem:s1], [sflag:$0x1], $0x8, s31, s29, $0xb8;
	[tilespmem:$0x14340] =	vst v63  }
0x17d: {  	_ =	swait.ge [sflag:s25], $0x400  }
0x17e: {  	[sflag:s25] =	ssyncset.done $0x0  }
0x17f: {  	[sflag:s25] =	ssyncadd.s32 $0xFFFFFC00  }
0x180: {  	[spmem:s3] =	stream.indirect.scatter.add.f32 [tilespmem:s2], [sflag:$0x1], $0x8, s0, s29, $0xb8;
	[tilespmem:$0x14340] =	vst v63  }
0x181: {  	_ =	swait.ge [sflag:s25], $0x400  }
0x182: {  	[sflag:s25] =	ssyncset.done $0x0  }
0x183: {  	[sflag:s25] =	ssyncadd.s32 $0xFFFFFC00  }
0x184: {  	[spmem:s3] =	stream.indirect.scatter.add.f32 [tilespmem:s6], [sflag:$0x1], $0x8, s24, s29, $0xb8;
	[tilespmem:$0x14340] =	vst v63  }
0x185: {  	_ =	swait.ge [sflag:s25], $0x400  }
0x186: {  	[sflag:s25] =	ssyncset.done $0x0  }
0x187: {  	[sflag:s25] =	ssyncadd.s32 $0xFFFFFC00  }
0x188: {  	[spmem:s3] =	stream.indirect.scatter.add.f32 [tilespmem:s8], [sflag:$0x1], $0x8, s7, s29, $0xb8;
	[tilespmem:$0x14340] =	vst v63  }
0x189: {  	_ =	swait.ge [sflag:s25], $0x400  }
0x18a: {  	s10 =	simm.s32 $0x0;
	[sflag:s25] =	ssyncset.done $0x0  }
0x18b: {  	s11 =	simm.s32 $0xF840;
	s12 =	rddreg [dreg:$0xc];
	[sflag:s25] =	ssyncadd.s32 $0xFFFFFC00  }
0x18c: {  	[tilespmem:s11], [sflag:$0x1] =	stream.linear.gather [hbm4b:s12+s10], $0xF00, $0x38;
	[tilespmem:$0x14340] =	vst v63  }
0x18d: {  	_ =	swait.ge [sflag:s25], $0xF00  }
0x18e: {  	[sflag:s25] =	ssyncset.done $0x0  }
0x18f: {  	s12 =	simm.s32 $0x10740;
	s13 =	rddreg [dreg:$0xd];
	[sflag:s25] =	ssyncadd.s32 $0xFFFFF100  }
0x190: {  	[tilespmem:s12], [sflag:$0x1] =	stream.linear.gather [hbm4b:s13+s10], $0xF00, $0x38;
	[tilespmem:$0x14340] =	vst v63  }
0x191: {  	_ =	swait.ge [sflag:s25], $0xF00  }
0x192: {  	[sflag:s25] =	ssyncset.done $0x0  }
0x193: {  	s17 =	simm.s32 $0x11640;
	s14 =	rddreg [dreg:$0xe];
	[sflag:s25] =	ssyncadd.s32 $0xFFFFF100  }
0x194: {  	[tilespmem:s17], [sflag:$0x1] =	stream.linear.gather [hbm4b:s14+s10], $0xF00, $0x38;
	[tilespmem:$0x14340] =	vst v63  }
0x195: {  	_ =	swait.ge [sflag:s25], $0xF00  }
0x196: {  	[sflag:s25] =	ssyncset.done $0x0  }
0x197: {  	s14 =	simm.s32 $0x12540;
	s15 =	rddreg [dreg:$0xf];
	[sflag:s25] =	ssyncadd.s32 $0xFFFFF100  }
0x198: {  	[tilespmem:s14], [sflag:$0x1] =	stream.linear.gather [hbm4b:s15+s10], $0xF00, $0x38;
	[tilespmem:$0x14340] =	vst v63  }
0x199: {  	_ =	swait.ge [sflag:s25], $0xF00  }
0x19a: {  	[sflag:s25] =	ssyncset.done $0x0  }
0x19b: {  	[sflag:s25] =	ssyncadd.s32 $0xFFFFF100  }
0x19c: {  	v12 =	vld [tilespmem:s12+$0x0]  }
0x19d: {  	v15 =	vld [tilespmem:s11+$0x0]  }
0x19e: {  	v5 =	vld [tilespmem:s17+$0x0];
	_ =	sdelay $0x3  }
0x19f: {  	v7 =	vadd.f32 $5.120000080e+01, v12;
	v8 =	vadd.f32 $5.120000080e+01, v15  }
0x1a0: {  	v9 =	vadd.f32 $5.000000000e+00, v5  }
0x1a1: {  	v6 =	vmov s10;
	v11 =	vmul.f32 v7, v0;
	v13 =	vmul.f32 v8, v0  }
0x1a2: {  	v6 =	vshll.u32 v6, $0x3;
	v14 =	vmul.f32 v9, v2  }
0x1a3: {  	vm0 =	vge.f32 v13, $0.0e+00;
	vm1 =	vge.f32 v11, $0.0e+00;
	vm2 =	vlt.f32 v13, $2.560000000e+02  }
0x1a4: {  	vm0 =	vmand vm0, vm1;
	vm1 =	vlt.f32 v11, $2.560000000e+02;
	v11 =	vtrunc.f32 v11  }
0x1a5: {  	v10 =	vor.u32 v4, v6;
	vm0 =	vmand vm0, vm2;
	v11 =	vcvt.f32.s32 v11  }
0x1a6: {  	v9 =	vor.u32 $0x1, v10;
	vm0 =	vmand vm1, vm0;
	vm1 =	vge.f32 v14, $0.0e+00  }
0x1a7: {  	s16 =	simm.s32 $0x0;
	vm0 =	vmand vm1, vm0;
	vm1 =	vlt.f32 v14, $1.000000000e+00;
	v14 =	vshll.u32 v11, $0x8;
	v11 =	vld [tilespmem:s14+$0x0]  }
0x1a8: {  	v6 =	vor.u32 $0x2, v10;
	s13 =	sand.u32 $0xFFFFFF80, s16;
	s17 =	sand.u32 $0x70, s10;
	v7 =	vor.u32 $0x3, v10;
	v13 =	vtrunc.f32 v13  }
0x1a9: {  	s15 =	sor.u32 s17, s13;
	v8 =	vor.u32 $0x4, v10;
	v13 =	vcvt.f32.s32 v13;
	vm0 =	vmand vm1, vm0  }
0x1aa: {  	s13 =	simm.s32 $0x1;
	s14 =	simm.s32 $0x11650;
	v16 =	vnsel vm0, $0x0, v15;
	v15 =	vnsel vm0, $0x0, v12;
	v12 =	vor.u32 s15, v1;
	s15 =	simm.s32 $0x12550  }
.LBB2_6:
0x1ab: {  	[tilespmem:v10+s26+$0x0] =	vst.idx.msk $0xffff, v16;
	v5 =	vnsel vm0, $0x0, v5;
	s10 =	sadd.s32 $0x10, s10;
	s11 =	sadd.s32 $0x10, s11;
	s12 =	sadd.s32 $0x10, s12  }
0x1ac: {  	p0 =	sne.s32 s13, $0xEF;
	s16 =	smov.u32 s13;
	s13 =	sadd.s32 $0x1, s13;
	[tilespmem:v9+s26+$0x0] =	vst.idx.msk $0xffff, v15;
	v9 =	vnsel vm0, $0x0, v11  }
0x1ad: {  	v10 =	vadd.s32 v13, v14;
	[tilespmem:v6+s26+$0x0] =	vst.idx.msk $0xffff, v5;
	v5 =	vsel vm0, $0x3F800000, v3  }
0x1ae: {  	v6 =	vnsel vm0, $0x10000, v10;
	[tilespmem:v7+s26+$0x0] =	vst.idx.msk $0xffff, v9  }
0x1af: {  	[tilespmem:v8+s26+$0x0] =	vst.idx.msk $0xffff, v5  }
0x1b0: {  	[tilespmem:v12+s28+$0x0] =	vst.idx.msk $0xffff, v6  }
0x1b1: {  	v12 =	vld [tilespmem:s12+$0x0]  }
0x1b2: {  	v15 =	vld [tilespmem:s11+$0x0]  }
0x1b3: {  	v5 =	vld [tilespmem:s14+$0x0];
	_ =	sdelay $0x1  }
0x1b4: {  	v6 =	vmov s10  }
0x1b5: {  	v7 =	vadd.f32 $5.120000080e+01, v12  }
0x1b6: {  	v8 =	vadd.f32 $5.120000080e+01, v15  }
0x1b7: {  	v6 =	vshll.u32 v6, $0x3;
	v11 =	vmul.f32 v7, v0;
	v7 =	vadd.f32 $5.000000000e+00, v5  }
0x1b8: {  	v10 =	vor.u32 v4, v6;
	v13 =	vmul.f32 v8, v0  }
0x1b9: {  	v9 =	vor.u32 $0x1, v10;
	v6 =	vor.u32 $0x2, v10;
	v14 =	vmul.f32 v7, v2  }
0x1ba: {  	vm1 =	vge.f32 v11, $0.0e+00;
	v7 =	vor.u32 $0x3, v10;
	vm0 =	vge.f32 v13, $0.0e+00  }
0x1bb: {  	v8 =	vor.u32 $0x4, v10;
	vm2 =	vlt.f32 v13, $2.560000000e+02;
	vm0 =	vmand vm0, vm1  }
.Ltmp2:
0x1bc: {  	v16 =	vtrunc.f32 v11;
	vm1 =	vlt.f32 v11, $2.560000000e+02;
	vm0 =	vmand vm0, vm2;
	(pc) =	sbr.rel @p0 .LBB2_6-.Ltmp2, $4  }
0x1bd: {  	s16 =	sshll.u32 s16, $0x4;
	v16 =	vcvt.f32.s32 v16;
	v11 =	vld [tilespmem:s15+$0x0];
	vm0 =	vmand vm1, vm0;
	vm1 =	vge.f32 v14, $0.0e+00  }
0x1be: {  	s17 =	sand.u32 $0x70, s10;
	s16 =	sand.u32 $0xFFFFFF80, s16;
	v13 =	vtrunc.f32 v13;
	vm0 =	vmand vm1, vm0;
	vm1 =	vlt.f32 v14, $1.000000000e+00  }
0x1bf: {  	s16 =	sor.u32 s17, s16;
	v13 =	vcvt.f32.s32 v13;
	v14 =	vshll.u32 v16, $0x8;
	vm0 =	vmand vm1, vm0  }
0x1c0: {  	s14 =	sadd.s32 $0x10, s14;
	s15 =	sadd.s32 $0x10, s15;
	v16 =	vnsel vm0, $0x0, v15;
	v15 =	vnsel vm0, $0x0, v12;
	v12 =	vor.u32 s16, v1  }
0x1c1: {  	_ =	sdelay $0x3  }
0x1c2: {  	[tilespmem:v10+s26+$0x0] =	vst.idx.msk $0xffff, v16  }
0x1c3: {  	v5 =	vnsel vm0, $0x0, v5;
	[tilespmem:v9+s26+$0x0] =	vst.idx.msk $0xffff, v15  }
0x1c4: {  	v9 =	vnsel vm0, $0x0, v11;
	[tilespmem:v6+s26+$0x0] =	vst.idx.msk $0xffff, v5  }
0x1c5: {  	v5 =	vadd.s32 v13, v14;
	v6 =	vsel vm0, $0x3F800000, v3;
	[tilespmem:v7+s26+$0x0] =	vst.idx.msk $0xffff, v9  }
0x1c6: {  	v5 =	vnsel vm0, $0x10000, v5;
	[tilespmem:v8+s26+$0x0] =	vst.idx.msk $0xffff, v6  }
0x1c7: {  	[tilespmem:v12+s28+$0x0] =	vst.idx.msk $0xffff, v5  }
0x1c8: {  	[spmem:s3] =	stream.indirect.scatter.add.f32 [tilespmem:s26], [sflag:$0x1], $0x8, s28, s29, $0xb8;
	[tilespmem:$0x14340] =	vst v63  }
0x1c9: {  	_ =	swait.ge [sflag:s25], $0x400  }
0x1ca: {  	[sflag:s25] =	ssyncset.done $0x0  }
0x1cb: {  	s10 =	simm.s32 $0x134C0;
	s11 =	simm.s32 $0x8440;
	[sflag:s25] =	ssyncadd.s32 $0xFFFFFC00  }
0x1cc: {  	[spmem:s3] =	stream.indirect.scatter.add.f32 [tilespmem:s11], [sflag:$0x1], $0x8, s10, s29, $0xb8;
	[tilespmem:$0x14340] =	vst v63  }
0x1cd: {  	_ =	swait.ge [sflag:s25], $0x400  }
0x1ce: {  	[sflag:s25] =	ssyncset.done $0x0  }
0x1cf: {  	s12 =	simm.s32 $0x13540;
	s13 =	simm.s32 $0x8840;
	[sflag:s25] =	ssyncadd.s32 $0xFFFFFC00  }
0x1d0: {  	[spmem:s3] =	stream.indirect.scatter.add.f32 [tilespmem:s13], [sflag:$0x1], $0x8, s12, s29, $0xb8;
	[tilespmem:$0x14340] =	vst v63  }
0x1d1: {  	_ =	swait.ge [sflag:s25], $0x400  }
0x1d2: {  	[sflag:s25] =	ssyncset.done $0x0  }
0x1d3: {  	s14 =	simm.s32 $0x135C0;
	s15 =	simm.s32 $0x8C40;
	[sflag:s25] =	ssyncadd.s32 $0xFFFFFC00  }
0x1d4: {  	[spmem:s3] =	stream.indirect.scatter.add.f32 [tilespmem:s15], [sflag:$0x1], $0x8, s14, s29, $0xb8;
	[tilespmem:$0x14340] =	vst v63  }
0x1d5: {  	_ =	swait.ge [sflag:s25], $0x400  }
0x1d6: {  	[sflag:s25] =	ssyncset.done $0x0  }
0x1d7: {  	s16 =	simm.s32 $0x13640;
	s17 =	simm.s32 $0x9040;
	[sflag:s25] =	ssyncadd.s32 $0xFFFFFC00  }
0x1d8: {  	[spmem:s3] =	stream.indirect.scatter.add.f32 [tilespmem:s17], [sflag:$0x1], $0x8, s16, s29, $0xb8;
	[tilespmem:$0x14340] =	vst v63  }
0x1d9: {  	_ =	swait.ge [sflag:s25], $0x400  }
0x1da: {  	[sflag:s25] =	ssyncset.done $0x0  }
0x1db: {  	s12 =	simm.s32 $0x136C0;
	s13 =	simm.s32 $0x9440;
	[sflag:s25] =	ssyncadd.s32 $0xFFFFFC00  }
0x1dc: {  	[spmem:s3] =	stream.indirect.scatter.add.f32 [tilespmem:s13], [sflag:$0x1], $0x8, s12, s29, $0xb8;
	[tilespmem:$0x14340] =	vst v63  }
0x1dd: {  	_ =	swait.ge [sflag:s25], $0x400  }
0x1de: {  	[sflag:s25] =	ssyncset.done $0x0  }
0x1df: {  	s14 =	simm.s32 $0x13740;
	s15 =	simm.s32 $0x9840;
	[sflag:s25] =	ssyncadd.s32 $0xFFFFFC00  }
0x1e0: {  	[spmem:s3] =	stream.indirect.scatter.add.f32 [tilespmem:s15], [sflag:$0x1], $0x8, s14, s29, $0xb8;
	[tilespmem:$0x14340] =	vst v63  }
0x1e1: {  	_ =	swait.ge [sflag:s25], $0x400  }
0x1e2: {  	[sflag:s25] =	ssyncset.done $0x0  }
0x1e3: {  	s16 =	simm.s32 $0x137C0;
	s17 =	simm.s32 $0x9C40;
	[sflag:s25] =	ssyncadd.s32 $0xFFFFFC00  }
0x1e4: {  	[spmem:s3] =	stream.indirect.scatter.add.f32 [tilespmem:s17], [sflag:$0x1], $0x8, s16, s29, $0xb8;
	[tilespmem:$0x14340] =	vst v63  }
0x1e5: {  	_ =	swait.ge [sflag:s25], $0x400  }
0x1e6: {  	[sflag:s25] =	ssyncset.done $0x0  }
0x1e7: {  	s12 =	simm.s32 $0x13840;
	s13 =	simm.s32 $0xA040;
	[sflag:s25] =	ssyncadd.s32 $0xFFFFFC00  }
0x1e8: {  	[spmem:s3] =	stream.indirect.scatter.add.f32 [tilespmem:s13], [sflag:$0x1], $0x8, s12, s29, $0xb8;
	[tilespmem:$0x14340] =	vst v63  }
0x1e9: {  	_ =	swait.ge [sflag:s25], $0x400  }
0x1ea: {  	[sflag:s25] =	ssyncset.done $0x0  }
0x1eb: {  	s14 =	simm.s32 $0x138C0;
	s15 =	simm.s32 $0xA440;
	[sflag:s25] =	ssyncadd.s32 $0xFFFFFC00  }
0x1ec: {  	[spmem:s3] =	stream.indirect.scatter.add.f32 [tilespmem:s15], [sflag:$0x1], $0x8, s14, s29, $0xb8;
	[tilespmem:$0x14340] =	vst v63  }
0x1ed: {  	_ =	swait.ge [sflag:s25], $0x400  }
0x1ee: {  	[sflag:s25] =	ssyncset.done $0x0  }
0x1ef: {  	s16 =	simm.s32 $0x13940;
	s17 =	simm.s32 $0xA840;
	[sflag:s25] =	ssyncadd.s32 $0xFFFFFC00  }
0x1f0: {  	[spmem:s3] =	stream.indirect.scatter.add.f32 [tilespmem:s17], [sflag:$0x1], $0x8, s16, s29, $0xb8;
	[tilespmem:$0x14340] =	vst v63  }
0x1f1: {  	_ =	swait.ge [sflag:s25], $0x400  }
0x1f2: {  	[sflag:s25] =	ssyncset.done $0x0  }
0x1f3: {  	s12 =	simm.s32 $0x139C0;
	s13 =	simm.s32 $0xAC40;
	[sflag:s25] =	ssyncadd.s32 $0xFFFFFC00  }
0x1f4: {  	[spmem:s3] =	stream.indirect.scatter.add.f32 [tilespmem:s13], [sflag:$0x1], $0x8, s12, s29, $0xb8;
	[tilespmem:$0x14340] =	vst v63  }
0x1f5: {  	_ =	swait.ge [sflag:s25], $0x400  }
0x1f6: {  	[sflag:s25] =	ssyncset.done $0x0  }
0x1f7: {  	s14 =	simm.s32 $0x13A40;
	s15 =	simm.s32 $0xB040;
	[sflag:s25] =	ssyncadd.s32 $0xFFFFFC00  }
0x1f8: {  	[spmem:s3] =	stream.indirect.scatter.add.f32 [tilespmem:s15], [sflag:$0x1], $0x8, s14, s29, $0xb8;
	[tilespmem:$0x14340] =	vst v63  }
0x1f9: {  	_ =	swait.ge [sflag:s25], $0x400  }
0x1fa: {  	[sflag:s25] =	ssyncset.done $0x0  }
0x1fb: {  	s16 =	simm.s32 $0x13AC0;
	s17 =	simm.s32 $0xB440;
	[sflag:s25] =	ssyncadd.s32 $0xFFFFFC00  }
0x1fc: {  	[spmem:s3] =	stream.indirect.scatter.add.f32 [tilespmem:s17], [sflag:$0x1], $0x8, s16, s29, $0xb8;
	[tilespmem:$0x14340] =	vst v63  }
0x1fd: {  	_ =	swait.ge [sflag:s25], $0x400  }
0x1fe: {  	[sflag:s25] =	ssyncset.done $0x0  }
0x1ff: {  	s12 =	simm.s32 $0x13B40;
	s13 =	simm.s32 $0xB840;
	[sflag:s25] =	ssyncadd.s32 $0xFFFFFC00  }
0x200: {  	[spmem:s3] =	stream.indirect.scatter.add.f32 [tilespmem:s13], [sflag:$0x1], $0x8, s12, s29, $0xb8;
	[tilespmem:$0x14340] =	vst v63  }
0x201: {  	_ =	swait.ge [sflag:s25], $0x400  }
0x202: {  	[sflag:s25] =	ssyncset.done $0x0  }
0x203: {  	s14 =	simm.s32 $0x13BC0;
	s15 =	simm.s32 $0xBC40;
	[sflag:s25] =	ssyncadd.s32 $0xFFFFFC00  }
0x204: {  	[spmem:s3] =	stream.indirect.scatter.add.f32 [tilespmem:s15], [sflag:$0x1], $0x8, s14, s29, $0xb8;
	[tilespmem:$0x14340] =	vst v63  }
0x205: {  	_ =	swait.ge [sflag:s25], $0x400  }
0x206: {  	[sflag:s25] =	ssyncset.done $0x0  }
0x207: {  	s16 =	simm.s32 $0x13C40;
	s17 =	simm.s32 $0xC040;
	[sflag:s25] =	ssyncadd.s32 $0xFFFFFC00  }
0x208: {  	[spmem:s3] =	stream.indirect.scatter.add.f32 [tilespmem:s17], [sflag:$0x1], $0x8, s16, s29, $0xb8;
	[tilespmem:$0x14340] =	vst v63  }
0x209: {  	_ =	swait.ge [sflag:s25], $0x400  }
0x20a: {  	[sflag:s25] =	ssyncset.done $0x0  }
0x20b: {  	s12 =	simm.s32 $0x13CC0;
	s13 =	simm.s32 $0xC440;
	[sflag:s25] =	ssyncadd.s32 $0xFFFFFC00  }
0x20c: {  	[spmem:s3] =	stream.indirect.scatter.add.f32 [tilespmem:s13], [sflag:$0x1], $0x8, s12, s29, $0xb8;
	[tilespmem:$0x14340] =	vst v63  }
0x20d: {  	_ =	swait.ge [sflag:s25], $0x400  }
0x20e: {  	[sflag:s25] =	ssyncset.done $0x0  }
0x20f: {  	s14 =	simm.s32 $0x13D40;
	s15 =	simm.s32 $0xC840;
	[sflag:s25] =	ssyncadd.s32 $0xFFFFFC00  }
0x210: {  	[spmem:s3] =	stream.indirect.scatter.add.f32 [tilespmem:s15], [sflag:$0x1], $0x8, s14, s29, $0xb8;
	[tilespmem:$0x14340] =	vst v63  }
0x211: {  	_ =	swait.ge [sflag:s25], $0x400  }
0x212: {  	[sflag:s25] =	ssyncset.done $0x0  }
0x213: {  	s16 =	simm.s32 $0x13DC0;
	s17 =	simm.s32 $0xCC40;
	[sflag:s25] =	ssyncadd.s32 $0xFFFFFC00  }
0x214: {  	[spmem:s3] =	stream.indirect.scatter.add.f32 [tilespmem:s17], [sflag:$0x1], $0x8, s16, s29, $0xb8;
	[tilespmem:$0x14340] =	vst v63  }
0x215: {  	_ =	swait.ge [sflag:s25], $0x400  }
0x216: {  	[sflag:s25] =	ssyncset.done $0x0  }
0x217: {  	s11 =	simm.s32 $0x13E40;
	s12 =	simm.s32 $0xD040;
	[sflag:s25] =	ssyncadd.s32 $0xFFFFFC00  }
0x218: {  	[spmem:s3] =	stream.indirect.scatter.add.f32 [tilespmem:s12], [sflag:$0x1], $0x8, s11, s29, $0xb8;
	[tilespmem:$0x14340] =	vst v63  }
0x219: {  	_ =	swait.ge [sflag:s25], $0x400  }
0x21a: {  	[sflag:s25] =	ssyncset.done $0x0  }
0x21b: {  	s13 =	simm.s32 $0x13EC0;
	s14 =	simm.s32 $0xD440;
	[sflag:s25] =	ssyncadd.s32 $0xFFFFFC00  }
0x21c: {  	[spmem:s3] =	stream.indirect.scatter.add.f32 [tilespmem:s14], [sflag:$0x1], $0x8, s13, s29, $0xb8;
	[tilespmem:$0x14340] =	vst v63  }
0x21d: {  	_ =	swait.ge [sflag:s25], $0x400  }
0x21e: {  	[sflag:s25] =	ssyncset.done $0x0  }
0x21f: {  	s15 =	simm.s32 $0x13F40;
	s16 =	simm.s32 $0xD840;
	[sflag:s25] =	ssyncadd.s32 $0xFFFFFC00  }
0x220: {  	[spmem:s3] =	stream.indirect.scatter.add.f32 [tilespmem:s16], [sflag:$0x1], $0x8, s15, s29, $0xb8;
	[tilespmem:$0x14340] =	vst v63  }
0x221: {  	_ =	swait.ge [sflag:s25], $0x400  }
0x222: {  	[sflag:s25] =	ssyncset.done $0x0  }
0x223: {  	[sflag:s25] =	ssyncadd.s32 $0xFFFFFC00  }
0x224: {  	[spmem:s3] =	stream.indirect.scatter.add.f32 [tilespmem:s21], [sflag:$0x1], $0x8, s20, s29, $0xb8;
	[tilespmem:$0x14340] =	vst v63  }
0x225: {  	_ =	swait.ge [sflag:s25], $0x400  }
0x226: {  	[sflag:s25] =	ssyncset.done $0x0  }
0x227: {  	[sflag:s25] =	ssyncadd.s32 $0xFFFFFC00  }
0x228: {  	[spmem:s3] =	stream.indirect.scatter.add.f32 [tilespmem:s23], [sflag:$0x1], $0x8, s22, s29, $0xb8;
	[tilespmem:$0x14340] =	vst v63  }
0x229: {  	_ =	swait.ge [sflag:s25], $0x400  }
0x22a: {  	[sflag:s25] =	ssyncset.done $0x0  }
0x22b: {  	[sflag:s25] =	ssyncadd.s32 $0xFFFFFC00  }
0x22c: {  	[spmem:s3] =	stream.indirect.scatter.add.f32 [tilespmem:s30], [sflag:$0x1], $0x8, s5, s29, $0xb8;
	[tilespmem:$0x14340] =	vst v63  }
0x22d: {  	_ =	swait.ge [sflag:s25], $0x400  }
0x22e: {  	[sflag:s25] =	ssyncset.done $0x0  }
0x22f: {  	[sflag:s25] =	ssyncadd.s32 $0xFFFFFC00  }
0x230: {  	[spmem:s3] =	stream.indirect.scatter.add.f32 [tilespmem:s1], [sflag:$0x1], $0x8, s31, s29, $0xb8;
	[tilespmem:$0x14340] =	vst v63  }
0x231: {  	_ =	swait.ge [sflag:s25], $0x400  }
0x232: {  	[sflag:s25] =	ssyncset.done $0x0  }
0x233: {  	[sflag:s25] =	ssyncadd.s32 $0xFFFFFC00  }
0x234: {  	[spmem:s3] =	stream.indirect.scatter.add.f32 [tilespmem:s2], [sflag:$0x1], $0x8, s0, s29, $0xb8;
	[tilespmem:$0x14340] =	vst v63  }
0x235: {  	_ =	swait.ge [sflag:s25], $0x400  }
0x236: {  	[sflag:s25] =	ssyncset.done $0x0  }
0x237: {  	[sflag:s25] =	ssyncadd.s32 $0xFFFFFC00  }
0x238: {  	[spmem:s3] =	stream.indirect.scatter.add.f32 [tilespmem:s6], [sflag:$0x1], $0x8, s24, s29, $0xb8;
	[tilespmem:$0x14340] =	vst v63  }
0x239: {  	_ =	swait.ge [sflag:s25], $0x400  }
0x23a: {  	[sflag:s25] =	ssyncset.done $0x0  }
0x23b: {  	[sflag:s25] =	ssyncadd.s32 $0xFFFFFC00  }
0x23c: {  	[spmem:s3] =	stream.indirect.scatter.add.f32 [tilespmem:s8], [sflag:$0x1], $0x8, s7, s29, $0xb8;
	[tilespmem:$0x14340] =	vst v63  }
0x23d: {  	_ =	swait.ge [sflag:s25], $0x400  }
0x23e: {  	s10 =	simm.s32 $0x0;
	[sflag:s25] =	ssyncset.done $0x0  }
0x23f: {  	s11 =	simm.s32 $0xF840;
	s12 =	rddreg [dreg:$0x10];
	[sflag:s25] =	ssyncadd.s32 $0xFFFFFC00  }
0x240: {  	[tilespmem:s11], [sflag:$0x1] =	stream.linear.gather [hbm4b:s12+s10], $0xF00, $0x38;
	[tilespmem:$0x14340] =	vst v63  }
0x241: {  	_ =	swait.ge [sflag:s25], $0xF00  }
0x242: {  	[sflag:s25] =	ssyncset.done $0x0  }
0x243: {  	s12 =	simm.s32 $0x10740;
	s13 =	rddreg [dreg:$0x11];
	[sflag:s25] =	ssyncadd.s32 $0xFFFFF100  }
0x244: {  	[tilespmem:s12], [sflag:$0x1] =	stream.linear.gather [hbm4b:s13+s10], $0xF00, $0x38;
	[tilespmem:$0x14340] =	vst v63  }
0x245: {  	_ =	swait.ge [sflag:s25], $0xF00  }
0x246: {  	[sflag:s25] =	ssyncset.done $0x0  }
0x247: {  	s17 =	simm.s32 $0x11640;
	s14 =	rddreg [dreg:$0x12];
	[sflag:s25] =	ssyncadd.s32 $0xFFFFF100  }
0x248: {  	[tilespmem:s17], [sflag:$0x1] =	stream.linear.gather [hbm4b:s14+s10], $0xF00, $0x38;
	[tilespmem:$0x14340] =	vst v63  }
0x249: {  	_ =	swait.ge [sflag:s25], $0xF00  }
0x24a: {  	[sflag:s25] =	ssyncset.done $0x0  }
0x24b: {  	s14 =	simm.s32 $0x12540;
	s15 =	rddreg [dreg:$0x13];
	[sflag:s25] =	ssyncadd.s32 $0xFFFFF100  }
0x24c: {  	[tilespmem:s14], [sflag:$0x1] =	stream.linear.gather [hbm4b:s15+s10], $0xF00, $0x38;
	[tilespmem:$0x14340] =	vst v63  }
0x24d: {  	_ =	swait.ge [sflag:s25], $0xF00  }
0x24e: {  	[sflag:s25] =	ssyncset.done $0x0  }
0x24f: {  	[sflag:s25] =	ssyncadd.s32 $0xFFFFF100  }
0x250: {  	v12 =	vld [tilespmem:s12+$0x0]  }
0x251: {  	v15 =	vld [tilespmem:s11+$0x0]  }
0x252: {  	v5 =	vld [tilespmem:s17+$0x0];
	_ =	sdelay $0x3  }
0x253: {  	v7 =	vadd.f32 $5.120000080e+01, v12;
	v8 =	vadd.f32 $5.120000080e+01, v15  }
0x254: {  	v9 =	vadd.f32 $5.000000000e+00, v5  }
0x255: {  	v6 =	vmov s10;
	v11 =	vmul.f32 v7, v0;
	v13 =	vmul.f32 v8, v0  }
0x256: {  	v6 =	vshll.u32 v6, $0x3;
	v14 =	vmul.f32 v9, v2  }
0x257: {  	vm0 =	vge.f32 v13, $0.0e+00;
	vm1 =	vge.f32 v11, $0.0e+00;
	vm2 =	vlt.f32 v13, $2.560000000e+02  }
0x258: {  	vm0 =	vmand vm0, vm1;
	vm1 =	vlt.f32 v11, $2.560000000e+02;
	v11 =	vtrunc.f32 v11  }
0x259: {  	v10 =	vor.u32 v4, v6;
	vm0 =	vmand vm0, vm2;
	v11 =	vcvt.f32.s32 v11  }
0x25a: {  	v9 =	vor.u32 $0x1, v10;
	vm0 =	vmand vm1, vm0;
	vm1 =	vge.f32 v14, $0.0e+00  }
0x25b: {  	s16 =	simm.s32 $0x0;
	vm0 =	vmand vm1, vm0;
	vm1 =	vlt.f32 v14, $1.000000000e+00;
	v14 =	vshll.u32 v11, $0x8;
	v11 =	vld [tilespmem:s14+$0x0]  }
0x25c: {  	v6 =	vor.u32 $0x2, v10;
	s13 =	sand.u32 $0xFFFFFF80, s16;
	s17 =	sand.u32 $0x70, s10;
	v7 =	vor.u32 $0x3, v10;
	v13 =	vtrunc.f32 v13  }
0x25d: {  	s15 =	sor.u32 s17, s13;
	v8 =	vor.u32 $0x4, v10;
	v13 =	vcvt.f32.s32 v13;
	vm0 =	vmand vm1, vm0  }
0x25e: {  	s13 =	simm.s32 $0x1;
	s14 =	simm.s32 $0x11650;
	v16 =	vnsel vm0, $0x0, v15;
	v15 =	vnsel vm0, $0x0, v12;
	v12 =	vor.u32 s15, v1;
	s15 =	simm.s32 $0x12550  }
.LBB2_8:
0x25f: {  	[tilespmem:v10+s26+$0x0] =	vst.idx.msk $0xffff, v16;
	v5 =	vnsel vm0, $0x0, v5;
	s10 =	sadd.s32 $0x10, s10;
	s11 =	sadd.s32 $0x10, s11;
	s12 =	sadd.s32 $0x10, s12  }
0x260: {  	p0 =	sne.s32 s13, $0xEF;
	s16 =	smov.u32 s13;
	s13 =	sadd.s32 $0x1, s13;
	[tilespmem:v9+s26+$0x0] =	vst.idx.msk $0xffff, v15;
	v9 =	vnsel vm0, $0x0, v11  }
0x261: {  	v10 =	vadd.s32 v13, v14;
	[tilespmem:v6+s26+$0x0] =	vst.idx.msk $0xffff, v5;
	v5 =	vsel vm0, $0x3F800000, v3  }
0x262: {  	v6 =	vnsel vm0, $0x10000, v10;
	[tilespmem:v7+s26+$0x0] =	vst.idx.msk $0xffff, v9  }
0x263: {  	[tilespmem:v8+s26+$0x0] =	vst.idx.msk $0xffff, v5  }
0x264: {  	[tilespmem:v12+s28+$0x0] =	vst.idx.msk $0xffff, v6  }
0x265: {  	v12 =	vld [tilespmem:s12+$0x0]  }
0x266: {  	v15 =	vld [tilespmem:s11+$0x0]  }
0x267: {  	v5 =	vld [tilespmem:s14+$0x0];
	_ =	sdelay $0x1  }
0x268: {  	v6 =	vmov s10  }
0x269: {  	v7 =	vadd.f32 $5.120000080e+01, v12  }
0x26a: {  	v8 =	vadd.f32 $5.120000080e+01, v15  }
0x26b: {  	v6 =	vshll.u32 v6, $0x3;
	v11 =	vmul.f32 v7, v0;
	v7 =	vadd.f32 $5.000000000e+00, v5  }
0x26c: {  	v10 =	vor.u32 v4, v6;
	v13 =	vmul.f32 v8, v0  }
0x26d: {  	v9 =	vor.u32 $0x1, v10;
	v6 =	vor.u32 $0x2, v10;
	v14 =	vmul.f32 v7, v2  }
0x26e: {  	vm1 =	vge.f32 v11, $0.0e+00;
	v7 =	vor.u32 $0x3, v10;
	vm0 =	vge.f32 v13, $0.0e+00  }
0x26f: {  	v8 =	vor.u32 $0x4, v10;
	vm2 =	vlt.f32 v13, $2.560000000e+02;
	vm0 =	vmand vm0, vm1  }
.Ltmp3:
0x270: {  	v16 =	vtrunc.f32 v11;
	vm1 =	vlt.f32 v11, $2.560000000e+02;
	vm0 =	vmand vm0, vm2;
	(pc) =	sbr.rel @p0 .LBB2_8-.Ltmp3, $4  }
0x271: {  	s16 =	sshll.u32 s16, $0x4;
	v16 =	vcvt.f32.s32 v16;
	v11 =	vld [tilespmem:s15+$0x0];
	vm0 =	vmand vm1, vm0;
	vm1 =	vge.f32 v14, $0.0e+00  }
0x272: {  	s17 =	sand.u32 $0x70, s10;
	s16 =	sand.u32 $0xFFFFFF80, s16;
	v13 =	vtrunc.f32 v13;
	vm0 =	vmand vm1, vm0;
	vm1 =	vlt.f32 v14, $1.000000000e+00  }
0x273: {  	s16 =	sor.u32 s17, s16;
	v13 =	vcvt.f32.s32 v13;
	v14 =	vshll.u32 v16, $0x8;
	vm0 =	vmand vm1, vm0  }
0x274: {  	s14 =	sadd.s32 $0x10, s14;
	s15 =	sadd.s32 $0x10, s15;
	v16 =	vnsel vm0, $0x0, v15;
	v15 =	vnsel vm0, $0x0, v12;
	v12 =	vor.u32 s16, v1  }
0x275: {  	_ =	sdelay $0x3  }
0x276: {  	[tilespmem:v10+s26+$0x0] =	vst.idx.msk $0xffff, v16  }
0x277: {  	v5 =	vnsel vm0, $0x0, v5;
	[tilespmem:v9+s26+$0x0] =	vst.idx.msk $0xffff, v15  }
0x278: {  	v63 =	vnsel vm0, $0x0, v11;
	[tilespmem:v6+s26+$0x0] =	vst.idx.msk $0xffff, v5  }
0x279: {  	v5 =	vadd.s32 v13, v14;
	v6 =	vsel vm0, $0x3F800000, v3;
	[tilespmem:v7+s26+$0x0] =	vst.idx.msk $0xffff, v63  }
0x27a: {  	v5 =	vnsel vm0, $0x10000, v5;
	[tilespmem:v8+s26+$0x0] =	vst.idx.msk $0xffff, v6  }
0x27b: {  	[tilespmem:v12+s28+$0x0] =	vst.idx.msk $0xffff, v5  }
0x27c: {  	[spmem:s3] =	stream.indirect.scatter.add.f32 [tilespmem:s26], [sflag:$0x1], $0x8, s28, s29, $0xb8;
	[tilespmem:$0x14340] =	vst v63  }
0x27d: {  	_ =	swait.ge [sflag:s25], $0x400  }
0x27e: {  	[sflag:s25] =	ssyncset.done $0x0  }
0x27f: {  	s10 =	simm.s32 $0x134C0;
	s11 =	simm.s32 $0x8440;
	[sflag:s25] =	ssyncadd.s32 $0xFFFFFC00  }
0x280: {  	[spmem:s3] =	stream.indirect.scatter.add.f32 [tilespmem:s11], [sflag:$0x1], $0x8, s10, s29, $0xb8;
	[tilespmem:$0x14340] =	vst v63  }
0x281: {  	_ =	swait.ge [sflag:s25], $0x400  }
0x282: {  	[sflag:s25] =	ssyncset.done $0x0  }
0x283: {  	s12 =	simm.s32 $0x13540;
	s13 =	simm.s32 $0x8840;
	[sflag:s25] =	ssyncadd.s32 $0xFFFFFC00  }
0x284: {  	[spmem:s3] =	stream.indirect.scatter.add.f32 [tilespmem:s13], [sflag:$0x1], $0x8, s12, s29, $0xb8;
	[tilespmem:$0x14340] =	vst v63  }
0x285: {  	_ =	swait.ge [sflag:s25], $0x400  }
0x286: {  	[sflag:s25] =	ssyncset.done $0x0  }
0x287: {  	s14 =	simm.s32 $0x135C0;
	s15 =	simm.s32 $0x8C40;
	[sflag:s25] =	ssyncadd.s32 $0xFFFFFC00  }
0x288: {  	[spmem:s3] =	stream.indirect.scatter.add.f32 [tilespmem:s15], [sflag:$0x1], $0x8, s14, s29, $0xb8;
	[tilespmem:$0x14340] =	vst v63  }
0x289: {  	_ =	swait.ge [sflag:s25], $0x400  }
0x28a: {  	[sflag:s25] =	ssyncset.done $0x0  }
0x28b: {  	s16 =	simm.s32 $0x13640;
	s17 =	simm.s32 $0x9040;
	[sflag:s25] =	ssyncadd.s32 $0xFFFFFC00  }
0x28c: {  	[spmem:s3] =	stream.indirect.scatter.add.f32 [tilespmem:s17], [sflag:$0x1], $0x8, s16, s29, $0xb8;
	[tilespmem:$0x14340] =	vst v63  }
0x28d: {  	_ =	swait.ge [sflag:s25], $0x400  }
0x28e: {  	[sflag:s25] =	ssyncset.done $0x0  }
0x28f: {  	s12 =	simm.s32 $0x136C0;
	s13 =	simm.s32 $0x9440;
	[sflag:s25] =	ssyncadd.s32 $0xFFFFFC00  }
0x290: {  	[spmem:s3] =	stream.indirect.scatter.add.f32 [tilespmem:s13], [sflag:$0x1], $0x8, s12, s29, $0xb8;
	[tilespmem:$0x14340] =	vst v63  }
0x291: {  	_ =	swait.ge [sflag:s25], $0x400  }
0x292: {  	[sflag:s25] =	ssyncset.done $0x0  }
0x293: {  	s14 =	simm.s32 $0x13740;
	s15 =	simm.s32 $0x9840;
	[sflag:s25] =	ssyncadd.s32 $0xFFFFFC00  }
0x294: {  	[spmem:s3] =	stream.indirect.scatter.add.f32 [tilespmem:s15], [sflag:$0x1], $0x8, s14, s29, $0xb8;
	[tilespmem:$0x14340] =	vst v63  }
0x295: {  	_ =	swait.ge [sflag:s25], $0x400  }
0x296: {  	[sflag:s25] =	ssyncset.done $0x0  }
0x297: {  	s16 =	simm.s32 $0x137C0;
	s17 =	simm.s32 $0x9C40;
	[sflag:s25] =	ssyncadd.s32 $0xFFFFFC00  }
0x298: {  	[spmem:s3] =	stream.indirect.scatter.add.f32 [tilespmem:s17], [sflag:$0x1], $0x8, s16, s29, $0xb8;
	[tilespmem:$0x14340] =	vst v63  }
0x299: {  	_ =	swait.ge [sflag:s25], $0x400  }
0x29a: {  	[sflag:s25] =	ssyncset.done $0x0  }
0x29b: {  	s12 =	simm.s32 $0x13840;
	s13 =	simm.s32 $0xA040;
	[sflag:s25] =	ssyncadd.s32 $0xFFFFFC00  }
0x29c: {  	[spmem:s3] =	stream.indirect.scatter.add.f32 [tilespmem:s13], [sflag:$0x1], $0x8, s12, s29, $0xb8;
	[tilespmem:$0x14340] =	vst v63  }
0x29d: {  	_ =	swait.ge [sflag:s25], $0x400  }
0x29e: {  	[sflag:s25] =	ssyncset.done $0x0  }
0x29f: {  	s14 =	simm.s32 $0x138C0;
	s15 =	simm.s32 $0xA440;
	[sflag:s25] =	ssyncadd.s32 $0xFFFFFC00  }
0x2a0: {  	[spmem:s3] =	stream.indirect.scatter.add.f32 [tilespmem:s15], [sflag:$0x1], $0x8, s14, s29, $0xb8;
	[tilespmem:$0x14340] =	vst v63  }
0x2a1: {  	_ =	swait.ge [sflag:s25], $0x400  }
0x2a2: {  	[sflag:s25] =	ssyncset.done $0x0  }
0x2a3: {  	s16 =	simm.s32 $0x13940;
	s17 =	simm.s32 $0xA840;
	[sflag:s25] =	ssyncadd.s32 $0xFFFFFC00  }
0x2a4: {  	[spmem:s3] =	stream.indirect.scatter.add.f32 [tilespmem:s17], [sflag:$0x1], $0x8, s16, s29, $0xb8;
	[tilespmem:$0x14340] =	vst v63  }
0x2a5: {  	_ =	swait.ge [sflag:s25], $0x400  }
0x2a6: {  	[sflag:s25] =	ssyncset.done $0x0  }
0x2a7: {  	s12 =	simm.s32 $0x139C0;
	s13 =	simm.s32 $0xAC40;
	[sflag:s25] =	ssyncadd.s32 $0xFFFFFC00  }
0x2a8: {  	[spmem:s3] =	stream.indirect.scatter.add.f32 [tilespmem:s13], [sflag:$0x1], $0x8, s12, s29, $0xb8;
	[tilespmem:$0x14340] =	vst v63  }
0x2a9: {  	_ =	swait.ge [sflag:s25], $0x400  }
0x2aa: {  	[sflag:s25] =	ssyncset.done $0x0  }
0x2ab: {  	s14 =	simm.s32 $0x13A40;
	s15 =	simm.s32 $0xB040;
	[sflag:s25] =	ssyncadd.s32 $0xFFFFFC00  }
0x2ac: {  	[spmem:s3] =	stream.indirect.scatter.add.f32 [tilespmem:s15], [sflag:$0x1], $0x8, s14, s29, $0xb8;
	[tilespmem:$0x14340] =	vst v63  }
0x2ad: {  	_ =	swait.ge [sflag:s25], $0x400  }
0x2ae: {  	[sflag:s25] =	ssyncset.done $0x0  }
0x2af: {  	s16 =	simm.s32 $0x13AC0;
	s17 =	simm.s32 $0xB440;
	[sflag:s25] =	ssyncadd.s32 $0xFFFFFC00  }
0x2b0: {  	[spmem:s3] =	stream.indirect.scatter.add.f32 [tilespmem:s17], [sflag:$0x1], $0x8, s16, s29, $0xb8;
	[tilespmem:$0x14340] =	vst v63  }
0x2b1: {  	_ =	swait.ge [sflag:s25], $0x400  }
0x2b2: {  	[sflag:s25] =	ssyncset.done $0x0  }
0x2b3: {  	s12 =	simm.s32 $0x13B40;
	s13 =	simm.s32 $0xB840;
	[sflag:s25] =	ssyncadd.s32 $0xFFFFFC00  }
0x2b4: {  	[spmem:s3] =	stream.indirect.scatter.add.f32 [tilespmem:s13], [sflag:$0x1], $0x8, s12, s29, $0xb8;
	[tilespmem:$0x14340] =	vst v63  }
0x2b5: {  	_ =	swait.ge [sflag:s25], $0x400  }
0x2b6: {  	[sflag:s25] =	ssyncset.done $0x0  }
0x2b7: {  	s14 =	simm.s32 $0x13BC0;
	s15 =	simm.s32 $0xBC40;
	[sflag:s25] =	ssyncadd.s32 $0xFFFFFC00  }
0x2b8: {  	[spmem:s3] =	stream.indirect.scatter.add.f32 [tilespmem:s15], [sflag:$0x1], $0x8, s14, s29, $0xb8;
	[tilespmem:$0x14340] =	vst v63  }
0x2b9: {  	_ =	swait.ge [sflag:s25], $0x400  }
0x2ba: {  	[sflag:s25] =	ssyncset.done $0x0  }
0x2bb: {  	s16 =	simm.s32 $0x13C40;
	s17 =	simm.s32 $0xC040;
	[sflag:s25] =	ssyncadd.s32 $0xFFFFFC00  }
0x2bc: {  	[spmem:s3] =	stream.indirect.scatter.add.f32 [tilespmem:s17], [sflag:$0x1], $0x8, s16, s29, $0xb8;
	[tilespmem:$0x14340] =	vst v63  }
0x2bd: {  	_ =	swait.ge [sflag:s25], $0x400  }
0x2be: {  	[sflag:s25] =	ssyncset.done $0x0  }
0x2bf: {  	s12 =	simm.s32 $0x13CC0;
	s13 =	simm.s32 $0xC440;
	[sflag:s25] =	ssyncadd.s32 $0xFFFFFC00  }
0x2c0: {  	[spmem:s3] =	stream.indirect.scatter.add.f32 [tilespmem:s13], [sflag:$0x1], $0x8, s12, s29, $0xb8;
	[tilespmem:$0x14340] =	vst v63  }
0x2c1: {  	_ =	swait.ge [sflag:s25], $0x400  }
0x2c2: {  	[sflag:s25] =	ssyncset.done $0x0  }
0x2c3: {  	s14 =	simm.s32 $0x13D40;
	s15 =	simm.s32 $0xC840;
	[sflag:s25] =	ssyncadd.s32 $0xFFFFFC00  }
0x2c4: {  	[spmem:s3] =	stream.indirect.scatter.add.f32 [tilespmem:s15], [sflag:$0x1], $0x8, s14, s29, $0xb8;
	[tilespmem:$0x14340] =	vst v63  }
0x2c5: {  	_ =	swait.ge [sflag:s25], $0x400  }
0x2c6: {  	[sflag:s25] =	ssyncset.done $0x0  }
0x2c7: {  	s16 =	simm.s32 $0x13DC0;
	s17 =	simm.s32 $0xCC40;
	[sflag:s25] =	ssyncadd.s32 $0xFFFFFC00  }
0x2c8: {  	[spmem:s3] =	stream.indirect.scatter.add.f32 [tilespmem:s17], [sflag:$0x1], $0x8, s16, s29, $0xb8;
	[tilespmem:$0x14340] =	vst v63  }
0x2c9: {  	_ =	swait.ge [sflag:s25], $0x400  }
0x2ca: {  	[sflag:s25] =	ssyncset.done $0x0  }
0x2cb: {  	s11 =	simm.s32 $0x13E40;
	s12 =	simm.s32 $0xD040;
	[sflag:s25] =	ssyncadd.s32 $0xFFFFFC00  }
0x2cc: {  	[spmem:s3] =	stream.indirect.scatter.add.f32 [tilespmem:s12], [sflag:$0x1], $0x8, s11, s29, $0xb8;
	[tilespmem:$0x14340] =	vst v63  }
0x2cd: {  	_ =	swait.ge [sflag:s25], $0x400  }
0x2ce: {  	[sflag:s25] =	ssyncset.done $0x0  }
0x2cf: {  	s13 =	simm.s32 $0x13EC0;
	s14 =	simm.s32 $0xD440;
	[sflag:s25] =	ssyncadd.s32 $0xFFFFFC00  }
0x2d0: {  	[spmem:s3] =	stream.indirect.scatter.add.f32 [tilespmem:s14], [sflag:$0x1], $0x8, s13, s29, $0xb8;
	[tilespmem:$0x14340] =	vst v63  }
0x2d1: {  	_ =	swait.ge [sflag:s25], $0x400  }
0x2d2: {  	[sflag:s25] =	ssyncset.done $0x0  }
0x2d3: {  	s15 =	simm.s32 $0x13F40;
	s16 =	simm.s32 $0xD840;
	[sflag:s25] =	ssyncadd.s32 $0xFFFFFC00  }
0x2d4: {  	[spmem:s3] =	stream.indirect.scatter.add.f32 [tilespmem:s16], [sflag:$0x1], $0x8, s15, s29, $0xb8;
	[tilespmem:$0x14340] =	vst v63  }
0x2d5: {  	_ =	swait.ge [sflag:s25], $0x400  }
0x2d6: {  	[sflag:s25] =	ssyncset.done $0x0  }
0x2d7: {  	[sflag:s25] =	ssyncadd.s32 $0xFFFFFC00  }
0x2d8: {  	[spmem:s3] =	stream.indirect.scatter.add.f32 [tilespmem:s21], [sflag:$0x1], $0x8, s20, s29, $0xb8;
	[tilespmem:$0x14340] =	vst v63  }
0x2d9: {  	_ =	swait.ge [sflag:s25], $0x400  }
0x2da: {  	[sflag:s25] =	ssyncset.done $0x0  }
0x2db: {  	[sflag:s25] =	ssyncadd.s32 $0xFFFFFC00  }
0x2dc: {  	[spmem:s3] =	stream.indirect.scatter.add.f32 [tilespmem:s23], [sflag:$0x1], $0x8, s22, s29, $0xb8;
	[tilespmem:$0x14340] =	vst v63  }
0x2dd: {  	_ =	swait.ge [sflag:s25], $0x400  }
0x2de: {  	[sflag:s25] =	ssyncset.done $0x0  }
0x2df: {  	[sflag:s25] =	ssyncadd.s32 $0xFFFFFC00  }
0x2e0: {  	[spmem:s3] =	stream.indirect.scatter.add.f32 [tilespmem:s30], [sflag:$0x1], $0x8, s5, s29, $0xb8;
	[tilespmem:$0x14340] =	vst v63  }
0x2e1: {  	_ =	swait.ge [sflag:s25], $0x400  }
0x2e2: {  	[sflag:s25] =	ssyncset.done $0x0  }
0x2e3: {  	[sflag:s25] =	ssyncadd.s32 $0xFFFFFC00  }
0x2e4: {  	[spmem:s3] =	stream.indirect.scatter.add.f32 [tilespmem:s1], [sflag:$0x1], $0x8, s31, s29, $0xb8;
	[tilespmem:$0x14340] =	vst v63  }
0x2e5: {  	_ =	swait.ge [sflag:s25], $0x400  }
0x2e6: {  	[sflag:s25] =	ssyncset.done $0x0  }
0x2e7: {  	[sflag:s25] =	ssyncadd.s32 $0xFFFFFC00  }
0x2e8: {  	[spmem:s3] =	stream.indirect.scatter.add.f32 [tilespmem:s2], [sflag:$0x1], $0x8, s0, s29, $0xb8;
	[tilespmem:$0x14340] =	vst v63  }
0x2e9: {  	_ =	swait.ge [sflag:s25], $0x400  }
0x2ea: {  	[sflag:s25] =	ssyncset.done $0x0  }
0x2eb: {  	[sflag:s25] =	ssyncadd.s32 $0xFFFFFC00  }
0x2ec: {  	[spmem:s3] =	stream.indirect.scatter.add.f32 [tilespmem:s6], [sflag:$0x1], $0x8, s24, s29, $0xb8;
	[tilespmem:$0x14340] =	vst v63  }
0x2ed: {  	_ =	swait.ge [sflag:s25], $0x400  }
0x2ee: {  	[sflag:s25] =	ssyncset.done $0x0  }
0x2ef: {  	[sflag:s25] =	ssyncadd.s32 $0xFFFFFC00  }
0x2f0: {  	[spmem:s3] =	stream.indirect.scatter.add.f32 [tilespmem:s8], [sflag:$0x1], $0x8, s7, s29, $0xb8;
	[tilespmem:$0x14340] =	vst v63  }
0x2f1: {  	_ =	swait.ge [sflag:s25], $0x400  }
0x2f2: {  	[sflag:s25] =	ssyncset.done $0x0  }
0x2f3: {  	[sflag:s25] =	ssyncadd.s32 $0xFFFFFC00  }
0x2f4: {  	[bflag:$0x0] =	sbarrier.arrive $0xFFFF  }
0x2f5: {  	s17 =	rddreg [dreg:$0x14]  }
0x2f6: {  	[hbm:s17], [sflag:s18] =	dma.local [spmem:s19], $0x1008  }
0x2f7: {  	_ =	swait.ge [sflag:s25], $0x1008  }
0x2f8: {  	s9 =	sadd.s32 $0x1, s9;
	s12 =	smov.u32 s19;
	s19 =	rddreg [dreg:$0x15]  }
0x2f9: {  	p0 =	sne.s32 s9, s19  }
.Ltmp4:
0x2fa: {  	_ = 	snop;
	(pc) =	sbr.rel @p0 .LBB2_1-.Ltmp4, $3  }
0x2fb: {  	_ =	sdelay $0x1  }
0x2fc: {  	[sflag:s25] =	ssyncset.done $0x0  }
0x2fd: {  	s11 =	smov.u32 s18;
	[sflag:s25] =	ssyncadd.s32 $0xFFFFEFF8  }
0x2fe: {  	_ =	sfence.sel $0x180000  }
0x2ff: {  	[bflag:$0x0] =	sbarrier.arrive $0xFFFF  }
0x300: {  	_ =	strace $0x90000047  }
0x301: {  	s0 =	stileid.u32;
	[bflag:$0x2] =	sbarrier.arrive $0xFFFF  }
0x302: {  	p0 =	sne.s32 s0, $0x0;
	s0 =	rddreg [dreg:$0x3]  }
0x303: {  	s0 =	sadd.s32 @!p0 $0x100000, s0  }
0x304: {  	[sflag:s0] =	ssyncadd.tile.s32 @!p0 $0x1;
	_ =	shalt  }
.Lfunc_end2:
_tile_overlayer_lowered:
.L_overlay_start_2:
0x305: {  	(tag) =	ssettag $0x2  }
0x306: {  	s0 =	rddreg [dreg:$0x0];
	s2 =	stileid.u32  }
0x307: {  	s1 =	rddreg [dreg:$0x1];
	p0 =	sne.s32 s2, $0x0  }
0x308: {  	s3 =	rddreg [dreg:$0x2];
	[bflag:$0x3] =	sbarrier.arrive $0xFFFF;
	s2 =	simm.s32 @!p0 $0x1C01  }
0x309: {  	[timem:s3], [sflag:s2] =	dma.local @!p0 [hbm:s0], s1  }
0x30a: {  	s0 =	simm.s32 @!p0 $0x1  }
0x30b: {  	_ =	swait.ge @!p0 [sflag:s0], s1  }
0x30c: {  	s1 =	ssub.s32 @!p0 $0x0, s1;
	[sflag:s0] =	ssyncset.done @!p0 $0x0  }
0x30d: {  	[sflag:s0] =	ssyncadd.s32 @!p0 s1  }
0x30e: {  	[bflag:$0x3] =	sbarrier.arrive $0xFFFF  }
0x30f: {  	_ =	shalt  }

// kernel: kernel.7.cloned.1.call-start
scs
__scs_entry_jumppad:
0x0: {  	(pc) =	sbr.rel $0x88, $3  }
0x1: {  	(tag) =	ssettag $0x0;
	lr =	simm.s32 $0x1  }
0x2: {  	[smem:$0x3FA0] =	sst lr;
	_ =	strace $0xD0000000  }
0x3: {  	_ = 	snop  }
0x4: {  	_ = 	snop  }
0x5: {  	_ = 	snop  }
0x6: {  	_ = 	snop  }
0x7: {  	_ = 	snop  }
__scs_overlays_trampoline_lowered:
0x8: {  	[smem:$0x3FAF] =	sst s0  }
0x9: {  	[smem:$0x3FB0] =	sst s1  }
0xa: {  	[smem:$0x3FB1] =	sst s2  }
0xb: {  	[smem:$0x3FB2] =	sst s3  }
0xc: {  	[smem:$0x3FB3] =	sst s4  }
0xd: {  	[smem:$0x3FB4] =	sst s5  }
0xe: {  	[smem:$0x3FB5] =	sst s6  }
0xf: {  	[smem:$0x3FB6] =	sst s7  }
0x10: {  	[smem:$0x3FB7] =	sst s8  }
0x11: {  	[smem:$0x3FB8] =	sst s9;
	s0 =	simm.s32 @!p0 $0x0  }
0x12: {  	s1 =	sld [smem:$0x3F9E];
	s0 =	simm.s32 @p0 $0x1  }
0x13: {  	[smem:$0x3FB9] =	sst s0;
	s0 =	simm.s32 @!p1 $0x0  }
0x14: {  	s2 =	sld [smem:$0x3F9D];
	s0 =	simm.s32 @p1 $0x1  }
0x15: {  	[smem:$0x3FBA] =	sst s0;
	s0 =	simm.s32 @!p2 $0x0  }
0x16: {  	s3 =	sld [smem:$0x3FDB];
	s0 =	simm.s32 @p2 $0x1  }
0x17: {  	s4 =	simm.s32 $0x1BF5;
	[smem:$0x3FBC] =	sst s0  }
0x18: {  	s0 =	sld [smem:$0x3F9F];
	_ =	swait.ge [sflag:s4], $0x0  }
0x19: {  	s7 =	sld [smem:$0x3FA0]  }
0x1a: {  	s8 =	sadd.s32 $0xFFFFE003, lr  }
0x1b: {  	s9 =	sadd.s32 $0xFFFFFEF7, lr;
	s5 =	simm.s32 $0xFFFFFFFF;
	p2 =	slt.u32 s8, $0xFFFFF086  }
0x1c: {  	p1 =	slt.u32 s9, $0xF7A;
	s5 =	simm.s32 @!p2 $0x0  }
0x1d: {  	s5 =	simm.s32 @p1 $0x1;
	p0 =	seq.s32 s7, s2  }
0x1e: {  	s7 =	smul.u32 @!p0 $0xF7A, s2;
	p2 =	seq.s32 @!p0 s5, $0x0  }
0x1f: {  	s9 =	smul.u32 $0xF7A, s1;
	s8 =	simm.s32 @!p0 $0x1BF5;
	p2 =	por !p2, p0  }
0x20: {  	[sflag:s8] =	ssyncset.s32 @!p0 $0xFFFFF086;
	s6 =	sadd.s32 @!p0 s3, s7;
	s7 =	simm.s32 @!p0 $0x108  }
0x21: {  	s3 =	sadd.s32 s3, s9;
	s6 =	sadd.s32 @!p0 $0x88, s6;
	s7 =	simm.s32 @p2 $0x1082  }
0x22: {  	[simem:s7], [sflag:s8] =	dma.local @!p0 [hbm:s6], $0xF7A  }
0x23: {  	s9 =	sor.u32 $0xD0000000, s2;
	s6 =	simm.s32 $0x108;
	_ =	swait.ge @!p0 [sflag:s8], $0x0  }
0x24: {  	s3 =	sadd.s32 $0x88, s3;
	s6 =	simm.s32 @!p1 $0x1082;
	[sflag:s4] =	ssyncset.s32 $0xFFFFF086  }
0x25: {  	[simem:s6], [sflag:s4] =	dma.local [hbm:s3], $0xF7A  }
0x26: {  	[smem:$0x3FA0] =	sst s1;
	(tag) =	ssettag s2;
	_ =	strace s9  }
0x27: {  	s1 =	sld [smem:$0x3FB0]  }
0x28: {  	s2 =	sld [smem:$0x3FB1]  }
0x29: {  	s4 =	sld [smem:$0x3FB3]  }
0x2a: {  	p0 =	seq.s32 s5, $0x0;
	s5 =	sld [smem:$0x3FB4]  }
0x2b: {  	s6 =	sld [smem:$0x3FB5]  }
0x2c: {  	s7 =	sld [smem:$0x3FB6]  }
0x2d: {  	s3 =	simm.s32 $0x108;
	s8 =	sld [smem:$0x3FB7]  }
0x2e: {  	s3 =	simm.s32 @!p0 $0x1082;
	s9 =	sld [smem:$0x3FB8]  }
0x2f: {  	lr =	sadd.s32 s0, s3;
	s0 =	sld [smem:$0x3FAF]  }
0x30: {  	s3 =	sld [smem:$0x3FB2]  }
0x31: {  	[smem:$0x3FBB] =	sst s10  }
0x32: {  	s10 =	sld [smem:$0x3FB9];
	_ =	sdelay $0x3  }
0x33: {  	p0 =	seq.s32 s10, $0x1;
	s10 =	sld [smem:$0x3FBB];
	_ =	sdelay $0x3  }
0x34: {  	[smem:$0x3FBB] =	sst s10  }
0x35: {  	s10 =	sld [smem:$0x3FBA];
	_ =	sdelay $0x3  }
0x36: {  	p1 =	seq.s32 s10, $0x1;
	s10 =	sld [smem:$0x3FBB];
	_ =	sdelay $0x3  }
0x37: {  	[smem:$0x3FBB] =	sst s10  }
0x38: {  	s10 =	sld [smem:$0x3FBC]  }
0x39: {  	_ = 	snop;
	(pc) =	sbr.ind lr, $3  }
0x3a: {  	_ = 	snop  }
0x3b: {  	_ = 	snop  }
0x3c: {  	p2 =	seq.s32 s10, $0x1;
	s10 =	sld [smem:$0x3FBB]  }
0x3d: {  	_ =	shalt  }
0x3e: {  	_ =	shalt  }
0x3f: {  	_ =	shalt  }
0x40: {  	_ =	shalt  }
0x41: {  	_ =	shalt  }
0x42: {  	_ =	shalt  }
0x43: {  	_ =	shalt  }
0x44: {  	_ =	shalt  }
0x45: {  	_ =	shalt  }
0x46: {  	_ =	shalt  }
0x47: {  	_ =	shalt  }
0x48: {  	_ =	shalt  }
0x49: {  	_ =	shalt  }
0x4a: {  	_ =	shalt  }
0x4b: {  	_ =	shalt  }
0x4c: {  	_ =	shalt  }
0x4d: {  	_ =	shalt  }
0x4e: {  	_ =	shalt  }
0x4f: {  	_ =	shalt  }
0x50: {  	_ =	shalt  }
0x51: {  	_ =	shalt  }
0x52: {  	_ =	shalt  }
0x53: {  	_ =	shalt  }
0x54: {  	_ =	shalt  }
0x55: {  	_ =	shalt  }
0x56: {  	_ =	shalt  }
0x57: {  	_ =	shalt  }
0x58: {  	_ =	shalt  }
0x59: {  	_ =	shalt  }
0x5a: {  	_ =	shalt  }
0x5b: {  	_ =	shalt  }
0x5c: {  	_ =	shalt  }
0x5d: {  	_ =	shalt  }
0x5e: {  	_ =	shalt  }
0x5f: {  	_ =	shalt  }
0x60: {  	_ =	shalt  }
0x61: {  	_ =	shalt  }
0x62: {  	_ =	shalt  }
0x63: {  	_ =	shalt  }
0x64: {  	_ =	shalt  }
0x65: {  	_ =	shalt  }
0x66: {  	_ =	shalt  }
0x67: {  	_ =	shalt  }
0x68: {  	_ =	shalt  }
0x69: {  	_ =	shalt  }
0x6a: {  	_ =	shalt  }
0x6b: {  	_ =	shalt  }
0x6c: {  	_ =	shalt  }
0x6d: {  	_ =	shalt  }
0x6e: {  	_ =	shalt  }
0x6f: {  	_ =	shalt  }
0x70: {  	_ =	shalt  }
0x71: {  	_ =	shalt  }
0x72: {  	_ =	shalt  }
0x73: {  	_ =	shalt  }
0x74: {  	_ =	shalt  }
0x75: {  	_ =	shalt  }
0x76: {  	_ =	shalt  }
0x77: {  	_ =	shalt  }
0x78: {  	_ =	shalt  }
0x79: {  	_ =	shalt  }
0x7a: {  	_ =	shalt  }
0x7b: {  	_ =	shalt  }
0x7c: {  	_ =	shalt  }
0x7d: {  	_ =	shalt  }
0x7e: {  	_ =	shalt  }
0x7f: {  	_ =	shalt  }
0x80: {  	_ =	shalt  }
0x81: {  	_ =	shalt  }
0x82: {  	_ =	shalt  }
0x83: {  	_ =	shalt  }
0x84: {  	_ =	shalt  }
0x85: {  	_ =	shalt  }
0x86: {  	_ =	shalt  }
0x87: {  	_ =	shalt  }
.Lfunc_end0:
.L_simem_size_0:
called_computation.1_lowered:
.L_overlay_start_0:
0x88: {  	s2 =	sld [smem:$0x3FD9]  }
0x89: {  	s3 =	sld [smem:$0x3FFE];
	_ =	sdelay $0x1  }
0x8a: {  	s1 =	srdreg.scid  }
0x8b: {  	s0 =	sand.u32 $0x1, s1  }
0x8c: {  	s17 =	sshll.u32 s0, $0xA;
	s2 =	sadd.s32 s3, s2  }
0x8d: {  	s2 =	sadd.s32 s2, s17  }
0x8e: {  	[smem:$0x3FC7] =	sst s2  }
0x8f: {  	_ = 	snop  }
0x90: {  	s2 =	sld [smem:$0x3FD0];
	(tm) =	ssettm $0x1  }
0x91: {  	s18 =	sld [smem:$0x3FFB];
	_ =	sdelay $0x3  }
0x92: {  	_ =	strace s18  }
0x93: {  	s3 =	sld [smem:$0x3FFC];
	_ =	sdelay $0x3  }
0x94: {  	_ =	strace s3  }
0x95: {  	s3 =	sld [smem:$0x3FFD];
	_ =	sdelay $0x3  }
0x96: {  	_ =	strace s3  }
0x97: {  	_ =	strace $0x8FFFFFFF  }
0x98: {  	s19 =	sld [smem:$0x3FDB];
	_ =	sdelay $0x1  }
0x99: {  	s4 =	simm.s32 $_scs_section_size  }
0x9a: {  	s5 =	simm.s32 $_size__tile_overlayer_lowered;
	s6 =	simm.s32 $_tile_overlayer_lowered  }
0x9b: {  	s22 =	simm.s32 $0x1BFF;
	s21 =	sshll.u32 s6, $0x1;
	s3 =	sadd.s32 s4, s19  }
0x9c: {  	s7 =	simm.s32 $0x0;
	s20 =	sshll.u32 s5, $0x1;
	s5 =	sadd.s32 s21, s3  }
0x9d: {  	[timem:s7], [sflag:s22] =	dma.local [hbm:s5], s20  }
0x9e: {  	_ =	swait.ge [sflag:s22], s20  }
0x9f: {  	s4 =	ssub.s32 $0x0, s20;
	[sflag:s22] =	ssyncset.done $0x0  }
0xa0: {  	[sflag:s22] =	ssyncadd.s32 s4;
	_ =	sdelay $0x1  }
0xa1: {  	s23 =	simm.s32 $0x1B8B  }
0xa2: {  	_ =	swait.ge [sflag:s23], $0x1  }
0xa3: {  	[sflag:s23] =	ssyncset.done $0x0  }
0xa4: {  	s25 =	simm.s32 $0x1B8E;
	s24 =	sld [smem:$0x3FFE];
	[sflag:s23] =	ssyncadd.s32 $0xFFFFFFFF  }
0xa5: {  	s26 =	simm.s32 $execute0_lowered;
	[smem:$0x3FD2] =	sst s25  }
0xa6: {  	s5 =	sshll.u32 s26, $0x1;
	_ =	strace $0x80000049;
	[dreg:$0x1] =	wrdreg $0xFFFFFFFF  }
0xa7: {  	s28 =	simm.s32 $_size_execute0_lowered;
	s3 =	sadd.s32 s3, s5;
	[dreg:$0x0] =	wrdreg $0x0  }
0xa8: {  	s5 =	sshll.u32 s28, $0x1;
	[dreg:$0x2] =	wrdreg s3  }
0xa9: {  	[dreg:$0x3] =	wrdreg s5  }
0xaa: {  	[dreg:$0x4] =	wrdreg $0xC0  }
0xab: {  	_ =	task [dreg:s7], $0x5FFFF  }
0xac: {  	[dreg:$0x1] =	wrdreg $0xFFFFFFFF  }
0xad: {  	[dreg:$0x0] =	wrdreg $0x60  }
0xae: {  	[dreg:$0x2] =	wrdreg s24  }
0xaf: {  	[dreg:$0x3] =	wrdreg s2  }
0xb0: {  	[dreg:$0x4] =	wrdreg $0x9  }
0xb1: {  	_ =	task.clear_ibuf [dreg:s7], $0x5FFFF;
	_ =	strace $0x90000049  }
0xb2: {  	s29 =	simm.s32 $0x9;
	_ =	strace $0x8000004B  }
0xb3: {  	_ =	swait.ge [sflag:s29], $0x1  }
0xb4: {  	[sflag:s29] =	ssyncadd.s32 $0xFFFFFFFF  }
0xb5: {  	_ =	strace $0x9000004B  }
0xb6: {  	_ =	sfence  }
0xb7: {  	s30 =	sld [smem:$0x0];
	_ =	sdelay $0x2  }
0xb8: {  	s31 =	sshll.u32 s1, $0xD;
	s1 =	sshrl.u32 s1, $0x2  }
0xb9: {  	s3 =	sand.u32 $0x4000, s31;
	s1 =	sadd.s32 s1, s30  }
0xba: {  	s0 =	sor.u32 s3, s0;
	s1 =	sshll.u32 s1, $0x11  }
0xbb: {  	s0 =	sor.u32 s1, s0  }
0xbc: {  	s0 =	sadd.s32 $0x8F2B, s0  }
0xbd: {  	[sflag:s0] =	ssyncadd.remote.s32 $0x1  }
0xbe: {  	_ =	sfence.sel $0xFFFF  }
0xbf: {  	[dreg:$0x0] =	wrdreg $0xFFFFFFFF;
	(pc) =	sbr.abs _section_cstart, $3  }
0xc0: {  	[dreg:$0x1] =	wrdreg $0xFFFFFFFF  }
0xc1: {  	_ =	task.clear_ibuf [dreg:s7], $0x2FFFF;
	_ =	strace $0x9FFFFFFF  }
0xc2: {  	(tm) =	ssettm $0x7FFFFFFF  }
0xc3: {  	_ =	shalt  }
tec
execute0_lowered:
.L_overlay_start_1:
0x0: {  	(tag) =	ssettag $0x1  }
0x1: {  	s3 =	rddreg [dreg:$0x0]  }
0x2: {  	s5 =	rddreg [dreg:$0x1]  }
0x3: {  	s2 =	srdreg.scid;
	s1 =	stileid.u32  }
0x4: {  	s0 =	rddreg [dreg:$0x2];
	s9 =	simm.s32 $0x8000;
	s10 =	simm.s32 $0x0  }
0x5: {  	s4 =	sand.u32 $0x1, s2;
	s6 =	sshll.u32 s1, $0x1;
	s2 =	simm.s32 $0x0  }
0x6: {  	s6 =	sor.u32 s4, s6;
	s4 =	ssub.s32 $0x2, s4;
	[smem:$0x7FF] =	sst s2  }
0x7: {  	v1 =	vlaneseq.u32;
	s7 =	sshll.u32 s6, $0xB;
	s8 =	sshrl.u32 s4, $0x1;
	_ =	strace $0x8000004A  }
0x8: {  	v0 =	vshrl.u32 v1, $0x2;
	s6 =	sshll.u32 s6, $0xA;
	s7 =	sadd.s32 s7, s3;
	s8 =	ssub.s32 s4, s8  }
0x9: {  	v0 =	vmul.u32 $0x8, v0;
	s5 =	sadd.s32 s5, s6;
	s3 =	sadd.s32 $0x3C800, s7;
	s4 =	sadd.s32 $0x4C880, s7  }
0xa: {  	v1 =	vand.u32 $0x3, v1;
	s6 =	smax.u32 s8, $0x1;
	s7 =	simm.s32 $0x1;
	s8 =	simm.s32 $0x4000  }
.LBB2_1:
0xb: {  	[tilespmem:s2], [sflag:$0x1] =	stream.linear.gather [hbm4b:s3+s2], $0x4000, $0x38;
	v2 =	vmov s2;
	[tilespmem:$0xA000] =	vst v63  }
0xc: {  	_ =	swait.ge [sflag:s7], $0x4000;
	v2 =	vshll.u32 v2, $0x3  }
0xd: {  	[sflag:s7] =	ssyncset.done $0x0;
	v2 =	vor.u32 v0, v2  }
0xe: {  	[sflag:s7] =	ssyncadd.s32 $0xFFFFC000;
	v3 =	vor.u32 $0x4, v2  }
0xf: {  	[tilespmem:s8], [sflag:$0x1] =	stream.linear.gather [hbm4b:s4+s2], $0x4000, $0x38;
	[tilespmem:$0xA000] =	vst v63  }
0x10: {  	_ =	swait.ge [sflag:s7], $0x4000  }
0x11: {  	[sflag:s7] =	ssyncset.done $0x0  }
0x12: {  	[sflag:s7] =	ssyncadd.s32 $0xFFFFC000  }
0x13: {  	v4 =	vld.idx.msk [tilespmem:v3+s2+$0x0], $0xffff  }
0x14: {  	v3 =	vld.idx.msk [tilespmem:v3+s8+$0x0], $0xffff;
	_ =	sdelay $0x4  }
0x15: {  	v2 =	vor.u32 v1, v2;
	v3 =	vadd.f32 v3, v4;
	_ =	sdelay $0x1  }
0x16: {  	v3 =	vmax.f32 v3, $1.000000000e+00  }
0x17: {  	(erf) = vrcp.f32 v3;
	_ =	sdelay $0x1  }
0x18: {  	v3 =	vld.idx.msk [tilespmem:v2+s8+$0x0], $0xffff  }
0x19: {  	v2 =	vld.idx.msk [tilespmem:v2+s2+$0x0], $0xffff  }
0x1a: {  	s11 =	simm.s32 $0x4  }
0x1b: {  	v4 =	vmov s11  }
0x1c: {  	v4 =	vshll.u32 v4, $0x3  }
0x1d: {  	v4 =	vor.u32 v0, v4  }
0x1e: {  	v5 =	vor.u32 $0x4, v4;
	v2 =	vadd.f32 v3, v2  }
0x1f: {  	v3 =	vpop (erf)  }
0x20: {  	v2 =	vmul.f32 v3, v2;
	_ =	sdelay $0x1  }
0x21: {  	[tilespmem:s9+$0x0] =	vst v2  }
0x22: {  	v2 =	vld.idx.msk [tilespmem:v5+s2+$0x0], $0xffff  }
0x23: {  	v3 =	vld.idx.msk [tilespmem:v5+s8+$0x0], $0xffff;
	_ =	sdelay $0x4  }
0x24: {  	v4 =	vor.u32 v1, v4;
	v2 =	vadd.f32 v3, v2;
	_ =	sdelay $0x1  }
0x25: {  	v3 =	vmax.f32 v2, $1.000000000e+00  }
0x26: {  	(erf) = vrcp.f32 v3;
	_ =	sdelay $0x1  }
0x27: {  	v2 =	vld.idx.msk [tilespmem:v4+s8+$0x0], $0xffff  }
0x28: {  	v3 =	vld.idx.msk [tilespmem:v4+s2+$0x0], $0xffff  }
0x29: {  	s31 =	simm.s32 $0x8  }
0x2a: {  	v5 =	vmov s31  }
0x2b: {  	s12 =	simm.s32 $0xC;
	s11 =	simm.s32 $0x8000;
	v4 =	vshll.u32 v5, $0x3  }
.LBB2_2:
0x2c: {  	p0 =	sne.s32 s12, $0x7FC;
	v4 =	vor.u32 v0, v4  }
0x2d: {  	v2 =	vadd.f32 v2, v3;
	v5 =	vor.u32 $0x4, v4  }
0x2e: {  	v3 =	vpop (erf)  }
0x2f: {  	v2 =	vmul.f32 v3, v2  }
0x30: {  	s11 =	sadd.s32 $0x10, s11  }
0x31: {  	[tilespmem:s11+$0x0] =	vst v2  }
0x32: {  	v2 =	vld.idx.msk [tilespmem:v5+s2+$0x0], $0xffff  }
0x33: {  	v3 =	vld.idx.msk [tilespmem:v5+s8+$0x0], $0xffff;
	_ =	sdelay $0x4  }
0x34: {  	v4 =	vor.u32 v1, v4  }
0x35: {  	v2 =	vadd.f32 v3, v2;
	_ =	sdelay $0x1  }
0x36: {  	v2 =	vmax.f32 v2, $1.000000000e+00  }
0x37: {  	(erf) = vrcp.f32 v2  }
0x38: {  	v2 =	vld.idx.msk [tilespmem:v4+s8+$0x0], $0xffff  }
.Ltmp0:
0x39: {  	v3 =	vld.idx.msk [tilespmem:v4+s2+$0x0], $0xffff;
	(pc) =	sbr.rel @p0 .LBB2_2-.Ltmp0, $3  }
0x3a: {  	_ =	sdelay $0x1  }
0x3b: {  	v4 =	vmov s12  }
0x3c: {  	s12 =	sadd.s32 $0x4, s12;
	v4 =	vshll.u32 v4, $0x3  }
0x3d: {  	v4 =	vor.u32 v0, v4  }
0x3e: {  	v2 =	vadd.f32 v2, v3;
	v5 =	vor.u32 $0x4, v4  }
0x3f: {  	v3 =	vpop (erf)  }
0x40: {  	v2 =	vmul.f32 v3, v2  }
0x41: {  	s11 =	sadd.s32 $0x10, s11  }
0x42: {  	[tilespmem:s11+$0x0] =	vst v2  }
0x43: {  	v2 =	vld.idx.msk [tilespmem:v5+s2+$0x0], $0xffff  }
0x44: {  	v3 =	vld.idx.msk [tilespmem:v5+s8+$0x0], $0xffff;
	_ =	sdelay $0x4  }
0x45: {  	v4 =	vor.u32 v1, v4;
	v2 =	vadd.f32 v3, v2;
	_ =	sdelay $0x1  }
0x46: {  	v2 =	vmax.f32 v2, $1.000000000e+00  }
0x47: {  	(erf) = vrcp.f32 v2;
	_ =	sdelay $0x1  }
0x48: {  	v3 =	vld.idx.msk [tilespmem:v4+s2+$0x0], $0xffff  }
0x49: {  	v2 =	vld.idx.msk [tilespmem:v4+s8+$0x0], $0xffff;
	_ =	sdelay $0x4  }
0x4a: {  	v2 =	vadd.f32 v2, v3  }
0x4b: {  	v3 =	vpop (erf)  }
0x4c: {  	s10 =	sadd.s32 $0x1, s10;
	v2 =	vmul.f32 v3, v2  }
0x4d: {  	p0 =	sne.s32 s10, s6;
	s11 =	sadd.s32 $0x10, s11  }
.Ltmp1:
0x4e: {  	[tilespmem:s11+$0x0] =	vst v2;
	(pc) =	sbr.rel @p0 .LBB2_1-.Ltmp1, $4  }
0x4f: {  	[hbm4b:s5+s2] =	stream.linear.scatter [tilespmem:s9], [sflag:$0x1], $0x2000, $0x38;
	[tilespmem:$0xA000] =	vst v63  }
0x50: {  	_ =	swait.ge [sflag:s7], $0x2000  }
0x51: {  	[sflag:s7] =	ssyncset.done $0x0  }
0x52: {  	[sflag:s7] =	ssyncadd.s32 $0xFFFFE000  }
0x53: {  	_ =	sfence.sel $0x180000  }
0x54: {  	[bflag:$0x0] =	sbarrier.arrive $0xFFFF  }
0x55: {  	p0 =	sne.s32 s1, $0x0;
	_ =	strace $0x9000004A  }
0x56: {  	s0 =	sadd.s32 @!p0 $0x100000, s0;
	[bflag:$0x2] =	sbarrier.arrive $0xFFFF  }
0x57: {  	[sflag:s0] =	ssyncadd.tile.s32 @!p0 $0x1;
	_ =	shalt  }
.Lfunc_end2:
_tile_overlayer_lowered:
.L_overlay_start_2:
0x58: {  	(tag) =	ssettag $0x2  }
0x59: {  	s0 =	rddreg [dreg:$0x0];
	s2 =	stileid.u32  }
0x5a: {  	s1 =	rddreg [dreg:$0x1];
	p0 =	sne.s32 s2, $0x0  }
0x5b: {  	s3 =	rddreg [dreg:$0x2];
	[bflag:$0x3] =	sbarrier.arrive $0xFFFF;
	s2 =	simm.s32 @!p0 $0x1C01  }
0x5c: {  	[timem:s3], [sflag:s2] =	dma.local @!p0 [hbm:s0], s1  }
0x5d: {  	s0 =	simm.s32 @!p0 $0x1  }
0x5e: {  	_ =	swait.ge @!p0 [sflag:s0], s1  }
0x5f: {  	s1 =	ssub.s32 @!p0 $0x0, s1;
	[sflag:s0] =	ssyncset.done @!p0 $0x0  }
0x60: {  	[sflag:s0] =	ssyncadd.s32 @!p0 s1  }
0x61: {  	[bflag:$0x3] =	sbarrier.arrive $0xFFFF  }
0x62: {  	_ =	shalt  }

</sc_bundles>
